<compile_context>
chip_gen: v7x
topology: tpu7x:2x2x1
jax: 0.10.2.dev20260603
libtpu: 0.0.44.dev20260713+nightly
codegen_flags: <defaults>
</compile_context>

<pallas_src>
import functools
from math import factorial, sqrt

import numpy as np
import jax
import jax.numpy as jnp
from jax import lax
from jax.experimental import pallas as pl
from jax.experimental.pallas import tpu as pltpu
from jax.experimental.pallas import tpu_sc as plsc

_LMAX = 2
_S = (_LMAX + 1) ** 2
_NFEAT = 64
_LANES = 16
_NCHUNK = _NFEAT // _LANES
_BA = 16
_NC, _NS = 2, 16
_NW = _NC * _NS



def _sh_index_arrays(lmax):
    lidx, midx = [], []
    for l in range(lmax + 1):
        for m in range(-l, l + 1):
            lidx.append(l)
            midx.append(m)
    return np.array(lidx), np.array(midx)


def _cg_racah(j1, m1, j2, m2, j3, m3):
    if m3 != m1 + m2:
        return 0.0
    if not (abs(j1 - j2) <= j3 <= j1 + j2):
        return 0.0
    if abs(m1) > j1 or abs(m2) > j2 or abs(m3) > j3:
        return 0.0
    f = factorial
    pref = sqrt((2 * j3 + 1) * f(j3 + j1 - j2) * f(j3 - j1 + j2)
                * f(j1 + j2 - j3) / f(j1 + j2 + j3 + 1))
    pref *= sqrt(f(j3 + m3) * f(j3 - m3) * f(j1 - m1) * f(j1 + m1)
                 * f(j2 - m2) * f(j2 + m2))
    s = 0.0
    for k in range(0, j1 + j2 - j3 + 1):
        denoms = [k, j1 + j2 - j3 - k, j1 - m1 - k, j2 + m2 - k,
                  j3 - j2 + m1 + k, j3 - j1 - m2 + k]
        if any(d < 0 for d in denoms):
            continue
        d = 1.0
        for dd in denoms:
            d *= f(dd)
        s += (-1.0) ** k / d
    return pref * s


def _complex_to_real_sh(lmax):
    lidx, midx = _sh_index_arrays(lmax)
    n = len(lidx)
    U = np.zeros((n, n), dtype=np.complex128)
    for a in range(n):
        for b in range(n):
            if lidx[a] != lidx[b]:
                continue
            m1, m2 = int(midx[a]), int(midx[b])
            v = 0.0 + 0.0j
            if m1 == 0 and m2 == 0:
                v += 1.0
            if m1 == m2 and m1 > 0:
                v += (-1.0) ** abs(m1) / sqrt(2.0)
            if m1 == -m2 and m2 < 0:
                v += 1.0 / sqrt(2.0)
            if m1 == -m2 and m1 < 0:
                v += -1.0j * (-1.0) ** abs(m1) / sqrt(2.0)
            if m1 == m2 and m1 < 0:
                v += 1.0j / sqrt(2.0)
            U[a, b] = v
    return U


def _real_cg_dense(lmax):
    lidx, midx = _sh_index_arrays(lmax)
    n = len(lidx)
    cg = np.zeros((n, n, n), dtype=np.float64)
    for a in range(n):
        for b in range(n):
            for c in range(n):
                if abs(lidx[a] - lidx[b]) <= lidx[c] <= lidx[a] + lidx[b]:
                    cg[a, b, c] = _cg_racah(int(lidx[a]), int(midx[a]),
                                            int(lidx[b]), int(midx[b]),
                                            int(lidx[c]), int(midx[c]))
    U = _complex_to_real_sh(lmax)
    cg_rsh = np.einsum('ijk,mi,nj,ok->mno', cg.astype(np.complex128),
                       U, U, U.conj())
    parity = (-1.0) ** lidx
    pmask = (parity[:, None, None] * parity[None, :, None]) == parity[None, None, :]
    cg_rsh = cg_rsh * pmask
    cg_real = np.real(cg_rsh)
    cg_real[np.abs(cg_real) < 1e-9] = 0.0
    return cg_real.astype(np.float32)


def _static_schedule():
    dense = _real_cg_dense(_LMAX)
    i1, i2, io = np.nonzero(dense)
    vals = dense[i1, i2, io]
    sched = []
    for o in range(_S):
        terms = [(float(vals[k]), int(i1[k]), int(i2[k]))
                 for k in range(len(vals)) if io[k] == o]
        bykey = {}
        order = []
        for v, i, j in terms:
            key = round(abs(v), 9)
            if key not in bykey:
                bykey[key] = []
                order.append(key)
            bykey[key].append((v, i, j))
        glist = []
        for key in order:
            ts = bykey[key]
            c = ts[0][0]
            tl = [(ts[0][1], ts[0][2], 1)]
            tl += [(i, j, 1 if v * c > 0 else -1) for (v, i, j) in ts[1:]]
            glist.append((c, tl))
        sched.append((o, glist))
    return sched


_SCHED = _static_schedule()



def _sc_body(x1_hbm, x2_hbm, out_hbm, x1v, x2v, outv, sem1, sem2, semo):
    nblk = x1_hbm.shape[0] // _BA
    cid = lax.axis_index("c")
    sid = lax.axis_index("s")
    wid = sid * _NC + cid
    nblk_w = (nblk - wid + _NW - 1) // _NW

    def _in_copies(j, b):
        base = (wid + j * _NW) * _BA
        return (
            pltpu.make_async_copy(x1_hbm.at[pl.ds(base, _BA)], x1v.at[pl.ds(b * _BA, _BA)], sem1.at[b]),
            pltpu.make_async_copy(x2_hbm.at[pl.ds(base, _BA)], x2v.at[pl.ds(b * _BA, _BA)], sem2.at[b]),
        )

    def _out_copy(j, b):
        base = (wid + j * _NW) * _BA
        return pltpu.make_async_copy(outv.at[pl.ds(b * _BA, _BA)], out_hbm.at[pl.ds(base, _BA)], semo.at[b])

    def _compute(b):
        @plsc.parallel_loop(0, _BA * _NCHUNK, unroll=2)
        def _(it):
            a = it // _NCHUNK
            f0 = (it % _NCHUNK) * _LANES
            x1r = [x1v[b * _BA + a, pl.ds(i * _NFEAT + f0, _LANES)] for i in range(_S)]
            x2r = [x2v[b * _BA + a, pl.ds(i * _NFEAT + f0, _LANES)] for i in range(_S)]
            for o, glist in _SCHED:
                acc = None
                for c, terms in glist:
                    s = None
                    for i, jj, sg in terms:
                        p = x1r[i] * x2r[jj]
                        s = p if s is None else (s + p if sg > 0 else s - p)
                    t = s if c == 1.0 else s * c
                    acc = t if acc is None else acc + t
                outv[b * _BA + a, pl.ds(o * _NFEAT + f0, _LANES)] = acc

    def blk_pair(i, carry):
        j0 = i * 2
        for b in range(2):
            j = j0 + b

            @pl.when(j < nblk_w)
            def _():
                @pl.when(j + 1 < nblk_w)
                def _():
                    c1, c2 = _in_copies(j + 1, 1 - b)
                    c1.start()
                    c2.start()

                c1, c2 = _in_copies(j, b)
                c1.wait()
                c2.wait()

                @pl.when(j >= 2)
                def _():
                    _out_copy(j - 2, b).wait()

                _compute(b)
                _out_copy(j, b).start()

        return carry

    c1, c2 = _in_copies(0, 0)
    c1.start()
    c2.start()
    lax.fori_loop(0, (nblk_w + 1) // 2, blk_pair, 0)

    @pl.when(nblk_w >= 2)
    def _():
        _out_copy(nblk_w - 2, (nblk_w - 2) % 2).wait()

    _out_copy(nblk_w - 1, (nblk_w - 1) % 2).wait()


def kernel(x1, x2, clebsch_gordan, idx_in_1, idx_in_2, idx_out):
    del clebsch_gordan, idx_in_1, idx_in_2, idx_out
    n_atoms = x1.shape[0]
    assert n_atoms % _BA == 0
    row = _S * _NFEAT
    kern = pl.kernel(
        _sc_body,
        out_type=jax.ShapeDtypeStruct((n_atoms, row), jnp.float32),
        mesh=plsc.VectorSubcoreMesh(core_axis_name="c", subcore_axis_name="s"),
        scratch_types=[
            pltpu.VMEM((2 * _BA, row), jnp.float32),
            pltpu.VMEM((2 * _BA, row), jnp.float32),
            pltpu.VMEM((2 * _BA, row), jnp.float32),
            pltpu.SemaphoreType.DMA((2,)),
            pltpu.SemaphoreType.DMA((2,)),
            pltpu.SemaphoreType.DMA((2,)),
        ],
    )
    out = kern(x1.reshape(n_atoms, row), x2.reshape(n_atoms, row))
    return out.reshape(n_atoms, _S, _NFEAT)

# --- scband reference (transcript-rebuilt; emitter-appended) ---
"""Pipeline reference for scband-so3-tensor-product-29368986370622 (READ-ONLY COPY).

The authoritative reference and input builder live on the scoring server;
editing this copy changes nothing except your own understanding.
"""

import jax, jax.numpy as jnp
import numpy as np
from math import factorial, sqrt

LMAX = 2
N_ATOMS = 10000
N_FEAT = 64


def _sh_indices(lmax):
    lidx, midx = [], []
    for l in range(lmax + 1):
        for m in range(-l, l + 1):
            lidx.append(l)
            midx.append(m)
    return np.array(lidx), np.array(midx)


def _cg_coeff(j1, m1, j2, m2, j3, m3):
    # Racah formula for complex-SH Clebsch-Gordan coefficient <j1 m1 j2 m2 | j3 m3>
    if m3 != m1 + m2:
        return 0.0
    if not (abs(j1 - j2) <= j3 <= j1 + j2):
        return 0.0
    if abs(m1) > j1 or abs(m2) > j2 or abs(m3) > j3:
        return 0.0
    f = factorial
    pref = sqrt((2 * j3 + 1) * f(j3 + j1 - j2) * f(j3 - j1 + j2) * f(j1 + j2 - j3) / f(j1 + j2 + j3 + 1))
    pref *= sqrt(f(j3 + m3) * f(j3 - m3) * f(j1 - m1) * f(j1 + m1) * f(j2 - m2) * f(j2 + m2))
    s = 0.0
    for k in range(0, j1 + j2 - j3 + 1):
        denoms = [k, j1 + j2 - j3 - k, j1 - m1 - k, j2 + m2 - k, j3 - j2 + m1 + k, j3 - j1 - m2 + k]
        if any(d < 0 for d in denoms):
            continue
        d = 1.0
        for dd in denoms:
            d *= f(dd)
        s += (-1.0) ** k / d
    return pref * s


def _sh_to_rsh(lmax):
    # unitary transform: rows = real SH index, cols = complex SH index
    lidx, midx = _sh_indices(lmax)
    n = len(lidx)
    U = np.zeros((n, n), dtype=np.complex128)
    for a in range(n):
        for b in range(n):
            if lidx[a] != lidx[b]:
                continue
            m1, m2 = int(midx[a]), int(midx[b])
            v = 0.0 + 0.0j
            if m1 == 0 and m2 == 0:
                v += 1.0
            if m1 == m2 and m1 > 0:
                v += (-1.0) ** abs(m1) / sqrt(2.0)
            if m1 == -m2 and m2 < 0:
                v += 1.0 / sqrt(2.0)
            if m1 == -m2 and m1 < 0:
                v += -1.0j * (-1.0) ** abs(m1) / sqrt(2.0)
            if m1 == m2 and m1 < 0:
                v += 1.0j / sqrt(2.0)
            U[a, b] = v
    return U


def _generate_cg_rsh(lmax):
    lidx, midx = _sh_indices(lmax)
    n = len(lidx)
    cg = np.zeros((n, n, n), dtype=np.float64)
    for a in range(n):
        for b in range(n):
            for c in range(n):
                if abs(lidx[a] - lidx[b]) <= lidx[c] <= lidx[a] + lidx[b]:
                    cg[a, b, c] = _cg_coeff(int(lidx[a]), int(midx[a]), int(lidx[b]), int(midx[b]), int(lidx[c]), int(midx[c]))
    U = _sh_to_rsh(lmax)
    cg_rsh = np.einsum('ijk,mi,nj,ok->mno', cg.astype(np.complex128), U, U, U.conj())
    parity = (-1.0) ** lidx
    pmask = (parity[:, None, None] * parity[None, :, None]) == parity[None, None, :]
    cg_rsh = cg_rsh * pmask
    cg_real = np.real(cg_rsh)
    cg_real[np.abs(cg_real) < 1e-9] = 0.0
    return cg_real.astype(np.float32)


def _sparsify_cg(cg):
    i1, i2, io = np.nonzero(cg)
    cg_sparse = cg[i1, i2, io]
    return cg_sparse, i1.astype(np.int64), i2.astype(np.int64), io.astype(np.int64)


def setup_inputs(seed: int = 0) -> dict:
    key = jax.random.key(seed)
    k1, k2 = jax.random.split(key)
    S = (LMAX + 1) ** 2
    x1 = jax.random.normal(k1, (N_ATOMS, S, N_FEAT), dtype=jnp.float32)
    x2 = jax.random.normal(k2, (N_ATOMS, S, N_FEAT), dtype=jnp.float32)
    cg_full = _generate_cg_rsh(LMAX)
    cg_sparse, i1, i2, io = _sparsify_cg(cg_full)
    return {
        'x1': x1,
        'x2': x2,
        'clebsch_gordan': jnp.asarray(cg_sparse),
        'idx_in_1': jnp.asarray(i1),
        'idx_in_2': jnp.asarray(i2),
        'idx_out': jnp.asarray(io),
    }


def reference(x1, x2, clebsch_gordan, idx_in_1, idx_in_2, idx_out):
    S = x1.shape[1]
    x1g = x1[:, idx_in_1, :]
    x2g = x2[:, idx_in_2, :]
    y = x1g * x2g * clebsch_gordan[None, :, None]
    # scatter_add along dim=1 with dim_size=(lmax+1)^2
    out = jax.ops.segment_sum(jnp.moveaxis(y, 1, 0), idx_out, num_segments=S)
    return jnp.moveaxis(out, 0, 1)

if __name__ == "__main__":
    import jax
    _d = setup_inputs()
    print(jax.jit(kernel)(*tuple(_d.values())))

</pallas_src>

<mosaic_0001>
#map = affine_map<(d0, d1) -> (0, 0)>
module attributes {stable_mosaic.version = 14 : i64} {
  func.func @_sc_body(%arg0: i32, %arg1: i32, %arg2: memref<10000x576xf32, #tpu.memory_space<hbm>>, %arg3: memref<10000x576xf32, #tpu.memory_space<hbm>>, %arg4: memref<10000x576xf32, #tpu.memory_space<hbm>>, %arg5: memref<32x576xf32, #tpu.memory_space<vmem>>, %arg6: memref<32x576xf32, #tpu.memory_space<vmem>>, %arg7: memref<32x576xf32, #tpu.memory_space<vmem>>, %arg8: memref<2x!tpu.dma_semaphore, #tpu.memory_space<semaphore_mem>>, %arg9: memref<2x!tpu.dma_semaphore, #tpu.memory_space<semaphore_mem>>, %arg10: memref<2x!tpu.dma_semaphore, #tpu.memory_space<semaphore_mem>>) attributes {dimension_semantics = [#tpu.dimension_semantics<core_parallel>, #tpu.dimension_semantics<subcore_parallel>], iteration_bounds = array<i64: 2, 16>, scalar_prefetch = 0 : i64, scratch_operands = 6 : i64, tpu.core_type = #tpu.core_type<sc_vector_subcore>, window_params = [{transform_indices = #map}, {transform_indices = #map}, {transform_indices = #map}]} {
    %mul3A = arith.constant 2 : i32
    %mul3A_0 = arith.muli %arg1, %mul3A : i32
    %add3A = arith.addi %mul3A_0, %arg0 : i32
    %sub3A = arith.constant 625 : i32
    %sub3A_1 = arith.subi %sub3A, %add3A : i32
    %add3A_2 = arith.constant 32 : i32
    %add3A_3 = arith.addi %sub3A_1, %add3A_2 : i32
    %sub3A_4 = arith.constant 1 : i32
    %sub3A_5 = arith.subi %add3A_3, %sub3A_4 : i32
    %jit3A = arith.constant 32 : i32
    %div3A = arith.divsi %sub3A_5, %jit3A : i32
    %sign3A = arith.constant 0 : i32
    %sign3A_6 = arith.cmpi sgt, %sub3A_5, %sign3A : i32
    %sign3A_7 = arith.extui %sign3A_6 : i1 to i32
    %sign3A_8 = arith.constant 0 : i32
    %sign3A_9 = arith.cmpi slt, %sub3A_5, %sign3A_8 : i32
    %sign3A_10 = arith.extui %sign3A_9 : i1 to i32
    %sign3A_11 = arith.subi %sign3A_7, %sign3A_10 : i32
    %sign3A_12 = arith.constant 0 : i32
    %sign3A_13 = arith.cmpi sgt, %jit3A, %sign3A_12 : i32
    %sign3A_14 = arith.extui %sign3A_13 : i1 to i32
    %sign3A_15 = arith.constant 0 : i32
    %sign3A_16 = arith.cmpi slt, %jit3A, %sign3A_15 : i32
    %sign3A_17 = arith.extui %sign3A_16 : i1 to i32
    %sign3A_18 = arith.subi %sign3A_14, %sign3A_17 : i32
    %ne3A = arith.cmpi ne, %sign3A_11, %sign3A_18 : i32
    %rem3A = arith.remsi %sub3A_5, %jit3A : i32
    %ne3A_19 = arith.constant 0 : i32
    %ne3A_20 = arith.cmpi ne, %rem3A, %ne3A_19 : i32
    %and3A = arith.andi %ne3A, %ne3A_20 : i1
    %sub3A_21 = arith.constant 1 : i32
    %sub3A_22 = arith.subi %div3A, %sub3A_21 : i32
    %select_n3A = arith.select %and3A, %sub3A_22, %div3A : i32
    %add3A_23 = arith.constant 0 : i32
    %add3A_24 = arith.addi %add3A, %add3A_23 : i32
    %mul3A_25 = arith.constant 16 : i32
    %mul3A_26 = arith.muli %add3A_24, %mul3A_25 : i32
    %dma_start3A = arith.constant 0 : i32
    %dma_start3A_27 = arith.constant 0 : i32
    %dma_start3A_28 = arith.constant 0 : i32
    %dma_start3A_29 = tpu.memref_slice %arg5[%dma_start3A_27, %dma_start3A_28] : memref<32x576xf32, #tpu.memory_space<vmem>> -> memref<16x576xf32, #tpu.memory_space<vmem>>
    %dma_start3A_30 = arith.constant 0 : i32
    %dma_start3A_31 = tpu.memref_slice %arg2[%mul3A_26, %dma_start3A_30] : memref<10000x576xf32, #tpu.memory_space<hbm>> -> memref<16x576xf32, #tpu.memory_space<hbm>>
    %dma_start3A_32 = tpu.memref_slice %arg8[%dma_start3A] : memref<2x!tpu.dma_semaphore, #tpu.memory_space<semaphore_mem>> -> memref<1x!tpu.dma_semaphore, #tpu.memory_space<semaphore_mem>>
    %dma_start3A_33 = tpu.memref_squeeze %dma_start3A_32 : memref<1x!tpu.dma_semaphore, #tpu.memory_space<semaphore_mem>> -> memref<!tpu.dma_semaphore, #tpu.memory_space<semaphore_mem>>
    %dma_start3A_34 = arith.constant 0 : i32
    %dma_start3A_35 = arith.constant 0 : i32
    %dma_start3A_36 = tpu.memref_slice %arg5[%dma_start3A_34, %dma_start3A_35] : memref<32x576xf32, #tpu.memory_space<vmem>> -> memref<16x576xf32, #tpu.memory_space<vmem>>
    %dma_start3A_37 = arith.constant 0 : i32
    %dma_start3A_38 = tpu.memref_slice %arg2[%mul3A_26, %dma_start3A_37] : memref<10000x576xf32, #tpu.memory_space<hbm>> -> memref<16x576xf32, #tpu.memory_space<hbm>>
    tpu.enqueue_dma source(%dma_start3A_38 : memref<16x576xf32, #tpu.memory_space<hbm>>) target(%dma_start3A_36 : memref<16x576xf32, #tpu.memory_space<vmem>>) target_semaphore(%dma_start3A_33 : memref<!tpu.dma_semaphore, #tpu.memory_space<semaphore_mem>>)
    %dma_start3A_39 = arith.constant 0 : i32
    %dma_start3A_40 = arith.constant 0 : i32
    %dma_start3A_41 = arith.constant 0 : i32
    %dma_start3A_42 = tpu.memref_slice %arg6[%dma_start3A_40, %dma_start3A_41] : memref<32x576xf32, #tpu.memory_space<vmem>> -> memref<16x576xf32, #tpu.memory_space<vmem>>
    %dma_start3A_43 = arith.constant 0 : i32
    %dma_start3A_44 = tpu.memref_slice %arg3[%mul3A_26, %dma_start3A_43] : memref<10000x576xf32, #tpu.memory_space<hbm>> -> memref<16x576xf32, #tpu.memory_space<hbm>>
    %dma_start3A_45 = tpu.memref_slice %arg9[%dma_start3A_39] : memref<2x!tpu.dma_semaphore, #tpu.memory_space<semaphore_mem>> -> memref<1x!tpu.dma_semaphore, #tpu.memory_space<semaphore_mem>>
    %dma_start3A_46 = tpu.memref_squeeze %dma_start3A_45 : memref<1x!tpu.dma_semaphore, #tpu.memory_space<semaphore_mem>> -> memref<!tpu.dma_semaphore, #tpu.memory_space<semaphore_mem>>
    %dma_start3A_47 = arith.constant 0 : i32
    %dma_start3A_48 = arith.constant 0 : i32
    %dma_start3A_49 = tpu.memref_slice %arg6[%dma_start3A_47, %dma_start3A_48] : memref<32x576xf32, #tpu.memory_space<vmem>> -> memref<16x576xf32, #tpu.memory_space<vmem>>
    %dma_start3A_50 = arith.constant 0 : i32
    %dma_start3A_51 = tpu.memref_slice %arg3[%mul3A_26, %dma_start3A_50] : memref<10000x576xf32, #tpu.memory_space<hbm>> -> memref<16x576xf32, #tpu.memory_space<hbm>>
    tpu.enqueue_dma source(%dma_start3A_51 : memref<16x576xf32, #tpu.memory_space<hbm>>) target(%dma_start3A_49 : memref<16x576xf32, #tpu.memory_space<vmem>>) target_semaphore(%dma_start3A_46 : memref<!tpu.dma_semaphore, #tpu.memory_space<semaphore_mem>>)
    %add3A_52 = arith.constant 1 : i32
    %add3A_53 = arith.addi %select_n3A, %add3A_52 : i32
    %jit3A_54 = arith.constant 2 : i32
    %div3A_55 = arith.divsi %add3A_53, %jit3A_54 : i32
    %sign3A_56 = arith.constant 0 : i32
    %sign3A_57 = arith.cmpi sgt, %add3A_53, %sign3A_56 : i32
    %sign3A_58 = arith.extui %sign3A_57 : i1 to i32
    %sign3A_59 = arith.constant 0 : i32
    %sign3A_60 = arith.cmpi slt, %add3A_53, %sign3A_59 : i32
    %sign3A_61 = arith.extui %sign3A_60 : i1 to i32
    %sign3A_62 = arith.subi %sign3A_58, %sign3A_61 : i32
    %sign3A_63 = arith.constant 0 : i32
    %sign3A_64 = arith.cmpi sgt, %jit3A_54, %sign3A_63 : i32
    %sign3A_65 = arith.extui %sign3A_64 : i1 to i32
    %sign3A_66 = arith.constant 0 : i32
    %sign3A_67 = arith.cmpi slt, %jit3A_54, %sign3A_66 : i32
    %sign3A_68 = arith.extui %sign3A_67 : i1 to i32
    %sign3A_69 = arith.subi %sign3A_65, %sign3A_68 : i32
    %ne3A_70 = arith.cmpi ne, %sign3A_62, %sign3A_69 : i32
    %rem3A_71 = arith.remsi %add3A_53, %jit3A_54 : i32
    %ne3A_72 = arith.constant 0 : i32
    %ne3A_73 = arith.cmpi ne, %rem3A_71, %ne3A_72 : i32
    %and3A_74 = arith.andi %ne3A_70, %ne3A_73 : i1
    %sub3A_75 = arith.constant 1 : i32
    %sub3A_76 = arith.subi %div3A_55, %sub3A_75 : i32
    %select_n3A_77 = arith.select %and3A_74, %sub3A_76, %div3A_55 : i32
    %while3A = arith.constant 0 : i32
    %while3A_78 = arith.constant 0 : i32
    %while3A_79 = arith.subi %select_n3A_77, %while3A_78 : i32
    %while3A_80 = arith.addi %while3A_78, %while3A_79 : i32
    %while3A_81 = arith.constant 1 : i32
    %while3A_82 = arith.divsi %while3A_79, %while3A_81 : i32
    %while3A_83 = arith.muli %while3A_82, %while3A_81 : i32
    %while3A_84 = arith.addi %while3A_78, %while3A_83 : i32
    %while3A_85 = arith.constant 1 : i32
    scf.for %while3A_123 = %while3A_78 to %while3A_84 step %while3A_85  : i32 {
      %mul3A_124 = arith.constant 2 : i32
      %mul3A_125 = arith.muli %while3A_123, %mul3A_124 : i32
      %add3A_126 = arith.constant 0 : i32
      %add3A_127 = arith.addi %mul3A_125, %add3A_126 : i32
      %lt3A_128 = arith.cmpi slt, %add3A_127, %select_n3A : i32
      %convert_element_type3A_129 = arith.extui %lt3A_128 : i1 to i32
      %cond3A_130 = arith.constant 0 : i32
      %cond3A_131 = arith.cmpi ne, %convert_element_type3A_129, %cond3A_130 : i32
      scf.if %cond3A_131 {
        %add3A_138 = arith.constant 1 : i32
        %add3A_139 = arith.addi %add3A_127, %add3A_138 : i32
        %lt3A_140 = arith.cmpi slt, %add3A_139, %select_n3A : i32
        %convert_element_type3A_141 = arith.extui %lt3A_140 : i1 to i32
        %cond3A_142 = arith.constant 0 : i32
        %cond3A_143 = arith.cmpi ne, %convert_element_type3A_141, %cond3A_142 : i32
        scf.if %cond3A_143 {
          %add3A_200 = arith.constant 1 : i32
          %add3A_201 = arith.addi %add3A_127, %add3A_200 : i32
          %mul3A_202 = arith.constant 32 : i32
          %mul3A_203 = arith.muli %add3A_201, %mul3A_202 : i32
          %add3A_204 = arith.addi %add3A, %mul3A_203 : i32
          %mul3A_205 = arith.constant 16 : i32
          %mul3A_206 = arith.muli %add3A_204, %mul3A_205 : i32
          %dma_start3A_207 = arith.constant 1 : i32
          %dma_start3A_208 = arith.constant 16 : i32
          %dma_start3A_209 = arith.constant 0 : i32
          %dma_start3A_210 = tpu.memref_slice %arg5[%dma_start3A_208, %dma_start3A_209] : memref<32x576xf32, #tpu.memory_space<vmem>> -> memref<16x576xf32, #tpu.memory_space<vmem>>
          %dma_start3A_211 = arith.constant 0 : i32
          %dma_start3A_212 = tpu.memref_slice %arg2[%mul3A_206, %dma_start3A_211] : memref<10000x576xf32, #tpu.memory_space<hbm>> -> memref<16x576xf32, #tpu.memory_space<hbm>>
          %dma_start3A_213 = tpu.memref_slice %arg8[%dma_start3A_207] : memref<2x!tpu.dma_semaphore, #tpu.memory_space<semaphore_mem>> -> memref<1x!tpu.dma_semaphore, #tpu.memory_space<semaphore_mem>>
          %dma_start3A_214 = tpu.memref_squeeze %dma_start3A_213 : memref<1x!tpu.dma_semaphore, #tpu.memory_space<semaphore_mem>> -> memref<!tpu.dma_semaphore, #tpu.memory_space<semaphore_mem>>
          %dma_start3A_215 = arith.constant 16 : i32
          %dma_start3A_216 = arith.constant 0 : i32
          %dma_start3A_217 = tpu.memref_slice %arg5[%dma_start3A_215, %dma_start3A_216] : memref<32x576xf32, #tpu.memory_space<vmem>> -> memref<16x576xf32, #tpu.memory_space<vmem>>
          %dma_start3A_218 = arith.constant 0 : i32
          %dma_start3A_219 = tpu.memref_slice %arg2[%mul3A_206, %dma_start3A_218] : memref<10000x576xf32, #tpu.memory_space<hbm>> -> memref<16x576xf32, #tpu.memory_space<hbm>>
          tpu.enqueue_dma source(%dma_start3A_219 : memref<16x576xf32, #tpu.memory_space<hbm>>) target(%dma_start3A_217 : memref<16x576xf32, #tpu.memory_space<vmem>>) target_semaphore(%dma_start3A_214 : memref<!tpu.dma_semaphore, #tpu.memory_space<semaphore_mem>>)
          %dma_start3A_220 = arith.constant 1 : i32
          %dma_start3A_221 = arith.constant 16 : i32
          %dma_start3A_222 = arith.constant 0 : i32
          %dma_start3A_223 = tpu.memref_slice %arg6[%dma_start3A_221, %dma_start3A_222] : memref<32x576xf32, #tpu.memory_space<vmem>> -> memref<16x576xf32, #tpu.memory_space<vmem>>
          %dma_start3A_224 = arith.constant 0 : i32
          %dma_start3A_225 = tpu.memref_slice %arg3[%mul3A_206, %dma_start3A_224] : memref<10000x576xf32, #tpu.memory_space<hbm>> -> memref<16x576xf32, #tpu.memory_space<hbm>>
          %dma_start3A_226 = tpu.memref_slice %arg9[%dma_start3A_220] : memref<2x!tpu.dma_semaphore, #tpu.memory_space<semaphore_mem>> -> memref<1x!tpu.dma_semaphore, #tpu.memory_space<semaphore_mem>>
          %dma_start3A_227 = tpu.memref_squeeze %dma_start3A_226 : memref<1x!tpu.dma_semaphore, #tpu.memory_space<semaphore_mem>> -> memref<!tpu.dma_semaphore, #tpu.memory_space<semaphore_mem>>
          %dma_start3A_228 = arith.constant 16 : i32
          %dma_start3A_229 = arith.constant 0 : i32
          %dma_start3A_230 = tpu.memref_slice %arg6[%dma_start3A_228, %dma_start3A_229] : memref<32x576xf32, #tpu.memory_space<vmem>> -> memref<16x576xf32, #tpu.memory_space<vmem>>
          %dma_start3A_231 = arith.constant 0 : i32
          %dma_start3A_232 = tpu.memref_slice %arg3[%mul3A_206, %dma_start3A_231] : memref<10000x576xf32, #tpu.memory_space<hbm>> -> memref<16x576xf32, #tpu.memory_space<hbm>>
          tpu.enqueue_dma source(%dma_start3A_232 : memref<16x576xf32, #tpu.memory_space<hbm>>) target(%dma_start3A_230 : memref<16x576xf32, #tpu.memory_space<vmem>>) target_semaphore(%dma_start3A_227 : memref<!tpu.dma_semaphore, #tpu.memory_space<semaphore_mem>>)
        } else {
        }
        %mul3A_144 = arith.constant 32 : i32
        %mul3A_145 = arith.muli %add3A_127, %mul3A_144 : i32
        %add3A_146 = arith.addi %add3A, %mul3A_145 : i32
        %mul3A_147 = arith.constant 16 : i32
        %mul3A_148 = arith.muli %add3A_146, %mul3A_147 : i32
        %dma_wait3A_149 = arith.constant 0 : i32
        %dma_wait3A_150 = arith.constant 0 : i32
        %dma_wait3A_151 = arith.constant 0 : i32
        %dma_wait3A_152 = tpu.memref_slice %arg5[%dma_wait3A_150, %dma_wait3A_151] : memref<32x576xf32, #tpu.memory_space<vmem>> -> memref<16x576xf32, #tpu.memory_space<vmem>>
        %dma_wait3A_153 = arith.constant 0 : i32
        %dma_wait3A_154 = tpu.memref_slice %arg2[%mul3A_148, %dma_wait3A_153] : memref<10000x576xf32, #tpu.memory_space<hbm>> -> memref<16x576xf32, #tpu.memory_space<hbm>>
        %dma_wait3A_155 = tpu.memref_slice %arg8[%dma_wait3A_149] : memref<2x!tpu.dma_semaphore, #tpu.memory_space<semaphore_mem>> -> memref<1x!tpu.dma_semaphore, #tpu.memory_space<semaphore_mem>>
        %dma_wait3A_156 = tpu.memref_squeeze %dma_wait3A_155 : memref<1x!tpu.dma_semaphore, #tpu.memory_space<semaphore_mem>> -> memref<!tpu.dma_semaphore, #tpu.memory_space<semaphore_mem>>
        %dma_wait3A_157 = arith.constant 0 : i32
        %dma_wait3A_158 = arith.constant 0 : i32
        %dma_wait3A_159 = tpu.memref_slice %arg5[%dma_wait3A_157, %dma_wait3A_158] : memref<32x576xf32, #tpu.memory_space<vmem>> -> memref<16x576xf32, #tpu.memory_space<vmem>>
        %dma_wait3A_160 = arith.constant 0 : i32
        %dma_wait3A_161 = tpu.memref_slice %arg2[%mul3A_148, %dma_wait3A_160] : memref<10000x576xf32, #tpu.memory_space<hbm>> -> memref<16x576xf32, #tpu.memory_space<hbm>>
        tpu.wait_dma2 semaphore(%dma_wait3A_156 : memref<!tpu.dma_semaphore, #tpu.memory_space<semaphore_mem>>) src(%dma_wait3A_161 : memref<16x576xf32, #tpu.memory_space<hbm>>) dst(%dma_wait3A_159 : memref<16x576xf32, #tpu.memory_space<vmem>>)
        %dma_wait3A_162 = arith.constant 0 : i32
        %dma_wait3A_163 = arith.constant 0 : i32
        %dma_wait3A_164 = arith.constant 0 : i32
        %dma_wait3A_165 = tpu.memref_slice %arg6[%dma_wait3A_163, %dma_wait3A_164] : memref<32x576xf32, #tpu.memory_space<vmem>> -> memref<16x576xf32, #tpu.memory_space<vmem>>
        %dma_wait3A_166 = arith.constant 0 : i32
        %dma_wait3A_167 = tpu.memref_slice %arg3[%mul3A_148, %dma_wait3A_166] : memref<10000x576xf32, #tpu.memory_space<hbm>> -> memref<16x576xf32, #tpu.memory_space<hbm>>
        %dma_wait3A_168 = tpu.memref_slice %arg9[%dma_wait3A_162] : memref<2x!tpu.dma_semaphore, #tpu.memory_space<semaphore_mem>> -> memref<1x!tpu.dma_semaphore, #tpu.memory_space<semaphore_mem>>
        %dma_wait3A_169 = tpu.memref_squeeze %dma_wait3A_168 : memref<1x!tpu.dma_semaphore, #tpu.memory_space<semaphore_mem>> -> memref<!tpu.dma_semaphore, #tpu.memory_space<semaphore_mem>>
        %dma_wait3A_170 = arith.constant 0 : i32
        %dma_wait3A_171 = arith.constant 0 : i32
        %dma_wait3A_172 = tpu.memref_slice %arg6[%dma_wait3A_170, %dma_wait3A_171] : memref<32x576xf32, #tpu.memory_space<vmem>> -> memref<16x576xf32, #tpu.memory_space<vmem>>
        %dma_wait3A_173 = arith.constant 0 : i32
        %dma_wait3A_174 = tpu.memref_slice %arg3[%mul3A_148, %dma_wait3A_173] : memref<10000x576xf32, #tpu.memory_space<hbm>> -> memref<16x576xf32, #tpu.memory_space<hbm>>
        tpu.wait_dma2 semaphore(%dma_wait3A_169 : memref<!tpu.dma_semaphore, #tpu.memory_space<semaphore_mem>>) src(%dma_wait3A_174 : memref<16x576xf32, #tpu.memory_space<hbm>>) dst(%dma_wait3A_172 : memref<16x576xf32, #tpu.memory_space<vmem>>)
        %ge3A_175 = arith.constant 2 : i32
        %ge3A_176 = arith.cmpi sge, %add3A_127, %ge3A_175 : i32
        %convert_element_type3A_177 = arith.extui %ge3A_176 : i1 to i32
        %cond3A_178 = arith.constant 0 : i32
        %cond3A_179 = arith.cmpi ne, %convert_element_type3A_177, %cond3A_178 : i32
        scf.if %cond3A_179 {
          %sub3A_200 = arith.constant 2 : i32
          %sub3A_201 = arith.subi %add3A_127, %sub3A_200 : i32
          %mul3A_202 = arith.constant 32 : i32
          %mul3A_203 = arith.muli %sub3A_201, %mul3A_202 : i32
          %add3A_204 = arith.addi %add3A, %mul3A_203 : i32
          %mul3A_205 = arith.constant 16 : i32
          %mul3A_206 = arith.muli %add3A_204, %mul3A_205 : i32
          %dma_wait3A_207 = arith.constant 0 : i32
          %dma_wait3A_208 = arith.constant 0 : i32
          %dma_wait3A_209 = arith.constant 0 : i32
          %dma_wait3A_210 = tpu.memref_slice %arg7[%dma_wait3A_208, %dma_wait3A_209] : memref<32x576xf32, #tpu.memory_space<vmem>> -> memref<16x576xf32, #tpu.memory_space<vmem>>
          %dma_wait3A_211 = arith.constant 0 : i32
          %dma_wait3A_212 = tpu.memref_slice %arg4[%mul3A_206, %dma_wait3A_211] : memref<10000x576xf32, #tpu.memory_space<hbm>> -> memref<16x576xf32, #tpu.memory_space<hbm>>
          %dma_wait3A_213 = tpu.memref_slice %arg10[%dma_wait3A_207] : memref<2x!tpu.dma_semaphore, #tpu.memory_space<semaphore_mem>> -> memref<1x!tpu.dma_semaphore, #tpu.memory_space<semaphore_mem>>
          %dma_wait3A_214 = tpu.memref_squeeze %dma_wait3A_213 : memref<1x!tpu.dma_semaphore, #tpu.memory_space<semaphore_mem>> -> memref<!tpu.dma_semaphore, #tpu.memory_space<semaphore_mem>>
          %dma_wait3A_215 = arith.constant 0 : i32
          %dma_wait3A_216 = tpu.memref_slice %arg4[%mul3A_206, %dma_wait3A_215] : memref<10000x576xf32, #tpu.memory_space<hbm>> -> memref<16x576xf32, #tpu.memory_space<hbm>>
          %dma_wait3A_217 = arith.constant 0 : i32
          %dma_wait3A_218 = arith.constant 0 : i32
          %dma_wait3A_219 = tpu.memref_slice %arg7[%dma_wait3A_217, %dma_wait3A_218] : memref<32x576xf32, #tpu.memory_space<vmem>> -> memref<16x576xf32, #tpu.memory_space<vmem>>
          tpu.wait_dma2 semaphore(%dma_wait3A_214 : memref<!tpu.dma_semaphore, #tpu.memory_space<semaphore_mem>>) src(%dma_wait3A_219 : memref<16x576xf32, #tpu.memory_space<vmem>>) dst(%dma_wait3A_216 : memref<16x576xf32, #tpu.memory_space<hbm>>)
        } else {
        }
        %parallel_loop3A = arith.constant 0 : i32
        %parallel_loop3A_180 = arith.constant 64 : i32
        %parallel_loop3A_181 = arith.constant 1 : i32
        scf.for %parallel_loop3A_200 = %parallel_loop3A to %parallel_loop3A_180 step %parallel_loop3A_181  : i32 {
          %parallel_loop3A_201 = arith.constant 4 : i32
          %parallel_loop3A_202 = arith.divsi %parallel_loop3A_200, %parallel_loop3A_201 : i32
          %parallel_loop3A_203 = arith.constant 0 : i32
          %parallel_loop3A_204 = arith.cmpi sgt, %parallel_loop3A_200, %parallel_loop3A_203 : i32
          %parallel_loop3A_205 = arith.extui %parallel_loop3A_204 : i1 to i32
          %parallel_loop3A_206 = arith.constant 0 : i32
          %parallel_loop3A_207 = arith.cmpi slt, %parallel_loop3A_200, %parallel_loop3A_206 : i32
          %parallel_loop3A_208 = arith.extui %parallel_loop3A_207 : i1 to i32
          %parallel_loop3A_209 = arith.subi %parallel_loop3A_205, %parallel_loop3A_208 : i32
          %parallel_loop3A_210 = arith.constant 0 : i32
          %parallel_loop3A_211 = arith.cmpi sgt, %parallel_loop3A_201, %parallel_loop3A_210 : i32
          %parallel_loop3A_212 = arith.extui %parallel_loop3A_211 : i1 to i32
          %parallel_loop3A_213 = arith.constant 0 : i32
          %parallel_loop3A_214 = arith.cmpi slt, %parallel_loop3A_201, %parallel_loop3A_213 : i32
          %parallel_loop3A_215 = arith.extui %parallel_loop3A_214 : i1 to i32
          %parallel_loop3A_216 = arith.subi %parallel_loop3A_212, %parallel_loop3A_215 : i32
          %parallel_loop3A_217 = arith.cmpi ne, %parallel_loop3A_209, %parallel_loop3A_216 : i32
          %parallel_loop3A_218 = arith.remsi %parallel_loop3A_200, %parallel_loop3A_201 : i32
          %parallel_loop3A_219 = arith.constant 0 : i32
          %parallel_loop3A_220 = arith.cmpi ne, %parallel_loop3A_218, %parallel_loop3A_219 : i32
          %parallel_loop3A_221 = arith.andi %parallel_loop3A_217, %parallel_loop3A_220 : i1
          %parallel_loop3A_222 = arith.constant 1 : i32
          %parallel_loop3A_223 = arith.subi %parallel_loop3A_202, %parallel_loop3A_222 : i32
          %parallel_loop3A_224 = arith.select %parallel_loop3A_221, %parallel_loop3A_223, %parallel_loop3A_202 : i32
          %parallel_loop3A_225 = arith.constant 4 : i32
          %parallel_loop3A_226 = arith.constant 0 : i32
          %parallel_loop3A_227 = arith.cmpi eq, %parallel_loop3A_225, %parallel_loop3A_226 : i32
          %parallel_loop3A_228 = arith.constant 1 : i32
          %parallel_loop3A_229 = arith.select %parallel_loop3A_227, %parallel_loop3A_228, %parallel_loop3A_225 : i32
          %parallel_loop3A_230 = arith.remsi %parallel_loop3A_200, %parallel_loop3A_229 : i32
          %parallel_loop3A_231 = arith.constant 0 : i32
          %parallel_loop3A_232 = arith.cmpi ne, %parallel_loop3A_230, %parallel_loop3A_231 : i32
          %parallel_loop3A_233 = arith.constant 0 : i32
          %parallel_loop3A_234 = arith.cmpi slt, %parallel_loop3A_230, %parallel_loop3A_233 : i32
          %parallel_loop3A_235 = arith.constant 0 : i32
          %parallel_loop3A_236 = arith.cmpi slt, %parallel_loop3A_229, %parallel_loop3A_235 : i32
          %parallel_loop3A_237 = arith.xori %parallel_loop3A_234, %parallel_loop3A_236 : i1
          %parallel_loop3A_238 = arith.andi %parallel_loop3A_237, %parallel_loop3A_232 : i1
          %parallel_loop3A_239 = arith.addi %parallel_loop3A_230, %parallel_loop3A_229 : i32
          %parallel_loop3A_240 = arith.select %parallel_loop3A_238, %parallel_loop3A_239, %parallel_loop3A_230 : i32
          %parallel_loop3A_241 = arith.constant 16 : i32
          %parallel_loop3A_242 = arith.muli %parallel_loop3A_240, %parallel_loop3A_241 : i32
          %parallel_loop3A_243 = arith.constant 0 : i32
          %parallel_loop3A_244 = arith.addi %parallel_loop3A_243, %parallel_loop3A_224 : i32
          %parallel_loop3A_245 = arith.constant 0 : i32
          %parallel_loop3A_246 = arith.addi %parallel_loop3A_245, %parallel_loop3A_242 : i32
          %parallel_loop3A_247 = arith.index_cast %parallel_loop3A_244 : i32 to index
          %parallel_loop3A_248 = arith.index_cast %parallel_loop3A_246 : i32 to index
          %parallel_loop3A_249 = tpu.vector_load %arg5[%parallel_loop3A_247, %parallel_loop3A_248] {strides = array<i32>} : memref<32x576xf32, #tpu.memory_space<vmem>>, vector<1x16xf32>,
          %parallel_loop3A_250 = vector.shape_cast %parallel_loop3A_249 : vector<1x16xf32> to vector<16xf32>
          %parallel_loop3A_251 = arith.constant 0 : i32
          %parallel_loop3A_252 = arith.addi %parallel_loop3A_251, %parallel_loop3A_224 : i32
          %parallel_loop3A_253 = arith.constant 64 : i32
          %parallel_loop3A_254 = arith.addi %parallel_loop3A_253, %parallel_loop3A_242 : i32
          %parallel_loop3A_255 = arith.index_cast %parallel_loop3A_252 : i32 to index
          %parallel_loop3A_256 = arith.index_cast %parallel_loop3A_254 : i32 to index
          %parallel_loop3A_257 = tpu.vector_load %arg5[%parallel_loop3A_255, %parallel_loop3A_256] {strides = array<i32>} : memref<32x576xf32, #tpu.memory_space<vmem>>, vector<1x16xf32>,
          %parallel_loop3A_258 = vector.shape_cast %parallel_loop3A_257 : vector<1x16xf32> to vector<16xf32>
          %parallel_loop3A_259 = arith.constant 0 : i32
          %parallel_loop3A_260 = arith.addi %parallel_loop3A_259, %parallel_loop3A_224 : i32
          %parallel_loop3A_261 = arith.constant 128 : i32
          %parallel_loop3A_262 = arith.addi %parallel_loop3A_261, %parallel_loop3A_242 : i32
          %parallel_loop3A_263 = arith.index_cast %parallel_loop3A_260 : i32 to index
          %parallel_loop3A_264 = arith.index_cast %parallel_loop3A_262 : i32 to index
          %parallel_loop3A_265 = tpu.vector_load %arg5[%parallel_loop3A_263, %parallel_loop3A_264] {strides = array<i32>} : memref<32x576xf32, #tpu.memory_space<vmem>>, vector<1x16xf32>,
          %parallel_loop3A_266 = vector.shape_cast %parallel_loop3A_265 : vector<1x16xf32> to vector<16xf32>
          %parallel_loop3A_267 = arith.constant 0 : i32
          %parallel_loop3A_268 = arith.addi %parallel_loop3A_267, %parallel_loop3A_224 : i32
          %parallel_loop3A_269 = arith.constant 192 : i32
          %parallel_loop3A_270 = arith.addi %parallel_loop3A_269, %parallel_loop3A_242 : i32
          %parallel_loop3A_271 = arith.index_cast %parallel_loop3A_268 : i32 to index
          %parallel_loop3A_272 = arith.index_cast %parallel_loop3A_270 : i32 to index
          %parallel_loop3A_273 = tpu.vector_load %arg5[%parallel_loop3A_271, %parallel_loop3A_272] {strides = array<i32>} : memref<32x576xf32, #tpu.memory_space<vmem>>, vector<1x16xf32>,
          %parallel_loop3A_274 = vector.shape_cast %parallel_loop3A_273 : vector<1x16xf32> to vector<16xf32>
          %parallel_loop3A_275 = arith.constant 0 : i32
          %parallel_loop3A_276 = arith.addi %parallel_loop3A_275, %parallel_loop3A_224 : i32
          %parallel_loop3A_277 = arith.constant 256 : i32
          %parallel_loop3A_278 = arith.addi %parallel_loop3A_277, %parallel_loop3A_242 : i32
          %parallel_loop3A_279 = arith.index_cast %parallel_loop3A_276 : i32 to index
          %parallel_loop3A_280 = arith.index_cast %parallel_loop3A_278 : i32 to index
          %parallel_loop3A_281 = tpu.vector_load %arg5[%parallel_loop3A_279, %parallel_loop3A_280] {strides = array<i32>} : memref<32x576xf32, #tpu.memory_space<vmem>>, vector<1x16xf32>,
          %parallel_loop3A_282 = vector.shape_cast %parallel_loop3A_281 : vector<1x16xf32> to vector<16xf32>
          %parallel_loop3A_283 = arith.constant 0 : i32
          %parallel_loop3A_284 = arith.addi %parallel_loop3A_283, %parallel_loop3A_224 : i32
          %parallel_loop3A_285 = arith.constant 320 : i32
          %parallel_loop3A_286 = arith.addi %parallel_loop3A_285, %parallel_loop3A_242 : i32
          %parallel_loop3A_287 = arith.index_cast %parallel_loop3A_284 : i32 to index
          %parallel_loop3A_288 = arith.index_cast %parallel_loop3A_286 : i32 to index
          %parallel_loop3A_289 = tpu.vector_load %arg5[%parallel_loop3A_287, %parallel_loop3A_288] {strides = array<i32>} : memref<32x576xf32, #tpu.memory_space<vmem>>, vector<1x16xf32>,
          %parallel_loop3A_290 = vector.shape_cast %parallel_loop3A_289 : vector<1x16xf32> to vector<16xf32>
          %parallel_loop3A_291 = arith.constant 0 : i32
          %parallel_loop3A_292 = arith.addi %parallel_loop3A_291, %parallel_loop3A_224 : i32
          %parallel_loop3A_293 = arith.constant 384 : i32
          %parallel_loop3A_294 = arith.addi %parallel_loop3A_293, %parallel_loop3A_242 : i32
          %parallel_loop3A_295 = arith.index_cast %parallel_loop3A_292 : i32 to index
          %parallel_loop3A_296 = arith.index_cast %parallel_loop3A_294 : i32 to index
          %parallel_loop3A_297 = tpu.vector_load %arg5[%parallel_loop3A_295, %parallel_loop3A_296] {strides = array<i32>} : memref<32x576xf32, #tpu.memory_space<vmem>>, vector<1x16xf32>,
          %parallel_loop3A_298 = vector.shape_cast %parallel_loop3A_297 : vector<1x16xf32> to vector<16xf32>
          %parallel_loop3A_299 = arith.constant 0 : i32
          %parallel_loop3A_300 = arith.addi %parallel_loop3A_299, %parallel_loop3A_224 : i32
          %parallel_loop3A_301 = arith.constant 448 : i32
          %parallel_loop3A_302 = arith.addi %parallel_loop3A_301, %parallel_loop3A_242 : i32
          %parallel_loop3A_303 = arith.index_cast %parallel_loop3A_300 : i32 to index
          %parallel_loop3A_304 = arith.index_cast %parallel_loop3A_302 : i32 to index
          %parallel_loop3A_305 = tpu.vector_load %arg5[%parallel_loop3A_303, %parallel_loop3A_304] {strides = array<i32>} : memref<32x576xf32, #tpu.memory_space<vmem>>, vector<1x16xf32>,
          %parallel_loop3A_306 = vector.shape_cast %parallel_loop3A_305 : vector<1x16xf32> to vector<16xf32>
          %parallel_loop3A_307 = arith.constant 0 : i32
          %parallel_loop3A_308 = arith.addi %parallel_loop3A_307, %parallel_loop3A_224 : i32
          %parallel_loop3A_309 = arith.constant 512 : i32
          %parallel_loop3A_310 = arith.addi %parallel_loop3A_309, %parallel_loop3A_242 : i32
          %parallel_loop3A_311 = arith.index_cast %parallel_loop3A_308 : i32 to index
          %parallel_loop3A_312 = arith.index_cast %parallel_loop3A_310 : i32 to index
          %parallel_loop3A_313 = tpu.vector_load %arg5[%parallel_loop3A_311, %parallel_loop3A_312] {strides = array<i32>} : memref<32x576xf32, #tpu.memory_space<vmem>>, vector<1x16xf32>,
          %parallel_loop3A_314 = vector.shape_cast %parallel_loop3A_313 : vector<1x16xf32> to vector<16xf32>
          %parallel_loop3A_315 = arith.constant 0 : i32
          %parallel_loop3A_316 = arith.addi %parallel_loop3A_315, %parallel_loop3A_224 : i32
          %parallel_loop3A_317 = arith.constant 0 : i32
          %parallel_loop3A_318 = arith.addi %parallel_loop3A_317, %parallel_loop3A_242 : i32
          %parallel_loop3A_319 = arith.index_cast %parallel_loop3A_316 : i32 to index
          %parallel_loop3A_320 = arith.index_cast %parallel_loop3A_318 : i32 to index
          %parallel_loop3A_321 = tpu.vector_load %arg6[%parallel_loop3A_319, %parallel_loop3A_320] {strides = array<i32>} : memref<32x576xf32, #tpu.memory_space<vmem>>, vector<1x16xf32>,
          %parallel_loop3A_322 = vector.shape_cast %parallel_loop3A_321 : vector<1x16xf32> to vector<16xf32>
          %parallel_loop3A_323 = arith.constant 0 : i32
          %parallel_loop3A_324 = arith.addi %parallel_loop3A_323, %parallel_loop3A_224 : i32
          %parallel_loop3A_325 = arith.constant 64 : i32
          %parallel_loop3A_326 = arith.addi %parallel_loop3A_325, %parallel_loop3A_242 : i32
          %parallel_loop3A_327 = arith.index_cast %parallel_loop3A_324 : i32 to index
          %parallel_loop3A_328 = arith.index_cast %parallel_loop3A_326 : i32 to index
          %parallel_loop3A_329 = tpu.vector_load %arg6[%parallel_loop3A_327, %parallel_loop3A_328] {strides = array<i32>} : memref<32x576xf32, #tpu.memory_space<vmem>>, vector<1x16xf32>,
          %parallel_loop3A_330 = vector.shape_cast %parallel_loop3A_329 : vector<1x16xf32> to vector<16xf32>
          %parallel_loop3A_331 = arith.constant 0 : i32
          %parallel_loop3A_332 = arith.addi %parallel_loop3A_331, %parallel_loop3A_224 : i32
          %parallel_loop3A_333 = arith.constant 128 : i32
          %parallel_loop3A_334 = arith.addi %parallel_loop3A_333, %parallel_loop3A_242 : i32
          %parallel_loop3A_335 = arith.index_cast %parallel_loop3A_332 : i32 to index
          %parallel_loop3A_336 = arith.index_cast %parallel_loop3A_334 : i32 to index
          %parallel_loop3A_337 = tpu.vector_load %arg6[%parallel_loop3A_335, %parallel_loop3A_336] {strides = array<i32>} : memref<32x576xf32, #tpu.memory_space<vmem>>, vector<1x16xf32>,
          %parallel_loop3A_338 = vector.shape_cast %parallel_loop3A_337 : vector<1x16xf32> to vector<16xf32>
          %parallel_loop3A_339 = arith.constant 0 : i32
          %parallel_loop3A_340 = arith.addi %parallel_loop3A_339, %parallel_loop3A_224 : i32
          %parallel_loop3A_341 = arith.constant 192 : i32
          %parallel_loop3A_342 = arith.addi %parallel_loop3A_341, %parallel_loop3A_242 : i32
          %parallel_loop3A_343 = arith.index_cast %parallel_loop3A_340 : i32 to index
          %parallel_loop3A_344 = arith.index_cast %parallel_loop3A_342 : i32 to index
          %parallel_loop3A_345 = tpu.vector_load %arg6[%parallel_loop3A_343, %parallel_loop3A_344] {strides = array<i32>} : memref<32x576xf32, #tpu.memory_space<vmem>>, vector<1x16xf32>,
          %parallel_loop3A_346 = vector.shape_cast %parallel_loop3A_345 : vector<1x16xf32> to vector<16xf32>
          %parallel_loop3A_347 = arith.constant 0 : i32
          %parallel_loop3A_348 = arith.addi %parallel_loop3A_347, %parallel_loop3A_224 : i32
          %parallel_loop3A_349 = arith.constant 256 : i32
          %parallel_loop3A_350 = arith.addi %parallel_loop3A_349, %parallel_loop3A_242 : i32
          %parallel_loop3A_351 = arith.index_cast %parallel_loop3A_348 : i32 to index
          %parallel_loop3A_352 = arith.index_cast %parallel_loop3A_350 : i32 to index
          %parallel_loop3A_353 = tpu.vector_load %arg6[%parallel_loop3A_351, %parallel_loop3A_352] {strides = array<i32>} : memref<32x576xf32, #tpu.memory_space<vmem>>, vector<1x16xf32>,
          %parallel_loop3A_354 = vector.shape_cast %parallel_loop3A_353 : vector<1x16xf32> to vector<16xf32>
          %parallel_loop3A_355 = arith.constant 0 : i32
          %parallel_loop3A_356 = arith.addi %parallel_loop3A_355, %parallel_loop3A_224 : i32
          %parallel_loop3A_357 = arith.constant 320 : i32
          %parallel_loop3A_358 = arith.addi %parallel_loop3A_357, %parallel_loop3A_242 : i32
          %parallel_loop3A_359 = arith.index_cast %parallel_loop3A_356 : i32 to index
          %parallel_loop3A_360 = arith.index_cast %parallel_loop3A_358 : i32 to index
          %parallel_loop3A_361 = tpu.vector_load %arg6[%parallel_loop3A_359, %parallel_loop3A_360] {strides = array<i32>} : memref<32x576xf32, #tpu.memory_space<vmem>>, vector<1x16xf32>,
          %parallel_loop3A_362 = vector.shape_cast %parallel_loop3A_361 : vector<1x16xf32> to vector<16xf32>
          %parallel_loop3A_363 = arith.constant 0 : i32
          %parallel_loop3A_364 = arith.addi %parallel_loop3A_363, %parallel_loop3A_224 : i32
          %parallel_loop3A_365 = arith.constant 384 : i32
          %parallel_loop3A_366 = arith.addi %parallel_loop3A_365, %parallel_loop3A_242 : i32
          %parallel_loop3A_367 = arith.index_cast %parallel_loop3A_364 : i32 to index
          %parallel_loop3A_368 = arith.index_cast %parallel_loop3A_366 : i32 to index
          %parallel_loop3A_369 = tpu.vector_load %arg6[%parallel_loop3A_367, %parallel_loop3A_368] {strides = array<i32>} : memref<32x576xf32, #tpu.memory_space<vmem>>, vector<1x16xf32>,
          %parallel_loop3A_370 = vector.shape_cast %parallel_loop3A_369 : vector<1x16xf32> to vector<16xf32>
          %parallel_loop3A_371 = arith.constant 0 : i32
          %parallel_loop3A_372 = arith.addi %parallel_loop3A_371, %parallel_loop3A_224 : i32
          %parallel_loop3A_373 = arith.constant 448 : i32
          %parallel_loop3A_374 = arith.addi %parallel_loop3A_373, %parallel_loop3A_242 : i32
          %parallel_loop3A_375 = arith.index_cast %parallel_loop3A_372 : i32 to index
          %parallel_loop3A_376 = arith.index_cast %parallel_loop3A_374 : i32 to index
          %parallel_loop3A_377 = tpu.vector_load %arg6[%parallel_loop3A_375, %parallel_loop3A_376] {strides = array<i32>} : memref<32x576xf32, #tpu.memory_space<vmem>>, vector<1x16xf32>,
          %parallel_loop3A_378 = vector.shape_cast %parallel_loop3A_377 : vector<1x16xf32> to vector<16xf32>
          %parallel_loop3A_379 = arith.constant 0 : i32
          %parallel_loop3A_380 = arith.addi %parallel_loop3A_379, %parallel_loop3A_224 : i32
          %parallel_loop3A_381 = arith.constant 512 : i32
          %parallel_loop3A_382 = arith.addi %parallel_loop3A_381, %parallel_loop3A_242 : i32
          %parallel_loop3A_383 = arith.index_cast %parallel_loop3A_380 : i32 to index
          %parallel_loop3A_384 = arith.index_cast %parallel_loop3A_382 : i32 to index
          %parallel_loop3A_385 = tpu.vector_load %arg6[%parallel_loop3A_383, %parallel_loop3A_384] {strides = array<i32>} : memref<32x576xf32, #tpu.memory_space<vmem>>, vector<1x16xf32>,
          %parallel_loop3A_386 = vector.shape_cast %parallel_loop3A_385 : vector<1x16xf32> to vector<16xf32>
          %parallel_loop3A_387 = arith.mulf %parallel_loop3A_250, %parallel_loop3A_322 : vector<16xf32>
          %parallel_loop3A_388 = arith.mulf %parallel_loop3A_258, %parallel_loop3A_330 : vector<16xf32>
          %parallel_loop3A_389 = arith.mulf %parallel_loop3A_266, %parallel_loop3A_338 : vector<16xf32>
          %parallel_loop3A_390 = arith.addf %parallel_loop3A_388, %parallel_loop3A_389 : vector<16xf32>
          %parallel_loop3A_391 = arith.mulf %parallel_loop3A_274, %parallel_loop3A_346 : vector<16xf32>
          %parallel_loop3A_392 = arith.addf %parallel_loop3A_390, %parallel_loop3A_391 : vector<16xf32>
          %parallel_loop3A_393 = arith.constant -0.577350259 : f32
          %parallel_loop3A_394 = vector.broadcast %parallel_loop3A_393 : f32 to vector<16xf32>
          %parallel_loop3A_395 = arith.mulf %parallel_loop3A_392, %parallel_loop3A_394 : vector<16xf32>
          %parallel_loop3A_396 = arith.addf %parallel_loop3A_387, %parallel_loop3A_395 : vector<16xf32>
          %parallel_loop3A_397 = arith.mulf %parallel_loop3A_282, %parallel_loop3A_354 : vector<16xf32>
          %parallel_loop3A_398 = arith.mulf %parallel_loop3A_290, %parallel_loop3A_362 : vector<16xf32>
          %parallel_loop3A_399 = arith.addf %parallel_loop3A_397, %parallel_loop3A_398 : vector<16xf32>
          %parallel_loop3A_400 = arith.mulf %parallel_loop3A_298, %parallel_loop3A_370 : vector<16xf32>
          %parallel_loop3A_401 = arith.addf %parallel_loop3A_399, %parallel_loop3A_400 : vector<16xf32>
          %parallel_loop3A_402 = arith.mulf %parallel_loop3A_306, %parallel_loop3A_378 : vector<16xf32>
          %parallel_loop3A_403 = arith.addf %parallel_loop3A_401, %parallel_loop3A_402 : vector<16xf32>
          %parallel_loop3A_404 = arith.mulf %parallel_loop3A_314, %parallel_loop3A_386 : vector<16xf32>
          %parallel_loop3A_405 = arith.addf %parallel_loop3A_403, %parallel_loop3A_404 : vector<16xf32>
          %parallel_loop3A_406 = arith.constant 0.44721359 : f32
          %parallel_loop3A_407 = vector.broadcast %parallel_loop3A_406 : f32 to vector<16xf32>
          %parallel_loop3A_408 = arith.mulf %parallel_loop3A_405, %parallel_loop3A_407 : vector<16xf32>
          %parallel_loop3A_409 = arith.addf %parallel_loop3A_396, %parallel_loop3A_408 : vector<16xf32>
          %parallel_loop3A_410 = arith.constant 0 : i32
          %parallel_loop3A_411 = arith.addi %parallel_loop3A_410, %parallel_loop3A_224 : i32
          %parallel_loop3A_412 = arith.constant 0 : i32
          %parallel_loop3A_413 = arith.addi %parallel_loop3A_412, %parallel_loop3A_242 : i32
          %parallel_loop3A_414 = arith.index_cast %parallel_loop3A_411 : i32 to index
          %parallel_loop3A_415 = arith.index_cast %parallel_loop3A_413 : i32 to index
          %parallel_loop3A_416 = tpu.vector_load %arg7[%parallel_loop3A_414, %parallel_loop3A_415] {strides = array<i32>} : memref<32x576xf32, #tpu.memory_space<vmem>>, vector<1x16xf32>,
          %parallel_loop3A_417 = vector.shape_cast %parallel_loop3A_416 : vector<1x16xf32> to vector<16xf32>
          %parallel_loop3A_418 = vector.shape_cast %parallel_loop3A_409 : vector<16xf32> to vector<1x16xf32>
          tpu.vector_store %arg7[%parallel_loop3A_414, %parallel_loop3A_415], %parallel_loop3A_418 {strides = array<i32>} : memref<32x576xf32, #tpu.memory_space<vmem>>, vector<1x16xf32>,
          %parallel_loop3A_419 = arith.mulf %parallel_loop3A_250, %parallel_loop3A_330 : vector<16xf32>
          %parallel_loop3A_420 = arith.mulf %parallel_loop3A_258, %parallel_loop3A_322 : vector<16xf32>
          %parallel_loop3A_421 = arith.addf %parallel_loop3A_419, %parallel_loop3A_420 : vector<16xf32>
          %parallel_loop3A_422 = arith.mulf %parallel_loop3A_258, %parallel_loop3A_370 : vector<16xf32>
          %parallel_loop3A_423 = arith.mulf %parallel_loop3A_298, %parallel_loop3A_330 : vector<16xf32>
          %parallel_loop3A_424 = arith.addf %parallel_loop3A_422, %parallel_loop3A_423 : vector<16xf32>
          %parallel_loop3A_425 = arith.constant 0.316227764 : f32
          %parallel_loop3A_426 = vector.broadcast %parallel_loop3A_425 : f32 to vector<16xf32>
          %parallel_loop3A_427 = arith.mulf %parallel_loop3A_424, %parallel_loop3A_426 : vector<16xf32>
          %parallel_loop3A_428 = arith.addf %parallel_loop3A_421, %parallel_loop3A_427 : vector<16xf32>
          %parallel_loop3A_429 = arith.mulf %parallel_loop3A_258, %parallel_loop3A_386 : vector<16xf32>
          %parallel_loop3A_430 = arith.mulf %parallel_loop3A_266, %parallel_loop3A_362 : vector<16xf32>
          %parallel_loop3A_431 = arith.subf %parallel_loop3A_429, %parallel_loop3A_430 : vector<16xf32>
          %parallel_loop3A_432 = arith.mulf %parallel_loop3A_274, %parallel_loop3A_354 : vector<16xf32>
          %parallel_loop3A_433 = arith.subf %parallel_loop3A_431, %parallel_loop3A_432 : vector<16xf32>
          %parallel_loop3A_434 = arith.mulf %parallel_loop3A_282, %parallel_loop3A_346 : vector<16xf32>
          %parallel_loop3A_435 = arith.subf %parallel_loop3A_433, %parallel_loop3A_434 : vector<16xf32>
          %parallel_loop3A_436 = arith.mulf %parallel_loop3A_290, %parallel_loop3A_338 : vector<16xf32>
          %parallel_loop3A_437 = arith.subf %parallel_loop3A_435, %parallel_loop3A_436 : vector<16xf32>
          %parallel_loop3A_438 = arith.mulf %parallel_loop3A_314, %parallel_loop3A_330 : vector<16xf32>
          %parallel_loop3A_439 = arith.addf %parallel_loop3A_437, %parallel_loop3A_438 : vector<16xf32>
          %parallel_loop3A_440 = arith.constant 0.547722578 : f32
          %parallel_loop3A_441 = vector.broadcast %parallel_loop3A_440 : f32 to vector<16xf32>
          %parallel_loop3A_442 = arith.mulf %parallel_loop3A_439, %parallel_loop3A_441 : vector<16xf32>
          %parallel_loop3A_443 = arith.addf %parallel_loop3A_428, %parallel_loop3A_442 : vector<16xf32>
          %parallel_loop3A_444 = arith.constant 0 : i32
          %parallel_loop3A_445 = arith.addi %parallel_loop3A_444, %parallel_loop3A_224 : i32
          %parallel_loop3A_446 = arith.constant 64 : i32
          %parallel_loop3A_447 = arith.addi %parallel_loop3A_446, %parallel_loop3A_242 : i32
          %parallel_loop3A_448 = arith.index_cast %parallel_loop3A_445 : i32 to index
          %parallel_loop3A_449 = arith.index_cast %parallel_loop3A_447 : i32 to index
          %parallel_loop3A_450 = tpu.vector_load %arg7[%parallel_loop3A_448, %parallel_loop3A_449] {strides = array<i32>} : memref<32x576xf32, #tpu.memory_space<vmem>>, vector<1x16xf32>,
          %parallel_loop3A_451 = vector.shape_cast %parallel_loop3A_450 : vector<1x16xf32> to vector<16xf32>
          %parallel_loop3A_452 = vector.shape_cast %parallel_loop3A_443 : vector<16xf32> to vector<1x16xf32>
          tpu.vector_store %arg7[%parallel_loop3A_448, %parallel_loop3A_449], %parallel_loop3A_452 {strides = array<i32>} : memref<32x576xf32, #tpu.memory_space<vmem>>, vector<1x16xf32>,
          %parallel_loop3A_453 = arith.mulf %parallel_loop3A_250, %parallel_loop3A_338 : vector<16xf32>
          %parallel_loop3A_454 = arith.mulf %parallel_loop3A_266, %parallel_loop3A_322 : vector<16xf32>
          %parallel_loop3A_455 = arith.addf %parallel_loop3A_453, %parallel_loop3A_454 : vector<16xf32>
          %parallel_loop3A_456 = arith.mulf %parallel_loop3A_258, %parallel_loop3A_362 : vector<16xf32>
          %parallel_loop3A_457 = arith.mulf %parallel_loop3A_274, %parallel_loop3A_378 : vector<16xf32>
          %parallel_loop3A_458 = arith.addf %parallel_loop3A_456, %parallel_loop3A_457 : vector<16xf32>
          %parallel_loop3A_459 = arith.mulf %parallel_loop3A_290, %parallel_loop3A_330 : vector<16xf32>
          %parallel_loop3A_460 = arith.addf %parallel_loop3A_458, %parallel_loop3A_459 : vector<16xf32>
          %parallel_loop3A_461 = arith.mulf %parallel_loop3A_306, %parallel_loop3A_346 : vector<16xf32>
          %parallel_loop3A_462 = arith.addf %parallel_loop3A_460, %parallel_loop3A_461 : vector<16xf32>
          %parallel_loop3A_463 = arith.constant -0.547722578 : f32
          %parallel_loop3A_464 = vector.broadcast %parallel_loop3A_463 : f32 to vector<16xf32>
          %parallel_loop3A_465 = arith.mulf %parallel_loop3A_462, %parallel_loop3A_464 : vector<16xf32>
          %parallel_loop3A_466 = arith.addf %parallel_loop3A_455, %parallel_loop3A_465 : vector<16xf32>
          %parallel_loop3A_467 = arith.mulf %parallel_loop3A_266, %parallel_loop3A_370 : vector<16xf32>
          %parallel_loop3A_468 = arith.mulf %parallel_loop3A_298, %parallel_loop3A_338 : vector<16xf32>
          %parallel_loop3A_469 = arith.addf %parallel_loop3A_467, %parallel_loop3A_468 : vector<16xf32>
          %parallel_loop3A_470 = arith.constant -0.632455527 : f32
          %parallel_loop3A_471 = vector.broadcast %parallel_loop3A_470 : f32 to vector<16xf32>
          %parallel_loop3A_472 = arith.mulf %parallel_loop3A_469, %parallel_loop3A_471 : vector<16xf32>
          %parallel_loop3A_473 = arith.addf %parallel_loop3A_466, %parallel_loop3A_472 : vector<16xf32>
          %parallel_loop3A_474 = arith.constant 0 : i32
          %parallel_loop3A_475 = arith.addi %parallel_loop3A_474, %parallel_loop3A_224 : i32
          %parallel_loop3A_476 = arith.constant 128 : i32
          %parallel_loop3A_477 = arith.addi %parallel_loop3A_476, %parallel_loop3A_242 : i32
          %parallel_loop3A_478 = arith.index_cast %parallel_loop3A_475 : i32 to index
          %parallel_loop3A_479 = arith.index_cast %parallel_loop3A_477 : i32 to index
          %parallel_loop3A_480 = tpu.vector_load %arg7[%parallel_loop3A_478, %parallel_loop3A_479] {strides = array<i32>} : memref<32x576xf32, #tpu.memory_space<vmem>>, vector<1x16xf32>,
          %parallel_loop3A_481 = vector.shape_cast %parallel_loop3A_480 : vector<1x16xf32> to vector<16xf32>
          %parallel_loop3A_482 = vector.shape_cast %parallel_loop3A_473 : vector<16xf32> to vector<1x16xf32>
          tpu.vector_store %arg7[%parallel_loop3A_478, %parallel_loop3A_479], %parallel_loop3A_482 {strides = array<i32>} : memref<32x576xf32, #tpu.memory_space<vmem>>, vector<1x16xf32>,
          %parallel_loop3A_483 = arith.mulf %parallel_loop3A_250, %parallel_loop3A_346 : vector<16xf32>
          %parallel_loop3A_484 = arith.mulf %parallel_loop3A_274, %parallel_loop3A_322 : vector<16xf32>
          %parallel_loop3A_485 = arith.addf %parallel_loop3A_483, %parallel_loop3A_484 : vector<16xf32>
          %parallel_loop3A_486 = arith.mulf %parallel_loop3A_258, %parallel_loop3A_354 : vector<16xf32>
          %parallel_loop3A_487 = arith.mulf %parallel_loop3A_266, %parallel_loop3A_378 : vector<16xf32>
          %parallel_loop3A_488 = arith.addf %parallel_loop3A_486, %parallel_loop3A_487 : vector<16xf32>
          %parallel_loop3A_489 = arith.mulf %parallel_loop3A_274, %parallel_loop3A_386 : vector<16xf32>
          %parallel_loop3A_490 = arith.addf %parallel_loop3A_488, %parallel_loop3A_489 : vector<16xf32>
          %parallel_loop3A_491 = arith.mulf %parallel_loop3A_282, %parallel_loop3A_330 : vector<16xf32>
          %parallel_loop3A_492 = arith.addf %parallel_loop3A_490, %parallel_loop3A_491 : vector<16xf32>
          %parallel_loop3A_493 = arith.mulf %parallel_loop3A_306, %parallel_loop3A_338 : vector<16xf32>
          %parallel_loop3A_494 = arith.addf %parallel_loop3A_492, %parallel_loop3A_493 : vector<16xf32>
          %parallel_loop3A_495 = arith.mulf %parallel_loop3A_314, %parallel_loop3A_346 : vector<16xf32>
          %parallel_loop3A_496 = arith.addf %parallel_loop3A_494, %parallel_loop3A_495 : vector<16xf32>
          %parallel_loop3A_497 = arith.constant -0.547722578 : f32
          %parallel_loop3A_498 = vector.broadcast %parallel_loop3A_497 : f32 to vector<16xf32>
          %parallel_loop3A_499 = arith.mulf %parallel_loop3A_496, %parallel_loop3A_498 : vector<16xf32>
          %parallel_loop3A_500 = arith.addf %parallel_loop3A_485, %parallel_loop3A_499 : vector<16xf32>
          %parallel_loop3A_501 = arith.mulf %parallel_loop3A_274, %parallel_loop3A_370 : vector<16xf32>
          %parallel_loop3A_502 = arith.mulf %parallel_loop3A_298, %parallel_loop3A_346 : vector<16xf32>
          %parallel_loop3A_503 = arith.addf %parallel_loop3A_501, %parallel_loop3A_502 : vector<16xf32>
          %parallel_loop3A_504 = arith.constant 0.316227764 : f32
          %parallel_loop3A_505 = vector.broadcast %parallel_loop3A_504 : f32 to vector<16xf32>
          %parallel_loop3A_506 = arith.mulf %parallel_loop3A_503, %parallel_loop3A_505 : vector<16xf32>
          %parallel_loop3A_507 = arith.addf %parallel_loop3A_500, %parallel_loop3A_506 : vector<16xf32>
          %parallel_loop3A_508 = arith.constant 0 : i32
          %parallel_loop3A_509 = arith.addi %parallel_loop3A_508, %parallel_loop3A_224 : i32
          %parallel_loop3A_510 = arith.constant 192 : i32
          %parallel_loop3A_511 = arith.addi %parallel_loop3A_510, %parallel_loop3A_242 : i32
          %parallel_loop3A_512 = arith.index_cast %parallel_loop3A_509 : i32 to index
          %parallel_loop3A_513 = arith.index_cast %parallel_loop3A_511 : i32 to index
          %parallel_loop3A_514 = tpu.vector_load %arg7[%parallel_loop3A_512, %parallel_loop3A_513] {strides = array<i32>} : memref<32x576xf32, #tpu.memory_space<vmem>>, vector<1x16xf32>,
          %parallel_loop3A_515 = vector.shape_cast %parallel_loop3A_514 : vector<1x16xf32> to vector<16xf32>
          %parallel_loop3A_516 = vector.shape_cast %parallel_loop3A_507 : vector<16xf32> to vector<1x16xf32>
          tpu.vector_store %arg7[%parallel_loop3A_512, %parallel_loop3A_513], %parallel_loop3A_516 {strides = array<i32>} : memref<32x576xf32, #tpu.memory_space<vmem>>, vector<1x16xf32>,
          %parallel_loop3A_517 = arith.mulf %parallel_loop3A_250, %parallel_loop3A_354 : vector<16xf32>
          %parallel_loop3A_518 = arith.mulf %parallel_loop3A_282, %parallel_loop3A_322 : vector<16xf32>
          %parallel_loop3A_519 = arith.addf %parallel_loop3A_517, %parallel_loop3A_518 : vector<16xf32>
          %parallel_loop3A_520 = arith.mulf %parallel_loop3A_258, %parallel_loop3A_346 : vector<16xf32>
          %parallel_loop3A_521 = arith.mulf %parallel_loop3A_274, %parallel_loop3A_330 : vector<16xf32>
          %parallel_loop3A_522 = arith.addf %parallel_loop3A_520, %parallel_loop3A_521 : vector<16xf32>
          %parallel_loop3A_523 = arith.constant 0.707106769 : f32
          %parallel_loop3A_524 = vector.broadcast %parallel_loop3A_523 : f32 to vector<16xf32>
          %parallel_loop3A_525 = arith.mulf %parallel_loop3A_522, %parallel_loop3A_524 : vector<16xf32>
          %parallel_loop3A_526 = arith.addf %parallel_loop3A_519, %parallel_loop3A_525 : vector<16xf32>
          %parallel_loop3A_527 = arith.mulf %parallel_loop3A_282, %parallel_loop3A_370 : vector<16xf32>
          %parallel_loop3A_528 = arith.mulf %parallel_loop3A_298, %parallel_loop3A_354 : vector<16xf32>
          %parallel_loop3A_529 = arith.addf %parallel_loop3A_527, %parallel_loop3A_528 : vector<16xf32>
          %parallel_loop3A_530 = arith.constant 0.534522474 : f32
          %parallel_loop3A_531 = vector.broadcast %parallel_loop3A_530 : f32 to vector<16xf32>
          %parallel_loop3A_532 = arith.mulf %parallel_loop3A_529, %parallel_loop3A_531 : vector<16xf32>
          %parallel_loop3A_533 = arith.addf %parallel_loop3A_526, %parallel_loop3A_532 : vector<16xf32>
          %parallel_loop3A_534 = arith.mulf %parallel_loop3A_290, %parallel_loop3A_378 : vector<16xf32>
          %parallel_loop3A_535 = arith.mulf %parallel_loop3A_306, %parallel_loop3A_362 : vector<16xf32>
          %parallel_loop3A_536 = arith.addf %parallel_loop3A_534, %parallel_loop3A_535 : vector<16xf32>
          %parallel_loop3A_537 = arith.constant -0.462910056 : f32
          %parallel_loop3A_538 = vector.broadcast %parallel_loop3A_537 : f32 to vector<16xf32>
          %parallel_loop3A_539 = arith.mulf %parallel_loop3A_536, %parallel_loop3A_538 : vector<16xf32>
          %parallel_loop3A_540 = arith.addf %parallel_loop3A_533, %parallel_loop3A_539 : vector<16xf32>
          %parallel_loop3A_541 = arith.constant 0 : i32
          %parallel_loop3A_542 = arith.addi %parallel_loop3A_541, %parallel_loop3A_224 : i32
          %parallel_loop3A_543 = arith.constant 256 : i32
          %parallel_loop3A_544 = arith.addi %parallel_loop3A_543, %parallel_loop3A_242 : i32
          %parallel_loop3A_545 = arith.index_cast %parallel_loop3A_542 : i32 to index
          %parallel_loop3A_546 = arith.index_cast %parallel_loop3A_544 : i32 to index
          %parallel_loop3A_547 = tpu.vector_load %arg7[%parallel_loop3A_545, %parallel_loop3A_546] {strides = array<i32>} : memref<32x576xf32, #tpu.memory_space<vmem>>, vector<1x16xf32>,
          %parallel_loop3A_548 = vector.shape_cast %parallel_loop3A_547 : vector<1x16xf32> to vector<16xf32>
          %parallel_loop3A_549 = vector.shape_cast %parallel_loop3A_540 : vector<16xf32> to vector<1x16xf32>
          tpu.vector_store %arg7[%parallel_loop3A_545, %parallel_loop3A_546], %parallel_loop3A_549 {strides = array<i32>} : memref<32x576xf32, #tpu.memory_space<vmem>>, vector<1x16xf32>,
          %parallel_loop3A_550 = arith.mulf %parallel_loop3A_250, %parallel_loop3A_362 : vector<16xf32>
          %parallel_loop3A_551 = arith.mulf %parallel_loop3A_290, %parallel_loop3A_322 : vector<16xf32>
          %parallel_loop3A_552 = arith.addf %parallel_loop3A_550, %parallel_loop3A_551 : vector<16xf32>
          %parallel_loop3A_553 = arith.mulf %parallel_loop3A_258, %parallel_loop3A_338 : vector<16xf32>
          %parallel_loop3A_554 = arith.mulf %parallel_loop3A_266, %parallel_loop3A_330 : vector<16xf32>
          %parallel_loop3A_555 = arith.addf %parallel_loop3A_553, %parallel_loop3A_554 : vector<16xf32>
          %parallel_loop3A_556 = arith.constant 0.707106769 : f32
          %parallel_loop3A_557 = vector.broadcast %parallel_loop3A_556 : f32 to vector<16xf32>
          %parallel_loop3A_558 = arith.mulf %parallel_loop3A_555, %parallel_loop3A_557 : vector<16xf32>
          %parallel_loop3A_559 = arith.addf %parallel_loop3A_552, %parallel_loop3A_558 : vector<16xf32>
          %parallel_loop3A_560 = arith.mulf %parallel_loop3A_282, %parallel_loop3A_378 : vector<16xf32>
          %parallel_loop3A_561 = arith.mulf %parallel_loop3A_290, %parallel_loop3A_386 : vector<16xf32>
          %parallel_loop3A_562 = arith.subf %parallel_loop3A_560, %parallel_loop3A_561 : vector<16xf32>
          %parallel_loop3A_563 = arith.mulf %parallel_loop3A_306, %parallel_loop3A_354 : vector<16xf32>
          %parallel_loop3A_564 = arith.addf %parallel_loop3A_562, %parallel_loop3A_563 : vector<16xf32>
          %parallel_loop3A_565 = arith.mulf %parallel_loop3A_314, %parallel_loop3A_362 : vector<16xf32>
          %parallel_loop3A_566 = arith.subf %parallel_loop3A_564, %parallel_loop3A_565 : vector<16xf32>
          %parallel_loop3A_567 = arith.constant -0.462910056 : f32
          %parallel_loop3A_568 = vector.broadcast %parallel_loop3A_567 : f32 to vector<16xf32>
          %parallel_loop3A_569 = arith.mulf %parallel_loop3A_566, %parallel_loop3A_568 : vector<16xf32>
          %parallel_loop3A_570 = arith.addf %parallel_loop3A_559, %parallel_loop3A_569 : vector<16xf32>
          %parallel_loop3A_571 = arith.mulf %parallel_loop3A_290, %parallel_loop3A_370 : vector<16xf32>
          %parallel_loop3A_572 = arith.mulf %parallel_loop3A_298, %parallel_loop3A_362 : vector<16xf32>
          %parallel_loop3A_573 = arith.addf %parallel_loop3A_571, %parallel_loop3A_572 : vector<16xf32>
          %parallel_loop3A_574 = arith.constant -0.267261237 : f32
          %parallel_loop3A_575 = vector.broadcast %parallel_loop3A_574 : f32 to vector<16xf32>
          %parallel_loop3A_576 = arith.mulf %parallel_loop3A_573, %parallel_loop3A_575 : vector<16xf32>
          %parallel_loop3A_577 = arith.addf %parallel_loop3A_570, %parallel_loop3A_576 : vector<16xf32>
          %parallel_loop3A_578 = arith.constant 0 : i32
          %parallel_loop3A_579 = arith.addi %parallel_loop3A_578, %parallel_loop3A_224 : i32
          %parallel_loop3A_580 = arith.constant 320 : i32
          %parallel_loop3A_581 = arith.addi %parallel_loop3A_580, %parallel_loop3A_242 : i32
          %parallel_loop3A_582 = arith.index_cast %parallel_loop3A_579 : i32 to index
          %parallel_loop3A_583 = arith.index_cast %parallel_loop3A_581 : i32 to index
          %parallel_loop3A_584 = tpu.vector_load %arg7[%parallel_loop3A_582, %parallel_loop3A_583] {strides = array<i32>} : memref<32x576xf32, #tpu.memory_space<vmem>>, vector<1x16xf32>,
          %parallel_loop3A_585 = vector.shape_cast %parallel_loop3A_584 : vector<1x16xf32> to vector<16xf32>
          %parallel_loop3A_586 = vector.shape_cast %parallel_loop3A_577 : vector<16xf32> to vector<1x16xf32>
          tpu.vector_store %arg7[%parallel_loop3A_582, %parallel_loop3A_583], %parallel_loop3A_586 {strides = array<i32>} : memref<32x576xf32, #tpu.memory_space<vmem>>, vector<1x16xf32>,
          %parallel_loop3A_587 = arith.mulf %parallel_loop3A_250, %parallel_loop3A_370 : vector<16xf32>
          %parallel_loop3A_588 = arith.mulf %parallel_loop3A_298, %parallel_loop3A_322 : vector<16xf32>
          %parallel_loop3A_589 = arith.addf %parallel_loop3A_587, %parallel_loop3A_588 : vector<16xf32>
          %parallel_loop3A_590 = arith.mulf %parallel_loop3A_258, %parallel_loop3A_330 : vector<16xf32>
          %parallel_loop3A_591 = arith.mulf %parallel_loop3A_274, %parallel_loop3A_346 : vector<16xf32>
          %parallel_loop3A_592 = arith.addf %parallel_loop3A_590, %parallel_loop3A_591 : vector<16xf32>
          %parallel_loop3A_593 = arith.constant -0.408248305 : f32
          %parallel_loop3A_594 = vector.broadcast %parallel_loop3A_593 : f32 to vector<16xf32>
          %parallel_loop3A_595 = arith.mulf %parallel_loop3A_592, %parallel_loop3A_594 : vector<16xf32>
          %parallel_loop3A_596 = arith.addf %parallel_loop3A_589, %parallel_loop3A_595 : vector<16xf32>
          %parallel_loop3A_597 = arith.mulf %parallel_loop3A_266, %parallel_loop3A_338 : vector<16xf32>
          %parallel_loop3A_598 = arith.constant 0.816496611 : f32
          %parallel_loop3A_599 = vector.broadcast %parallel_loop3A_598 : f32 to vector<16xf32>
          %parallel_loop3A_600 = arith.mulf %parallel_loop3A_597, %parallel_loop3A_599 : vector<16xf32>
          %parallel_loop3A_601 = arith.addf %parallel_loop3A_596, %parallel_loop3A_600 : vector<16xf32>
          %parallel_loop3A_602 = arith.mulf %parallel_loop3A_282, %parallel_loop3A_354 : vector<16xf32>
          %parallel_loop3A_603 = arith.mulf %parallel_loop3A_298, %parallel_loop3A_370 : vector<16xf32>
          %parallel_loop3A_604 = arith.subf %parallel_loop3A_602, %parallel_loop3A_603 : vector<16xf32>
          %parallel_loop3A_605 = arith.mulf %parallel_loop3A_314, %parallel_loop3A_386 : vector<16xf32>
          %parallel_loop3A_606 = arith.addf %parallel_loop3A_604, %parallel_loop3A_605 : vector<16xf32>
          %parallel_loop3A_607 = arith.constant 0.534522474 : f32
          %parallel_loop3A_608 = vector.broadcast %parallel_loop3A_607 : f32 to vector<16xf32>
          %parallel_loop3A_609 = arith.mulf %parallel_loop3A_606, %parallel_loop3A_608 : vector<16xf32>
          %parallel_loop3A_610 = arith.addf %parallel_loop3A_601, %parallel_loop3A_609 : vector<16xf32>
          %parallel_loop3A_611 = arith.mulf %parallel_loop3A_290, %parallel_loop3A_362 : vector<16xf32>
          %parallel_loop3A_612 = arith.mulf %parallel_loop3A_306, %parallel_loop3A_378 : vector<16xf32>
          %parallel_loop3A_613 = arith.addf %parallel_loop3A_611, %parallel_loop3A_612 : vector<16xf32>
          %parallel_loop3A_614 = arith.constant -0.267261237 : f32
          %parallel_loop3A_615 = vector.broadcast %parallel_loop3A_614 : f32 to vector<16xf32>
          %parallel_loop3A_616 = arith.mulf %parallel_loop3A_613, %parallel_loop3A_615 : vector<16xf32>
          %parallel_loop3A_617 = arith.addf %parallel_loop3A_610, %parallel_loop3A_616 : vector<16xf32>
          %parallel_loop3A_618 = arith.constant 0 : i32
          %parallel_loop3A_619 = arith.addi %parallel_loop3A_618, %parallel_loop3A_224 : i32
          %parallel_loop3A_620 = arith.constant 384 : i32
          %parallel_loop3A_621 = arith.addi %parallel_loop3A_620, %parallel_loop3A_242 : i32
          %parallel_loop3A_622 = arith.index_cast %parallel_loop3A_619 : i32 to index
          %parallel_loop3A_623 = arith.index_cast %parallel_loop3A_621 : i32 to index
          %parallel_loop3A_624 = tpu.vector_load %arg7[%parallel_loop3A_622, %parallel_loop3A_623] {strides = array<i32>} : memref<32x576xf32, #tpu.memory_space<vmem>>, vector<1x16xf32>,
          %parallel_loop3A_625 = vector.shape_cast %parallel_loop3A_624 : vector<1x16xf32> to vector<16xf32>
          %parallel_loop3A_626 = vector.shape_cast %parallel_loop3A_617 : vector<16xf32> to vector<1x16xf32>
          tpu.vector_store %arg7[%parallel_loop3A_622, %parallel_loop3A_623], %parallel_loop3A_626 {strides = array<i32>} : memref<32x576xf32, #tpu.memory_space<vmem>>, vector<1x16xf32>,
          %parallel_loop3A_627 = arith.mulf %parallel_loop3A_250, %parallel_loop3A_378 : vector<16xf32>
          %parallel_loop3A_628 = arith.mulf %parallel_loop3A_306, %parallel_loop3A_322 : vector<16xf32>
          %parallel_loop3A_629 = arith.addf %parallel_loop3A_627, %parallel_loop3A_628 : vector<16xf32>
          %parallel_loop3A_630 = arith.mulf %parallel_loop3A_266, %parallel_loop3A_346 : vector<16xf32>
          %parallel_loop3A_631 = arith.mulf %parallel_loop3A_274, %parallel_loop3A_338 : vector<16xf32>
          %parallel_loop3A_632 = arith.addf %parallel_loop3A_630, %parallel_loop3A_631 : vector<16xf32>
          %parallel_loop3A_633 = arith.constant 0.707106769 : f32
          %parallel_loop3A_634 = vector.broadcast %parallel_loop3A_633 : f32 to vector<16xf32>
          %parallel_loop3A_635 = arith.mulf %parallel_loop3A_632, %parallel_loop3A_634 : vector<16xf32>
          %parallel_loop3A_636 = arith.addf %parallel_loop3A_629, %parallel_loop3A_635 : vector<16xf32>
          %parallel_loop3A_637 = arith.mulf %parallel_loop3A_282, %parallel_loop3A_362 : vector<16xf32>
          %parallel_loop3A_638 = arith.mulf %parallel_loop3A_290, %parallel_loop3A_354 : vector<16xf32>
          %parallel_loop3A_639 = arith.addf %parallel_loop3A_637, %parallel_loop3A_638 : vector<16xf32>
          %parallel_loop3A_640 = arith.mulf %parallel_loop3A_306, %parallel_loop3A_386 : vector<16xf32>
          %parallel_loop3A_641 = arith.addf %parallel_loop3A_639, %parallel_loop3A_640 : vector<16xf32>
          %parallel_loop3A_642 = arith.mulf %parallel_loop3A_314, %parallel_loop3A_378 : vector<16xf32>
          %parallel_loop3A_643 = arith.addf %parallel_loop3A_641, %parallel_loop3A_642 : vector<16xf32>
          %parallel_loop3A_644 = arith.constant -0.462910056 : f32
          %parallel_loop3A_645 = vector.broadcast %parallel_loop3A_644 : f32 to vector<16xf32>
          %parallel_loop3A_646 = arith.mulf %parallel_loop3A_643, %parallel_loop3A_645 : vector<16xf32>
          %parallel_loop3A_647 = arith.addf %parallel_loop3A_636, %parallel_loop3A_646 : vector<16xf32>
          %parallel_loop3A_648 = arith.mulf %parallel_loop3A_298, %parallel_loop3A_378 : vector<16xf32>
          %parallel_loop3A_649 = arith.mulf %parallel_loop3A_306, %parallel_loop3A_370 : vector<16xf32>
          %parallel_loop3A_650 = arith.addf %parallel_loop3A_648, %parallel_loop3A_649 : vector<16xf32>
          %parallel_loop3A_651 = arith.constant -0.267261237 : f32
          %parallel_loop3A_652 = vector.broadcast %parallel_loop3A_651 : f32 to vector<16xf32>
          %parallel_loop3A_653 = arith.mulf %parallel_loop3A_650, %parallel_loop3A_652 : vector<16xf32>
          %parallel_loop3A_654 = arith.addf %parallel_loop3A_647, %parallel_loop3A_653 : vector<16xf32>
          %parallel_loop3A_655 = arith.constant 0 : i32
          %parallel_loop3A_656 = arith.addi %parallel_loop3A_655, %parallel_loop3A_224 : i32
          %parallel_loop3A_657 = arith.constant 448 : i32
          %parallel_loop3A_658 = arith.addi %parallel_loop3A_657, %parallel_loop3A_242 : i32
          %parallel_loop3A_659 = arith.index_cast %parallel_loop3A_656 : i32 to index
          %parallel_loop3A_660 = arith.index_cast %parallel_loop3A_658 : i32 to index
          %parallel_loop3A_661 = tpu.vector_load %arg7[%parallel_loop3A_659, %parallel_loop3A_660] {strides = array<i32>} : memref<32x576xf32, #tpu.memory_space<vmem>>, vector<1x16xf32>,
          %parallel_loop3A_662 = vector.shape_cast %parallel_loop3A_661 : vector<1x16xf32> to vector<16xf32>
          %parallel_loop3A_663 = vector.shape_cast %parallel_loop3A_654 : vector<16xf32> to vector<1x16xf32>
          tpu.vector_store %arg7[%parallel_loop3A_659, %parallel_loop3A_660], %parallel_loop3A_663 {strides = array<i32>} : memref<32x576xf32, #tpu.memory_space<vmem>>, vector<1x16xf32>,
          %parallel_loop3A_664 = arith.mulf %parallel_loop3A_250, %parallel_loop3A_386 : vector<16xf32>
          %parallel_loop3A_665 = arith.mulf %parallel_loop3A_314, %parallel_loop3A_322 : vector<16xf32>
          %parallel_loop3A_666 = arith.addf %parallel_loop3A_664, %parallel_loop3A_665 : vector<16xf32>
          %parallel_loop3A_667 = arith.mulf %parallel_loop3A_258, %parallel_loop3A_330 : vector<16xf32>
          %parallel_loop3A_668 = arith.mulf %parallel_loop3A_274, %parallel_loop3A_346 : vector<16xf32>
          %parallel_loop3A_669 = arith.subf %parallel_loop3A_667, %parallel_loop3A_668 : vector<16xf32>
          %parallel_loop3A_670 = arith.constant -0.707106769 : f32
          %parallel_loop3A_671 = vector.broadcast %parallel_loop3A_670 : f32 to vector<16xf32>
          %parallel_loop3A_672 = arith.mulf %parallel_loop3A_669, %parallel_loop3A_671 : vector<16xf32>
          %parallel_loop3A_673 = arith.addf %parallel_loop3A_666, %parallel_loop3A_672 : vector<16xf32>
          %parallel_loop3A_674 = arith.mulf %parallel_loop3A_290, %parallel_loop3A_362 : vector<16xf32>
          %parallel_loop3A_675 = arith.mulf %parallel_loop3A_306, %parallel_loop3A_378 : vector<16xf32>
          %parallel_loop3A_676 = arith.subf %parallel_loop3A_674, %parallel_loop3A_675 : vector<16xf32>
          %parallel_loop3A_677 = arith.constant 0.462910056 : f32
          %parallel_loop3A_678 = vector.broadcast %parallel_loop3A_677 : f32 to vector<16xf32>
          %parallel_loop3A_679 = arith.mulf %parallel_loop3A_676, %parallel_loop3A_678 : vector<16xf32>
          %parallel_loop3A_680 = arith.addf %parallel_loop3A_673, %parallel_loop3A_679 : vector<16xf32>
          %parallel_loop3A_681 = arith.mulf %parallel_loop3A_298, %parallel_loop3A_386 : vector<16xf32>
          %parallel_loop3A_682 = arith.mulf %parallel_loop3A_314, %parallel_loop3A_370 : vector<16xf32>
          %parallel_loop3A_683 = arith.addf %parallel_loop3A_681, %parallel_loop3A_682 : vector<16xf32>
          %parallel_loop3A_684 = arith.constant 0.534522474 : f32
          %parallel_loop3A_685 = vector.broadcast %parallel_loop3A_684 : f32 to vector<16xf32>
          %parallel_loop3A_686 = arith.mulf %parallel_loop3A_683, %parallel_loop3A_685 : vector<16xf32>
          %parallel_loop3A_687 = arith.addf %parallel_loop3A_680, %parallel_loop3A_686 : vector<16xf32>
          %parallel_loop3A_688 = arith.constant 0 : i32
          %parallel_loop3A_689 = arith.addi %parallel_loop3A_688, %parallel_loop3A_224 : i32
          %parallel_loop3A_690 = arith.constant 512 : i32
          %parallel_loop3A_691 = arith.addi %parallel_loop3A_690, %parallel_loop3A_242 : i32
          %parallel_loop3A_692 = arith.index_cast %parallel_loop3A_689 : i32 to index
          %parallel_loop3A_693 = arith.index_cast %parallel_loop3A_691 : i32 to index
          %parallel_loop3A_694 = tpu.vector_load %arg7[%parallel_loop3A_692, %parallel_loop3A_693] {strides = array<i32>} : memref<32x576xf32, #tpu.memory_space<vmem>>, vector<1x16xf32>,
          %parallel_loop3A_695 = vector.shape_cast %parallel_loop3A_694 : vector<1x16xf32> to vector<16xf32>
          %parallel_loop3A_696 = vector.shape_cast %parallel_loop3A_687 : vector<16xf32> to vector<1x16xf32>
          tpu.vector_store %arg7[%parallel_loop3A_692, %parallel_loop3A_693], %parallel_loop3A_696 {strides = array<i32>} : memref<32x576xf32, #tpu.memory_space<vmem>>, vector<1x16xf32>,
        } {sc.loop_unroll_factor = 2 : i64, sc.parallel_access}
        %mul3A_182 = arith.constant 32 : i32
        %mul3A_183 = arith.muli %add3A_127, %mul3A_182 : i32
        %add3A_184 = arith.addi %add3A, %mul3A_183 : i32
        %mul3A_185 = arith.constant 16 : i32
        %mul3A_186 = arith.muli %add3A_184, %mul3A_185 : i32
        %dma_start3A_187 = arith.constant 0 : i32
        %dma_start3A_188 = arith.constant 0 : i32
        %dma_start3A_189 = arith.constant 0 : i32
        %dma_start3A_190 = tpu.memref_slice %arg7[%dma_start3A_188, %dma_start3A_189] : memref<32x576xf32, #tpu.memory_space<vmem>> -> memref<16x576xf32, #tpu.memory_space<vmem>>
        %dma_start3A_191 = arith.constant 0 : i32
        %dma_start3A_192 = tpu.memref_slice %arg4[%mul3A_186, %dma_start3A_191] : memref<10000x576xf32, #tpu.memory_space<hbm>> -> memref<16x576xf32, #tpu.memory_space<hbm>>
        %dma_start3A_193 = tpu.memref_slice %arg10[%dma_start3A_187] : memref<2x!tpu.dma_semaphore, #tpu.memory_space<semaphore_mem>> -> memref<1x!tpu.dma_semaphore, #tpu.memory_space<semaphore_mem>>
        %dma_start3A_194 = tpu.memref_squeeze %dma_start3A_193 : memref<1x!tpu.dma_semaphore, #tpu.memory_space<semaphore_mem>> -> memref<!tpu.dma_semaphore, #tpu.memory_space<semaphore_mem>>
        %dma_start3A_195 = arith.constant 0 : i32
        %dma_start3A_196 = tpu.memref_slice %arg4[%mul3A_186, %dma_start3A_195] : memref<10000x576xf32, #tpu.memory_space<hbm>> -> memref<16x576xf32, #tpu.memory_space<hbm>>
        %dma_start3A_197 = arith.constant 0 : i32
        %dma_start3A_198 = arith.constant 0 : i32
        %dma_start3A_199 = tpu.memref_slice %arg7[%dma_start3A_197, %dma_start3A_198] : memref<32x576xf32, #tpu.memory_space<vmem>> -> memref<16x576xf32, #tpu.memory_space<vmem>>
        tpu.enqueue_dma source(%dma_start3A_199 : memref<16x576xf32, #tpu.memory_space<vmem>>) target(%dma_start3A_196 : memref<16x576xf32, #tpu.memory_space<hbm>>) target_semaphore(%dma_start3A_194 : memref<!tpu.dma_semaphore, #tpu.memory_space<semaphore_mem>>)
      } else {
      }
      %add3A_132 = arith.constant 1 : i32
      %add3A_133 = arith.addi %mul3A_125, %add3A_132 : i32
      %lt3A_134 = arith.cmpi slt, %add3A_133, %select_n3A : i32
      %convert_element_type3A_135 = arith.extui %lt3A_134 : i1 to i32
      %cond3A_136 = arith.constant 0 : i32
      %cond3A_137 = arith.cmpi ne, %convert_element_type3A_135, %cond3A_136 : i32
      scf.if %cond3A_137 {
        %add3A_138 = arith.constant 1 : i32
        %add3A_139 = arith.addi %add3A_133, %add3A_138 : i32
        %lt3A_140 = arith.cmpi slt, %add3A_139, %select_n3A : i32
        %convert_element_type3A_141 = arith.extui %lt3A_140 : i1 to i32
        %cond3A_142 = arith.constant 0 : i32
        %cond3A_143 = arith.cmpi ne, %convert_element_type3A_141, %cond3A_142 : i32
        scf.if %cond3A_143 {
          %add3A_200 = arith.constant 1 : i32
          %add3A_201 = arith.addi %add3A_133, %add3A_200 : i32
          %mul3A_202 = arith.constant 32 : i32
          %mul3A_203 = arith.muli %add3A_201, %mul3A_202 : i32
          %add3A_204 = arith.addi %add3A, %mul3A_203 : i32
          %mul3A_205 = arith.constant 16 : i32
          %mul3A_206 = arith.muli %add3A_204, %mul3A_205 : i32
          %dma_start3A_207 = arith.constant 0 : i32
          %dma_start3A_208 = arith.constant 0 : i32
          %dma_start3A_209 = arith.constant 0 : i32
          %dma_start3A_210 = tpu.memref_slice %arg5[%dma_start3A_208, %dma_start3A_209] : memref<32x576xf32, #tpu.memory_space<vmem>> -> memref<16x576xf32, #tpu.memory_space<vmem>>
          %dma_start3A_211 = arith.constant 0 : i32
          %dma_start3A_212 = tpu.memref_slice %arg2[%mul3A_206, %dma_start3A_211] : memref<10000x576xf32, #tpu.memory_space<hbm>> -> memref<16x576xf32, #tpu.memory_space<hbm>>
          %dma_start3A_213 = tpu.memref_slice %arg8[%dma_start3A_207] : memref<2x!tpu.dma_semaphore, #tpu.memory_space<semaphore_mem>> -> memref<1x!tpu.dma_semaphore, #tpu.memory_space<semaphore_mem>>
          %dma_start3A_214 = tpu.memref_squeeze %dma_start3A_213 : memref<1x!tpu.dma_semaphore, #tpu.memory_space<semaphore_mem>> -> memref<!tpu.dma_semaphore, #tpu.memory_space<semaphore_mem>>
          %dma_start3A_215 = arith.constant 0 : i32
          %dma_start3A_216 = arith.constant 0 : i32
          %dma_start3A_217 = tpu.memref_slice %arg5[%dma_start3A_215, %dma_start3A_216] : memref<32x576xf32, #tpu.memory_space<vmem>> -> memref<16x576xf32, #tpu.memory_space<vmem>>
          %dma_start3A_218 = arith.constant 0 : i32
          %dma_start3A_219 = tpu.memref_slice %arg2[%mul3A_206, %dma_start3A_218] : memref<10000x576xf32, #tpu.memory_space<hbm>> -> memref<16x576xf32, #tpu.memory_space<hbm>>
          tpu.enqueue_dma source(%dma_start3A_219 : memref<16x576xf32, #tpu.memory_space<hbm>>) target(%dma_start3A_217 : memref<16x576xf32, #tpu.memory_space<vmem>>) target_semaphore(%dma_start3A_214 : memref<!tpu.dma_semaphore, #tpu.memory_space<semaphore_mem>>)
          %dma_start3A_220 = arith.constant 0 : i32
          %dma_start3A_221 = arith.constant 0 : i32
          %dma_start3A_222 = arith.constant 0 : i32
          %dma_start3A_223 = tpu.memref_slice %arg6[%dma_start3A_221, %dma_start3A_222] : memref<32x576xf32, #tpu.memory_space<vmem>> -> memref<16x576xf32, #tpu.memory_space<vmem>>
          %dma_start3A_224 = arith.constant 0 : i32
          %dma_start3A_225 = tpu.memref_slice %arg3[%mul3A_206, %dma_start3A_224] : memref<10000x576xf32, #tpu.memory_space<hbm>> -> memref<16x576xf32, #tpu.memory_space<hbm>>
          %dma_start3A_226 = tpu.memref_slice %arg9[%dma_start3A_220] : memref<2x!tpu.dma_semaphore, #tpu.memory_space<semaphore_mem>> -> memref<1x!tpu.dma_semaphore, #tpu.memory_space<semaphore_mem>>
          %dma_start3A_227 = tpu.memref_squeeze %dma_start3A_226 : memref<1x!tpu.dma_semaphore, #tpu.memory_space<semaphore_mem>> -> memref<!tpu.dma_semaphore, #tpu.memory_space<semaphore_mem>>
          %dma_start3A_228 = arith.constant 0 : i32
          %dma_start3A_229 = arith.constant 0 : i32
          %dma_start3A_230 = tpu.memref_slice %arg6[%dma_start3A_228, %dma_start3A_229] : memref<32x576xf32, #tpu.memory_space<vmem>> -> memref<16x576xf32, #tpu.memory_space<vmem>>
          %dma_start3A_231 = arith.constant 0 : i32
          %dma_start3A_232 = tpu.memref_slice %arg3[%mul3A_206, %dma_start3A_231] : memref<10000x576xf32, #tpu.memory_space<hbm>> -> memref<16x576xf32, #tpu.memory_space<hbm>>
          tpu.enqueue_dma source(%dma_start3A_232 : memref<16x576xf32, #tpu.memory_space<hbm>>) target(%dma_start3A_230 : memref<16x576xf32, #tpu.memory_space<vmem>>) target_semaphore(%dma_start3A_227 : memref<!tpu.dma_semaphore, #tpu.memory_space<semaphore_mem>>)
        } else {
        }
        %mul3A_144 = arith.constant 32 : i32
        %mul3A_145 = arith.muli %add3A_133, %mul3A_144 : i32
        %add3A_146 = arith.addi %add3A, %mul3A_145 : i32
        %mul3A_147 = arith.constant 16 : i32
        %mul3A_148 = arith.muli %add3A_146, %mul3A_147 : i32
        %dma_wait3A_149 = arith.constant 1 : i32
        %dma_wait3A_150 = arith.constant 16 : i32
        %dma_wait3A_151 = arith.constant 0 : i32
        %dma_wait3A_152 = tpu.memref_slice %arg5[%dma_wait3A_150, %dma_wait3A_151] : memref<32x576xf32, #tpu.memory_space<vmem>> -> memref<16x576xf32, #tpu.memory_space<vmem>>
        %dma_wait3A_153 = arith.constant 0 : i32
        %dma_wait3A_154 = tpu.memref_slice %arg2[%mul3A_148, %dma_wait3A_153] : memref<10000x576xf32, #tpu.memory_space<hbm>> -> memref<16x576xf32, #tpu.memory_space<hbm>>
        %dma_wait3A_155 = tpu.memref_slice %arg8[%dma_wait3A_149] : memref<2x!tpu.dma_semaphore, #tpu.memory_space<semaphore_mem>> -> memref<1x!tpu.dma_semaphore, #tpu.memory_space<semaphore_mem>>
        %dma_wait3A_156 = tpu.memref_squeeze %dma_wait3A_155 : memref<1x!tpu.dma_semaphore, #tpu.memory_space<semaphore_mem>> -> memref<!tpu.dma_semaphore, #tpu.memory_space<semaphore_mem>>
        %dma_wait3A_157 = arith.constant 16 : i32
        %dma_wait3A_158 = arith.constant 0 : i32
        %dma_wait3A_159 = tpu.memref_slice %arg5[%dma_wait3A_157, %dma_wait3A_158] : memref<32x576xf32, #tpu.memory_space<vmem>> -> memref<16x576xf32, #tpu.memory_space<vmem>>
        %dma_wait3A_160 = arith.constant 0 : i32
        %dma_wait3A_161 = tpu.memref_slice %arg2[%mul3A_148, %dma_wait3A_160] : memref<10000x576xf32, #tpu.memory_space<hbm>> -> memref<16x576xf32, #tpu.memory_space<hbm>>
        tpu.wait_dma2 semaphore(%dma_wait3A_156 : memref<!tpu.dma_semaphore, #tpu.memory_space<semaphore_mem>>) src(%dma_wait3A_161 : memref<16x576xf32, #tpu.memory_space<hbm>>) dst(%dma_wait3A_159 : memref<16x576xf32, #tpu.memory_space<vmem>>)
        %dma_wait3A_162 = arith.constant 1 : i32
        %dma_wait3A_163 = arith.constant 16 : i32
        %dma_wait3A_164 = arith.constant 0 : i32
        %dma_wait3A_165 = tpu.memref_slice %arg6[%dma_wait3A_163, %dma_wait3A_164] : memref<32x576xf32, #tpu.memory_space<vmem>> -> memref<16x576xf32, #tpu.memory_space<vmem>>
        %dma_wait3A_166 = arith.constant 0 : i32
        %dma_wait3A_167 = tpu.memref_slice %arg3[%mul3A_148, %dma_wait3A_166] : memref<10000x576xf32, #tpu.memory_space<hbm>> -> memref<16x576xf32, #tpu.memory_space<hbm>>
        %dma_wait3A_168 = tpu.memref_slice %arg9[%dma_wait3A_162] : memref<2x!tpu.dma_semaphore, #tpu.memory_space<semaphore_mem>> -> memref<1x!tpu.dma_semaphore, #tpu.memory_space<semaphore_mem>>
        %dma_wait3A_169 = tpu.memref_squeeze %dma_wait3A_168 : memref<1x!tpu.dma_semaphore, #tpu.memory_space<semaphore_mem>> -> memref<!tpu.dma_semaphore, #tpu.memory_space<semaphore_mem>>
        %dma_wait3A_170 = arith.constant 16 : i32
        %dma_wait3A_171 = arith.constant 0 : i32
        %dma_wait3A_172 = tpu.memref_slice %arg6[%dma_wait3A_170, %dma_wait3A_171] : memref<32x576xf32, #tpu.memory_space<vmem>> -> memref<16x576xf32, #tpu.memory_space<vmem>>
        %dma_wait3A_173 = arith.constant 0 : i32
        %dma_wait3A_174 = tpu.memref_slice %arg3[%mul3A_148, %dma_wait3A_173] : memref<10000x576xf32, #tpu.memory_space<hbm>> -> memref<16x576xf32, #tpu.memory_space<hbm>>
        tpu.wait_dma2 semaphore(%dma_wait3A_169 : memref<!tpu.dma_semaphore, #tpu.memory_space<semaphore_mem>>) src(%dma_wait3A_174 : memref<16x576xf32, #tpu.memory_space<hbm>>) dst(%dma_wait3A_172 : memref<16x576xf32, #tpu.memory_space<vmem>>)
        %ge3A_175 = arith.constant 2 : i32
        %ge3A_176 = arith.cmpi sge, %add3A_133, %ge3A_175 : i32
        %convert_element_type3A_177 = arith.extui %ge3A_176 : i1 to i32
        %cond3A_178 = arith.constant 0 : i32
        %cond3A_179 = arith.cmpi ne, %convert_element_type3A_177, %cond3A_178 : i32
        scf.if %cond3A_179 {
          %sub3A_200 = arith.constant 2 : i32
          %sub3A_201 = arith.subi %add3A_133, %sub3A_200 : i32
          %mul3A_202 = arith.constant 32 : i32
          %mul3A_203 = arith.muli %sub3A_201, %mul3A_202 : i32
          %add3A_204 = arith.addi %add3A, %mul3A_203 : i32
          %mul3A_205 = arith.constant 16 : i32
          %mul3A_206 = arith.muli %add3A_204, %mul3A_205 : i32
          %dma_wait3A_207 = arith.constant 1 : i32
          %dma_wait3A_208 = arith.constant 16 : i32
          %dma_wait3A_209 = arith.constant 0 : i32
          %dma_wait3A_210 = tpu.memref_slice %arg7[%dma_wait3A_208, %dma_wait3A_209] : memref<32x576xf32, #tpu.memory_space<vmem>> -> memref<16x576xf32, #tpu.memory_space<vmem>>
          %dma_wait3A_211 = arith.constant 0 : i32
          %dma_wait3A_212 = tpu.memref_slice %arg4[%mul3A_206, %dma_wait3A_211] : memref<10000x576xf32, #tpu.memory_space<hbm>> -> memref<16x576xf32, #tpu.memory_space<hbm>>
          %dma_wait3A_213 = tpu.memref_slice %arg10[%dma_wait3A_207] : memref<2x!tpu.dma_semaphore, #tpu.memory_space<semaphore_mem>> -> memref<1x!tpu.dma_semaphore, #tpu.memory_space<semaphore_mem>>
          %dma_wait3A_214 = tpu.memref_squeeze %dma_wait3A_213 : memref<1x!tpu.dma_semaphore, #tpu.memory_space<semaphore_mem>> -> memref<!tpu.dma_semaphore, #tpu.memory_space<semaphore_mem>>
          %dma_wait3A_215 = arith.constant 0 : i32
          %dma_wait3A_216 = tpu.memref_slice %arg4[%mul3A_206, %dma_wait3A_215] : memref<10000x576xf32, #tpu.memory_space<hbm>> -> memref<16x576xf32, #tpu.memory_space<hbm>>
          %dma_wait3A_217 = arith.constant 16 : i32
          %dma_wait3A_218 = arith.constant 0 : i32
          %dma_wait3A_219 = tpu.memref_slice %arg7[%dma_wait3A_217, %dma_wait3A_218] : memref<32x576xf32, #tpu.memory_space<vmem>> -> memref<16x576xf32, #tpu.memory_space<vmem>>
          tpu.wait_dma2 semaphore(%dma_wait3A_214 : memref<!tpu.dma_semaphore, #tpu.memory_space<semaphore_mem>>) src(%dma_wait3A_219 : memref<16x576xf32, #tpu.memory_space<vmem>>) dst(%dma_wait3A_216 : memref<16x576xf32, #tpu.memory_space<hbm>>)
        } else {
        }
        %parallel_loop3A = arith.constant 0 : i32
        %parallel_loop3A_180 = arith.constant 64 : i32
        %parallel_loop3A_181 = arith.constant 1 : i32
        scf.for %parallel_loop3A_200 = %parallel_loop3A to %parallel_loop3A_180 step %parallel_loop3A_181  : i32 {
          %parallel_loop3A_201 = arith.constant 4 : i32
          %parallel_loop3A_202 = arith.divsi %parallel_loop3A_200, %parallel_loop3A_201 : i32
          %parallel_loop3A_203 = arith.constant 0 : i32
          %parallel_loop3A_204 = arith.cmpi sgt, %parallel_loop3A_200, %parallel_loop3A_203 : i32
          %parallel_loop3A_205 = arith.extui %parallel_loop3A_204 : i1 to i32
          %parallel_loop3A_206 = arith.constant 0 : i32
          %parallel_loop3A_207 = arith.cmpi slt, %parallel_loop3A_200, %parallel_loop3A_206 : i32
          %parallel_loop3A_208 = arith.extui %parallel_loop3A_207 : i1 to i32
          %parallel_loop3A_209 = arith.subi %parallel_loop3A_205, %parallel_loop3A_208 : i32
          %parallel_loop3A_210 = arith.constant 0 : i32
          %parallel_loop3A_211 = arith.cmpi sgt, %parallel_loop3A_201, %parallel_loop3A_210 : i32
          %parallel_loop3A_212 = arith.extui %parallel_loop3A_211 : i1 to i32
          %parallel_loop3A_213 = arith.constant 0 : i32
          %parallel_loop3A_214 = arith.cmpi slt, %parallel_loop3A_201, %parallel_loop3A_213 : i32
          %parallel_loop3A_215 = arith.extui %parallel_loop3A_214 : i1 to i32
          %parallel_loop3A_216 = arith.subi %parallel_loop3A_212, %parallel_loop3A_215 : i32
          %parallel_loop3A_217 = arith.cmpi ne, %parallel_loop3A_209, %parallel_loop3A_216 : i32
          %parallel_loop3A_218 = arith.remsi %parallel_loop3A_200, %parallel_loop3A_201 : i32
          %parallel_loop3A_219 = arith.constant 0 : i32
          %parallel_loop3A_220 = arith.cmpi ne, %parallel_loop3A_218, %parallel_loop3A_219 : i32
          %parallel_loop3A_221 = arith.andi %parallel_loop3A_217, %parallel_loop3A_220 : i1
          %parallel_loop3A_222 = arith.constant 1 : i32
          %parallel_loop3A_223 = arith.subi %parallel_loop3A_202, %parallel_loop3A_222 : i32
          %parallel_loop3A_224 = arith.select %parallel_loop3A_221, %parallel_loop3A_223, %parallel_loop3A_202 : i32
          %parallel_loop3A_225 = arith.constant 4 : i32
          %parallel_loop3A_226 = arith.constant 0 : i32
          %parallel_loop3A_227 = arith.cmpi eq, %parallel_loop3A_225, %parallel_loop3A_226 : i32
          %parallel_loop3A_228 = arith.constant 1 : i32
          %parallel_loop3A_229 = arith.select %parallel_loop3A_227, %parallel_loop3A_228, %parallel_loop3A_225 : i32
          %parallel_loop3A_230 = arith.remsi %parallel_loop3A_200, %parallel_loop3A_229 : i32
          %parallel_loop3A_231 = arith.constant 0 : i32
          %parallel_loop3A_232 = arith.cmpi ne, %parallel_loop3A_230, %parallel_loop3A_231 : i32
          %parallel_loop3A_233 = arith.constant 0 : i32
          %parallel_loop3A_234 = arith.cmpi slt, %parallel_loop3A_230, %parallel_loop3A_233 : i32
          %parallel_loop3A_235 = arith.constant 0 : i32
          %parallel_loop3A_236 = arith.cmpi slt, %parallel_loop3A_229, %parallel_loop3A_235 : i32
          %parallel_loop3A_237 = arith.xori %parallel_loop3A_234, %parallel_loop3A_236 : i1
          %parallel_loop3A_238 = arith.andi %parallel_loop3A_237, %parallel_loop3A_232 : i1
          %parallel_loop3A_239 = arith.addi %parallel_loop3A_230, %parallel_loop3A_229 : i32
          %parallel_loop3A_240 = arith.select %parallel_loop3A_238, %parallel_loop3A_239, %parallel_loop3A_230 : i32
          %parallel_loop3A_241 = arith.constant 16 : i32
          %parallel_loop3A_242 = arith.muli %parallel_loop3A_240, %parallel_loop3A_241 : i32
          %parallel_loop3A_243 = arith.constant 16 : i32
          %parallel_loop3A_244 = arith.addi %parallel_loop3A_243, %parallel_loop3A_224 : i32
          %parallel_loop3A_245 = arith.constant 0 : i32
          %parallel_loop3A_246 = arith.addi %parallel_loop3A_245, %parallel_loop3A_242 : i32
          %parallel_loop3A_247 = arith.index_cast %parallel_loop3A_244 : i32 to index
          %parallel_loop3A_248 = arith.index_cast %parallel_loop3A_246 : i32 to index
          %parallel_loop3A_249 = tpu.vector_load %arg5[%parallel_loop3A_247, %parallel_loop3A_248] {strides = array<i32>} : memref<32x576xf32, #tpu.memory_space<vmem>>, vector<1x16xf32>,
          %parallel_loop3A_250 = vector.shape_cast %parallel_loop3A_249 : vector<1x16xf32> to vector<16xf32>
          %parallel_loop3A_251 = arith.constant 16 : i32
          %parallel_loop3A_252 = arith.addi %parallel_loop3A_251, %parallel_loop3A_224 : i32
          %parallel_loop3A_253 = arith.constant 64 : i32
          %parallel_loop3A_254 = arith.addi %parallel_loop3A_253, %parallel_loop3A_242 : i32
          %parallel_loop3A_255 = arith.index_cast %parallel_loop3A_252 : i32 to index
          %parallel_loop3A_256 = arith.index_cast %parallel_loop3A_254 : i32 to index
          %parallel_loop3A_257 = tpu.vector_load %arg5[%parallel_loop3A_255, %parallel_loop3A_256] {strides = array<i32>} : memref<32x576xf32, #tpu.memory_space<vmem>>, vector<1x16xf32>,
          %parallel_loop3A_258 = vector.shape_cast %parallel_loop3A_257 : vector<1x16xf32> to vector<16xf32>
          %parallel_loop3A_259 = arith.constant 16 : i32
          %parallel_loop3A_260 = arith.addi %parallel_loop3A_259, %parallel_loop3A_224 : i32
          %parallel_loop3A_261 = arith.constant 128 : i32
          %parallel_loop3A_262 = arith.addi %parallel_loop3A_261, %parallel_loop3A_242 : i32
          %parallel_loop3A_263 = arith.index_cast %parallel_loop3A_260 : i32 to index
          %parallel_loop3A_264 = arith.index_cast %parallel_loop3A_262 : i32 to index
          %parallel_loop3A_265 = tpu.vector_load %arg5[%parallel_loop3A_263, %parallel_loop3A_264] {strides = array<i32>} : memref<32x576xf32, #tpu.memory_space<vmem>>, vector<1x16xf32>,
          %parallel_loop3A_266 = vector.shape_cast %parallel_loop3A_265 : vector<1x16xf32> to vector<16xf32>
          %parallel_loop3A_267 = arith.constant 16 : i32
          %parallel_loop3A_268 = arith.addi %parallel_loop3A_267, %parallel_loop3A_224 : i32
          %parallel_loop3A_269 = arith.constant 192 : i32
          %parallel_loop3A_270 = arith.addi %parallel_loop3A_269, %parallel_loop3A_242 : i32
          %parallel_loop3A_271 = arith.index_cast %parallel_loop3A_268 : i32 to index
          %parallel_loop3A_272 = arith.index_cast %parallel_loop3A_270 : i32 to index
          %parallel_loop3A_273 = tpu.vector_load %arg5[%parallel_loop3A_271, %parallel_loop3A_272] {strides = array<i32>} : memref<32x576xf32, #tpu.memory_space<vmem>>, vector<1x16xf32>,
          %parallel_loop3A_274 = vector.shape_cast %parallel_loop3A_273 : vector<1x16xf32> to vector<16xf32>
          %parallel_loop3A_275 = arith.constant 16 : i32
          %parallel_loop3A_276 = arith.addi %parallel_loop3A_275, %parallel_loop3A_224 : i32
          %parallel_loop3A_277 = arith.constant 256 : i32
          %parallel_loop3A_278 = arith.addi %parallel_loop3A_277, %parallel_loop3A_242 : i32
          %parallel_loop3A_279 = arith.index_cast %parallel_loop3A_276 : i32 to index
          %parallel_loop3A_280 = arith.index_cast %parallel_loop3A_278 : i32 to index
          %parallel_loop3A_281 = tpu.vector_load %arg5[%parallel_loop3A_279, %parallel_loop3A_280] {strides = array<i32>} : memref<32x576xf32, #tpu.memory_space<vmem>>, vector<1x16xf32>,
          %parallel_loop3A_282 = vector.shape_cast %parallel_loop3A_281 : vector<1x16xf32> to vector<16xf32>
          %parallel_loop3A_283 = arith.constant 16 : i32
          %parallel_loop3A_284 = arith.addi %parallel_loop3A_283, %parallel_loop3A_224 : i32
          %parallel_loop3A_285 = arith.constant 320 : i32
          %parallel_loop3A_286 = arith.addi %parallel_loop3A_285, %parallel_loop3A_242 : i32
          %parallel_loop3A_287 = arith.index_cast %parallel_loop3A_284 : i32 to index
          %parallel_loop3A_288 = arith.index_cast %parallel_loop3A_286 : i32 to index
          %parallel_loop3A_289 = tpu.vector_load %arg5[%parallel_loop3A_287, %parallel_loop3A_288] {strides = array<i32>} : memref<32x576xf32, #tpu.memory_space<vmem>>, vector<1x16xf32>,
          %parallel_loop3A_290 = vector.shape_cast %parallel_loop3A_289 : vector<1x16xf32> to vector<16xf32>
          %parallel_loop3A_291 = arith.constant 16 : i32
          %parallel_loop3A_292 = arith.addi %parallel_loop3A_291, %parallel_loop3A_224 : i32
          %parallel_loop3A_293 = arith.constant 384 : i32
          %parallel_loop3A_294 = arith.addi %parallel_loop3A_293, %parallel_loop3A_242 : i32
          %parallel_loop3A_295 = arith.index_cast %parallel_loop3A_292 : i32 to index
          %parallel_loop3A_296 = arith.index_cast %parallel_loop3A_294 : i32 to index
          %parallel_loop3A_297 = tpu.vector_load %arg5[%parallel_loop3A_295, %parallel_loop3A_296] {strides = array<i32>} : memref<32x576xf32, #tpu.memory_space<vmem>>, vector<1x16xf32>,
          %parallel_loop3A_298 = vector.shape_cast %parallel_loop3A_297 : vector<1x16xf32> to vector<16xf32>
          %parallel_loop3A_299 = arith.constant 16 : i32
          %parallel_loop3A_300 = arith.addi %parallel_loop3A_299, %parallel_loop3A_224 : i32
          %parallel_loop3A_301 = arith.constant 448 : i32
          %parallel_loop3A_302 = arith.addi %parallel_loop3A_301, %parallel_loop3A_242 : i32
          %parallel_loop3A_303 = arith.index_cast %parallel_loop3A_300 : i32 to index
          %parallel_loop3A_304 = arith.index_cast %parallel_loop3A_302 : i32 to index
          %parallel_loop3A_305 = tpu.vector_load %arg5[%parallel_loop3A_303, %parallel_loop3A_304] {strides = array<i32>} : memref<32x576xf32, #tpu.memory_space<vmem>>, vector<1x16xf32>,
          %parallel_loop3A_306 = vector.shape_cast %parallel_loop3A_305 : vector<1x16xf32> to vector<16xf32>
          %parallel_loop3A_307 = arith.constant 16 : i32
          %parallel_loop3A_308 = arith.addi %parallel_loop3A_307, %parallel_loop3A_224 : i32
          %parallel_loop3A_309 = arith.constant 512 : i32
          %parallel_loop3A_310 = arith.addi %parallel_loop3A_309, %parallel_loop3A_242 : i32
          %parallel_loop3A_311 = arith.index_cast %parallel_loop3A_308 : i32 to index
          %parallel_loop3A_312 = arith.index_cast %parallel_loop3A_310 : i32 to index
          %parallel_loop3A_313 = tpu.vector_load %arg5[%parallel_loop3A_311, %parallel_loop3A_312] {strides = array<i32>} : memref<32x576xf32, #tpu.memory_space<vmem>>, vector<1x16xf32>,
          %parallel_loop3A_314 = vector.shape_cast %parallel_loop3A_313 : vector<1x16xf32> to vector<16xf32>
          %parallel_loop3A_315 = arith.constant 16 : i32
          %parallel_loop3A_316 = arith.addi %parallel_loop3A_315, %parallel_loop3A_224 : i32
          %parallel_loop3A_317 = arith.constant 0 : i32
          %parallel_loop3A_318 = arith.addi %parallel_loop3A_317, %parallel_loop3A_242 : i32
          %parallel_loop3A_319 = arith.index_cast %parallel_loop3A_316 : i32 to index
          %parallel_loop3A_320 = arith.index_cast %parallel_loop3A_318 : i32 to index
          %parallel_loop3A_321 = tpu.vector_load %arg6[%parallel_loop3A_319, %parallel_loop3A_320] {strides = array<i32>} : memref<32x576xf32, #tpu.memory_space<vmem>>, vector<1x16xf32>,
          %parallel_loop3A_322 = vector.shape_cast %parallel_loop3A_321 : vector<1x16xf32> to vector<16xf32>
          %parallel_loop3A_323 = arith.constant 16 : i32
          %parallel_loop3A_324 = arith.addi %parallel_loop3A_323, %parallel_loop3A_224 : i32
          %parallel_loop3A_325 = arith.constant 64 : i32
          %parallel_loop3A_326 = arith.addi %parallel_loop3A_325, %parallel_loop3A_242 : i32
          %parallel_loop3A_327 = arith.index_cast %parallel_loop3A_324 : i32 to index
          %parallel_loop3A_328 = arith.index_cast %parallel_loop3A_326 : i32 to index
          %parallel_loop3A_329 = tpu.vector_load %arg6[%parallel_loop3A_327, %parallel_loop3A_328] {strides = array<i32>} : memref<32x576xf32, #tpu.memory_space<vmem>>, vector<1x16xf32>,
          %parallel_loop3A_330 = vector.shape_cast %parallel_loop3A_329 : vector<1x16xf32> to vector<16xf32>
          %parallel_loop3A_331 = arith.constant 16 : i32
          %parallel_loop3A_332 = arith.addi %parallel_loop3A_331, %parallel_loop3A_224 : i32
          %parallel_loop3A_333 = arith.constant 128 : i32
          %parallel_loop3A_334 = arith.addi %parallel_loop3A_333, %parallel_loop3A_242 : i32
          %parallel_loop3A_335 = arith.index_cast %parallel_loop3A_332 : i32 to index
          %parallel_loop3A_336 = arith.index_cast %parallel_loop3A_334 : i32 to index
          %parallel_loop3A_337 = tpu.vector_load %arg6[%parallel_loop3A_335, %parallel_loop3A_336] {strides = array<i32>} : memref<32x576xf32, #tpu.memory_space<vmem>>, vector<1x16xf32>,
          %parallel_loop3A_338 = vector.shape_cast %parallel_loop3A_337 : vector<1x16xf32> to vector<16xf32>
          %parallel_loop3A_339 = arith.constant 16 : i32
          %parallel_loop3A_340 = arith.addi %parallel_loop3A_339, %parallel_loop3A_224 : i32
          %parallel_loop3A_341 = arith.constant 192 : i32
          %parallel_loop3A_342 = arith.addi %parallel_loop3A_341, %parallel_loop3A_242 : i32
          %parallel_loop3A_343 = arith.index_cast %parallel_loop3A_340 : i32 to index
          %parallel_loop3A_344 = arith.index_cast %parallel_loop3A_342 : i32 to index
          %parallel_loop3A_345 = tpu.vector_load %arg6[%parallel_loop3A_343, %parallel_loop3A_344] {strides = array<i32>} : memref<32x576xf32, #tpu.memory_space<vmem>>, vector<1x16xf32>,
          %parallel_loop3A_346 = vector.shape_cast %parallel_loop3A_345 : vector<1x16xf32> to vector<16xf32>
          %parallel_loop3A_347 = arith.constant 16 : i32
          %parallel_loop3A_348 = arith.addi %parallel_loop3A_347, %parallel_loop3A_224 : i32
          %parallel_loop3A_349 = arith.constant 256 : i32
          %parallel_loop3A_350 = arith.addi %parallel_loop3A_349, %parallel_loop3A_242 : i32
          %parallel_loop3A_351 = arith.index_cast %parallel_loop3A_348 : i32 to index
          %parallel_loop3A_352 = arith.index_cast %parallel_loop3A_350 : i32 to index
          %parallel_loop3A_353 = tpu.vector_load %arg6[%parallel_loop3A_351, %parallel_loop3A_352] {strides = array<i32>} : memref<32x576xf32, #tpu.memory_space<vmem>>, vector<1x16xf32>,
          %parallel_loop3A_354 = vector.shape_cast %parallel_loop3A_353 : vector<1x16xf32> to vector<16xf32>
          %parallel_loop3A_355 = arith.constant 16 : i32
          %parallel_loop3A_356 = arith.addi %parallel_loop3A_355, %parallel_loop3A_224 : i32
          %parallel_loop3A_357 = arith.constant 320 : i32
          %parallel_loop3A_358 = arith.addi %parallel_loop3A_357, %parallel_loop3A_242 : i32
          %parallel_loop3A_359 = arith.index_cast %parallel_loop3A_356 : i32 to index
          %parallel_loop3A_360 = arith.index_cast %parallel_loop3A_358 : i32 to index
          %parallel_loop3A_361 = tpu.vector_load %arg6[%parallel_loop3A_359, %parallel_loop3A_360] {strides = array<i32>} : memref<32x576xf32, #tpu.memory_space<vmem>>, vector<1x16xf32>,
          %parallel_loop3A_362 = vector.shape_cast %parallel_loop3A_361 : vector<1x16xf32> to vector<16xf32>
          %parallel_loop3A_363 = arith.constant 16 : i32
          %parallel_loop3A_364 = arith.addi %parallel_loop3A_363, %parallel_loop3A_224 : i32
          %parallel_loop3A_365 = arith.constant 384 : i32
          %parallel_loop3A_366 = arith.addi %parallel_loop3A_365, %parallel_loop3A_242 : i32
          %parallel_loop3A_367 = arith.index_cast %parallel_loop3A_364 : i32 to index
          %parallel_loop3A_368 = arith.index_cast %parallel_loop3A_366 : i32 to index
          %parallel_loop3A_369 = tpu.vector_load %arg6[%parallel_loop3A_367, %parallel_loop3A_368] {strides = array<i32>} : memref<32x576xf32, #tpu.memory_space<vmem>>, vector<1x16xf32>,
          %parallel_loop3A_370 = vector.shape_cast %parallel_loop3A_369 : vector<1x16xf32> to vector<16xf32>
          %parallel_loop3A_371 = arith.constant 16 : i32
          %parallel_loop3A_372 = arith.addi %parallel_loop3A_371, %parallel_loop3A_224 : i32
          %parallel_loop3A_373 = arith.constant 448 : i32
          %parallel_loop3A_374 = arith.addi %parallel_loop3A_373, %parallel_loop3A_242 : i32
          %parallel_loop3A_375 = arith.index_cast %parallel_loop3A_372 : i32 to index
          %parallel_loop3A_376 = arith.index_cast %parallel_loop3A_374 : i32 to index
          %parallel_loop3A_377 = tpu.vector_load %arg6[%parallel_loop3A_375, %parallel_loop3A_376] {strides = array<i32>} : memref<32x576xf32, #tpu.memory_space<vmem>>, vector<1x16xf32>,
          %parallel_loop3A_378 = vector.shape_cast %parallel_loop3A_377 : vector<1x16xf32> to vector<16xf32>
          %parallel_loop3A_379 = arith.constant 16 : i32
          %parallel_loop3A_380 = arith.addi %parallel_loop3A_379, %parallel_loop3A_224 : i32
          %parallel_loop3A_381 = arith.constant 512 : i32
          %parallel_loop3A_382 = arith.addi %parallel_loop3A_381, %parallel_loop3A_242 : i32
          %parallel_loop3A_383 = arith.index_cast %parallel_loop3A_380 : i32 to index
          %parallel_loop3A_384 = arith.index_cast %parallel_loop3A_382 : i32 to index
          %parallel_loop3A_385 = tpu.vector_load %arg6[%parallel_loop3A_383, %parallel_loop3A_384] {strides = array<i32>} : memref<32x576xf32, #tpu.memory_space<vmem>>, vector<1x16xf32>,
          %parallel_loop3A_386 = vector.shape_cast %parallel_loop3A_385 : vector<1x16xf32> to vector<16xf32>
          %parallel_loop3A_387 = arith.mulf %parallel_loop3A_250, %parallel_loop3A_322 : vector<16xf32>
          %parallel_loop3A_388 = arith.mulf %parallel_loop3A_258, %parallel_loop3A_330 : vector<16xf32>
          %parallel_loop3A_389 = arith.mulf %parallel_loop3A_266, %parallel_loop3A_338 : vector<16xf32>
          %parallel_loop3A_390 = arith.addf %parallel_loop3A_388, %parallel_loop3A_389 : vector<16xf32>
          %parallel_loop3A_391 = arith.mulf %parallel_loop3A_274, %parallel_loop3A_346 : vector<16xf32>
          %parallel_loop3A_392 = arith.addf %parallel_loop3A_390, %parallel_loop3A_391 : vector<16xf32>
          %parallel_loop3A_393 = arith.constant -0.577350259 : f32
          %parallel_loop3A_394 = vector.broadcast %parallel_loop3A_393 : f32 to vector<16xf32>
          %parallel_loop3A_395 = arith.mulf %parallel_loop3A_392, %parallel_loop3A_394 : vector<16xf32>
          %parallel_loop3A_396 = arith.addf %parallel_loop3A_387, %parallel_loop3A_395 : vector<16xf32>
          %parallel_loop3A_397 = arith.mulf %parallel_loop3A_282, %parallel_loop3A_354 : vector<16xf32>
          %parallel_loop3A_398 = arith.mulf %parallel_loop3A_290, %parallel_loop3A_362 : vector<16xf32>
          %parallel_loop3A_399 = arith.addf %parallel_loop3A_397, %parallel_loop3A_398 : vector<16xf32>
          %parallel_loop3A_400 = arith.mulf %parallel_loop3A_298, %parallel_loop3A_370 : vector<16xf32>
          %parallel_loop3A_401 = arith.addf %parallel_loop3A_399, %parallel_loop3A_400 : vector<16xf32>
          %parallel_loop3A_402 = arith.mulf %parallel_loop3A_306, %parallel_loop3A_378 : vector<16xf32>
          %parallel_loop3A_403 = arith.addf %parallel_loop3A_401, %parallel_loop3A_402 : vector<16xf32>
          %parallel_loop3A_404 = arith.mulf %parallel_loop3A_314, %parallel_loop3A_386 : vector<16xf32>
          %parallel_loop3A_405 = arith.addf %parallel_loop3A_403, %parallel_loop3A_404 : vector<16xf32>
          %parallel_loop3A_406 = arith.constant 0.44721359 : f32
          %parallel_loop3A_407 = vector.broadcast %parallel_loop3A_406 : f32 to vector<16xf32>
          %parallel_loop3A_408 = arith.mulf %parallel_loop3A_405, %parallel_loop3A_407 : vector<16xf32>
          %parallel_loop3A_409 = arith.addf %parallel_loop3A_396, %parallel_loop3A_408 : vector<16xf32>
          %parallel_loop3A_410 = arith.constant 16 : i32
          %parallel_loop3A_411 = arith.addi %parallel_loop3A_410, %parallel_loop3A_224 : i32
          %parallel_loop3A_412 = arith.constant 0 : i32
          %parallel_loop3A_413 = arith.addi %parallel_loop3A_412, %parallel_loop3A_242 : i32
          %parallel_loop3A_414 = arith.index_cast %parallel_loop3A_411 : i32 to index
          %parallel_loop3A_415 = arith.index_cast %parallel_loop3A_413 : i32 to index
          %parallel_loop3A_416 = tpu.vector_load %arg7[%parallel_loop3A_414, %parallel_loop3A_415] {strides = array<i32>} : memref<32x576xf32, #tpu.memory_space<vmem>>, vector<1x16xf32>,
          %parallel_loop3A_417 = vector.shape_cast %parallel_loop3A_416 : vector<1x16xf32> to vector<16xf32>
          %parallel_loop3A_418 = vector.shape_cast %parallel_loop3A_409 : vector<16xf32> to vector<1x16xf32>
          tpu.vector_store %arg7[%parallel_loop3A_414, %parallel_loop3A_415], %parallel_loop3A_418 {strides = array<i32>} : memref<32x576xf32, #tpu.memory_space<vmem>>, vector<1x16xf32>,
          %parallel_loop3A_419 = arith.mulf %parallel_loop3A_250, %parallel_loop3A_330 : vector<16xf32>
          %parallel_loop3A_420 = arith.mulf %parallel_loop3A_258, %parallel_loop3A_322 : vector<16xf32>
          %parallel_loop3A_421 = arith.addf %parallel_loop3A_419, %parallel_loop3A_420 : vector<16xf32>
          %parallel_loop3A_422 = arith.mulf %parallel_loop3A_258, %parallel_loop3A_370 : vector<16xf32>
          %parallel_loop3A_423 = arith.mulf %parallel_loop3A_298, %parallel_loop3A_330 : vector<16xf32>
          %parallel_loop3A_424 = arith.addf %parallel_loop3A_422, %parallel_loop3A_423 : vector<16xf32>
          %parallel_loop3A_425 = arith.constant 0.316227764 : f32
          %parallel_loop3A_426 = vector.broadcast %parallel_loop3A_425 : f32 to vector<16xf32>
          %parallel_loop3A_427 = arith.mulf %parallel_loop3A_424, %parallel_loop3A_426 : vector<16xf32>
          %parallel_loop3A_428 = arith.addf %parallel_loop3A_421, %parallel_loop3A_427 : vector<16xf32>
          %parallel_loop3A_429 = arith.mulf %parallel_loop3A_258, %parallel_loop3A_386 : vector<16xf32>
          %parallel_loop3A_430 = arith.mulf %parallel_loop3A_266, %parallel_loop3A_362 : vector<16xf32>
          %parallel_loop3A_431 = arith.subf %parallel_loop3A_429, %parallel_loop3A_430 : vector<16xf32>
          %parallel_loop3A_432 = arith.mulf %parallel_loop3A_274, %parallel_loop3A_354 : vector<16xf32>
          %parallel_loop3A_433 = arith.subf %parallel_loop3A_431, %parallel_loop3A_432 : vector<16xf32>
          %parallel_loop3A_434 = arith.mulf %parallel_loop3A_282, %parallel_loop3A_346 : vector<16xf32>
          %parallel_loop3A_435 = arith.subf %parallel_loop3A_433, %parallel_loop3A_434 : vector<16xf32>
          %parallel_loop3A_436 = arith.mulf %parallel_loop3A_290, %parallel_loop3A_338 : vector<16xf32>
          %parallel_loop3A_437 = arith.subf %parallel_loop3A_435, %parallel_loop3A_436 : vector<16xf32>
          %parallel_loop3A_438 = arith.mulf %parallel_loop3A_314, %parallel_loop3A_330 : vector<16xf32>
          %parallel_loop3A_439 = arith.addf %parallel_loop3A_437, %parallel_loop3A_438 : vector<16xf32>
          %parallel_loop3A_440 = arith.constant 0.547722578 : f32
          %parallel_loop3A_441 = vector.broadcast %parallel_loop3A_440 : f32 to vector<16xf32>
          %parallel_loop3A_442 = arith.mulf %parallel_loop3A_439, %parallel_loop3A_441 : vector<16xf32>
          %parallel_loop3A_443 = arith.addf %parallel_loop3A_428, %parallel_loop3A_442 : vector<16xf32>
          %parallel_loop3A_444 = arith.constant 16 : i32
          %parallel_loop3A_445 = arith.addi %parallel_loop3A_444, %parallel_loop3A_224 : i32
          %parallel_loop3A_446 = arith.constant 64 : i32
          %parallel_loop3A_447 = arith.addi %parallel_loop3A_446, %parallel_loop3A_242 : i32
          %parallel_loop3A_448 = arith.index_cast %parallel_loop3A_445 : i32 to index
          %parallel_loop3A_449 = arith.index_cast %parallel_loop3A_447 : i32 to index
          %parallel_loop3A_450 = tpu.vector_load %arg7[%parallel_loop3A_448, %parallel_loop3A_449] {strides = array<i32>} : memref<32x576xf32, #tpu.memory_space<vmem>>, vector<1x16xf32>,
          %parallel_loop3A_451 = vector.shape_cast %parallel_loop3A_450 : vector<1x16xf32> to vector<16xf32>
          %parallel_loop3A_452 = vector.shape_cast %parallel_loop3A_443 : vector<16xf32> to vector<1x16xf32>
          tpu.vector_store %arg7[%parallel_loop3A_448, %parallel_loop3A_449], %parallel_loop3A_452 {strides = array<i32>} : memref<32x576xf32, #tpu.memory_space<vmem>>, vector<1x16xf32>,
          %parallel_loop3A_453 = arith.mulf %parallel_loop3A_250, %parallel_loop3A_338 : vector<16xf32>
          %parallel_loop3A_454 = arith.mulf %parallel_loop3A_266, %parallel_loop3A_322 : vector<16xf32>
          %parallel_loop3A_455 = arith.addf %parallel_loop3A_453, %parallel_loop3A_454 : vector<16xf32>
          %parallel_loop3A_456 = arith.mulf %parallel_loop3A_258, %parallel_loop3A_362 : vector<16xf32>
          %parallel_loop3A_457 = arith.mulf %parallel_loop3A_274, %parallel_loop3A_378 : vector<16xf32>
          %parallel_loop3A_458 = arith.addf %parallel_loop3A_456, %parallel_loop3A_457 : vector<16xf32>
          %parallel_loop3A_459 = arith.mulf %parallel_loop3A_290, %parallel_loop3A_330 : vector<16xf32>
          %parallel_loop3A_460 = arith.addf %parallel_loop3A_458, %parallel_loop3A_459 : vector<16xf32>
          %parallel_loop3A_461 = arith.mulf %parallel_loop3A_306, %parallel_loop3A_346 : vector<16xf32>
          %parallel_loop3A_462 = arith.addf %parallel_loop3A_460, %parallel_loop3A_461 : vector<16xf32>
          %parallel_loop3A_463 = arith.constant -0.547722578 : f32
          %parallel_loop3A_464 = vector.broadcast %parallel_loop3A_463 : f32 to vector<16xf32>
          %parallel_loop3A_465 = arith.mulf %parallel_loop3A_462, %parallel_loop3A_464 : vector<16xf32>
          %parallel_loop3A_466 = arith.addf %parallel_loop3A_455, %parallel_loop3A_465 : vector<16xf32>
          %parallel_loop3A_467 = arith.mulf %parallel_loop3A_266, %parallel_loop3A_370 : vector<16xf32>
          %parallel_loop3A_468 = arith.mulf %parallel_loop3A_298, %parallel_loop3A_338 : vector<16xf32>
          %parallel_loop3A_469 = arith.addf %parallel_loop3A_467, %parallel_loop3A_468 : vector<16xf32>
          %parallel_loop3A_470 = arith.constant -0.632455527 : f32
          %parallel_loop3A_471 = vector.broadcast %parallel_loop3A_470 : f32 to vector<16xf32>
          %parallel_loop3A_472 = arith.mulf %parallel_loop3A_469, %parallel_loop3A_471 : vector<16xf32>
          %parallel_loop3A_473 = arith.addf %parallel_loop3A_466, %parallel_loop3A_472 : vector<16xf32>
          %parallel_loop3A_474 = arith.constant 16 : i32
          %parallel_loop3A_475 = arith.addi %parallel_loop3A_474, %parallel_loop3A_224 : i32
          %parallel_loop3A_476 = arith.constant 128 : i32
          %parallel_loop3A_477 = arith.addi %parallel_loop3A_476, %parallel_loop3A_242 : i32
          %parallel_loop3A_478 = arith.index_cast %parallel_loop3A_475 : i32 to index
          %parallel_loop3A_479 = arith.index_cast %parallel_loop3A_477 : i32 to index
          %parallel_loop3A_480 = tpu.vector_load %arg7[%parallel_loop3A_478, %parallel_loop3A_479] {strides = array<i32>} : memref<32x576xf32, #tpu.memory_space<vmem>>, vector<1x16xf32>,
          %parallel_loop3A_481 = vector.shape_cast %parallel_loop3A_480 : vector<1x16xf32> to vector<16xf32>
          %parallel_loop3A_482 = vector.shape_cast %parallel_loop3A_473 : vector<16xf32> to vector<1x16xf32>
          tpu.vector_store %arg7[%parallel_loop3A_478, %parallel_loop3A_479], %parallel_loop3A_482 {strides = array<i32>} : memref<32x576xf32, #tpu.memory_space<vmem>>, vector<1x16xf32>,
          %parallel_loop3A_483 = arith.mulf %parallel_loop3A_250, %parallel_loop3A_346 : vector<16xf32>
          %parallel_loop3A_484 = arith.mulf %parallel_loop3A_274, %parallel_loop3A_322 : vector<16xf32>
          %parallel_loop3A_485 = arith.addf %parallel_loop3A_483, %parallel_loop3A_484 : vector<16xf32>
          %parallel_loop3A_486 = arith.mulf %parallel_loop3A_258, %parallel_loop3A_354 : vector<16xf32>
          %parallel_loop3A_487 = arith.mulf %parallel_loop3A_266, %parallel_loop3A_378 : vector<16xf32>
          %parallel_loop3A_488 = arith.addf %parallel_loop3A_486, %parallel_loop3A_487 : vector<16xf32>
          %parallel_loop3A_489 = arith.mulf %parallel_loop3A_274, %parallel_loop3A_386 : vector<16xf32>
          %parallel_loop3A_490 = arith.addf %parallel_loop3A_488, %parallel_loop3A_489 : vector<16xf32>
          %parallel_loop3A_491 = arith.mulf %parallel_loop3A_282, %parallel_loop3A_330 : vector<16xf32>
          %parallel_loop3A_492 = arith.addf %parallel_loop3A_490, %parallel_loop3A_491 : vector<16xf32>
          %parallel_loop3A_493 = arith.mulf %parallel_loop3A_306, %parallel_loop3A_338 : vector<16xf32>
          %parallel_loop3A_494 = arith.addf %parallel_loop3A_492, %parallel_loop3A_493 : vector<16xf32>
          %parallel_loop3A_495 = arith.mulf %parallel_loop3A_314, %parallel_loop3A_346 : vector<16xf32>
          %parallel_loop3A_496 = arith.addf %parallel_loop3A_494, %parallel_loop3A_495 : vector<16xf32>
          %parallel_loop3A_497 = arith.constant -0.547722578 : f32
          %parallel_loop3A_498 = vector.broadcast %parallel_loop3A_497 : f32 to vector<16xf32>
          %parallel_loop3A_499 = arith.mulf %parallel_loop3A_496, %parallel_loop3A_498 : vector<16xf32>
          %parallel_loop3A_500 = arith.addf %parallel_loop3A_485, %parallel_loop3A_499 : vector<16xf32>
          %parallel_loop3A_501 = arith.mulf %parallel_loop3A_274, %parallel_loop3A_370 : vector<16xf32>
          %parallel_loop3A_502 = arith.mulf %parallel_loop3A_298, %parallel_loop3A_346 : vector<16xf32>
          %parallel_loop3A_503 = arith.addf %parallel_loop3A_501, %parallel_loop3A_502 : vector<16xf32>
          %parallel_loop3A_504 = arith.constant 0.316227764 : f32
          %parallel_loop3A_505 = vector.broadcast %parallel_loop3A_504 : f32 to vector<16xf32>
          %parallel_loop3A_506 = arith.mulf %parallel_loop3A_503, %parallel_loop3A_505 : vector<16xf32>
          %parallel_loop3A_507 = arith.addf %parallel_loop3A_500, %parallel_loop3A_506 : vector<16xf32>
          %parallel_loop3A_508 = arith.constant 16 : i32
          %parallel_loop3A_509 = arith.addi %parallel_loop3A_508, %parallel_loop3A_224 : i32
          %parallel_loop3A_510 = arith.constant 192 : i32
          %parallel_loop3A_511 = arith.addi %parallel_loop3A_510, %parallel_loop3A_242 : i32
          %parallel_loop3A_512 = arith.index_cast %parallel_loop3A_509 : i32 to index
          %parallel_loop3A_513 = arith.index_cast %parallel_loop3A_511 : i32 to index
          %parallel_loop3A_514 = tpu.vector_load %arg7[%parallel_loop3A_512, %parallel_loop3A_513] {strides = array<i32>} : memref<32x576xf32, #tpu.memory_space<vmem>>, vector<1x16xf32>,
          %parallel_loop3A_515 = vector.shape_cast %parallel_loop3A_514 : vector<1x16xf32> to vector<16xf32>
          %parallel_loop3A_516 = vector.shape_cast %parallel_loop3A_507 : vector<16xf32> to vector<1x16xf32>
          tpu.vector_store %arg7[%parallel_loop3A_512, %parallel_loop3A_513], %parallel_loop3A_516 {strides = array<i32>} : memref<32x576xf32, #tpu.memory_space<vmem>>, vector<1x16xf32>,
          %parallel_loop3A_517 = arith.mulf %parallel_loop3A_250, %parallel_loop3A_354 : vector<16xf32>
          %parallel_loop3A_518 = arith.mulf %parallel_loop3A_282, %parallel_loop3A_322 : vector<16xf32>
          %parallel_loop3A_519 = arith.addf %parallel_loop3A_517, %parallel_loop3A_518 : vector<16xf32>
          %parallel_loop3A_520 = arith.mulf %parallel_loop3A_258, %parallel_loop3A_346 : vector<16xf32>
          %parallel_loop3A_521 = arith.mulf %parallel_loop3A_274, %parallel_loop3A_330 : vector<16xf32>
          %parallel_loop3A_522 = arith.addf %parallel_loop3A_520, %parallel_loop3A_521 : vector<16xf32>
          %parallel_loop3A_523 = arith.constant 0.707106769 : f32
          %parallel_loop3A_524 = vector.broadcast %parallel_loop3A_523 : f32 to vector<16xf32>
          %parallel_loop3A_525 = arith.mulf %parallel_loop3A_522, %parallel_loop3A_524 : vector<16xf32>
          %parallel_loop3A_526 = arith.addf %parallel_loop3A_519, %parallel_loop3A_525 : vector<16xf32>
          %parallel_loop3A_527 = arith.mulf %parallel_loop3A_282, %parallel_loop3A_370 : vector<16xf32>
          %parallel_loop3A_528 = arith.mulf %parallel_loop3A_298, %parallel_loop3A_354 : vector<16xf32>
          %parallel_loop3A_529 = arith.addf %parallel_loop3A_527, %parallel_loop3A_528 : vector<16xf32>
          %parallel_loop3A_530 = arith.constant 0.534522474 : f32
          %parallel_loop3A_531 = vector.broadcast %parallel_loop3A_530 : f32 to vector<16xf32>
          %parallel_loop3A_532 = arith.mulf %parallel_loop3A_529, %parallel_loop3A_531 : vector<16xf32>
          %parallel_loop3A_533 = arith.addf %parallel_loop3A_526, %parallel_loop3A_532 : vector<16xf32>
          %parallel_loop3A_534 = arith.mulf %parallel_loop3A_290, %parallel_loop3A_378 : vector<16xf32>
          %parallel_loop3A_535 = arith.mulf %parallel_loop3A_306, %parallel_loop3A_362 : vector<16xf32>
          %parallel_loop3A_536 = arith.addf %parallel_loop3A_534, %parallel_loop3A_535 : vector<16xf32>
          %parallel_loop3A_537 = arith.constant -0.462910056 : f32
          %parallel_loop3A_538 = vector.broadcast %parallel_loop3A_537 : f32 to vector<16xf32>
          %parallel_loop3A_539 = arith.mulf %parallel_loop3A_536, %parallel_loop3A_538 : vector<16xf32>
          %parallel_loop3A_540 = arith.addf %parallel_loop3A_533, %parallel_loop3A_539 : vector<16xf32>
          %parallel_loop3A_541 = arith.constant 16 : i32
          %parallel_loop3A_542 = arith.addi %parallel_loop3A_541, %parallel_loop3A_224 : i32
          %parallel_loop3A_543 = arith.constant 256 : i32
          %parallel_loop3A_544 = arith.addi %parallel_loop3A_543, %parallel_loop3A_242 : i32
          %parallel_loop3A_545 = arith.index_cast %parallel_loop3A_542 : i32 to index
          %parallel_loop3A_546 = arith.index_cast %parallel_loop3A_544 : i32 to index
          %parallel_loop3A_547 = tpu.vector_load %arg7[%parallel_loop3A_545, %parallel_loop3A_546] {strides = array<i32>} : memref<32x576xf32, #tpu.memory_space<vmem>>, vector<1x16xf32>,
          %parallel_loop3A_548 = vector.shape_cast %parallel_loop3A_547 : vector<1x16xf32> to vector<16xf32>
          %parallel_loop3A_549 = vector.shape_cast %parallel_loop3A_540 : vector<16xf32> to vector<1x16xf32>
          tpu.vector_store %arg7[%parallel_loop3A_545, %parallel_loop3A_546], %parallel_loop3A_549 {strides = array<i32>} : memref<32x576xf32, #tpu.memory_space<vmem>>, vector<1x16xf32>,
          %parallel_loop3A_550 = arith.mulf %parallel_loop3A_250, %parallel_loop3A_362 : vector<16xf32>
          %parallel_loop3A_551 = arith.mulf %parallel_loop3A_290, %parallel_loop3A_322 : vector<16xf32>
          %parallel_loop3A_552 = arith.addf %parallel_loop3A_550, %parallel_loop3A_551 : vector<16xf32>
          %parallel_loop3A_553 = arith.mulf %parallel_loop3A_258, %parallel_loop3A_338 : vector<16xf32>
          %parallel_loop3A_554 = arith.mulf %parallel_loop3A_266, %parallel_loop3A_330 : vector<16xf32>
          %parallel_loop3A_555 = arith.addf %parallel_loop3A_553, %parallel_loop3A_554 : vector<16xf32>
          %parallel_loop3A_556 = arith.constant 0.707106769 : f32
          %parallel_loop3A_557 = vector.broadcast %parallel_loop3A_556 : f32 to vector<16xf32>
          %parallel_loop3A_558 = arith.mulf %parallel_loop3A_555, %parallel_loop3A_557 : vector<16xf32>
          %parallel_loop3A_559 = arith.addf %parallel_loop3A_552, %parallel_loop3A_558 : vector<16xf32>
          %parallel_loop3A_560 = arith.mulf %parallel_loop3A_282, %parallel_loop3A_378 : vector<16xf32>
          %parallel_loop3A_561 = arith.mulf %parallel_loop3A_290, %parallel_loop3A_386 : vector<16xf32>
          %parallel_loop3A_562 = arith.subf %parallel_loop3A_560, %parallel_loop3A_561 : vector<16xf32>
          %parallel_loop3A_563 = arith.mulf %parallel_loop3A_306, %parallel_loop3A_354 : vector<16xf32>
          %parallel_loop3A_564 = arith.addf %parallel_loop3A_562, %parallel_loop3A_563 : vector<16xf32>
          %parallel_loop3A_565 = arith.mulf %parallel_loop3A_314, %parallel_loop3A_362 : vector<16xf32>
          %parallel_loop3A_566 = arith.subf %parallel_loop3A_564, %parallel_loop3A_565 : vector<16xf32>
          %parallel_loop3A_567 = arith.constant -0.462910056 : f32
          %parallel_loop3A_568 = vector.broadcast %parallel_loop3A_567 : f32 to vector<16xf32>
          %parallel_loop3A_569 = arith.mulf %parallel_loop3A_566, %parallel_loop3A_568 : vector<16xf32>
          %parallel_loop3A_570 = arith.addf %parallel_loop3A_559, %parallel_loop3A_569 : vector<16xf32>
          %parallel_loop3A_571 = arith.mulf %parallel_loop3A_290, %parallel_loop3A_370 : vector<16xf32>
          %parallel_loop3A_572 = arith.mulf %parallel_loop3A_298, %parallel_loop3A_362 : vector<16xf32>
          %parallel_loop3A_573 = arith.addf %parallel_loop3A_571, %parallel_loop3A_572 : vector<16xf32>
          %parallel_loop3A_574 = arith.constant -0.267261237 : f32
          %parallel_loop3A_575 = vector.broadcast %parallel_loop3A_574 : f32 to vector<16xf32>
          %parallel_loop3A_576 = arith.mulf %parallel_loop3A_573, %parallel_loop3A_575 : vector<16xf32>
          %parallel_loop3A_577 = arith.addf %parallel_loop3A_570, %parallel_loop3A_576 : vector<16xf32>
          %parallel_loop3A_578 = arith.constant 16 : i32
          %parallel_loop3A_579 = arith.addi %parallel_loop3A_578, %parallel_loop3A_224 : i32
          %parallel_loop3A_580 = arith.constant 320 : i32
          %parallel_loop3A_581 = arith.addi %parallel_loop3A_580, %parallel_loop3A_242 : i32
          %parallel_loop3A_582 = arith.index_cast %parallel_loop3A_579 : i32 to index
          %parallel_loop3A_583 = arith.index_cast %parallel_loop3A_581 : i32 to index
          %parallel_loop3A_584 = tpu.vector_load %arg7[%parallel_loop3A_582, %parallel_loop3A_583] {strides = array<i32>} : memref<32x576xf32, #tpu.memory_space<vmem>>, vector<1x16xf32>,
          %parallel_loop3A_585 = vector.shape_cast %parallel_loop3A_584 : vector<1x16xf32> to vector<16xf32>
          %parallel_loop3A_586 = vector.shape_cast %parallel_loop3A_577 : vector<16xf32> to vector<1x16xf32>
          tpu.vector_store %arg7[%parallel_loop3A_582, %parallel_loop3A_583], %parallel_loop3A_586 {strides = array<i32>} : memref<32x576xf32, #tpu.memory_space<vmem>>, vector<1x16xf32>,
          %parallel_loop3A_587 = arith.mulf %parallel_loop3A_250, %parallel_loop3A_370 : vector<16xf32>
          %parallel_loop3A_588 = arith.mulf %parallel_loop3A_298, %parallel_loop3A_322 : vector<16xf32>
          %parallel_loop3A_589 = arith.addf %parallel_loop3A_587, %parallel_loop3A_588 : vector<16xf32>
          %parallel_loop3A_590 = arith.mulf %parallel_loop3A_258, %parallel_loop3A_330 : vector<16xf32>
          %parallel_loop3A_591 = arith.mulf %parallel_loop3A_274, %parallel_loop3A_346 : vector<16xf32>
          %parallel_loop3A_592 = arith.addf %parallel_loop3A_590, %parallel_loop3A_591 : vector<16xf32>
          %parallel_loop3A_593 = arith.constant -0.408248305 : f32
          %parallel_loop3A_594 = vector.broadcast %parallel_loop3A_593 : f32 to vector<16xf32>
          %parallel_loop3A_595 = arith.mulf %parallel_loop3A_592, %parallel_loop3A_594 : vector<16xf32>
          %parallel_loop3A_596 = arith.addf %parallel_loop3A_589, %parallel_loop3A_595 : vector<16xf32>
          %parallel_loop3A_597 = arith.mulf %parallel_loop3A_266, %parallel_loop3A_338 : vector<16xf32>
          %parallel_loop3A_598 = arith.constant 0.816496611 : f32
          %parallel_loop3A_599 = vector.broadcast %parallel_loop3A_598 : f32 to vector<16xf32>
          %parallel_loop3A_600 = arith.mulf %parallel_loop3A_597, %parallel_loop3A_599 : vector<16xf32>
          %parallel_loop3A_601 = arith.addf %parallel_loop3A_596, %parallel_loop3A_600 : vector<16xf32>
          %parallel_loop3A_602 = arith.mulf %parallel_loop3A_282, %parallel_loop3A_354 : vector<16xf32>
          %parallel_loop3A_603 = arith.mulf %parallel_loop3A_298, %parallel_loop3A_370 : vector<16xf32>
          %parallel_loop3A_604 = arith.subf %parallel_loop3A_602, %parallel_loop3A_603 : vector<16xf32>
          %parallel_loop3A_605 = arith.mulf %parallel_loop3A_314, %parallel_loop3A_386 : vector<16xf32>
          %parallel_loop3A_606 = arith.addf %parallel_loop3A_604, %parallel_loop3A_605 : vector<16xf32>
          %parallel_loop3A_607 = arith.constant 0.534522474 : f32
          %parallel_loop3A_608 = vector.broadcast %parallel_loop3A_607 : f32 to vector<16xf32>
          %parallel_loop3A_609 = arith.mulf %parallel_loop3A_606, %parallel_loop3A_608 : vector<16xf32>
          %parallel_loop3A_610 = arith.addf %parallel_loop3A_601, %parallel_loop3A_609 : vector<16xf32>
          %parallel_loop3A_611 = arith.mulf %parallel_loop3A_290, %parallel_loop3A_362 : vector<16xf32>
          %parallel_loop3A_612 = arith.mulf %parallel_loop3A_306, %parallel_loop3A_378 : vector<16xf32>
          %parallel_loop3A_613 = arith.addf %parallel_loop3A_611, %parallel_loop3A_612 : vector<16xf32>
          %parallel_loop3A_614 = arith.constant -0.267261237 : f32
          %parallel_loop3A_615 = vector.broadcast %parallel_loop3A_614 : f32 to vector<16xf32>
          %parallel_loop3A_616 = arith.mulf %parallel_loop3A_613, %parallel_loop3A_615 : vector<16xf32>
          %parallel_loop3A_617 = arith.addf %parallel_loop3A_610, %parallel_loop3A_616 : vector<16xf32>
          %parallel_loop3A_618 = arith.constant 16 : i32
          %parallel_loop3A_619 = arith.addi %parallel_loop3A_618, %parallel_loop3A_224 : i32
          %parallel_loop3A_620 = arith.constant 384 : i32
          %parallel_loop3A_621 = arith.addi %parallel_loop3A_620, %parallel_loop3A_242 : i32
          %parallel_loop3A_622 = arith.index_cast %parallel_loop3A_619 : i32 to index
          %parallel_loop3A_623 = arith.index_cast %parallel_loop3A_621 : i32 to index
          %parallel_loop3A_624 = tpu.vector_load %arg7[%parallel_loop3A_622, %parallel_loop3A_623] {strides = array<i32>} : memref<32x576xf32, #tpu.memory_space<vmem>>, vector<1x16xf32>,
          %parallel_loop3A_625 = vector.shape_cast %parallel_loop3A_624 : vector<1x16xf32> to vector<16xf32>
          %parallel_loop3A_626 = vector.shape_cast %parallel_loop3A_617 : vector<16xf32> to vector<1x16xf32>
          tpu.vector_store %arg7[%parallel_loop3A_622, %parallel_loop3A_623], %parallel_loop3A_626 {strides = array<i32>} : memref<32x576xf32, #tpu.memory_space<vmem>>, vector<1x16xf32>,
          %parallel_loop3A_627 = arith.mulf %parallel_loop3A_250, %parallel_loop3A_378 : vector<16xf32>
          %parallel_loop3A_628 = arith.mulf %parallel_loop3A_306, %parallel_loop3A_322 : vector<16xf32>
          %parallel_loop3A_629 = arith.addf %parallel_loop3A_627, %parallel_loop3A_628 : vector<16xf32>
          %parallel_loop3A_630 = arith.mulf %parallel_loop3A_266, %parallel_loop3A_346 : vector<16xf32>
          %parallel_loop3A_631 = arith.mulf %parallel_loop3A_274, %parallel_loop3A_338 : vector<16xf32>
          %parallel_loop3A_632 = arith.addf %parallel_loop3A_630, %parallel_loop3A_631 : vector<16xf32>
          %parallel_loop3A_633 = arith.constant 0.707106769 : f32
          %parallel_loop3A_634 = vector.broadcast %parallel_loop3A_633 : f32 to vector<16xf32>
          %parallel_loop3A_635 = arith.mulf %parallel_loop3A_632, %parallel_loop3A_634 : vector<16xf32>
          %parallel_loop3A_636 = arith.addf %parallel_loop3A_629, %parallel_loop3A_635 : vector<16xf32>
          %parallel_loop3A_637 = arith.mulf %parallel_loop3A_282, %parallel_loop3A_362 : vector<16xf32>
          %parallel_loop3A_638 = arith.mulf %parallel_loop3A_290, %parallel_loop3A_354 : vector<16xf32>
          %parallel_loop3A_639 = arith.addf %parallel_loop3A_637, %parallel_loop3A_638 : vector<16xf32>
          %parallel_loop3A_640 = arith.mulf %parallel_loop3A_306, %parallel_loop3A_386 : vector<16xf32>
          %parallel_loop3A_641 = arith.addf %parallel_loop3A_639, %parallel_loop3A_640 : vector<16xf32>
          %parallel_loop3A_642 = arith.mulf %parallel_loop3A_314, %parallel_loop3A_378 : vector<16xf32>
          %parallel_loop3A_643 = arith.addf %parallel_loop3A_641, %parallel_loop3A_642 : vector<16xf32>
          %parallel_loop3A_644 = arith.constant -0.462910056 : f32
          %parallel_loop3A_645 = vector.broadcast %parallel_loop3A_644 : f32 to vector<16xf32>
          %parallel_loop3A_646 = arith.mulf %parallel_loop3A_643, %parallel_loop3A_645 : vector<16xf32>
          %parallel_loop3A_647 = arith.addf %parallel_loop3A_636, %parallel_loop3A_646 : vector<16xf32>
          %parallel_loop3A_648 = arith.mulf %parallel_loop3A_298, %parallel_loop3A_378 : vector<16xf32>
          %parallel_loop3A_649 = arith.mulf %parallel_loop3A_306, %parallel_loop3A_370 : vector<16xf32>
          %parallel_loop3A_650 = arith.addf %parallel_loop3A_648, %parallel_loop3A_649 : vector<16xf32>
          %parallel_loop3A_651 = arith.constant -0.267261237 : f32
          %parallel_loop3A_652 = vector.broadcast %parallel_loop3A_651 : f32 to vector<16xf32>
          %parallel_loop3A_653 = arith.mulf %parallel_loop3A_650, %parallel_loop3A_652 : vector<16xf32>
          %parallel_loop3A_654 = arith.addf %parallel_loop3A_647, %parallel_loop3A_653 : vector<16xf32>
          %parallel_loop3A_655 = arith.constant 16 : i32
          %parallel_loop3A_656 = arith.addi %parallel_loop3A_655, %parallel_loop3A_224 : i32
          %parallel_loop3A_657 = arith.constant 448 : i32
          %parallel_loop3A_658 = arith.addi %parallel_loop3A_657, %parallel_loop3A_242 : i32
          %parallel_loop3A_659 = arith.index_cast %parallel_loop3A_656 : i32 to index
          %parallel_loop3A_660 = arith.index_cast %parallel_loop3A_658 : i32 to index
          %parallel_loop3A_661 = tpu.vector_load %arg7[%parallel_loop3A_659, %parallel_loop3A_660] {strides = array<i32>} : memref<32x576xf32, #tpu.memory_space<vmem>>, vector<1x16xf32>,
          %parallel_loop3A_662 = vector.shape_cast %parallel_loop3A_661 : vector<1x16xf32> to vector<16xf32>
          %parallel_loop3A_663 = vector.shape_cast %parallel_loop3A_654 : vector<16xf32> to vector<1x16xf32>
          tpu.vector_store %arg7[%parallel_loop3A_659, %parallel_loop3A_660], %parallel_loop3A_663 {strides = array<i32>} : memref<32x576xf32, #tpu.memory_space<vmem>>, vector<1x16xf32>,
          %parallel_loop3A_664 = arith.mulf %parallel_loop3A_250, %parallel_loop3A_386 : vector<16xf32>
          %parallel_loop3A_665 = arith.mulf %parallel_loop3A_314, %parallel_loop3A_322 : vector<16xf32>
          %parallel_loop3A_666 = arith.addf %parallel_loop3A_664, %parallel_loop3A_665 : vector<16xf32>
          %parallel_loop3A_667 = arith.mulf %parallel_loop3A_258, %parallel_loop3A_330 : vector<16xf32>
          %parallel_loop3A_668 = arith.mulf %parallel_loop3A_274, %parallel_loop3A_346 : vector<16xf32>
          %parallel_loop3A_669 = arith.subf %parallel_loop3A_667, %parallel_loop3A_668 : vector<16xf32>
          %parallel_loop3A_670 = arith.constant -0.707106769 : f32
          %parallel_loop3A_671 = vector.broadcast %parallel_loop3A_670 : f32 to vector<16xf32>
          %parallel_loop3A_672 = arith.mulf %parallel_loop3A_669, %parallel_loop3A_671 : vector<16xf32>
          %parallel_loop3A_673 = arith.addf %parallel_loop3A_666, %parallel_loop3A_672 : vector<16xf32>
          %parallel_loop3A_674 = arith.mulf %parallel_loop3A_290, %parallel_loop3A_362 : vector<16xf32>
          %parallel_loop3A_675 = arith.mulf %parallel_loop3A_306, %parallel_loop3A_378 : vector<16xf32>
          %parallel_loop3A_676 = arith.subf %parallel_loop3A_674, %parallel_loop3A_675 : vector<16xf32>
          %parallel_loop3A_677 = arith.constant 0.462910056 : f32
          %parallel_loop3A_678 = vector.broadcast %parallel_loop3A_677 : f32 to vector<16xf32>
          %parallel_loop3A_679 = arith.mulf %parallel_loop3A_676, %parallel_loop3A_678 : vector<16xf32>
          %parallel_loop3A_680 = arith.addf %parallel_loop3A_673, %parallel_loop3A_679 : vector<16xf32>
          %parallel_loop3A_681 = arith.mulf %parallel_loop3A_298, %parallel_loop3A_386 : vector<16xf32>
          %parallel_loop3A_682 = arith.mulf %parallel_loop3A_314, %parallel_loop3A_370 : vector<16xf32>
          %parallel_loop3A_683 = arith.addf %parallel_loop3A_681, %parallel_loop3A_682 : vector<16xf32>
          %parallel_loop3A_684 = arith.constant 0.534522474 : f32
          %parallel_loop3A_685 = vector.broadcast %parallel_loop3A_684 : f32 to vector<16xf32>
          %parallel_loop3A_686 = arith.mulf %parallel_loop3A_683, %parallel_loop3A_685 : vector<16xf32>
          %parallel_loop3A_687 = arith.addf %parallel_loop3A_680, %parallel_loop3A_686 : vector<16xf32>
          %parallel_loop3A_688 = arith.constant 16 : i32
          %parallel_loop3A_689 = arith.addi %parallel_loop3A_688, %parallel_loop3A_224 : i32
          %parallel_loop3A_690 = arith.constant 512 : i32
          %parallel_loop3A_691 = arith.addi %parallel_loop3A_690, %parallel_loop3A_242 : i32
          %parallel_loop3A_692 = arith.index_cast %parallel_loop3A_689 : i32 to index
          %parallel_loop3A_693 = arith.index_cast %parallel_loop3A_691 : i32 to index
          %parallel_loop3A_694 = tpu.vector_load %arg7[%parallel_loop3A_692, %parallel_loop3A_693] {strides = array<i32>} : memref<32x576xf32, #tpu.memory_space<vmem>>, vector<1x16xf32>,
          %parallel_loop3A_695 = vector.shape_cast %parallel_loop3A_694 : vector<1x16xf32> to vector<16xf32>
          %parallel_loop3A_696 = vector.shape_cast %parallel_loop3A_687 : vector<16xf32> to vector<1x16xf32>
          tpu.vector_store %arg7[%parallel_loop3A_692, %parallel_loop3A_693], %parallel_loop3A_696 {strides = array<i32>} : memref<32x576xf32, #tpu.memory_space<vmem>>, vector<1x16xf32>,
        } {sc.loop_unroll_factor = 2 : i64, sc.parallel_access}
        %mul3A_182 = arith.constant 32 : i32
        %mul3A_183 = arith.muli %add3A_133, %mul3A_182 : i32
        %add3A_184 = arith.addi %add3A, %mul3A_183 : i32
        %mul3A_185 = arith.constant 16 : i32
        %mul3A_186 = arith.muli %add3A_184, %mul3A_185 : i32
        %dma_start3A_187 = arith.constant 1 : i32
        %dma_start3A_188 = arith.constant 16 : i32
        %dma_start3A_189 = arith.constant 0 : i32
        %dma_start3A_190 = tpu.memref_slice %arg7[%dma_start3A_188, %dma_start3A_189] : memref<32x576xf32, #tpu.memory_space<vmem>> -> memref<16x576xf32, #tpu.memory_space<vmem>>
        %dma_start3A_191 = arith.constant 0 : i32
        %dma_start3A_192 = tpu.memref_slice %arg4[%mul3A_186, %dma_start3A_191] : memref<10000x576xf32, #tpu.memory_space<hbm>> -> memref<16x576xf32, #tpu.memory_space<hbm>>
        %dma_start3A_193 = tpu.memref_slice %arg10[%dma_start3A_187] : memref<2x!tpu.dma_semaphore, #tpu.memory_space<semaphore_mem>> -> memref<1x!tpu.dma_semaphore, #tpu.memory_space<semaphore_mem>>
        %dma_start3A_194 = tpu.memref_squeeze %dma_start3A_193 : memref<1x!tpu.dma_semaphore, #tpu.memory_space<semaphore_mem>> -> memref<!tpu.dma_semaphore, #tpu.memory_space<semaphore_mem>>
        %dma_start3A_195 = arith.constant 0 : i32
        %dma_start3A_196 = tpu.memref_slice %arg4[%mul3A_186, %dma_start3A_195] : memref<10000x576xf32, #tpu.memory_space<hbm>> -> memref<16x576xf32, #tpu.memory_space<hbm>>
        %dma_start3A_197 = arith.constant 16 : i32
        %dma_start3A_198 = arith.constant 0 : i32
        %dma_start3A_199 = tpu.memref_slice %arg7[%dma_start3A_197, %dma_start3A_198] : memref<32x576xf32, #tpu.memory_space<vmem>> -> memref<16x576xf32, #tpu.memory_space<vmem>>
        tpu.enqueue_dma source(%dma_start3A_199 : memref<16x576xf32, #tpu.memory_space<vmem>>) target(%dma_start3A_196 : memref<16x576xf32, #tpu.memory_space<hbm>>) target_semaphore(%dma_start3A_194 : memref<!tpu.dma_semaphore, #tpu.memory_space<semaphore_mem>>)
      } else {
      }
    }
    %while3A_86 = arith.constant 1 : i32
    scf.for %while3A_123 = %while3A_84 to %while3A_80 step %while3A_86  : i32 {
      %mul3A_124 = arith.constant 2 : i32
      %mul3A_125 = arith.muli %while3A_123, %mul3A_124 : i32
      %add3A_126 = arith.constant 0 : i32
      %add3A_127 = arith.addi %mul3A_125, %add3A_126 : i32
      %lt3A_128 = arith.cmpi slt, %add3A_127, %select_n3A : i32
      %convert_element_type3A_129 = arith.extui %lt3A_128 : i1 to i32
      %cond3A_130 = arith.constant 0 : i32
      %cond3A_131 = arith.cmpi ne, %convert_element_type3A_129, %cond3A_130 : i32
      scf.if %cond3A_131 {
        %add3A_138 = arith.constant 1 : i32
        %add3A_139 = arith.addi %add3A_127, %add3A_138 : i32
        %lt3A_140 = arith.cmpi slt, %add3A_139, %select_n3A : i32
        %convert_element_type3A_141 = arith.extui %lt3A_140 : i1 to i32
        %cond3A_142 = arith.constant 0 : i32
        %cond3A_143 = arith.cmpi ne, %convert_element_type3A_141, %cond3A_142 : i32
        scf.if %cond3A_143 {
          %add3A_200 = arith.constant 1 : i32
          %add3A_201 = arith.addi %add3A_127, %add3A_200 : i32
          %mul3A_202 = arith.constant 32 : i32
          %mul3A_203 = arith.muli %add3A_201, %mul3A_202 : i32
          %add3A_204 = arith.addi %add3A, %mul3A_203 : i32
          %mul3A_205 = arith.constant 16 : i32
          %mul3A_206 = arith.muli %add3A_204, %mul3A_205 : i32
          %dma_start3A_207 = arith.constant 1 : i32
          %dma_start3A_208 = arith.constant 16 : i32
          %dma_start3A_209 = arith.constant 0 : i32
          %dma_start3A_210 = tpu.memref_slice %arg5[%dma_start3A_208, %dma_start3A_209] : memref<32x576xf32, #tpu.memory_space<vmem>> -> memref<16x576xf32, #tpu.memory_space<vmem>>
          %dma_start3A_211 = arith.constant 0 : i32
          %dma_start3A_212 = tpu.memref_slice %arg2[%mul3A_206, %dma_start3A_211] : memref<10000x576xf32, #tpu.memory_space<hbm>> -> memref<16x576xf32, #tpu.memory_space<hbm>>
          %dma_start3A_213 = tpu.memref_slice %arg8[%dma_start3A_207] : memref<2x!tpu.dma_semaphore, #tpu.memory_space<semaphore_mem>> -> memref<1x!tpu.dma_semaphore, #tpu.memory_space<semaphore_mem>>
          %dma_start3A_214 = tpu.memref_squeeze %dma_start3A_213 : memref<1x!tpu.dma_semaphore, #tpu.memory_space<semaphore_mem>> -> memref<!tpu.dma_semaphore, #tpu.memory_space<semaphore_mem>>
          %dma_start3A_215 = arith.constant 16 : i32
          %dma_start3A_216 = arith.constant 0 : i32
          %dma_start3A_217 = tpu.memref_slice %arg5[%dma_start3A_215, %dma_start3A_216] : memref<32x576xf32, #tpu.memory_space<vmem>> -> memref<16x576xf32, #tpu.memory_space<vmem>>
          %dma_start3A_218 = arith.constant 0 : i32
          %dma_start3A_219 = tpu.memref_slice %arg2[%mul3A_206, %dma_start3A_218] : memref<10000x576xf32, #tpu.memory_space<hbm>> -> memref<16x576xf32, #tpu.memory_space<hbm>>
          tpu.enqueue_dma source(%dma_start3A_219 : memref<16x576xf32, #tpu.memory_space<hbm>>) target(%dma_start3A_217 : memref<16x576xf32, #tpu.memory_space<vmem>>) target_semaphore(%dma_start3A_214 : memref<!tpu.dma_semaphore, #tpu.memory_space<semaphore_mem>>)
          %dma_start3A_220 = arith.constant 1 : i32
          %dma_start3A_221 = arith.constant 16 : i32
          %dma_start3A_222 = arith.constant 0 : i32
          %dma_start3A_223 = tpu.memref_slice %arg6[%dma_start3A_221, %dma_start3A_222] : memref<32x576xf32, #tpu.memory_space<vmem>> -> memref<16x576xf32, #tpu.memory_space<vmem>>
          %dma_start3A_224 = arith.constant 0 : i32
          %dma_start3A_225 = tpu.memref_slice %arg3[%mul3A_206, %dma_start3A_224] : memref<10000x576xf32, #tpu.memory_space<hbm>> -> memref<16x576xf32, #tpu.memory_space<hbm>>
          %dma_start3A_226 = tpu.memref_slice %arg9[%dma_start3A_220] : memref<2x!tpu.dma_semaphore, #tpu.memory_space<semaphore_mem>> -> memref<1x!tpu.dma_semaphore, #tpu.memory_space<semaphore_mem>>
          %dma_start3A_227 = tpu.memref_squeeze %dma_start3A_226 : memref<1x!tpu.dma_semaphore, #tpu.memory_space<semaphore_mem>> -> memref<!tpu.dma_semaphore, #tpu.memory_space<semaphore_mem>>
          %dma_start3A_228 = arith.constant 16 : i32
          %dma_start3A_229 = arith.constant 0 : i32
          %dma_start3A_230 = tpu.memref_slice %arg6[%dma_start3A_228, %dma_start3A_229] : memref<32x576xf32, #tpu.memory_space<vmem>> -> memref<16x576xf32, #tpu.memory_space<vmem>>
          %dma_start3A_231 = arith.constant 0 : i32
          %dma_start3A_232 = tpu.memref_slice %arg3[%mul3A_206, %dma_start3A_231] : memref<10000x576xf32, #tpu.memory_space<hbm>> -> memref<16x576xf32, #tpu.memory_space<hbm>>
          tpu.enqueue_dma source(%dma_start3A_232 : memref<16x576xf32, #tpu.memory_space<hbm>>) target(%dma_start3A_230 : memref<16x576xf32, #tpu.memory_space<vmem>>) target_semaphore(%dma_start3A_227 : memref<!tpu.dma_semaphore, #tpu.memory_space<semaphore_mem>>)
        } else {
        }
        %mul3A_144 = arith.constant 32 : i32
        %mul3A_145 = arith.muli %add3A_127, %mul3A_144 : i32
        %add3A_146 = arith.addi %add3A, %mul3A_145 : i32
        %mul3A_147 = arith.constant 16 : i32
        %mul3A_148 = arith.muli %add3A_146, %mul3A_147 : i32
        %dma_wait3A_149 = arith.constant 0 : i32
        %dma_wait3A_150 = arith.constant 0 : i32
        %dma_wait3A_151 = arith.constant 0 : i32
        %dma_wait3A_152 = tpu.memref_slice %arg5[%dma_wait3A_150, %dma_wait3A_151] : memref<32x576xf32, #tpu.memory_space<vmem>> -> memref<16x576xf32, #tpu.memory_space<vmem>>
        %dma_wait3A_153 = arith.constant 0 : i32
        %dma_wait3A_154 = tpu.memref_slice %arg2[%mul3A_148, %dma_wait3A_153] : memref<10000x576xf32, #tpu.memory_space<hbm>> -> memref<16x576xf32, #tpu.memory_space<hbm>>
        %dma_wait3A_155 = tpu.memref_slice %arg8[%dma_wait3A_149] : memref<2x!tpu.dma_semaphore, #tpu.memory_space<semaphore_mem>> -> memref<1x!tpu.dma_semaphore, #tpu.memory_space<semaphore_mem>>
        %dma_wait3A_156 = tpu.memref_squeeze %dma_wait3A_155 : memref<1x!tpu.dma_semaphore, #tpu.memory_space<semaphore_mem>> -> memref<!tpu.dma_semaphore, #tpu.memory_space<semaphore_mem>>
        %dma_wait3A_157 = arith.constant 0 : i32
        %dma_wait3A_158 = arith.constant 0 : i32
        %dma_wait3A_159 = tpu.memref_slice %arg5[%dma_wait3A_157, %dma_wait3A_158] : memref<32x576xf32, #tpu.memory_space<vmem>> -> memref<16x576xf32, #tpu.memory_space<vmem>>
        %dma_wait3A_160 = arith.constant 0 : i32
        %dma_wait3A_161 = tpu.memref_slice %arg2[%mul3A_148, %dma_wait3A_160] : memref<10000x576xf32, #tpu.memory_space<hbm>> -> memref<16x576xf32, #tpu.memory_space<hbm>>
        tpu.wait_dma2 semaphore(%dma_wait3A_156 : memref<!tpu.dma_semaphore, #tpu.memory_space<semaphore_mem>>) src(%dma_wait3A_161 : memref<16x576xf32, #tpu.memory_space<hbm>>) dst(%dma_wait3A_159 : memref<16x576xf32, #tpu.memory_space<vmem>>)
        %dma_wait3A_162 = arith.constant 0 : i32
        %dma_wait3A_163 = arith.constant 0 : i32
        %dma_wait3A_164 = arith.constant 0 : i32
        %dma_wait3A_165 = tpu.memref_slice %arg6[%dma_wait3A_163, %dma_wait3A_164] : memref<32x576xf32, #tpu.memory_space<vmem>> -> memref<16x576xf32, #tpu.memory_space<vmem>>
        %dma_wait3A_166 = arith.constant 0 : i32
        %dma_wait3A_167 = tpu.memref_slice %arg3[%mul3A_148, %dma_wait3A_166] : memref<10000x576xf32, #tpu.memory_space<hbm>> -> memref<16x576xf32, #tpu.memory_space<hbm>>
        %dma_wait3A_168 = tpu.memref_slice %arg9[%dma_wait3A_162] : memref<2x!tpu.dma_semaphore, #tpu.memory_space<semaphore_mem>> -> memref<1x!tpu.dma_semaphore, #tpu.memory_space<semaphore_mem>>
        %dma_wait3A_169 = tpu.memref_squeeze %dma_wait3A_168 : memref<1x!tpu.dma_semaphore, #tpu.memory_space<semaphore_mem>> -> memref<!tpu.dma_semaphore, #tpu.memory_space<semaphore_mem>>
        %dma_wait3A_170 = arith.constant 0 : i32
        %dma_wait3A_171 = arith.constant 0 : i32
        %dma_wait3A_172 = tpu.memref_slice %arg6[%dma_wait3A_170, %dma_wait3A_171] : memref<32x576xf32, #tpu.memory_space<vmem>> -> memref<16x576xf32, #tpu.memory_space<vmem>>
        %dma_wait3A_173 = arith.constant 0 : i32
        %dma_wait3A_174 = tpu.memref_slice %arg3[%mul3A_148, %dma_wait3A_173] : memref<10000x576xf32, #tpu.memory_space<hbm>> -> memref<16x576xf32, #tpu.memory_space<hbm>>
        tpu.wait_dma2 semaphore(%dma_wait3A_169 : memref<!tpu.dma_semaphore, #tpu.memory_space<semaphore_mem>>) src(%dma_wait3A_174 : memref<16x576xf32, #tpu.memory_space<hbm>>) dst(%dma_wait3A_172 : memref<16x576xf32, #tpu.memory_space<vmem>>)
        %ge3A_175 = arith.constant 2 : i32
        %ge3A_176 = arith.cmpi sge, %add3A_127, %ge3A_175 : i32
        %convert_element_type3A_177 = arith.extui %ge3A_176 : i1 to i32
        %cond3A_178 = arith.constant 0 : i32
        %cond3A_179 = arith.cmpi ne, %convert_element_type3A_177, %cond3A_178 : i32
        scf.if %cond3A_179 {
          %sub3A_200 = arith.constant 2 : i32
          %sub3A_201 = arith.subi %add3A_127, %sub3A_200 : i32
          %mul3A_202 = arith.constant 32 : i32
          %mul3A_203 = arith.muli %sub3A_201, %mul3A_202 : i32
          %add3A_204 = arith.addi %add3A, %mul3A_203 : i32
          %mul3A_205 = arith.constant 16 : i32
          %mul3A_206 = arith.muli %add3A_204, %mul3A_205 : i32
          %dma_wait3A_207 = arith.constant 0 : i32
          %dma_wait3A_208 = arith.constant 0 : i32
          %dma_wait3A_209 = arith.constant 0 : i32
          %dma_wait3A_210 = tpu.memref_slice %arg7[%dma_wait3A_208, %dma_wait3A_209] : memref<32x576xf32, #tpu.memory_space<vmem>> -> memref<16x576xf32, #tpu.memory_space<vmem>>
          %dma_wait3A_211 = arith.constant 0 : i32
          %dma_wait3A_212 = tpu.memref_slice %arg4[%mul3A_206, %dma_wait3A_211] : memref<10000x576xf32, #tpu.memory_space<hbm>> -> memref<16x576xf32, #tpu.memory_space<hbm>>
          %dma_wait3A_213 = tpu.memref_slice %arg10[%dma_wait3A_207] : memref<2x!tpu.dma_semaphore, #tpu.memory_space<semaphore_mem>> -> memref<1x!tpu.dma_semaphore, #tpu.memory_space<semaphore_mem>>
          %dma_wait3A_214 = tpu.memref_squeeze %dma_wait3A_213 : memref<1x!tpu.dma_semaphore, #tpu.memory_space<semaphore_mem>> -> memref<!tpu.dma_semaphore, #tpu.memory_space<semaphore_mem>>
          %dma_wait3A_215 = arith.constant 0 : i32
          %dma_wait3A_216 = tpu.memref_slice %arg4[%mul3A_206, %dma_wait3A_215] : memref<10000x576xf32, #tpu.memory_space<hbm>> -> memref<16x576xf32, #tpu.memory_space<hbm>>
          %dma_wait3A_217 = arith.constant 0 : i32
          %dma_wait3A_218 = arith.constant 0 : i32
          %dma_wait3A_219 = tpu.memref_slice %arg7[%dma_wait3A_217, %dma_wait3A_218] : memref<32x576xf32, #tpu.memory_space<vmem>> -> memref<16x576xf32, #tpu.memory_space<vmem>>
          tpu.wait_dma2 semaphore(%dma_wait3A_214 : memref<!tpu.dma_semaphore, #tpu.memory_space<semaphore_mem>>) src(%dma_wait3A_219 : memref<16x576xf32, #tpu.memory_space<vmem>>) dst(%dma_wait3A_216 : memref<16x576xf32, #tpu.memory_space<hbm>>)
        } else {
        }
        %parallel_loop3A = arith.constant 0 : i32
        %parallel_loop3A_180 = arith.constant 64 : i32
        %parallel_loop3A_181 = arith.constant 1 : i32
        scf.for %parallel_loop3A_200 = %parallel_loop3A to %parallel_loop3A_180 step %parallel_loop3A_181  : i32 {
          %parallel_loop3A_201 = arith.constant 4 : i32
          %parallel_loop3A_202 = arith.divsi %parallel_loop3A_200, %parallel_loop3A_201 : i32
          %parallel_loop3A_203 = arith.constant 0 : i32
          %parallel_loop3A_204 = arith.cmpi sgt, %parallel_loop3A_200, %parallel_loop3A_203 : i32
          %parallel_loop3A_205 = arith.extui %parallel_loop3A_204 : i1 to i32
          %parallel_loop3A_206 = arith.constant 0 : i32
          %parallel_loop3A_207 = arith.cmpi slt, %parallel_loop3A_200, %parallel_loop3A_206 : i32
          %parallel_loop3A_208 = arith.extui %parallel_loop3A_207 : i1 to i32
          %parallel_loop3A_209 = arith.subi %parallel_loop3A_205, %parallel_loop3A_208 : i32
          %parallel_loop3A_210 = arith.constant 0 : i32
          %parallel_loop3A_211 = arith.cmpi sgt, %parallel_loop3A_201, %parallel_loop3A_210 : i32
          %parallel_loop3A_212 = arith.extui %parallel_loop3A_211 : i1 to i32
          %parallel_loop3A_213 = arith.constant 0 : i32
          %parallel_loop3A_214 = arith.cmpi slt, %parallel_loop3A_201, %parallel_loop3A_213 : i32
          %parallel_loop3A_215 = arith.extui %parallel_loop3A_214 : i1 to i32
          %parallel_loop3A_216 = arith.subi %parallel_loop3A_212, %parallel_loop3A_215 : i32
          %parallel_loop3A_217 = arith.cmpi ne, %parallel_loop3A_209, %parallel_loop3A_216 : i32
          %parallel_loop3A_218 = arith.remsi %parallel_loop3A_200, %parallel_loop3A_201 : i32
          %parallel_loop3A_219 = arith.constant 0 : i32
          %parallel_loop3A_220 = arith.cmpi ne, %parallel_loop3A_218, %parallel_loop3A_219 : i32
          %parallel_loop3A_221 = arith.andi %parallel_loop3A_217, %parallel_loop3A_220 : i1
          %parallel_loop3A_222 = arith.constant 1 : i32
          %parallel_loop3A_223 = arith.subi %parallel_loop3A_202, %parallel_loop3A_222 : i32
          %parallel_loop3A_224 = arith.select %parallel_loop3A_221, %parallel_loop3A_223, %parallel_loop3A_202 : i32
          %parallel_loop3A_225 = arith.constant 4 : i32
          %parallel_loop3A_226 = arith.constant 0 : i32
          %parallel_loop3A_227 = arith.cmpi eq, %parallel_loop3A_225, %parallel_loop3A_226 : i32
          %parallel_loop3A_228 = arith.constant 1 : i32
          %parallel_loop3A_229 = arith.select %parallel_loop3A_227, %parallel_loop3A_228, %parallel_loop3A_225 : i32
          %parallel_loop3A_230 = arith.remsi %parallel_loop3A_200, %parallel_loop3A_229 : i32
          %parallel_loop3A_231 = arith.constant 0 : i32
          %parallel_loop3A_232 = arith.cmpi ne, %parallel_loop3A_230, %parallel_loop3A_231 : i32
          %parallel_loop3A_233 = arith.constant 0 : i32
          %parallel_loop3A_234 = arith.cmpi slt, %parallel_loop3A_230, %parallel_loop3A_233 : i32
          %parallel_loop3A_235 = arith.constant 0 : i32
          %parallel_loop3A_236 = arith.cmpi slt, %parallel_loop3A_229, %parallel_loop3A_235 : i32
          %parallel_loop3A_237 = arith.xori %parallel_loop3A_234, %parallel_loop3A_236 : i1
          %parallel_loop3A_238 = arith.andi %parallel_loop3A_237, %parallel_loop3A_232 : i1
          %parallel_loop3A_239 = arith.addi %parallel_loop3A_230, %parallel_loop3A_229 : i32
          %parallel_loop3A_240 = arith.select %parallel_loop3A_238, %parallel_loop3A_239, %parallel_loop3A_230 : i32
          %parallel_loop3A_241 = arith.constant 16 : i32
          %parallel_loop3A_242 = arith.muli %parallel_loop3A_240, %parallel_loop3A_241 : i32
          %parallel_loop3A_243 = arith.constant 0 : i32
          %parallel_loop3A_244 = arith.addi %parallel_loop3A_243, %parallel_loop3A_224 : i32
          %parallel_loop3A_245 = arith.constant 0 : i32
          %parallel_loop3A_246 = arith.addi %parallel_loop3A_245, %parallel_loop3A_242 : i32
          %parallel_loop3A_247 = arith.index_cast %parallel_loop3A_244 : i32 to index
          %parallel_loop3A_248 = arith.index_cast %parallel_loop3A_246 : i32 to index
          %parallel_loop3A_249 = tpu.vector_load %arg5[%parallel_loop3A_247, %parallel_loop3A_248] {strides = array<i32>} : memref<32x576xf32, #tpu.memory_space<vmem>>, vector<1x16xf32>,
          %parallel_loop3A_250 = vector.shape_cast %parallel_loop3A_249 : vector<1x16xf32> to vector<16xf32>
          %parallel_loop3A_251 = arith.constant 0 : i32
          %parallel_loop3A_252 = arith.addi %parallel_loop3A_251, %parallel_loop3A_224 : i32
          %parallel_loop3A_253 = arith.constant 64 : i32
          %parallel_loop3A_254 = arith.addi %parallel_loop3A_253, %parallel_loop3A_242 : i32
          %parallel_loop3A_255 = arith.index_cast %parallel_loop3A_252 : i32 to index
          %parallel_loop3A_256 = arith.index_cast %parallel_loop3A_254 : i32 to index
          %parallel_loop3A_257 = tpu.vector_load %arg5[%parallel_loop3A_255, %parallel_loop3A_256] {strides = array<i32>} : memref<32x576xf32, #tpu.memory_space<vmem>>, vector<1x16xf32>,
          %parallel_loop3A_258 = vector.shape_cast %parallel_loop3A_257 : vector<1x16xf32> to vector<16xf32>
          %parallel_loop3A_259 = arith.constant 0 : i32
          %parallel_loop3A_260 = arith.addi %parallel_loop3A_259, %parallel_loop3A_224 : i32
          %parallel_loop3A_261 = arith.constant 128 : i32
          %parallel_loop3A_262 = arith.addi %parallel_loop3A_261, %parallel_loop3A_242 : i32
          %parallel_loop3A_263 = arith.index_cast %parallel_loop3A_260 : i32 to index
          %parallel_loop3A_264 = arith.index_cast %parallel_loop3A_262 : i32 to index
          %parallel_loop3A_265 = tpu.vector_load %arg5[%parallel_loop3A_263, %parallel_loop3A_264] {strides = array<i32>} : memref<32x576xf32, #tpu.memory_space<vmem>>, vector<1x16xf32>,
          %parallel_loop3A_266 = vector.shape_cast %parallel_loop3A_265 : vector<1x16xf32> to vector<16xf32>
          %parallel_loop3A_267 = arith.constant 0 : i32
          %parallel_loop3A_268 = arith.addi %parallel_loop3A_267, %parallel_loop3A_224 : i32
          %parallel_loop3A_269 = arith.constant 192 : i32
          %parallel_loop3A_270 = arith.addi %parallel_loop3A_269, %parallel_loop3A_242 : i32
          %parallel_loop3A_271 = arith.index_cast %parallel_loop3A_268 : i32 to index
          %parallel_loop3A_272 = arith.index_cast %parallel_loop3A_270 : i32 to index
          %parallel_loop3A_273 = tpu.vector_load %arg5[%parallel_loop3A_271, %parallel_loop3A_272] {strides = array<i32>} : memref<32x576xf32, #tpu.memory_space<vmem>>, vector<1x16xf32>,
          %parallel_loop3A_274 = vector.shape_cast %parallel_loop3A_273 : vector<1x16xf32> to vector<16xf32>
          %parallel_loop3A_275 = arith.constant 0 : i32
          %parallel_loop3A_276 = arith.addi %parallel_loop3A_275, %parallel_loop3A_224 : i32
          %parallel_loop3A_277 = arith.constant 256 : i32
          %parallel_loop3A_278 = arith.addi %parallel_loop3A_277, %parallel_loop3A_242 : i32
          %parallel_loop3A_279 = arith.index_cast %parallel_loop3A_276 : i32 to index
          %parallel_loop3A_280 = arith.index_cast %parallel_loop3A_278 : i32 to index
          %parallel_loop3A_281 = tpu.vector_load %arg5[%parallel_loop3A_279, %parallel_loop3A_280] {strides = array<i32>} : memref<32x576xf32, #tpu.memory_space<vmem>>, vector<1x16xf32>,
          %parallel_loop3A_282 = vector.shape_cast %parallel_loop3A_281 : vector<1x16xf32> to vector<16xf32>
          %parallel_loop3A_283 = arith.constant 0 : i32
          %parallel_loop3A_284 = arith.addi %parallel_loop3A_283, %parallel_loop3A_224 : i32
          %parallel_loop3A_285 = arith.constant 320 : i32
          %parallel_loop3A_286 = arith.addi %parallel_loop3A_285, %parallel_loop3A_242 : i32
          %parallel_loop3A_287 = arith.index_cast %parallel_loop3A_284 : i32 to index
          %parallel_loop3A_288 = arith.index_cast %parallel_loop3A_286 : i32 to index
          %parallel_loop3A_289 = tpu.vector_load %arg5[%parallel_loop3A_287, %parallel_loop3A_288] {strides = array<i32>} : memref<32x576xf32, #tpu.memory_space<vmem>>, vector<1x16xf32>,
          %parallel_loop3A_290 = vector.shape_cast %parallel_loop3A_289 : vector<1x16xf32> to vector<16xf32>
          %parallel_loop3A_291 = arith.constant 0 : i32
          %parallel_loop3A_292 = arith.addi %parallel_loop3A_291, %parallel_loop3A_224 : i32
          %parallel_loop3A_293 = arith.constant 384 : i32
          %parallel_loop3A_294 = arith.addi %parallel_loop3A_293, %parallel_loop3A_242 : i32
          %parallel_loop3A_295 = arith.index_cast %parallel_loop3A_292 : i32 to index
          %parallel_loop3A_296 = arith.index_cast %parallel_loop3A_294 : i32 to index
          %parallel_loop3A_297 = tpu.vector_load %arg5[%parallel_loop3A_295, %parallel_loop3A_296] {strides = array<i32>} : memref<32x576xf32, #tpu.memory_space<vmem>>, vector<1x16xf32>,
          %parallel_loop3A_298 = vector.shape_cast %parallel_loop3A_297 : vector<1x16xf32> to vector<16xf32>
          %parallel_loop3A_299 = arith.constant 0 : i32
          %parallel_loop3A_300 = arith.addi %parallel_loop3A_299, %parallel_loop3A_224 : i32
          %parallel_loop3A_301 = arith.constant 448 : i32
          %parallel_loop3A_302 = arith.addi %parallel_loop3A_301, %parallel_loop3A_242 : i32
          %parallel_loop3A_303 = arith.index_cast %parallel_loop3A_300 : i32 to index
          %parallel_loop3A_304 = arith.index_cast %parallel_loop3A_302 : i32 to index
          %parallel_loop3A_305 = tpu.vector_load %arg5[%parallel_loop3A_303, %parallel_loop3A_304] {strides = array<i32>} : memref<32x576xf32, #tpu.memory_space<vmem>>, vector<1x16xf32>,
          %parallel_loop3A_306 = vector.shape_cast %parallel_loop3A_305 : vector<1x16xf32> to vector<16xf32>
          %parallel_loop3A_307 = arith.constant 0 : i32
          %parallel_loop3A_308 = arith.addi %parallel_loop3A_307, %parallel_loop3A_224 : i32
          %parallel_loop3A_309 = arith.constant 512 : i32
          %parallel_loop3A_310 = arith.addi %parallel_loop3A_309, %parallel_loop3A_242 : i32
          %parallel_loop3A_311 = arith.index_cast %parallel_loop3A_308 : i32 to index
          %parallel_loop3A_312 = arith.index_cast %parallel_loop3A_310 : i32 to index
          %parallel_loop3A_313 = tpu.vector_load %arg5[%parallel_loop3A_311, %parallel_loop3A_312] {strides = array<i32>} : memref<32x576xf32, #tpu.memory_space<vmem>>, vector<1x16xf32>,
          %parallel_loop3A_314 = vector.shape_cast %parallel_loop3A_313 : vector<1x16xf32> to vector<16xf32>
          %parallel_loop3A_315 = arith.constant 0 : i32
          %parallel_loop3A_316 = arith.addi %parallel_loop3A_315, %parallel_loop3A_224 : i32
          %parallel_loop3A_317 = arith.constant 0 : i32
          %parallel_loop3A_318 = arith.addi %parallel_loop3A_317, %parallel_loop3A_242 : i32
          %parallel_loop3A_319 = arith.index_cast %parallel_loop3A_316 : i32 to index
          %parallel_loop3A_320 = arith.index_cast %parallel_loop3A_318 : i32 to index
          %parallel_loop3A_321 = tpu.vector_load %arg6[%parallel_loop3A_319, %parallel_loop3A_320] {strides = array<i32>} : memref<32x576xf32, #tpu.memory_space<vmem>>, vector<1x16xf32>,
          %parallel_loop3A_322 = vector.shape_cast %parallel_loop3A_321 : vector<1x16xf32> to vector<16xf32>
          %parallel_loop3A_323 = arith.constant 0 : i32
          %parallel_loop3A_324 = arith.addi %parallel_loop3A_323, %parallel_loop3A_224 : i32
          %parallel_loop3A_325 = arith.constant 64 : i32
          %parallel_loop3A_326 = arith.addi %parallel_loop3A_325, %parallel_loop3A_242 : i32
          %parallel_loop3A_327 = arith.index_cast %parallel_loop3A_324 : i32 to index
          %parallel_loop3A_328 = arith.index_cast %parallel_loop3A_326 : i32 to index
          %parallel_loop3A_329 = tpu.vector_load %arg6[%parallel_loop3A_327, %parallel_loop3A_328] {strides = array<i32>} : memref<32x576xf32, #tpu.memory_space<vmem>>, vector<1x16xf32>,
          %parallel_loop3A_330 = vector.shape_cast %parallel_loop3A_329 : vector<1x16xf32> to vector<16xf32>
          %parallel_loop3A_331 = arith.constant 0 : i32
          %parallel_loop3A_332 = arith.addi %parallel_loop3A_331, %parallel_loop3A_224 : i32
          %parallel_loop3A_333 = arith.constant 128 : i32
          %parallel_loop3A_334 = arith.addi %parallel_loop3A_333, %parallel_loop3A_242 : i32
          %parallel_loop3A_335 = arith.index_cast %parallel_loop3A_332 : i32 to index
          %parallel_loop3A_336 = arith.index_cast %parallel_loop3A_334 : i32 to index
          %parallel_loop3A_337 = tpu.vector_load %arg6[%parallel_loop3A_335, %parallel_loop3A_336] {strides = array<i32>} : memref<32x576xf32, #tpu.memory_space<vmem>>, vector<1x16xf32>,
          %parallel_loop3A_338 = vector.shape_cast %parallel_loop3A_337 : vector<1x16xf32> to vector<16xf32>
          %parallel_loop3A_339 = arith.constant 0 : i32
          %parallel_loop3A_340 = arith.addi %parallel_loop3A_339, %parallel_loop3A_224 : i32
          %parallel_loop3A_341 = arith.constant 192 : i32
          %parallel_loop3A_342 = arith.addi %parallel_loop3A_341, %parallel_loop3A_242 : i32
          %parallel_loop3A_343 = arith.index_cast %parallel_loop3A_340 : i32 to index
          %parallel_loop3A_344 = arith.index_cast %parallel_loop3A_342 : i32 to index
          %parallel_loop3A_345 = tpu.vector_load %arg6[%parallel_loop3A_343, %parallel_loop3A_344] {strides = array<i32>} : memref<32x576xf32, #tpu.memory_space<vmem>>, vector<1x16xf32>,
          %parallel_loop3A_346 = vector.shape_cast %parallel_loop3A_345 : vector<1x16xf32> to vector<16xf32>
          %parallel_loop3A_347 = arith.constant 0 : i32
          %parallel_loop3A_348 = arith.addi %parallel_loop3A_347, %parallel_loop3A_224 : i32
          %parallel_loop3A_349 = arith.constant 256 : i32
          %parallel_loop3A_350 = arith.addi %parallel_loop3A_349, %parallel_loop3A_242 : i32
          %parallel_loop3A_351 = arith.index_cast %parallel_loop3A_348 : i32 to index
          %parallel_loop3A_352 = arith.index_cast %parallel_loop3A_350 : i32 to index
          %parallel_loop3A_353 = tpu.vector_load %arg6[%parallel_loop3A_351, %parallel_loop3A_352] {strides = array<i32>} : memref<32x576xf32, #tpu.memory_space<vmem>>, vector<1x16xf32>,
          %parallel_loop3A_354 = vector.shape_cast %parallel_loop3A_353 : vector<1x16xf32> to vector<16xf32>
          %parallel_loop3A_355 = arith.constant 0 : i32
          %parallel_loop3A_356 = arith.addi %parallel_loop3A_355, %parallel_loop3A_224 : i32
          %parallel_loop3A_357 = arith.constant 320 : i32
          %parallel_loop3A_358 = arith.addi %parallel_loop3A_357, %parallel_loop3A_242 : i32
          %parallel_loop3A_359 = arith.index_cast %parallel_loop3A_356 : i32 to index
          %parallel_loop3A_360 = arith.index_cast %parallel_loop3A_358 : i32 to index
          %parallel_loop3A_361 = tpu.vector_load %arg6[%parallel_loop3A_359, %parallel_loop3A_360] {strides = array<i32>} : memref<32x576xf32, #tpu.memory_space<vmem>>, vector<1x16xf32>,
          %parallel_loop3A_362 = vector.shape_cast %parallel_loop3A_361 : vector<1x16xf32> to vector<16xf32>
          %parallel_loop3A_363 = arith.constant 0 : i32
          %parallel_loop3A_364 = arith.addi %parallel_loop3A_363, %parallel_loop3A_224 : i32
          %parallel_loop3A_365 = arith.constant 384 : i32
          %parallel_loop3A_366 = arith.addi %parallel_loop3A_365, %parallel_loop3A_242 : i32
          %parallel_loop3A_367 = arith.index_cast %parallel_loop3A_364 : i32 to index
          %parallel_loop3A_368 = arith.index_cast %parallel_loop3A_366 : i32 to index
          %parallel_loop3A_369 = tpu.vector_load %arg6[%parallel_loop3A_367, %parallel_loop3A_368] {strides = array<i32>} : memref<32x576xf32, #tpu.memory_space<vmem>>, vector<1x16xf32>,
          %parallel_loop3A_370 = vector.shape_cast %parallel_loop3A_369 : vector<1x16xf32> to vector<16xf32>
          %parallel_loop3A_371 = arith.constant 0 : i32
          %parallel_loop3A_372 = arith.addi %parallel_loop3A_371, %parallel_loop3A_224 : i32
          %parallel_loop3A_373 = arith.constant 448 : i32
          %parallel_loop3A_374 = arith.addi %parallel_loop3A_373, %parallel_loop3A_242 : i32
          %parallel_loop3A_375 = arith.index_cast %parallel_loop3A_372 : i32 to index
          %parallel_loop3A_376 = arith.index_cast %parallel_loop3A_374 : i32 to index
          %parallel_loop3A_377 = tpu.vector_load %arg6[%parallel_loop3A_375, %parallel_loop3A_376] {strides = array<i32>} : memref<32x576xf32, #tpu.memory_space<vmem>>, vector<1x16xf32>,
          %parallel_loop3A_378 = vector.shape_cast %parallel_loop3A_377 : vector<1x16xf32> to vector<16xf32>
          %parallel_loop3A_379 = arith.constant 0 : i32
          %parallel_loop3A_380 = arith.addi %parallel_loop3A_379, %parallel_loop3A_224 : i32
          %parallel_loop3A_381 = arith.constant 512 : i32
          %parallel_loop3A_382 = arith.addi %parallel_loop3A_381, %parallel_loop3A_242 : i32
          %parallel_loop3A_383 = arith.index_cast %parallel_loop3A_380 : i32 to index
          %parallel_loop3A_384 = arith.index_cast %parallel_loop3A_382 : i32 to index
          %parallel_loop3A_385 = tpu.vector_load %arg6[%parallel_loop3A_383, %parallel_loop3A_384] {strides = array<i32>} : memref<32x576xf32, #tpu.memory_space<vmem>>, vector<1x16xf32>,
          %parallel_loop3A_386 = vector.shape_cast %parallel_loop3A_385 : vector<1x16xf32> to vector<16xf32>
          %parallel_loop3A_387 = arith.mulf %parallel_loop3A_250, %parallel_loop3A_322 : vector<16xf32>
          %parallel_loop3A_388 = arith.mulf %parallel_loop3A_258, %parallel_loop3A_330 : vector<16xf32>
          %parallel_loop3A_389 = arith.mulf %parallel_loop3A_266, %parallel_loop3A_338 : vector<16xf32>
          %parallel_loop3A_390 = arith.addf %parallel_loop3A_388, %parallel_loop3A_389 : vector<16xf32>
          %parallel_loop3A_391 = arith.mulf %parallel_loop3A_274, %parallel_loop3A_346 : vector<16xf32>
          %parallel_loop3A_392 = arith.addf %parallel_loop3A_390, %parallel_loop3A_391 : vector<16xf32>
          %parallel_loop3A_393 = arith.constant -0.577350259 : f32
          %parallel_loop3A_394 = vector.broadcast %parallel_loop3A_393 : f32 to vector<16xf32>
          %parallel_loop3A_395 = arith.mulf %parallel_loop3A_392, %parallel_loop3A_394 : vector<16xf32>
          %parallel_loop3A_396 = arith.addf %parallel_loop3A_387, %parallel_loop3A_395 : vector<16xf32>
          %parallel_loop3A_397 = arith.mulf %parallel_loop3A_282, %parallel_loop3A_354 : vector<16xf32>
          %parallel_loop3A_398 = arith.mulf %parallel_loop3A_290, %parallel_loop3A_362 : vector<16xf32>
          %parallel_loop3A_399 = arith.addf %parallel_loop3A_397, %parallel_loop3A_398 : vector<16xf32>
          %parallel_loop3A_400 = arith.mulf %parallel_loop3A_298, %parallel_loop3A_370 : vector<16xf32>
          %parallel_loop3A_401 = arith.addf %parallel_loop3A_399, %parallel_loop3A_400 : vector<16xf32>
          %parallel_loop3A_402 = arith.mulf %parallel_loop3A_306, %parallel_loop3A_378 : vector<16xf32>
          %parallel_loop3A_403 = arith.addf %parallel_loop3A_401, %parallel_loop3A_402 : vector<16xf32>
          %parallel_loop3A_404 = arith.mulf %parallel_loop3A_314, %parallel_loop3A_386 : vector<16xf32>
          %parallel_loop3A_405 = arith.addf %parallel_loop3A_403, %parallel_loop3A_404 : vector<16xf32>
          %parallel_loop3A_406 = arith.constant 0.44721359 : f32
          %parallel_loop3A_407 = vector.broadcast %parallel_loop3A_406 : f32 to vector<16xf32>
          %parallel_loop3A_408 = arith.mulf %parallel_loop3A_405, %parallel_loop3A_407 : vector<16xf32>
          %parallel_loop3A_409 = arith.addf %parallel_loop3A_396, %parallel_loop3A_408 : vector<16xf32>
          %parallel_loop3A_410 = arith.constant 0 : i32
          %parallel_loop3A_411 = arith.addi %parallel_loop3A_410, %parallel_loop3A_224 : i32
          %parallel_loop3A_412 = arith.constant 0 : i32
          %parallel_loop3A_413 = arith.addi %parallel_loop3A_412, %parallel_loop3A_242 : i32
          %parallel_loop3A_414 = arith.index_cast %parallel_loop3A_411 : i32 to index
          %parallel_loop3A_415 = arith.index_cast %parallel_loop3A_413 : i32 to index
          %parallel_loop3A_416 = tpu.vector_load %arg7[%parallel_loop3A_414, %parallel_loop3A_415] {strides = array<i32>} : memref<32x576xf32, #tpu.memory_space<vmem>>, vector<1x16xf32>,
          %parallel_loop3A_417 = vector.shape_cast %parallel_loop3A_416 : vector<1x16xf32> to vector<16xf32>
          %parallel_loop3A_418 = vector.shape_cast %parallel_loop3A_409 : vector<16xf32> to vector<1x16xf32>
          tpu.vector_store %arg7[%parallel_loop3A_414, %parallel_loop3A_415], %parallel_loop3A_418 {strides = array<i32>} : memref<32x576xf32, #tpu.memory_space<vmem>>, vector<1x16xf32>,
          %parallel_loop3A_419 = arith.mulf %parallel_loop3A_250, %parallel_loop3A_330 : vector<16xf32>
          %parallel_loop3A_420 = arith.mulf %parallel_loop3A_258, %parallel_loop3A_322 : vector<16xf32>
          %parallel_loop3A_421 = arith.addf %parallel_loop3A_419, %parallel_loop3A_420 : vector<16xf32>
          %parallel_loop3A_422 = arith.mulf %parallel_loop3A_258, %parallel_loop3A_370 : vector<16xf32>
          %parallel_loop3A_423 = arith.mulf %parallel_loop3A_298, %parallel_loop3A_330 : vector<16xf32>
          %parallel_loop3A_424 = arith.addf %parallel_loop3A_422, %parallel_loop3A_423 : vector<16xf32>
          %parallel_loop3A_425 = arith.constant 0.316227764 : f32
          %parallel_loop3A_426 = vector.broadcast %parallel_loop3A_425 : f32 to vector<16xf32>
          %parallel_loop3A_427 = arith.mulf %parallel_loop3A_424, %parallel_loop3A_426 : vector<16xf32>
          %parallel_loop3A_428 = arith.addf %parallel_loop3A_421, %parallel_loop3A_427 : vector<16xf32>
          %parallel_loop3A_429 = arith.mulf %parallel_loop3A_258, %parallel_loop3A_386 : vector<16xf32>
          %parallel_loop3A_430 = arith.mulf %parallel_loop3A_266, %parallel_loop3A_362 : vector<16xf32>
          %parallel_loop3A_431 = arith.subf %parallel_loop3A_429, %parallel_loop3A_430 : vector<16xf32>
          %parallel_loop3A_432 = arith.mulf %parallel_loop3A_274, %parallel_loop3A_354 : vector<16xf32>
          %parallel_loop3A_433 = arith.subf %parallel_loop3A_431, %parallel_loop3A_432 : vector<16xf32>
          %parallel_loop3A_434 = arith.mulf %parallel_loop3A_282, %parallel_loop3A_346 : vector<16xf32>
          %parallel_loop3A_435 = arith.subf %parallel_loop3A_433, %parallel_loop3A_434 : vector<16xf32>
          %parallel_loop3A_436 = arith.mulf %parallel_loop3A_290, %parallel_loop3A_338 : vector<16xf32>
          %parallel_loop3A_437 = arith.subf %parallel_loop3A_435, %parallel_loop3A_436 : vector<16xf32>
          %parallel_loop3A_438 = arith.mulf %parallel_loop3A_314, %parallel_loop3A_330 : vector<16xf32>
          %parallel_loop3A_439 = arith.addf %parallel_loop3A_437, %parallel_loop3A_438 : vector<16xf32>
          %parallel_loop3A_440 = arith.constant 0.547722578 : f32
          %parallel_loop3A_441 = vector.broadcast %parallel_loop3A_440 : f32 to vector<16xf32>
          %parallel_loop3A_442 = arith.mulf %parallel_loop3A_439, %parallel_loop3A_441 : vector<16xf32>
          %parallel_loop3A_443 = arith.addf %parallel_loop3A_428, %parallel_loop3A_442 : vector<16xf32>
          %parallel_loop3A_444 = arith.constant 0 : i32
          %parallel_loop3A_445 = arith.addi %parallel_loop3A_444, %parallel_loop3A_224 : i32
          %parallel_loop3A_446 = arith.constant 64 : i32
          %parallel_loop3A_447 = arith.addi %parallel_loop3A_446, %parallel_loop3A_242 : i32
          %parallel_loop3A_448 = arith.index_cast %parallel_loop3A_445 : i32 to index
          %parallel_loop3A_449 = arith.index_cast %parallel_loop3A_447 : i32 to index
          %parallel_loop3A_450 = tpu.vector_load %arg7[%parallel_loop3A_448, %parallel_loop3A_449] {strides = array<i32>} : memref<32x576xf32, #tpu.memory_space<vmem>>, vector<1x16xf32>,
          %parallel_loop3A_451 = vector.shape_cast %parallel_loop3A_450 : vector<1x16xf32> to vector<16xf32>
          %parallel_loop3A_452 = vector.shape_cast %parallel_loop3A_443 : vector<16xf32> to vector<1x16xf32>
          tpu.vector_store %arg7[%parallel_loop3A_448, %parallel_loop3A_449], %parallel_loop3A_452 {strides = array<i32>} : memref<32x576xf32, #tpu.memory_space<vmem>>, vector<1x16xf32>,
          %parallel_loop3A_453 = arith.mulf %parallel_loop3A_250, %parallel_loop3A_338 : vector<16xf32>
          %parallel_loop3A_454 = arith.mulf %parallel_loop3A_266, %parallel_loop3A_322 : vector<16xf32>
          %parallel_loop3A_455 = arith.addf %parallel_loop3A_453, %parallel_loop3A_454 : vector<16xf32>
          %parallel_loop3A_456 = arith.mulf %parallel_loop3A_258, %parallel_loop3A_362 : vector<16xf32>
          %parallel_loop3A_457 = arith.mulf %parallel_loop3A_274, %parallel_loop3A_378 : vector<16xf32>
          %parallel_loop3A_458 = arith.addf %parallel_loop3A_456, %parallel_loop3A_457 : vector<16xf32>
          %parallel_loop3A_459 = arith.mulf %parallel_loop3A_290, %parallel_loop3A_330 : vector<16xf32>
          %parallel_loop3A_460 = arith.addf %parallel_loop3A_458, %parallel_loop3A_459 : vector<16xf32>
          %parallel_loop3A_461 = arith.mulf %parallel_loop3A_306, %parallel_loop3A_346 : vector<16xf32>
          %parallel_loop3A_462 = arith.addf %parallel_loop3A_460, %parallel_loop3A_461 : vector<16xf32>
          %parallel_loop3A_463 = arith.constant -0.547722578 : f32
          %parallel_loop3A_464 = vector.broadcast %parallel_loop3A_463 : f32 to vector<16xf32>
          %parallel_loop3A_465 = arith.mulf %parallel_loop3A_462, %parallel_loop3A_464 : vector<16xf32>
          %parallel_loop3A_466 = arith.addf %parallel_loop3A_455, %parallel_loop3A_465 : vector<16xf32>
          %parallel_loop3A_467 = arith.mulf %parallel_loop3A_266, %parallel_loop3A_370 : vector<16xf32>
          %parallel_loop3A_468 = arith.mulf %parallel_loop3A_298, %parallel_loop3A_338 : vector<16xf32>
          %parallel_loop3A_469 = arith.addf %parallel_loop3A_467, %parallel_loop3A_468 : vector<16xf32>
          %parallel_loop3A_470 = arith.constant -0.632455527 : f32
          %parallel_loop3A_471 = vector.broadcast %parallel_loop3A_470 : f32 to vector<16xf32>
          %parallel_loop3A_472 = arith.mulf %parallel_loop3A_469, %parallel_loop3A_471 : vector<16xf32>
          %parallel_loop3A_473 = arith.addf %parallel_loop3A_466, %parallel_loop3A_472 : vector<16xf32>
          %parallel_loop3A_474 = arith.constant 0 : i32
          %parallel_loop3A_475 = arith.addi %parallel_loop3A_474, %parallel_loop3A_224 : i32
          %parallel_loop3A_476 = arith.constant 128 : i32
          %parallel_loop3A_477 = arith.addi %parallel_loop3A_476, %parallel_loop3A_242 : i32
          %parallel_loop3A_478 = arith.index_cast %parallel_loop3A_475 : i32 to index
          %parallel_loop3A_479 = arith.index_cast %parallel_loop3A_477 : i32 to index
          %parallel_loop3A_480 = tpu.vector_load %arg7[%parallel_loop3A_478, %parallel_loop3A_479] {strides = array<i32>} : memref<32x576xf32, #tpu.memory_space<vmem>>, vector<1x16xf32>,
          %parallel_loop3A_481 = vector.shape_cast %parallel_loop3A_480 : vector<1x16xf32> to vector<16xf32>
          %parallel_loop3A_482 = vector.shape_cast %parallel_loop3A_473 : vector<16xf32> to vector<1x16xf32>
          tpu.vector_store %arg7[%parallel_loop3A_478, %parallel_loop3A_479], %parallel_loop3A_482 {strides = array<i32>} : memref<32x576xf32, #tpu.memory_space<vmem>>, vector<1x16xf32>,
          %parallel_loop3A_483 = arith.mulf %parallel_loop3A_250, %parallel_loop3A_346 : vector<16xf32>
          %parallel_loop3A_484 = arith.mulf %parallel_loop3A_274, %parallel_loop3A_322 : vector<16xf32>
          %parallel_loop3A_485 = arith.addf %parallel_loop3A_483, %parallel_loop3A_484 : vector<16xf32>
          %parallel_loop3A_486 = arith.mulf %parallel_loop3A_258, %parallel_loop3A_354 : vector<16xf32>
          %parallel_loop3A_487 = arith.mulf %parallel_loop3A_266, %parallel_loop3A_378 : vector<16xf32>
          %parallel_loop3A_488 = arith.addf %parallel_loop3A_486, %parallel_loop3A_487 : vector<16xf32>
          %parallel_loop3A_489 = arith.mulf %parallel_loop3A_274, %parallel_loop3A_386 : vector<16xf32>
          %parallel_loop3A_490 = arith.addf %parallel_loop3A_488, %parallel_loop3A_489 : vector<16xf32>
          %parallel_loop3A_491 = arith.mulf %parallel_loop3A_282, %parallel_loop3A_330 : vector<16xf32>
          %parallel_loop3A_492 = arith.addf %parallel_loop3A_490, %parallel_loop3A_491 : vector<16xf32>
          %parallel_loop3A_493 = arith.mulf %parallel_loop3A_306, %parallel_loop3A_338 : vector<16xf32>
          %parallel_loop3A_494 = arith.addf %parallel_loop3A_492, %parallel_loop3A_493 : vector<16xf32>
          %parallel_loop3A_495 = arith.mulf %parallel_loop3A_314, %parallel_loop3A_346 : vector<16xf32>
          %parallel_loop3A_496 = arith.addf %parallel_loop3A_494, %parallel_loop3A_495 : vector<16xf32>
          %parallel_loop3A_497 = arith.constant -0.547722578 : f32
          %parallel_loop3A_498 = vector.broadcast %parallel_loop3A_497 : f32 to vector<16xf32>
          %parallel_loop3A_499 = arith.mulf %parallel_loop3A_496, %parallel_loop3A_498 : vector<16xf32>
          %parallel_loop3A_500 = arith.addf %parallel_loop3A_485, %parallel_loop3A_499 : vector<16xf32>
          %parallel_loop3A_501 = arith.mulf %parallel_loop3A_274, %parallel_loop3A_370 : vector<16xf32>
          %parallel_loop3A_502 = arith.mulf %parallel_loop3A_298, %parallel_loop3A_346 : vector<16xf32>
          %parallel_loop3A_503 = arith.addf %parallel_loop3A_501, %parallel_loop3A_502 : vector<16xf32>
          %parallel_loop3A_504 = arith.constant 0.316227764 : f32
          %parallel_loop3A_505 = vector.broadcast %parallel_loop3A_504 : f32 to vector<16xf32>
          %parallel_loop3A_506 = arith.mulf %parallel_loop3A_503, %parallel_loop3A_505 : vector<16xf32>
          %parallel_loop3A_507 = arith.addf %parallel_loop3A_500, %parallel_loop3A_506 : vector<16xf32>
          %parallel_loop3A_508 = arith.constant 0 : i32
          %parallel_loop3A_509 = arith.addi %parallel_loop3A_508, %parallel_loop3A_224 : i32
          %parallel_loop3A_510 = arith.constant 192 : i32
          %parallel_loop3A_511 = arith.addi %parallel_loop3A_510, %parallel_loop3A_242 : i32
          %parallel_loop3A_512 = arith.index_cast %parallel_loop3A_509 : i32 to index
          %parallel_loop3A_513 = arith.index_cast %parallel_loop3A_511 : i32 to index
          %parallel_loop3A_514 = tpu.vector_load %arg7[%parallel_loop3A_512, %parallel_loop3A_513] {strides = array<i32>} : memref<32x576xf32, #tpu.memory_space<vmem>>, vector<1x16xf32>,
          %parallel_loop3A_515 = vector.shape_cast %parallel_loop3A_514 : vector<1x16xf32> to vector<16xf32>
          %parallel_loop3A_516 = vector.shape_cast %parallel_loop3A_507 : vector<16xf32> to vector<1x16xf32>
          tpu.vector_store %arg7[%parallel_loop3A_512, %parallel_loop3A_513], %parallel_loop3A_516 {strides = array<i32>} : memref<32x576xf32, #tpu.memory_space<vmem>>, vector<1x16xf32>,
          %parallel_loop3A_517 = arith.mulf %parallel_loop3A_250, %parallel_loop3A_354 : vector<16xf32>
          %parallel_loop3A_518 = arith.mulf %parallel_loop3A_282, %parallel_loop3A_322 : vector<16xf32>
          %parallel_loop3A_519 = arith.addf %parallel_loop3A_517, %parallel_loop3A_518 : vector<16xf32>
          %parallel_loop3A_520 = arith.mulf %parallel_loop3A_258, %parallel_loop3A_346 : vector<16xf32>
          %parallel_loop3A_521 = arith.mulf %parallel_loop3A_274, %parallel_loop3A_330 : vector<16xf32>
          %parallel_loop3A_522 = arith.addf %parallel_loop3A_520, %parallel_loop3A_521 : vector<16xf32>
          %parallel_loop3A_523 = arith.constant 0.707106769 : f32
          %parallel_loop3A_524 = vector.broadcast %parallel_loop3A_523 : f32 to vector<16xf32>
          %parallel_loop3A_525 = arith.mulf %parallel_loop3A_522, %parallel_loop3A_524 : vector<16xf32>
          %parallel_loop3A_526 = arith.addf %parallel_loop3A_519, %parallel_loop3A_525 : vector<16xf32>
          %parallel_loop3A_527 = arith.mulf %parallel_loop3A_282, %parallel_loop3A_370 : vector<16xf32>
          %parallel_loop3A_528 = arith.mulf %parallel_loop3A_298, %parallel_loop3A_354 : vector<16xf32>
          %parallel_loop3A_529 = arith.addf %parallel_loop3A_527, %parallel_loop3A_528 : vector<16xf32>
          %parallel_loop3A_530 = arith.constant 0.534522474 : f32
          %parallel_loop3A_531 = vector.broadcast %parallel_loop3A_530 : f32 to vector<16xf32>
          %parallel_loop3A_532 = arith.mulf %parallel_loop3A_529, %parallel_loop3A_531 : vector<16xf32>
          %parallel_loop3A_533 = arith.addf %parallel_loop3A_526, %parallel_loop3A_532 : vector<16xf32>
          %parallel_loop3A_534 = arith.mulf %parallel_loop3A_290, %parallel_loop3A_378 : vector<16xf32>
          %parallel_loop3A_535 = arith.mulf %parallel_loop3A_306, %parallel_loop3A_362 : vector<16xf32>
          %parallel_loop3A_536 = arith.addf %parallel_loop3A_534, %parallel_loop3A_535 : vector<16xf32>
          %parallel_loop3A_537 = arith.constant -0.462910056 : f32
          %parallel_loop3A_538 = vector.broadcast %parallel_loop3A_537 : f32 to vector<16xf32>
          %parallel_loop3A_539 = arith.mulf %parallel_loop3A_536, %parallel_loop3A_538 : vector<16xf32>
          %parallel_loop3A_540 = arith.addf %parallel_loop3A_533, %parallel_loop3A_539 : vector<16xf32>
          %parallel_loop3A_541 = arith.constant 0 : i32
          %parallel_loop3A_542 = arith.addi %parallel_loop3A_541, %parallel_loop3A_224 : i32
          %parallel_loop3A_543 = arith.constant 256 : i32
          %parallel_loop3A_544 = arith.addi %parallel_loop3A_543, %parallel_loop3A_242 : i32
          %parallel_loop3A_545 = arith.index_cast %parallel_loop3A_542 : i32 to index
          %parallel_loop3A_546 = arith.index_cast %parallel_loop3A_544 : i32 to index
          %parallel_loop3A_547 = tpu.vector_load %arg7[%parallel_loop3A_545, %parallel_loop3A_546] {strides = array<i32>} : memref<32x576xf32, #tpu.memory_space<vmem>>, vector<1x16xf32>,
          %parallel_loop3A_548 = vector.shape_cast %parallel_loop3A_547 : vector<1x16xf32> to vector<16xf32>
          %parallel_loop3A_549 = vector.shape_cast %parallel_loop3A_540 : vector<16xf32> to vector<1x16xf32>
          tpu.vector_store %arg7[%parallel_loop3A_545, %parallel_loop3A_546], %parallel_loop3A_549 {strides = array<i32>} : memref<32x576xf32, #tpu.memory_space<vmem>>, vector<1x16xf32>,
          %parallel_loop3A_550 = arith.mulf %parallel_loop3A_250, %parallel_loop3A_362 : vector<16xf32>
          %parallel_loop3A_551 = arith.mulf %parallel_loop3A_290, %parallel_loop3A_322 : vector<16xf32>
          %parallel_loop3A_552 = arith.addf %parallel_loop3A_550, %parallel_loop3A_551 : vector<16xf32>
          %parallel_loop3A_553 = arith.mulf %parallel_loop3A_258, %parallel_loop3A_338 : vector<16xf32>
          %parallel_loop3A_554 = arith.mulf %parallel_loop3A_266, %parallel_loop3A_330 : vector<16xf32>
          %parallel_loop3A_555 = arith.addf %parallel_loop3A_553, %parallel_loop3A_554 : vector<16xf32>
          %parallel_loop3A_556 = arith.constant 0.707106769 : f32
          %parallel_loop3A_557 = vector.broadcast %parallel_loop3A_556 : f32 to vector<16xf32>
          %parallel_loop3A_558 = arith.mulf %parallel_loop3A_555, %parallel_loop3A_557 : vector<16xf32>
          %parallel_loop3A_559 = arith.addf %parallel_loop3A_552, %parallel_loop3A_558 : vector<16xf32>
          %parallel_loop3A_560 = arith.mulf %parallel_loop3A_282, %parallel_loop3A_378 : vector<16xf32>
          %parallel_loop3A_561 = arith.mulf %parallel_loop3A_290, %parallel_loop3A_386 : vector<16xf32>
          %parallel_loop3A_562 = arith.subf %parallel_loop3A_560, %parallel_loop3A_561 : vector<16xf32>
          %parallel_loop3A_563 = arith.mulf %parallel_loop3A_306, %parallel_loop3A_354 : vector<16xf32>
          %parallel_loop3A_564 = arith.addf %parallel_loop3A_562, %parallel_loop3A_563 : vector<16xf32>
          %parallel_loop3A_565 = arith.mulf %parallel_loop3A_314, %parallel_loop3A_362 : vector<16xf32>
          %parallel_loop3A_566 = arith.subf %parallel_loop3A_564, %parallel_loop3A_565 : vector<16xf32>
          %parallel_loop3A_567 = arith.constant -0.462910056 : f32
          %parallel_loop3A_568 = vector.broadcast %parallel_loop3A_567 : f32 to vector<16xf32>
          %parallel_loop3A_569 = arith.mulf %parallel_loop3A_566, %parallel_loop3A_568 : vector<16xf32>
          %parallel_loop3A_570 = arith.addf %parallel_loop3A_559, %parallel_loop3A_569 : vector<16xf32>
          %parallel_loop3A_571 = arith.mulf %parallel_loop3A_290, %parallel_loop3A_370 : vector<16xf32>
          %parallel_loop3A_572 = arith.mulf %parallel_loop3A_298, %parallel_loop3A_362 : vector<16xf32>
          %parallel_loop3A_573 = arith.addf %parallel_loop3A_571, %parallel_loop3A_572 : vector<16xf32>
          %parallel_loop3A_574 = arith.constant -0.267261237 : f32
          %parallel_loop3A_575 = vector.broadcast %parallel_loop3A_574 : f32 to vector<16xf32>
          %parallel_loop3A_576 = arith.mulf %parallel_loop3A_573, %parallel_loop3A_575 : vector<16xf32>
          %parallel_loop3A_577 = arith.addf %parallel_loop3A_570, %parallel_loop3A_576 : vector<16xf32>
          %parallel_loop3A_578 = arith.constant 0 : i32
          %parallel_loop3A_579 = arith.addi %parallel_loop3A_578, %parallel_loop3A_224 : i32
          %parallel_loop3A_580 = arith.constant 320 : i32
          %parallel_loop3A_581 = arith.addi %parallel_loop3A_580, %parallel_loop3A_242 : i32
          %parallel_loop3A_582 = arith.index_cast %parallel_loop3A_579 : i32 to index
          %parallel_loop3A_583 = arith.index_cast %parallel_loop3A_581 : i32 to index
          %parallel_loop3A_584 = tpu.vector_load %arg7[%parallel_loop3A_582, %parallel_loop3A_583] {strides = array<i32>} : memref<32x576xf32, #tpu.memory_space<vmem>>, vector<1x16xf32>,
          %parallel_loop3A_585 = vector.shape_cast %parallel_loop3A_584 : vector<1x16xf32> to vector<16xf32>
          %parallel_loop3A_586 = vector.shape_cast %parallel_loop3A_577 : vector<16xf32> to vector<1x16xf32>
          tpu.vector_store %arg7[%parallel_loop3A_582, %parallel_loop3A_583], %parallel_loop3A_586 {strides = array<i32>} : memref<32x576xf32, #tpu.memory_space<vmem>>, vector<1x16xf32>,
          %parallel_loop3A_587 = arith.mulf %parallel_loop3A_250, %parallel_loop3A_370 : vector<16xf32>
          %parallel_loop3A_588 = arith.mulf %parallel_loop3A_298, %parallel_loop3A_322 : vector<16xf32>
          %parallel_loop3A_589 = arith.addf %parallel_loop3A_587, %parallel_loop3A_588 : vector<16xf32>
          %parallel_loop3A_590 = arith.mulf %parallel_loop3A_258, %parallel_loop3A_330 : vector<16xf32>
          %parallel_loop3A_591 = arith.mulf %parallel_loop3A_274, %parallel_loop3A_346 : vector<16xf32>
          %parallel_loop3A_592 = arith.addf %parallel_loop3A_590, %parallel_loop3A_591 : vector<16xf32>
          %parallel_loop3A_593 = arith.constant -0.408248305 : f32
          %parallel_loop3A_594 = vector.broadcast %parallel_loop3A_593 : f32 to vector<16xf32>
          %parallel_loop3A_595 = arith.mulf %parallel_loop3A_592, %parallel_loop3A_594 : vector<16xf32>
          %parallel_loop3A_596 = arith.addf %parallel_loop3A_589, %parallel_loop3A_595 : vector<16xf32>
          %parallel_loop3A_597 = arith.mulf %parallel_loop3A_266, %parallel_loop3A_338 : vector<16xf32>
          %parallel_loop3A_598 = arith.constant 0.816496611 : f32
          %parallel_loop3A_599 = vector.broadcast %parallel_loop3A_598 : f32 to vector<16xf32>
          %parallel_loop3A_600 = arith.mulf %parallel_loop3A_597, %parallel_loop3A_599 : vector<16xf32>
          %parallel_loop3A_601 = arith.addf %parallel_loop3A_596, %parallel_loop3A_600 : vector<16xf32>
          %parallel_loop3A_602 = arith.mulf %parallel_loop3A_282, %parallel_loop3A_354 : vector<16xf32>
          %parallel_loop3A_603 = arith.mulf %parallel_loop3A_298, %parallel_loop3A_370 : vector<16xf32>
          %parallel_loop3A_604 = arith.subf %parallel_loop3A_602, %parallel_loop3A_603 : vector<16xf32>
          %parallel_loop3A_605 = arith.mulf %parallel_loop3A_314, %parallel_loop3A_386 : vector<16xf32>
          %parallel_loop3A_606 = arith.addf %parallel_loop3A_604, %parallel_loop3A_605 : vector<16xf32>
          %parallel_loop3A_607 = arith.constant 0.534522474 : f32
          %parallel_loop3A_608 = vector.broadcast %parallel_loop3A_607 : f32 to vector<16xf32>
          %parallel_loop3A_609 = arith.mulf %parallel_loop3A_606, %parallel_loop3A_608 : vector<16xf32>
          %parallel_loop3A_610 = arith.addf %parallel_loop3A_601, %parallel_loop3A_609 : vector<16xf32>
          %parallel_loop3A_611 = arith.mulf %parallel_loop3A_290, %parallel_loop3A_362 : vector<16xf32>
          %parallel_loop3A_612 = arith.mulf %parallel_loop3A_306, %parallel_loop3A_378 : vector<16xf32>
          %parallel_loop3A_613 = arith.addf %parallel_loop3A_611, %parallel_loop3A_612 : vector<16xf32>
          %parallel_loop3A_614 = arith.constant -0.267261237 : f32
          %parallel_loop3A_615 = vector.broadcast %parallel_loop3A_614 : f32 to vector<16xf32>
          %parallel_loop3A_616 = arith.mulf %parallel_loop3A_613, %parallel_loop3A_615 : vector<16xf32>
          %parallel_loop3A_617 = arith.addf %parallel_loop3A_610, %parallel_loop3A_616 : vector<16xf32>
          %parallel_loop3A_618 = arith.constant 0 : i32
          %parallel_loop3A_619 = arith.addi %parallel_loop3A_618, %parallel_loop3A_224 : i32
          %parallel_loop3A_620 = arith.constant 384 : i32
          %parallel_loop3A_621 = arith.addi %parallel_loop3A_620, %parallel_loop3A_242 : i32
          %parallel_loop3A_622 = arith.index_cast %parallel_loop3A_619 : i32 to index
          %parallel_loop3A_623 = arith.index_cast %parallel_loop3A_621 : i32 to index
          %parallel_loop3A_624 = tpu.vector_load %arg7[%parallel_loop3A_622, %parallel_loop3A_623] {strides = array<i32>} : memref<32x576xf32, #tpu.memory_space<vmem>>, vector<1x16xf32>,
          %parallel_loop3A_625 = vector.shape_cast %parallel_loop3A_624 : vector<1x16xf32> to vector<16xf32>
          %parallel_loop3A_626 = vector.shape_cast %parallel_loop3A_617 : vector<16xf32> to vector<1x16xf32>
          tpu.vector_store %arg7[%parallel_loop3A_622, %parallel_loop3A_623], %parallel_loop3A_626 {strides = array<i32>} : memref<32x576xf32, #tpu.memory_space<vmem>>, vector<1x16xf32>,
          %parallel_loop3A_627 = arith.mulf %parallel_loop3A_250, %parallel_loop3A_378 : vector<16xf32>
          %parallel_loop3A_628 = arith.mulf %parallel_loop3A_306, %parallel_loop3A_322 : vector<16xf32>
          %parallel_loop3A_629 = arith.addf %parallel_loop3A_627, %parallel_loop3A_628 : vector<16xf32>
          %parallel_loop3A_630 = arith.mulf %parallel_loop3A_266, %parallel_loop3A_346 : vector<16xf32>
          %parallel_loop3A_631 = arith.mulf %parallel_loop3A_274, %parallel_loop3A_338 : vector<16xf32>
          %parallel_loop3A_632 = arith.addf %parallel_loop3A_630, %parallel_loop3A_631 : vector<16xf32>
          %parallel_loop3A_633 = arith.constant 0.707106769 : f32
          %parallel_loop3A_634 = vector.broadcast %parallel_loop3A_633 : f32 to vector<16xf32>
          %parallel_loop3A_635 = arith.mulf %parallel_loop3A_632, %parallel_loop3A_634 : vector<16xf32>
          %parallel_loop3A_636 = arith.addf %parallel_loop3A_629, %parallel_loop3A_635 : vector<16xf32>
          %parallel_loop3A_637 = arith.mulf %parallel_loop3A_282, %parallel_loop3A_362 : vector<16xf32>
          %parallel_loop3A_638 = arith.mulf %parallel_loop3A_290, %parallel_loop3A_354 : vector<16xf32>
          %parallel_loop3A_639 = arith.addf %parallel_loop3A_637, %parallel_loop3A_638 : vector<16xf32>
          %parallel_loop3A_640 = arith.mulf %parallel_loop3A_306, %parallel_loop3A_386 : vector<16xf32>
          %parallel_loop3A_641 = arith.addf %parallel_loop3A_639, %parallel_loop3A_640 : vector<16xf32>
          %parallel_loop3A_642 = arith.mulf %parallel_loop3A_314, %parallel_loop3A_378 : vector<16xf32>
          %parallel_loop3A_643 = arith.addf %parallel_loop3A_641, %parallel_loop3A_642 : vector<16xf32>
          %parallel_loop3A_644 = arith.constant -0.462910056 : f32
          %parallel_loop3A_645 = vector.broadcast %parallel_loop3A_644 : f32 to vector<16xf32>
          %parallel_loop3A_646 = arith.mulf %parallel_loop3A_643, %parallel_loop3A_645 : vector<16xf32>
          %parallel_loop3A_647 = arith.addf %parallel_loop3A_636, %parallel_loop3A_646 : vector<16xf32>
          %parallel_loop3A_648 = arith.mulf %parallel_loop3A_298, %parallel_loop3A_378 : vector<16xf32>
          %parallel_loop3A_649 = arith.mulf %parallel_loop3A_306, %parallel_loop3A_370 : vector<16xf32>
          %parallel_loop3A_650 = arith.addf %parallel_loop3A_648, %parallel_loop3A_649 : vector<16xf32>
          %parallel_loop3A_651 = arith.constant -0.267261237 : f32
          %parallel_loop3A_652 = vector.broadcast %parallel_loop3A_651 : f32 to vector<16xf32>
          %parallel_loop3A_653 = arith.mulf %parallel_loop3A_650, %parallel_loop3A_652 : vector<16xf32>
          %parallel_loop3A_654 = arith.addf %parallel_loop3A_647, %parallel_loop3A_653 : vector<16xf32>
          %parallel_loop3A_655 = arith.constant 0 : i32
          %parallel_loop3A_656 = arith.addi %parallel_loop3A_655, %parallel_loop3A_224 : i32
          %parallel_loop3A_657 = arith.constant 448 : i32
          %parallel_loop3A_658 = arith.addi %parallel_loop3A_657, %parallel_loop3A_242 : i32
          %parallel_loop3A_659 = arith.index_cast %parallel_loop3A_656 : i32 to index
          %parallel_loop3A_660 = arith.index_cast %parallel_loop3A_658 : i32 to index
          %parallel_loop3A_661 = tpu.vector_load %arg7[%parallel_loop3A_659, %parallel_loop3A_660] {strides = array<i32>} : memref<32x576xf32, #tpu.memory_space<vmem>>, vector<1x16xf32>,
          %parallel_loop3A_662 = vector.shape_cast %parallel_loop3A_661 : vector<1x16xf32> to vector<16xf32>
          %parallel_loop3A_663 = vector.shape_cast %parallel_loop3A_654 : vector<16xf32> to vector<1x16xf32>
          tpu.vector_store %arg7[%parallel_loop3A_659, %parallel_loop3A_660], %parallel_loop3A_663 {strides = array<i32>} : memref<32x576xf32, #tpu.memory_space<vmem>>, vector<1x16xf32>,
          %parallel_loop3A_664 = arith.mulf %parallel_loop3A_250, %parallel_loop3A_386 : vector<16xf32>
          %parallel_loop3A_665 = arith.mulf %parallel_loop3A_314, %parallel_loop3A_322 : vector<16xf32>
          %parallel_loop3A_666 = arith.addf %parallel_loop3A_664, %parallel_loop3A_665 : vector<16xf32>
          %parallel_loop3A_667 = arith.mulf %parallel_loop3A_258, %parallel_loop3A_330 : vector<16xf32>
          %parallel_loop3A_668 = arith.mulf %parallel_loop3A_274, %parallel_loop3A_346 : vector<16xf32>
          %parallel_loop3A_669 = arith.subf %parallel_loop3A_667, %parallel_loop3A_668 : vector<16xf32>
          %parallel_loop3A_670 = arith.constant -0.707106769 : f32
          %parallel_loop3A_671 = vector.broadcast %parallel_loop3A_670 : f32 to vector<16xf32>
          %parallel_loop3A_672 = arith.mulf %parallel_loop3A_669, %parallel_loop3A_671 : vector<16xf32>
          %parallel_loop3A_673 = arith.addf %parallel_loop3A_666, %parallel_loop3A_672 : vector<16xf32>
          %parallel_loop3A_674 = arith.mulf %parallel_loop3A_290, %parallel_loop3A_362 : vector<16xf32>
          %parallel_loop3A_675 = arith.mulf %parallel_loop3A_306, %parallel_loop3A_378 : vector<16xf32>
          %parallel_loop3A_676 = arith.subf %parallel_loop3A_674, %parallel_loop3A_675 : vector<16xf32>
          %parallel_loop3A_677 = arith.constant 0.462910056 : f32
          %parallel_loop3A_678 = vector.broadcast %parallel_loop3A_677 : f32 to vector<16xf32>
          %parallel_loop3A_679 = arith.mulf %parallel_loop3A_676, %parallel_loop3A_678 : vector<16xf32>
          %parallel_loop3A_680 = arith.addf %parallel_loop3A_673, %parallel_loop3A_679 : vector<16xf32>
          %parallel_loop3A_681 = arith.mulf %parallel_loop3A_298, %parallel_loop3A_386 : vector<16xf32>
          %parallel_loop3A_682 = arith.mulf %parallel_loop3A_314, %parallel_loop3A_370 : vector<16xf32>
          %parallel_loop3A_683 = arith.addf %parallel_loop3A_681, %parallel_loop3A_682 : vector<16xf32>
          %parallel_loop3A_684 = arith.constant 0.534522474 : f32
          %parallel_loop3A_685 = vector.broadcast %parallel_loop3A_684 : f32 to vector<16xf32>
          %parallel_loop3A_686 = arith.mulf %parallel_loop3A_683, %parallel_loop3A_685 : vector<16xf32>
          %parallel_loop3A_687 = arith.addf %parallel_loop3A_680, %parallel_loop3A_686 : vector<16xf32>
          %parallel_loop3A_688 = arith.constant 0 : i32
          %parallel_loop3A_689 = arith.addi %parallel_loop3A_688, %parallel_loop3A_224 : i32
          %parallel_loop3A_690 = arith.constant 512 : i32
          %parallel_loop3A_691 = arith.addi %parallel_loop3A_690, %parallel_loop3A_242 : i32
          %parallel_loop3A_692 = arith.index_cast %parallel_loop3A_689 : i32 to index
          %parallel_loop3A_693 = arith.index_cast %parallel_loop3A_691 : i32 to index
          %parallel_loop3A_694 = tpu.vector_load %arg7[%parallel_loop3A_692, %parallel_loop3A_693] {strides = array<i32>} : memref<32x576xf32, #tpu.memory_space<vmem>>, vector<1x16xf32>,
          %parallel_loop3A_695 = vector.shape_cast %parallel_loop3A_694 : vector<1x16xf32> to vector<16xf32>
          %parallel_loop3A_696 = vector.shape_cast %parallel_loop3A_687 : vector<16xf32> to vector<1x16xf32>
          tpu.vector_store %arg7[%parallel_loop3A_692, %parallel_loop3A_693], %parallel_loop3A_696 {strides = array<i32>} : memref<32x576xf32, #tpu.memory_space<vmem>>, vector<1x16xf32>,
        } {sc.loop_unroll_factor = 2 : i64, sc.parallel_access}
        %mul3A_182 = arith.constant 32 : i32
        %mul3A_183 = arith.muli %add3A_127, %mul3A_182 : i32
        %add3A_184 = arith.addi %add3A, %mul3A_183 : i32
        %mul3A_185 = arith.constant 16 : i32
        %mul3A_186 = arith.muli %add3A_184, %mul3A_185 : i32
        %dma_start3A_187 = arith.constant 0 : i32
        %dma_start3A_188 = arith.constant 0 : i32
        %dma_start3A_189 = arith.constant 0 : i32
        %dma_start3A_190 = tpu.memref_slice %arg7[%dma_start3A_188, %dma_start3A_189] : memref<32x576xf32, #tpu.memory_space<vmem>> -> memref<16x576xf32, #tpu.memory_space<vmem>>
        %dma_start3A_191 = arith.constant 0 : i32
        %dma_start3A_192 = tpu.memref_slice %arg4[%mul3A_186, %dma_start3A_191] : memref<10000x576xf32, #tpu.memory_space<hbm>> -> memref<16x576xf32, #tpu.memory_space<hbm>>
        %dma_start3A_193 = tpu.memref_slice %arg10[%dma_start3A_187] : memref<2x!tpu.dma_semaphore, #tpu.memory_space<semaphore_mem>> -> memref<1x!tpu.dma_semaphore, #tpu.memory_space<semaphore_mem>>
        %dma_start3A_194 = tpu.memref_squeeze %dma_start3A_193 : memref<1x!tpu.dma_semaphore, #tpu.memory_space<semaphore_mem>> -> memref<!tpu.dma_semaphore, #tpu.memory_space<semaphore_mem>>
        %dma_start3A_195 = arith.constant 0 : i32
        %dma_start3A_196 = tpu.memref_slice %arg4[%mul3A_186, %dma_start3A_195] : memref<10000x576xf32, #tpu.memory_space<hbm>> -> memref<16x576xf32, #tpu.memory_space<hbm>>
        %dma_start3A_197 = arith.constant 0 : i32
        %dma_start3A_198 = arith.constant 0 : i32
        %dma_start3A_199 = tpu.memref_slice %arg7[%dma_start3A_197, %dma_start3A_198] : memref<32x576xf32, #tpu.memory_space<vmem>> -> memref<16x576xf32, #tpu.memory_space<vmem>>
        tpu.enqueue_dma source(%dma_start3A_199 : memref<16x576xf32, #tpu.memory_space<vmem>>) target(%dma_start3A_196 : memref<16x576xf32, #tpu.memory_space<hbm>>) target_semaphore(%dma_start3A_194 : memref<!tpu.dma_semaphore, #tpu.memory_space<semaphore_mem>>)
      } else {
      }
      %add3A_132 = arith.constant 1 : i32
      %add3A_133 = arith.addi %mul3A_125, %add3A_132 : i32
      %lt3A_134 = arith.cmpi slt, %add3A_133, %select_n3A : i32
      %convert_element_type3A_135 = arith.extui %lt3A_134 : i1 to i32
      %cond3A_136 = arith.constant 0 : i32
      %cond3A_137 = arith.cmpi ne, %convert_element_type3A_135, %cond3A_136 : i32
      scf.if %cond3A_137 {
        %add3A_138 = arith.constant 1 : i32
        %add3A_139 = arith.addi %add3A_133, %add3A_138 : i32
        %lt3A_140 = arith.cmpi slt, %add3A_139, %select_n3A : i32
        %convert_element_type3A_141 = arith.extui %lt3A_140 : i1 to i32
        %cond3A_142 = arith.constant 0 : i32
        %cond3A_143 = arith.cmpi ne, %convert_element_type3A_141, %cond3A_142 : i32
        scf.if %cond3A_143 {
          %add3A_200 = arith.constant 1 : i32
          %add3A_201 = arith.addi %add3A_133, %add3A_200 : i32
          %mul3A_202 = arith.constant 32 : i32
          %mul3A_203 = arith.muli %add3A_201, %mul3A_202 : i32
          %add3A_204 = arith.addi %add3A, %mul3A_203 : i32
          %mul3A_205 = arith.constant 16 : i32
          %mul3A_206 = arith.muli %add3A_204, %mul3A_205 : i32
          %dma_start3A_207 = arith.constant 0 : i32
          %dma_start3A_208 = arith.constant 0 : i32
          %dma_start3A_209 = arith.constant 0 : i32
          %dma_start3A_210 = tpu.memref_slice %arg5[%dma_start3A_208, %dma_start3A_209] : memref<32x576xf32, #tpu.memory_space<vmem>> -> memref<16x576xf32, #tpu.memory_space<vmem>>
          %dma_start3A_211 = arith.constant 0 : i32
          %dma_start3A_212 = tpu.memref_slice %arg2[%mul3A_206, %dma_start3A_211] : memref<10000x576xf32, #tpu.memory_space<hbm>> -> memref<16x576xf32, #tpu.memory_space<hbm>>
          %dma_start3A_213 = tpu.memref_slice %arg8[%dma_start3A_207] : memref<2x!tpu.dma_semaphore, #tpu.memory_space<semaphore_mem>> -> memref<1x!tpu.dma_semaphore, #tpu.memory_space<semaphore_mem>>
          %dma_start3A_214 = tpu.memref_squeeze %dma_start3A_213 : memref<1x!tpu.dma_semaphore, #tpu.memory_space<semaphore_mem>> -> memref<!tpu.dma_semaphore, #tpu.memory_space<semaphore_mem>>
          %dma_start3A_215 = arith.constant 0 : i32
          %dma_start3A_216 = arith.constant 0 : i32
          %dma_start3A_217 = tpu.memref_slice %arg5[%dma_start3A_215, %dma_start3A_216] : memref<32x576xf32, #tpu.memory_space<vmem>> -> memref<16x576xf32, #tpu.memory_space<vmem>>
          %dma_start3A_218 = arith.constant 0 : i32
          %dma_start3A_219 = tpu.memref_slice %arg2[%mul3A_206, %dma_start3A_218] : memref<10000x576xf32, #tpu.memory_space<hbm>> -> memref<16x576xf32, #tpu.memory_space<hbm>>
          tpu.enqueue_dma source(%dma_start3A_219 : memref<16x576xf32, #tpu.memory_space<hbm>>) target(%dma_start3A_217 : memref<16x576xf32, #tpu.memory_space<vmem>>) target_semaphore(%dma_start3A_214 : memref<!tpu.dma_semaphore, #tpu.memory_space<semaphore_mem>>)
          %dma_start3A_220 = arith.constant 0 : i32
          %dma_start3A_221 = arith.constant 0 : i32
          %dma_start3A_222 = arith.constant 0 : i32
          %dma_start3A_223 = tpu.memref_slice %arg6[%dma_start3A_221, %dma_start3A_222] : memref<32x576xf32, #tpu.memory_space<vmem>> -> memref<16x576xf32, #tpu.memory_space<vmem>>
          %dma_start3A_224 = arith.constant 0 : i32
          %dma_start3A_225 = tpu.memref_slice %arg3[%mul3A_206, %dma_start3A_224] : memref<10000x576xf32, #tpu.memory_space<hbm>> -> memref<16x576xf32, #tpu.memory_space<hbm>>
          %dma_start3A_226 = tpu.memref_slice %arg9[%dma_start3A_220] : memref<2x!tpu.dma_semaphore, #tpu.memory_space<semaphore_mem>> -> memref<1x!tpu.dma_semaphore, #tpu.memory_space<semaphore_mem>>
          %dma_start3A_227 = tpu.memref_squeeze %dma_start3A_226 : memref<1x!tpu.dma_semaphore, #tpu.memory_space<semaphore_mem>> -> memref<!tpu.dma_semaphore, #tpu.memory_space<semaphore_mem>>
          %dma_start3A_228 = arith.constant 0 : i32
          %dma_start3A_229 = arith.constant 0 : i32
          %dma_start3A_230 = tpu.memref_slice %arg6[%dma_start3A_228, %dma_start3A_229] : memref<32x576xf32, #tpu.memory_space<vmem>> -> memref<16x576xf32, #tpu.memory_space<vmem>>
          %dma_start3A_231 = arith.constant 0 : i32
          %dma_start3A_232 = tpu.memref_slice %arg3[%mul3A_206, %dma_start3A_231] : memref<10000x576xf32, #tpu.memory_space<hbm>> -> memref<16x576xf32, #tpu.memory_space<hbm>>
          tpu.enqueue_dma source(%dma_start3A_232 : memref<16x576xf32, #tpu.memory_space<hbm>>) target(%dma_start3A_230 : memref<16x576xf32, #tpu.memory_space<vmem>>) target_semaphore(%dma_start3A_227 : memref<!tpu.dma_semaphore, #tpu.memory_space<semaphore_mem>>)
        } else {
        }
        %mul3A_144 = arith.constant 32 : i32
        %mul3A_145 = arith.muli %add3A_133, %mul3A_144 : i32
        %add3A_146 = arith.addi %add3A, %mul3A_145 : i32
        %mul3A_147 = arith.constant 16 : i32
        %mul3A_148 = arith.muli %add3A_146, %mul3A_147 : i32
        %dma_wait3A_149 = arith.constant 1 : i32
        %dma_wait3A_150 = arith.constant 16 : i32
        %dma_wait3A_151 = arith.constant 0 : i32
        %dma_wait3A_152 = tpu.memref_slice %arg5[%dma_wait3A_150, %dma_wait3A_151] : memref<32x576xf32, #tpu.memory_space<vmem>> -> memref<16x576xf32, #tpu.memory_space<vmem>>
        %dma_wait3A_153 = arith.constant 0 : i32
        %dma_wait3A_154 = tpu.memref_slice %arg2[%mul3A_148, %dma_wait3A_153] : memref<10000x576xf32, #tpu.memory_space<hbm>> -> memref<16x576xf32, #tpu.memory_space<hbm>>
        %dma_wait3A_155 = tpu.memref_slice %arg8[%dma_wait3A_149] : memref<2x!tpu.dma_semaphore, #tpu.memory_space<semaphore_mem>> -> memref<1x!tpu.dma_semaphore, #tpu.memory_space<semaphore_mem>>
        %dma_wait3A_156 = tpu.memref_squeeze %dma_wait3A_155 : memref<1x!tpu.dma_semaphore, #tpu.memory_space<semaphore_mem>> -> memref<!tpu.dma_semaphore, #tpu.memory_space<semaphore_mem>>
        %dma_wait3A_157 = arith.constant 16 : i32
        %dma_wait3A_158 = arith.constant 0 : i32
        %dma_wait3A_159 = tpu.memref_slice %arg5[%dma_wait3A_157, %dma_wait3A_158] : memref<32x576xf32, #tpu.memory_space<vmem>> -> memref<16x576xf32, #tpu.memory_space<vmem>>
        %dma_wait3A_160 = arith.constant 0 : i32
        %dma_wait3A_161 = tpu.memref_slice %arg2[%mul3A_148, %dma_wait3A_160] : memref<10000x576xf32, #tpu.memory_space<hbm>> -> memref<16x576xf32, #tpu.memory_space<hbm>>
        tpu.wait_dma2 semaphore(%dma_wait3A_156 : memref<!tpu.dma_semaphore, #tpu.memory_space<semaphore_mem>>) src(%dma_wait3A_161 : memref<16x576xf32, #tpu.memory_space<hbm>>) dst(%dma_wait3A_159 : memref<16x576xf32, #tpu.memory_space<vmem>>)
        %dma_wait3A_162 = arith.constant 1 : i32
        %dma_wait3A_163 = arith.constant 16 : i32
        %dma_wait3A_164 = arith.constant 0 : i32
        %dma_wait3A_165 = tpu.memref_slice %arg6[%dma_wait3A_163, %dma_wait3A_164] : memref<32x576xf32, #tpu.memory_space<vmem>> -> memref<16x576xf32, #tpu.memory_space<vmem>>
        %dma_wait3A_166 = arith.constant 0 : i32
        %dma_wait3A_167 = tpu.memref_slice %arg3[%mul3A_148, %dma_wait3A_166] : memref<10000x576xf32, #tpu.memory_space<hbm>> -> memref<16x576xf32, #tpu.memory_space<hbm>>
        %dma_wait3A_168 = tpu.memref_slice %arg9[%dma_wait3A_162] : memref<2x!tpu.dma_semaphore, #tpu.memory_space<semaphore_mem>> -> memref<1x!tpu.dma_semaphore, #tpu.memory_space<semaphore_mem>>
        %dma_wait3A_169 = tpu.memref_squeeze %dma_wait3A_168 : memref<1x!tpu.dma_semaphore, #tpu.memory_space<semaphore_mem>> -> memref<!tpu.dma_semaphore, #tpu.memory_space<semaphore_mem>>
        %dma_wait3A_170 = arith.constant 16 : i32
        %dma_wait3A_171 = arith.constant 0 : i32
        %dma_wait3A_172 = tpu.memref_slice %arg6[%dma_wait3A_170, %dma_wait3A_171] : memref<32x576xf32, #tpu.memory_space<vmem>> -> memref<16x576xf32, #tpu.memory_space<vmem>>
        %dma_wait3A_173 = arith.constant 0 : i32
        %dma_wait3A_174 = tpu.memref_slice %arg3[%mul3A_148, %dma_wait3A_173] : memref<10000x576xf32, #tpu.memory_space<hbm>> -> memref<16x576xf32, #tpu.memory_space<hbm>>
        tpu.wait_dma2 semaphore(%dma_wait3A_169 : memref<!tpu.dma_semaphore, #tpu.memory_space<semaphore_mem>>) src(%dma_wait3A_174 : memref<16x576xf32, #tpu.memory_space<hbm>>) dst(%dma_wait3A_172 : memref<16x576xf32, #tpu.memory_space<vmem>>)
        %ge3A_175 = arith.constant 2 : i32
        %ge3A_176 = arith.cmpi sge, %add3A_133, %ge3A_175 : i32
        %convert_element_type3A_177 = arith.extui %ge3A_176 : i1 to i32
        %cond3A_178 = arith.constant 0 : i32
        %cond3A_179 = arith.cmpi ne, %convert_element_type3A_177, %cond3A_178 : i32
        scf.if %cond3A_179 {
          %sub3A_200 = arith.constant 2 : i32
          %sub3A_201 = arith.subi %add3A_133, %sub3A_200 : i32
          %mul3A_202 = arith.constant 32 : i32
          %mul3A_203 = arith.muli %sub3A_201, %mul3A_202 : i32
          %add3A_204 = arith.addi %add3A, %mul3A_203 : i32
          %mul3A_205 = arith.constant 16 : i32
          %mul3A_206 = arith.muli %add3A_204, %mul3A_205 : i32
          %dma_wait3A_207 = arith.constant 1 : i32
          %dma_wait3A_208 = arith.constant 16 : i32
          %dma_wait3A_209 = arith.constant 0 : i32
          %dma_wait3A_210 = tpu.memref_slice %arg7[%dma_wait3A_208, %dma_wait3A_209] : memref<32x576xf32, #tpu.memory_space<vmem>> -> memref<16x576xf32, #tpu.memory_space<vmem>>
          %dma_wait3A_211 = arith.constant 0 : i32
          %dma_wait3A_212 = tpu.memref_slice %arg4[%mul3A_206, %dma_wait3A_211] : memref<10000x576xf32, #tpu.memory_space<hbm>> -> memref<16x576xf32, #tpu.memory_space<hbm>>
          %dma_wait3A_213 = tpu.memref_slice %arg10[%dma_wait3A_207] : memref<2x!tpu.dma_semaphore, #tpu.memory_space<semaphore_mem>> -> memref<1x!tpu.dma_semaphore, #tpu.memory_space<semaphore_mem>>
          %dma_wait3A_214 = tpu.memref_squeeze %dma_wait3A_213 : memref<1x!tpu.dma_semaphore, #tpu.memory_space<semaphore_mem>> -> memref<!tpu.dma_semaphore, #tpu.memory_space<semaphore_mem>>
          %dma_wait3A_215 = arith.constant 0 : i32
          %dma_wait3A_216 = tpu.memref_slice %arg4[%mul3A_206, %dma_wait3A_215] : memref<10000x576xf32, #tpu.memory_space<hbm>> -> memref<16x576xf32, #tpu.memory_space<hbm>>
          %dma_wait3A_217 = arith.constant 16 : i32
          %dma_wait3A_218 = arith.constant 0 : i32
          %dma_wait3A_219 = tpu.memref_slice %arg7[%dma_wait3A_217, %dma_wait3A_218] : memref<32x576xf32, #tpu.memory_space<vmem>> -> memref<16x576xf32, #tpu.memory_space<vmem>>
          tpu.wait_dma2 semaphore(%dma_wait3A_214 : memref<!tpu.dma_semaphore, #tpu.memory_space<semaphore_mem>>) src(%dma_wait3A_219 : memref<16x576xf32, #tpu.memory_space<vmem>>) dst(%dma_wait3A_216 : memref<16x576xf32, #tpu.memory_space<hbm>>)
        } else {
        }
        %parallel_loop3A = arith.constant 0 : i32
        %parallel_loop3A_180 = arith.constant 64 : i32
        %parallel_loop3A_181 = arith.constant 1 : i32
        scf.for %parallel_loop3A_200 = %parallel_loop3A to %parallel_loop3A_180 step %parallel_loop3A_181  : i32 {
          %parallel_loop3A_201 = arith.constant 4 : i32
          %parallel_loop3A_202 = arith.divsi %parallel_loop3A_200, %parallel_loop3A_201 : i32
          %parallel_loop3A_203 = arith.constant 0 : i32
          %parallel_loop3A_204 = arith.cmpi sgt, %parallel_loop3A_200, %parallel_loop3A_203 : i32
          %parallel_loop3A_205 = arith.extui %parallel_loop3A_204 : i1 to i32
          %parallel_loop3A_206 = arith.constant 0 : i32
          %parallel_loop3A_207 = arith.cmpi slt, %parallel_loop3A_200, %parallel_loop3A_206 : i32
          %parallel_loop3A_208 = arith.extui %parallel_loop3A_207 : i1 to i32
          %parallel_loop3A_209 = arith.subi %parallel_loop3A_205, %parallel_loop3A_208 : i32
          %parallel_loop3A_210 = arith.constant 0 : i32
          %parallel_loop3A_211 = arith.cmpi sgt, %parallel_loop3A_201, %parallel_loop3A_210 : i32
          %parallel_loop3A_212 = arith.extui %parallel_loop3A_211 : i1 to i32
          %parallel_loop3A_213 = arith.constant 0 : i32
          %parallel_loop3A_214 = arith.cmpi slt, %parallel_loop3A_201, %parallel_loop3A_213 : i32
          %parallel_loop3A_215 = arith.extui %parallel_loop3A_214 : i1 to i32
          %parallel_loop3A_216 = arith.subi %parallel_loop3A_212, %parallel_loop3A_215 : i32
          %parallel_loop3A_217 = arith.cmpi ne, %parallel_loop3A_209, %parallel_loop3A_216 : i32
          %parallel_loop3A_218 = arith.remsi %parallel_loop3A_200, %parallel_loop3A_201 : i32
          %parallel_loop3A_219 = arith.constant 0 : i32
          %parallel_loop3A_220 = arith.cmpi ne, %parallel_loop3A_218, %parallel_loop3A_219 : i32
          %parallel_loop3A_221 = arith.andi %parallel_loop3A_217, %parallel_loop3A_220 : i1
          %parallel_loop3A_222 = arith.constant 1 : i32
          %parallel_loop3A_223 = arith.subi %parallel_loop3A_202, %parallel_loop3A_222 : i32
          %parallel_loop3A_224 = arith.select %parallel_loop3A_221, %parallel_loop3A_223, %parallel_loop3A_202 : i32
          %parallel_loop3A_225 = arith.constant 4 : i32
          %parallel_loop3A_226 = arith.constant 0 : i32
          %parallel_loop3A_227 = arith.cmpi eq, %parallel_loop3A_225, %parallel_loop3A_226 : i32
          %parallel_loop3A_228 = arith.constant 1 : i32
          %parallel_loop3A_229 = arith.select %parallel_loop3A_227, %parallel_loop3A_228, %parallel_loop3A_225 : i32
          %parallel_loop3A_230 = arith.remsi %parallel_loop3A_200, %parallel_loop3A_229 : i32
          %parallel_loop3A_231 = arith.constant 0 : i32
          %parallel_loop3A_232 = arith.cmpi ne, %parallel_loop3A_230, %parallel_loop3A_231 : i32
          %parallel_loop3A_233 = arith.constant 0 : i32
          %parallel_loop3A_234 = arith.cmpi slt, %parallel_loop3A_230, %parallel_loop3A_233 : i32
          %parallel_loop3A_235 = arith.constant 0 : i32
          %parallel_loop3A_236 = arith.cmpi slt, %parallel_loop3A_229, %parallel_loop3A_235 : i32
          %parallel_loop3A_237 = arith.xori %parallel_loop3A_234, %parallel_loop3A_236 : i1
          %parallel_loop3A_238 = arith.andi %parallel_loop3A_237, %parallel_loop3A_232 : i1
          %parallel_loop3A_239 = arith.addi %parallel_loop3A_230, %parallel_loop3A_229 : i32
          %parallel_loop3A_240 = arith.select %parallel_loop3A_238, %parallel_loop3A_239, %parallel_loop3A_230 : i32
          %parallel_loop3A_241 = arith.constant 16 : i32
          %parallel_loop3A_242 = arith.muli %parallel_loop3A_240, %parallel_loop3A_241 : i32
          %parallel_loop3A_243 = arith.constant 16 : i32
          %parallel_loop3A_244 = arith.addi %parallel_loop3A_243, %parallel_loop3A_224 : i32
          %parallel_loop3A_245 = arith.constant 0 : i32
          %parallel_loop3A_246 = arith.addi %parallel_loop3A_245, %parallel_loop3A_242 : i32
          %parallel_loop3A_247 = arith.index_cast %parallel_loop3A_244 : i32 to index
          %parallel_loop3A_248 = arith.index_cast %parallel_loop3A_246 : i32 to index
          %parallel_loop3A_249 = tpu.vector_load %arg5[%parallel_loop3A_247, %parallel_loop3A_248] {strides = array<i32>} : memref<32x576xf32, #tpu.memory_space<vmem>>, vector<1x16xf32>,
          %parallel_loop3A_250 = vector.shape_cast %parallel_loop3A_249 : vector<1x16xf32> to vector<16xf32>
          %parallel_loop3A_251 = arith.constant 16 : i32
          %parallel_loop3A_252 = arith.addi %parallel_loop3A_251, %parallel_loop3A_224 : i32
          %parallel_loop3A_253 = arith.constant 64 : i32
          %parallel_loop3A_254 = arith.addi %parallel_loop3A_253, %parallel_loop3A_242 : i32
          %parallel_loop3A_255 = arith.index_cast %parallel_loop3A_252 : i32 to index
          %parallel_loop3A_256 = arith.index_cast %parallel_loop3A_254 : i32 to index
          %parallel_loop3A_257 = tpu.vector_load %arg5[%parallel_loop3A_255, %parallel_loop3A_256] {strides = array<i32>} : memref<32x576xf32, #tpu.memory_space<vmem>>, vector<1x16xf32>,
          %parallel_loop3A_258 = vector.shape_cast %parallel_loop3A_257 : vector<1x16xf32> to vector<16xf32>
          %parallel_loop3A_259 = arith.constant 16 : i32
          %parallel_loop3A_260 = arith.addi %parallel_loop3A_259, %parallel_loop3A_224 : i32
          %parallel_loop3A_261 = arith.constant 128 : i32
          %parallel_loop3A_262 = arith.addi %parallel_loop3A_261, %parallel_loop3A_242 : i32
          %parallel_loop3A_263 = arith.index_cast %parallel_loop3A_260 : i32 to index
          %parallel_loop3A_264 = arith.index_cast %parallel_loop3A_262 : i32 to index
          %parallel_loop3A_265 = tpu.vector_load %arg5[%parallel_loop3A_263, %parallel_loop3A_264] {strides = array<i32>} : memref<32x576xf32, #tpu.memory_space<vmem>>, vector<1x16xf32>,
          %parallel_loop3A_266 = vector.shape_cast %parallel_loop3A_265 : vector<1x16xf32> to vector<16xf32>
          %parallel_loop3A_267 = arith.constant 16 : i32
          %parallel_loop3A_268 = arith.addi %parallel_loop3A_267, %parallel_loop3A_224 : i32
          %parallel_loop3A_269 = arith.constant 192 : i32
          %parallel_loop3A_270 = arith.addi %parallel_loop3A_269, %parallel_loop3A_242 : i32
          %parallel_loop3A_271 = arith.index_cast %parallel_loop3A_268 : i32 to index
          %parallel_loop3A_272 = arith.index_cast %parallel_loop3A_270 : i32 to index
          %parallel_loop3A_273 = tpu.vector_load %arg5[%parallel_loop3A_271, %parallel_loop3A_272] {strides = array<i32>} : memref<32x576xf32, #tpu.memory_space<vmem>>, vector<1x16xf32>,
          %parallel_loop3A_274 = vector.shape_cast %parallel_loop3A_273 : vector<1x16xf32> to vector<16xf32>
          %parallel_loop3A_275 = arith.constant 16 : i32
          %parallel_loop3A_276 = arith.addi %parallel_loop3A_275, %parallel_loop3A_224 : i32
          %parallel_loop3A_277 = arith.constant 256 : i32
          %parallel_loop3A_278 = arith.addi %parallel_loop3A_277, %parallel_loop3A_242 : i32
          %parallel_loop3A_279 = arith.index_cast %parallel_loop3A_276 : i32 to index
          %parallel_loop3A_280 = arith.index_cast %parallel_loop3A_278 : i32 to index
          %parallel_loop3A_281 = tpu.vector_load %arg5[%parallel_loop3A_279, %parallel_loop3A_280] {strides = array<i32>} : memref<32x576xf32, #tpu.memory_space<vmem>>, vector<1x16xf32>,
          %parallel_loop3A_282 = vector.shape_cast %parallel_loop3A_281 : vector<1x16xf32> to vector<16xf32>
          %parallel_loop3A_283 = arith.constant 16 : i32
          %parallel_loop3A_284 = arith.addi %parallel_loop3A_283, %parallel_loop3A_224 : i32
          %parallel_loop3A_285 = arith.constant 320 : i32
          %parallel_loop3A_286 = arith.addi %parallel_loop3A_285, %parallel_loop3A_242 : i32
          %parallel_loop3A_287 = arith.index_cast %parallel_loop3A_284 : i32 to index
          %parallel_loop3A_288 = arith.index_cast %parallel_loop3A_286 : i32 to index
          %parallel_loop3A_289 = tpu.vector_load %arg5[%parallel_loop3A_287, %parallel_loop3A_288] {strides = array<i32>} : memref<32x576xf32, #tpu.memory_space<vmem>>, vector<1x16xf32>,
          %parallel_loop3A_290 = vector.shape_cast %parallel_loop3A_289 : vector<1x16xf32> to vector<16xf32>
          %parallel_loop3A_291 = arith.constant 16 : i32
          %parallel_loop3A_292 = arith.addi %parallel_loop3A_291, %parallel_loop3A_224 : i32
          %parallel_loop3A_293 = arith.constant 384 : i32
          %parallel_loop3A_294 = arith.addi %parallel_loop3A_293, %parallel_loop3A_242 : i32
          %parallel_loop3A_295 = arith.index_cast %parallel_loop3A_292 : i32 to index
          %parallel_loop3A_296 = arith.index_cast %parallel_loop3A_294 : i32 to index
          %parallel_loop3A_297 = tpu.vector_load %arg5[%parallel_loop3A_295, %parallel_loop3A_296] {strides = array<i32>} : memref<32x576xf32, #tpu.memory_space<vmem>>, vector<1x16xf32>,
          %parallel_loop3A_298 = vector.shape_cast %parallel_loop3A_297 : vector<1x16xf32> to vector<16xf32>
          %parallel_loop3A_299 = arith.constant 16 : i32
          %parallel_loop3A_300 = arith.addi %parallel_loop3A_299, %parallel_loop3A_224 : i32
          %parallel_loop3A_301 = arith.constant 448 : i32
          %parallel_loop3A_302 = arith.addi %parallel_loop3A_301, %parallel_loop3A_242 : i32
          %parallel_loop3A_303 = arith.index_cast %parallel_loop3A_300 : i32 to index
          %parallel_loop3A_304 = arith.index_cast %parallel_loop3A_302 : i32 to index
          %parallel_loop3A_305 = tpu.vector_load %arg5[%parallel_loop3A_303, %parallel_loop3A_304] {strides = array<i32>} : memref<32x576xf32, #tpu.memory_space<vmem>>, vector<1x16xf32>,
          %parallel_loop3A_306 = vector.shape_cast %parallel_loop3A_305 : vector<1x16xf32> to vector<16xf32>
          %parallel_loop3A_307 = arith.constant 16 : i32
          %parallel_loop3A_308 = arith.addi %parallel_loop3A_307, %parallel_loop3A_224 : i32
          %parallel_loop3A_309 = arith.constant 512 : i32
          %parallel_loop3A_310 = arith.addi %parallel_loop3A_309, %parallel_loop3A_242 : i32
          %parallel_loop3A_311 = arith.index_cast %parallel_loop3A_308 : i32 to index
          %parallel_loop3A_312 = arith.index_cast %parallel_loop3A_310 : i32 to index
          %parallel_loop3A_313 = tpu.vector_load %arg5[%parallel_loop3A_311, %parallel_loop3A_312] {strides = array<i32>} : memref<32x576xf32, #tpu.memory_space<vmem>>, vector<1x16xf32>,
          %parallel_loop3A_314 = vector.shape_cast %parallel_loop3A_313 : vector<1x16xf32> to vector<16xf32>
          %parallel_loop3A_315 = arith.constant 16 : i32
          %parallel_loop3A_316 = arith.addi %parallel_loop3A_315, %parallel_loop3A_224 : i32
          %parallel_loop3A_317 = arith.constant 0 : i32
          %parallel_loop3A_318 = arith.addi %parallel_loop3A_317, %parallel_loop3A_242 : i32
          %parallel_loop3A_319 = arith.index_cast %parallel_loop3A_316 : i32 to index
          %parallel_loop3A_320 = arith.index_cast %parallel_loop3A_318 : i32 to index
          %parallel_loop3A_321 = tpu.vector_load %arg6[%parallel_loop3A_319, %parallel_loop3A_320] {strides = array<i32>} : memref<32x576xf32, #tpu.memory_space<vmem>>, vector<1x16xf32>,
          %parallel_loop3A_322 = vector.shape_cast %parallel_loop3A_321 : vector<1x16xf32> to vector<16xf32>
          %parallel_loop3A_323 = arith.constant 16 : i32
          %parallel_loop3A_324 = arith.addi %parallel_loop3A_323, %parallel_loop3A_224 : i32
          %parallel_loop3A_325 = arith.constant 64 : i32
          %parallel_loop3A_326 = arith.addi %parallel_loop3A_325, %parallel_loop3A_242 : i32
          %parallel_loop3A_327 = arith.index_cast %parallel_loop3A_324 : i32 to index
          %parallel_loop3A_328 = arith.index_cast %parallel_loop3A_326 : i32 to index
          %parallel_loop3A_329 = tpu.vector_load %arg6[%parallel_loop3A_327, %parallel_loop3A_328] {strides = array<i32>} : memref<32x576xf32, #tpu.memory_space<vmem>>, vector<1x16xf32>,
          %parallel_loop3A_330 = vector.shape_cast %parallel_loop3A_329 : vector<1x16xf32> to vector<16xf32>
          %parallel_loop3A_331 = arith.constant 16 : i32
          %parallel_loop3A_332 = arith.addi %parallel_loop3A_331, %parallel_loop3A_224 : i32
          %parallel_loop3A_333 = arith.constant 128 : i32
          %parallel_loop3A_334 = arith.addi %parallel_loop3A_333, %parallel_loop3A_242 : i32
          %parallel_loop3A_335 = arith.index_cast %parallel_loop3A_332 : i32 to index
          %parallel_loop3A_336 = arith.index_cast %parallel_loop3A_334 : i32 to index
          %parallel_loop3A_337 = tpu.vector_load %arg6[%parallel_loop3A_335, %parallel_loop3A_336] {strides = array<i32>} : memref<32x576xf32, #tpu.memory_space<vmem>>, vector<1x16xf32>,
          %parallel_loop3A_338 = vector.shape_cast %parallel_loop3A_337 : vector<1x16xf32> to vector<16xf32>
          %parallel_loop3A_339 = arith.constant 16 : i32
          %parallel_loop3A_340 = arith.addi %parallel_loop3A_339, %parallel_loop3A_224 : i32
          %parallel_loop3A_341 = arith.constant 192 : i32
          %parallel_loop3A_342 = arith.addi %parallel_loop3A_341, %parallel_loop3A_242 : i32
          %parallel_loop3A_343 = arith.index_cast %parallel_loop3A_340 : i32 to index
          %parallel_loop3A_344 = arith.index_cast %parallel_loop3A_342 : i32 to index
          %parallel_loop3A_345 = tpu.vector_load %arg6[%parallel_loop3A_343, %parallel_loop3A_344] {strides = array<i32>} : memref<32x576xf32, #tpu.memory_space<vmem>>, vector<1x16xf32>,
          %parallel_loop3A_346 = vector.shape_cast %parallel_loop3A_345 : vector<1x16xf32> to vector<16xf32>
          %parallel_loop3A_347 = arith.constant 16 : i32
          %parallel_loop3A_348 = arith.addi %parallel_loop3A_347, %parallel_loop3A_224 : i32
          %parallel_loop3A_349 = arith.constant 256 : i32
          %parallel_loop3A_350 = arith.addi %parallel_loop3A_349, %parallel_loop3A_242 : i32
          %parallel_loop3A_351 = arith.index_cast %parallel_loop3A_348 : i32 to index
          %parallel_loop3A_352 = arith.index_cast %parallel_loop3A_350 : i32 to index
          %parallel_loop3A_353 = tpu.vector_load %arg6[%parallel_loop3A_351, %parallel_loop3A_352] {strides = array<i32>} : memref<32x576xf32, #tpu.memory_space<vmem>>, vector<1x16xf32>,
          %parallel_loop3A_354 = vector.shape_cast %parallel_loop3A_353 : vector<1x16xf32> to vector<16xf32>
          %parallel_loop3A_355 = arith.constant 16 : i32
          %parallel_loop3A_356 = arith.addi %parallel_loop3A_355, %parallel_loop3A_224 : i32
          %parallel_loop3A_357 = arith.constant 320 : i32
          %parallel_loop3A_358 = arith.addi %parallel_loop3A_357, %parallel_loop3A_242 : i32
          %parallel_loop3A_359 = arith.index_cast %parallel_loop3A_356 : i32 to index
          %parallel_loop3A_360 = arith.index_cast %parallel_loop3A_358 : i32 to index
          %parallel_loop3A_361 = tpu.vector_load %arg6[%parallel_loop3A_359, %parallel_loop3A_360] {strides = array<i32>} : memref<32x576xf32, #tpu.memory_space<vmem>>, vector<1x16xf32>,
          %parallel_loop3A_362 = vector.shape_cast %parallel_loop3A_361 : vector<1x16xf32> to vector<16xf32>
          %parallel_loop3A_363 = arith.constant 16 : i32
          %parallel_loop3A_364 = arith.addi %parallel_loop3A_363, %parallel_loop3A_224 : i32
          %parallel_loop3A_365 = arith.constant 384 : i32
          %parallel_loop3A_366 = arith.addi %parallel_loop3A_365, %parallel_loop3A_242 : i32
          %parallel_loop3A_367 = arith.index_cast %parallel_loop3A_364 : i32 to index
          %parallel_loop3A_368 = arith.index_cast %parallel_loop3A_366 : i32 to index
          %parallel_loop3A_369 = tpu.vector_load %arg6[%parallel_loop3A_367, %parallel_loop3A_368] {strides = array<i32>} : memref<32x576xf32, #tpu.memory_space<vmem>>, vector<1x16xf32>,
          %parallel_loop3A_370 = vector.shape_cast %parallel_loop3A_369 : vector<1x16xf32> to vector<16xf32>
          %parallel_loop3A_371 = arith.constant 16 : i32
          %parallel_loop3A_372 = arith.addi %parallel_loop3A_371, %parallel_loop3A_224 : i32
          %parallel_loop3A_373 = arith.constant 448 : i32
          %parallel_loop3A_374 = arith.addi %parallel_loop3A_373, %parallel_loop3A_242 : i32
          %parallel_loop3A_375 = arith.index_cast %parallel_loop3A_372 : i32 to index
          %parallel_loop3A_376 = arith.index_cast %parallel_loop3A_374 : i32 to index
          %parallel_loop3A_377 = tpu.vector_load %arg6[%parallel_loop3A_375, %parallel_loop3A_376] {strides = array<i32>} : memref<32x576xf32, #tpu.memory_space<vmem>>, vector<1x16xf32>,
          %parallel_loop3A_378 = vector.shape_cast %parallel_loop3A_377 : vector<1x16xf32> to vector<16xf32>
          %parallel_loop3A_379 = arith.constant 16 : i32
          %parallel_loop3A_380 = arith.addi %parallel_loop3A_379, %parallel_loop3A_224 : i32
          %parallel_loop3A_381 = arith.constant 512 : i32
          %parallel_loop3A_382 = arith.addi %parallel_loop3A_381, %parallel_loop3A_242 : i32
          %parallel_loop3A_383 = arith.index_cast %parallel_loop3A_380 : i32 to index
          %parallel_loop3A_384 = arith.index_cast %parallel_loop3A_382 : i32 to index
          %parallel_loop3A_385 = tpu.vector_load %arg6[%parallel_loop3A_383, %parallel_loop3A_384] {strides = array<i32>} : memref<32x576xf32, #tpu.memory_space<vmem>>, vector<1x16xf32>,
          %parallel_loop3A_386 = vector.shape_cast %parallel_loop3A_385 : vector<1x16xf32> to vector<16xf32>
          %parallel_loop3A_387 = arith.mulf %parallel_loop3A_250, %parallel_loop3A_322 : vector<16xf32>
          %parallel_loop3A_388 = arith.mulf %parallel_loop3A_258, %parallel_loop3A_330 : vector<16xf32>
          %parallel_loop3A_389 = arith.mulf %parallel_loop3A_266, %parallel_loop3A_338 : vector<16xf32>
          %parallel_loop3A_390 = arith.addf %parallel_loop3A_388, %parallel_loop3A_389 : vector<16xf32>
          %parallel_loop3A_391 = arith.mulf %parallel_loop3A_274, %parallel_loop3A_346 : vector<16xf32>
          %parallel_loop3A_392 = arith.addf %parallel_loop3A_390, %parallel_loop3A_391 : vector<16xf32>
          %parallel_loop3A_393 = arith.constant -0.577350259 : f32
          %parallel_loop3A_394 = vector.broadcast %parallel_loop3A_393 : f32 to vector<16xf32>
          %parallel_loop3A_395 = arith.mulf %parallel_loop3A_392, %parallel_loop3A_394 : vector<16xf32>
          %parallel_loop3A_396 = arith.addf %parallel_loop3A_387, %parallel_loop3A_395 : vector<16xf32>
          %parallel_loop3A_397 = arith.mulf %parallel_loop3A_282, %parallel_loop3A_354 : vector<16xf32>
          %parallel_loop3A_398 = arith.mulf %parallel_loop3A_290, %parallel_loop3A_362 : vector<16xf32>
          %parallel_loop3A_399 = arith.addf %parallel_loop3A_397, %parallel_loop3A_398 : vector<16xf32>
          %parallel_loop3A_400 = arith.mulf %parallel_loop3A_298, %parallel_loop3A_370 : vector<16xf32>
          %parallel_loop3A_401 = arith.addf %parallel_loop3A_399, %parallel_loop3A_400 : vector<16xf32>
          %parallel_loop3A_402 = arith.mulf %parallel_loop3A_306, %parallel_loop3A_378 : vector<16xf32>
          %parallel_loop3A_403 = arith.addf %parallel_loop3A_401, %parallel_loop3A_402 : vector<16xf32>
          %parallel_loop3A_404 = arith.mulf %parallel_loop3A_314, %parallel_loop3A_386 : vector<16xf32>
          %parallel_loop3A_405 = arith.addf %parallel_loop3A_403, %parallel_loop3A_404 : vector<16xf32>
          %parallel_loop3A_406 = arith.constant 0.44721359 : f32
          %parallel_loop3A_407 = vector.broadcast %parallel_loop3A_406 : f32 to vector<16xf32>
          %parallel_loop3A_408 = arith.mulf %parallel_loop3A_405, %parallel_loop3A_407 : vector<16xf32>
          %parallel_loop3A_409 = arith.addf %parallel_loop3A_396, %parallel_loop3A_408 : vector<16xf32>
          %parallel_loop3A_410 = arith.constant 16 : i32
          %parallel_loop3A_411 = arith.addi %parallel_loop3A_410, %parallel_loop3A_224 : i32
          %parallel_loop3A_412 = arith.constant 0 : i32
          %parallel_loop3A_413 = arith.addi %parallel_loop3A_412, %parallel_loop3A_242 : i32
          %parallel_loop3A_414 = arith.index_cast %parallel_loop3A_411 : i32 to index
          %parallel_loop3A_415 = arith.index_cast %parallel_loop3A_413 : i32 to index
          %parallel_loop3A_416 = tpu.vector_load %arg7[%parallel_loop3A_414, %parallel_loop3A_415] {strides = array<i32>} : memref<32x576xf32, #tpu.memory_space<vmem>>, vector<1x16xf32>,
          %parallel_loop3A_417 = vector.shape_cast %parallel_loop3A_416 : vector<1x16xf32> to vector<16xf32>
          %parallel_loop3A_418 = vector.shape_cast %parallel_loop3A_409 : vector<16xf32> to vector<1x16xf32>
          tpu.vector_store %arg7[%parallel_loop3A_414, %parallel_loop3A_415], %parallel_loop3A_418 {strides = array<i32>} : memref<32x576xf32, #tpu.memory_space<vmem>>, vector<1x16xf32>,
          %parallel_loop3A_419 = arith.mulf %parallel_loop3A_250, %parallel_loop3A_330 : vector<16xf32>
          %parallel_loop3A_420 = arith.mulf %parallel_loop3A_258, %parallel_loop3A_322 : vector<16xf32>
          %parallel_loop3A_421 = arith.addf %parallel_loop3A_419, %parallel_loop3A_420 : vector<16xf32>
          %parallel_loop3A_422 = arith.mulf %parallel_loop3A_258, %parallel_loop3A_370 : vector<16xf32>
          %parallel_loop3A_423 = arith.mulf %parallel_loop3A_298, %parallel_loop3A_330 : vector<16xf32>
          %parallel_loop3A_424 = arith.addf %parallel_loop3A_422, %parallel_loop3A_423 : vector<16xf32>
          %parallel_loop3A_425 = arith.constant 0.316227764 : f32
          %parallel_loop3A_426 = vector.broadcast %parallel_loop3A_425 : f32 to vector<16xf32>
          %parallel_loop3A_427 = arith.mulf %parallel_loop3A_424, %parallel_loop3A_426 : vector<16xf32>
          %parallel_loop3A_428 = arith.addf %parallel_loop3A_421, %parallel_loop3A_427 : vector<16xf32>
          %parallel_loop3A_429 = arith.mulf %parallel_loop3A_258, %parallel_loop3A_386 : vector<16xf32>
          %parallel_loop3A_430 = arith.mulf %parallel_loop3A_266, %parallel_loop3A_362 : vector<16xf32>
          %parallel_loop3A_431 = arith.subf %parallel_loop3A_429, %parallel_loop3A_430 : vector<16xf32>
          %parallel_loop3A_432 = arith.mulf %parallel_loop3A_274, %parallel_loop3A_354 : vector<16xf32>
          %parallel_loop3A_433 = arith.subf %parallel_loop3A_431, %parallel_loop3A_432 : vector<16xf32>
          %parallel_loop3A_434 = arith.mulf %parallel_loop3A_282, %parallel_loop3A_346 : vector<16xf32>
          %parallel_loop3A_435 = arith.subf %parallel_loop3A_433, %parallel_loop3A_434 : vector<16xf32>
          %parallel_loop3A_436 = arith.mulf %parallel_loop3A_290, %parallel_loop3A_338 : vector<16xf32>
          %parallel_loop3A_437 = arith.subf %parallel_loop3A_435, %parallel_loop3A_436 : vector<16xf32>
          %parallel_loop3A_438 = arith.mulf %parallel_loop3A_314, %parallel_loop3A_330 : vector<16xf32>
          %parallel_loop3A_439 = arith.addf %parallel_loop3A_437, %parallel_loop3A_438 : vector<16xf32>
          %parallel_loop3A_440 = arith.constant 0.547722578 : f32
          %parallel_loop3A_441 = vector.broadcast %parallel_loop3A_440 : f32 to vector<16xf32>
          %parallel_loop3A_442 = arith.mulf %parallel_loop3A_439, %parallel_loop3A_441 : vector<16xf32>
          %parallel_loop3A_443 = arith.addf %parallel_loop3A_428, %parallel_loop3A_442 : vector<16xf32>
          %parallel_loop3A_444 = arith.constant 16 : i32
          %parallel_loop3A_445 = arith.addi %parallel_loop3A_444, %parallel_loop3A_224 : i32
          %parallel_loop3A_446 = arith.constant 64 : i32
          %parallel_loop3A_447 = arith.addi %parallel_loop3A_446, %parallel_loop3A_242 : i32
          %parallel_loop3A_448 = arith.index_cast %parallel_loop3A_445 : i32 to index
          %parallel_loop3A_449 = arith.index_cast %parallel_loop3A_447 : i32 to index
          %parallel_loop3A_450 = tpu.vector_load %arg7[%parallel_loop3A_448, %parallel_loop3A_449] {strides = array<i32>} : memref<32x576xf32, #tpu.memory_space<vmem>>, vector<1x16xf32>,
          %parallel_loop3A_451 = vector.shape_cast %parallel_loop3A_450 : vector<1x16xf32> to vector<16xf32>
          %parallel_loop3A_452 = vector.shape_cast %parallel_loop3A_443 : vector<16xf32> to vector<1x16xf32>
          tpu.vector_store %arg7[%parallel_loop3A_448, %parallel_loop3A_449], %parallel_loop3A_452 {strides = array<i32>} : memref<32x576xf32, #tpu.memory_space<vmem>>, vector<1x16xf32>,
          %parallel_loop3A_453 = arith.mulf %parallel_loop3A_250, %parallel_loop3A_338 : vector<16xf32>
          %parallel_loop3A_454 = arith.mulf %parallel_loop3A_266, %parallel_loop3A_322 : vector<16xf32>
          %parallel_loop3A_455 = arith.addf %parallel_loop3A_453, %parallel_loop3A_454 : vector<16xf32>
          %parallel_loop3A_456 = arith.mulf %parallel_loop3A_258, %parallel_loop3A_362 : vector<16xf32>
          %parallel_loop3A_457 = arith.mulf %parallel_loop3A_274, %parallel_loop3A_378 : vector<16xf32>
          %parallel_loop3A_458 = arith.addf %parallel_loop3A_456, %parallel_loop3A_457 : vector<16xf32>
          %parallel_loop3A_459 = arith.mulf %parallel_loop3A_290, %parallel_loop3A_330 : vector<16xf32>
          %parallel_loop3A_460 = arith.addf %parallel_loop3A_458, %parallel_loop3A_459 : vector<16xf32>
          %parallel_loop3A_461 = arith.mulf %parallel_loop3A_306, %parallel_loop3A_346 : vector<16xf32>
          %parallel_loop3A_462 = arith.addf %parallel_loop3A_460, %parallel_loop3A_461 : vector<16xf32>
          %parallel_loop3A_463 = arith.constant -0.547722578 : f32
          %parallel_loop3A_464 = vector.broadcast %parallel_loop3A_463 : f32 to vector<16xf32>
          %parallel_loop3A_465 = arith.mulf %parallel_loop3A_462, %parallel_loop3A_464 : vector<16xf32>
          %parallel_loop3A_466 = arith.addf %parallel_loop3A_455, %parallel_loop3A_465 : vector<16xf32>
          %parallel_loop3A_467 = arith.mulf %parallel_loop3A_266, %parallel_loop3A_370 : vector<16xf32>
          %parallel_loop3A_468 = arith.mulf %parallel_loop3A_298, %parallel_loop3A_338 : vector<16xf32>
          %parallel_loop3A_469 = arith.addf %parallel_loop3A_467, %parallel_loop3A_468 : vector<16xf32>
          %parallel_loop3A_470 = arith.constant -0.632455527 : f32
          %parallel_loop3A_471 = vector.broadcast %parallel_loop3A_470 : f32 to vector<16xf32>
          %parallel_loop3A_472 = arith.mulf %parallel_loop3A_469, %parallel_loop3A_471 : vector<16xf32>
          %parallel_loop3A_473 = arith.addf %parallel_loop3A_466, %parallel_loop3A_472 : vector<16xf32>
          %parallel_loop3A_474 = arith.constant 16 : i32
          %parallel_loop3A_475 = arith.addi %parallel_loop3A_474, %parallel_loop3A_224 : i32
          %parallel_loop3A_476 = arith.constant 128 : i32
          %parallel_loop3A_477 = arith.addi %parallel_loop3A_476, %parallel_loop3A_242 : i32
          %parallel_loop3A_478 = arith.index_cast %parallel_loop3A_475 : i32 to index
          %parallel_loop3A_479 = arith.index_cast %parallel_loop3A_477 : i32 to index
          %parallel_loop3A_480 = tpu.vector_load %arg7[%parallel_loop3A_478, %parallel_loop3A_479] {strides = array<i32>} : memref<32x576xf32, #tpu.memory_space<vmem>>, vector<1x16xf32>,
          %parallel_loop3A_481 = vector.shape_cast %parallel_loop3A_480 : vector<1x16xf32> to vector<16xf32>
          %parallel_loop3A_482 = vector.shape_cast %parallel_loop3A_473 : vector<16xf32> to vector<1x16xf32>
          tpu.vector_store %arg7[%parallel_loop3A_478, %parallel_loop3A_479], %parallel_loop3A_482 {strides = array<i32>} : memref<32x576xf32, #tpu.memory_space<vmem>>, vector<1x16xf32>,
          %parallel_loop3A_483 = arith.mulf %parallel_loop3A_250, %parallel_loop3A_346 : vector<16xf32>
          %parallel_loop3A_484 = arith.mulf %parallel_loop3A_274, %parallel_loop3A_322 : vector<16xf32>
          %parallel_loop3A_485 = arith.addf %parallel_loop3A_483, %parallel_loop3A_484 : vector<16xf32>
          %parallel_loop3A_486 = arith.mulf %parallel_loop3A_258, %parallel_loop3A_354 : vector<16xf32>
          %parallel_loop3A_487 = arith.mulf %parallel_loop3A_266, %parallel_loop3A_378 : vector<16xf32>
          %parallel_loop3A_488 = arith.addf %parallel_loop3A_486, %parallel_loop3A_487 : vector<16xf32>
          %parallel_loop3A_489 = arith.mulf %parallel_loop3A_274, %parallel_loop3A_386 : vector<16xf32>
          %parallel_loop3A_490 = arith.addf %parallel_loop3A_488, %parallel_loop3A_489 : vector<16xf32>
          %parallel_loop3A_491 = arith.mulf %parallel_loop3A_282, %parallel_loop3A_330 : vector<16xf32>
          %parallel_loop3A_492 = arith.addf %parallel_loop3A_490, %parallel_loop3A_491 : vector<16xf32>
          %parallel_loop3A_493 = arith.mulf %parallel_loop3A_306, %parallel_loop3A_338 : vector<16xf32>
          %parallel_loop3A_494 = arith.addf %parallel_loop3A_492, %parallel_loop3A_493 : vector<16xf32>
          %parallel_loop3A_495 = arith.mulf %parallel_loop3A_314, %parallel_loop3A_346 : vector<16xf32>
          %parallel_loop3A_496 = arith.addf %parallel_loop3A_494, %parallel_loop3A_495 : vector<16xf32>
          %parallel_loop3A_497 = arith.constant -0.547722578 : f32
          %parallel_loop3A_498 = vector.broadcast %parallel_loop3A_497 : f32 to vector<16xf32>
          %parallel_loop3A_499 = arith.mulf %parallel_loop3A_496, %parallel_loop3A_498 : vector<16xf32>
          %parallel_loop3A_500 = arith.addf %parallel_loop3A_485, %parallel_loop3A_499 : vector<16xf32>
          %parallel_loop3A_501 = arith.mulf %parallel_loop3A_274, %parallel_loop3A_370 : vector<16xf32>
          %parallel_loop3A_502 = arith.mulf %parallel_loop3A_298, %parallel_loop3A_346 : vector<16xf32>
          %parallel_loop3A_503 = arith.addf %parallel_loop3A_501, %parallel_loop3A_502 : vector<16xf32>
          %parallel_loop3A_504 = arith.constant 0.316227764 : f32
          %parallel_loop3A_505 = vector.broadcast %parallel_loop3A_504 : f32 to vector<16xf32>
          %parallel_loop3A_506 = arith.mulf %parallel_loop3A_503, %parallel_loop3A_505 : vector<16xf32>
          %parallel_loop3A_507 = arith.addf %parallel_loop3A_500, %parallel_loop3A_506 : vector<16xf32>
          %parallel_loop3A_508 = arith.constant 16 : i32
          %parallel_loop3A_509 = arith.addi %parallel_loop3A_508, %parallel_loop3A_224 : i32
          %parallel_loop3A_510 = arith.constant 192 : i32
          %parallel_loop3A_511 = arith.addi %parallel_loop3A_510, %parallel_loop3A_242 : i32
          %parallel_loop3A_512 = arith.index_cast %parallel_loop3A_509 : i32 to index
          %parallel_loop3A_513 = arith.index_cast %parallel_loop3A_511 : i32 to index
          %parallel_loop3A_514 = tpu.vector_load %arg7[%parallel_loop3A_512, %parallel_loop3A_513] {strides = array<i32>} : memref<32x576xf32, #tpu.memory_space<vmem>>, vector<1x16xf32>,
          %parallel_loop3A_515 = vector.shape_cast %parallel_loop3A_514 : vector<1x16xf32> to vector<16xf32>
          %parallel_loop3A_516 = vector.shape_cast %parallel_loop3A_507 : vector<16xf32> to vector<1x16xf32>
          tpu.vector_store %arg7[%parallel_loop3A_512, %parallel_loop3A_513], %parallel_loop3A_516 {strides = array<i32>} : memref<32x576xf32, #tpu.memory_space<vmem>>, vector<1x16xf32>,
          %parallel_loop3A_517 = arith.mulf %parallel_loop3A_250, %parallel_loop3A_354 : vector<16xf32>
          %parallel_loop3A_518 = arith.mulf %parallel_loop3A_282, %parallel_loop3A_322 : vector<16xf32>
          %parallel_loop3A_519 = arith.addf %parallel_loop3A_517, %parallel_loop3A_518 : vector<16xf32>
          %parallel_loop3A_520 = arith.mulf %parallel_loop3A_258, %parallel_loop3A_346 : vector<16xf32>
          %parallel_loop3A_521 = arith.mulf %parallel_loop3A_274, %parallel_loop3A_330 : vector<16xf32>
          %parallel_loop3A_522 = arith.addf %parallel_loop3A_520, %parallel_loop3A_521 : vector<16xf32>
          %parallel_loop3A_523 = arith.constant 0.707106769 : f32
          %parallel_loop3A_524 = vector.broadcast %parallel_loop3A_523 : f32 to vector<16xf32>
          %parallel_loop3A_525 = arith.mulf %parallel_loop3A_522, %parallel_loop3A_524 : vector<16xf32>
          %parallel_loop3A_526 = arith.addf %parallel_loop3A_519, %parallel_loop3A_525 : vector<16xf32>
          %parallel_loop3A_527 = arith.mulf %parallel_loop3A_282, %parallel_loop3A_370 : vector<16xf32>
          %parallel_loop3A_528 = arith.mulf %parallel_loop3A_298, %parallel_loop3A_354 : vector<16xf32>
          %parallel_loop3A_529 = arith.addf %parallel_loop3A_527, %parallel_loop3A_528 : vector<16xf32>
          %parallel_loop3A_530 = arith.constant 0.534522474 : f32
          %parallel_loop3A_531 = vector.broadcast %parallel_loop3A_530 : f32 to vector<16xf32>
          %parallel_loop3A_532 = arith.mulf %parallel_loop3A_529, %parallel_loop3A_531 : vector<16xf32>
          %parallel_loop3A_533 = arith.addf %parallel_loop3A_526, %parallel_loop3A_532 : vector<16xf32>
          %parallel_loop3A_534 = arith.mulf %parallel_loop3A_290, %parallel_loop3A_378 : vector<16xf32>
          %parallel_loop3A_535 = arith.mulf %parallel_loop3A_306, %parallel_loop3A_362 : vector<16xf32>
          %parallel_loop3A_536 = arith.addf %parallel_loop3A_534, %parallel_loop3A_535 : vector<16xf32>
          %parallel_loop3A_537 = arith.constant -0.462910056 : f32
          %parallel_loop3A_538 = vector.broadcast %parallel_loop3A_537 : f32 to vector<16xf32>
          %parallel_loop3A_539 = arith.mulf %parallel_loop3A_536, %parallel_loop3A_538 : vector<16xf32>
          %parallel_loop3A_540 = arith.addf %parallel_loop3A_533, %parallel_loop3A_539 : vector<16xf32>
          %parallel_loop3A_541 = arith.constant 16 : i32
          %parallel_loop3A_542 = arith.addi %parallel_loop3A_541, %parallel_loop3A_224 : i32
          %parallel_loop3A_543 = arith.constant 256 : i32
          %parallel_loop3A_544 = arith.addi %parallel_loop3A_543, %parallel_loop3A_242 : i32
          %parallel_loop3A_545 = arith.index_cast %parallel_loop3A_542 : i32 to index
          %parallel_loop3A_546 = arith.index_cast %parallel_loop3A_544 : i32 to index
          %parallel_loop3A_547 = tpu.vector_load %arg7[%parallel_loop3A_545, %parallel_loop3A_546] {strides = array<i32>} : memref<32x576xf32, #tpu.memory_space<vmem>>, vector<1x16xf32>,
          %parallel_loop3A_548 = vector.shape_cast %parallel_loop3A_547 : vector<1x16xf32> to vector<16xf32>
          %parallel_loop3A_549 = vector.shape_cast %parallel_loop3A_540 : vector<16xf32> to vector<1x16xf32>
          tpu.vector_store %arg7[%parallel_loop3A_545, %parallel_loop3A_546], %parallel_loop3A_549 {strides = array<i32>} : memref<32x576xf32, #tpu.memory_space<vmem>>, vector<1x16xf32>,
          %parallel_loop3A_550 = arith.mulf %parallel_loop3A_250, %parallel_loop3A_362 : vector<16xf32>
          %parallel_loop3A_551 = arith.mulf %parallel_loop3A_290, %parallel_loop3A_322 : vector<16xf32>
          %parallel_loop3A_552 = arith.addf %parallel_loop3A_550, %parallel_loop3A_551 : vector<16xf32>
          %parallel_loop3A_553 = arith.mulf %parallel_loop3A_258, %parallel_loop3A_338 : vector<16xf32>
          %parallel_loop3A_554 = arith.mulf %parallel_loop3A_266, %parallel_loop3A_330 : vector<16xf32>
          %parallel_loop3A_555 = arith.addf %parallel_loop3A_553, %parallel_loop3A_554 : vector<16xf32>
          %parallel_loop3A_556 = arith.constant 0.707106769 : f32
          %parallel_loop3A_557 = vector.broadcast %parallel_loop3A_556 : f32 to vector<16xf32>
          %parallel_loop3A_558 = arith.mulf %parallel_loop3A_555, %parallel_loop3A_557 : vector<16xf32>
          %parallel_loop3A_559 = arith.addf %parallel_loop3A_552, %parallel_loop3A_558 : vector<16xf32>
          %parallel_loop3A_560 = arith.mulf %parallel_loop3A_282, %parallel_loop3A_378 : vector<16xf32>
          %parallel_loop3A_561 = arith.mulf %parallel_loop3A_290, %parallel_loop3A_386 : vector<16xf32>
          %parallel_loop3A_562 = arith.subf %parallel_loop3A_560, %parallel_loop3A_561 : vector<16xf32>
          %parallel_loop3A_563 = arith.mulf %parallel_loop3A_306, %parallel_loop3A_354 : vector<16xf32>
          %parallel_loop3A_564 = arith.addf %parallel_loop3A_562, %parallel_loop3A_563 : vector<16xf32>
          %parallel_loop3A_565 = arith.mulf %parallel_loop3A_314, %parallel_loop3A_362 : vector<16xf32>
          %parallel_loop3A_566 = arith.subf %parallel_loop3A_564, %parallel_loop3A_565 : vector<16xf32>
          %parallel_loop3A_567 = arith.constant -0.462910056 : f32
          %parallel_loop3A_568 = vector.broadcast %parallel_loop3A_567 : f32 to vector<16xf32>
          %parallel_loop3A_569 = arith.mulf %parallel_loop3A_566, %parallel_loop3A_568 : vector<16xf32>
          %parallel_loop3A_570 = arith.addf %parallel_loop3A_559, %parallel_loop3A_569 : vector<16xf32>
          %parallel_loop3A_571 = arith.mulf %parallel_loop3A_290, %parallel_loop3A_370 : vector<16xf32>
          %parallel_loop3A_572 = arith.mulf %parallel_loop3A_298, %parallel_loop3A_362 : vector<16xf32>
          %parallel_loop3A_573 = arith.addf %parallel_loop3A_571, %parallel_loop3A_572 : vector<16xf32>
          %parallel_loop3A_574 = arith.constant -0.267261237 : f32
          %parallel_loop3A_575 = vector.broadcast %parallel_loop3A_574 : f32 to vector<16xf32>
          %parallel_loop3A_576 = arith.mulf %parallel_loop3A_573, %parallel_loop3A_575 : vector<16xf32>
          %parallel_loop3A_577 = arith.addf %parallel_loop3A_570, %parallel_loop3A_576 : vector<16xf32>
          %parallel_loop3A_578 = arith.constant 16 : i32
          %parallel_loop3A_579 = arith.addi %parallel_loop3A_578, %parallel_loop3A_224 : i32
          %parallel_loop3A_580 = arith.constant 320 : i32
          %parallel_loop3A_581 = arith.addi %parallel_loop3A_580, %parallel_loop3A_242 : i32
          %parallel_loop3A_582 = arith.index_cast %parallel_loop3A_579 : i32 to index
          %parallel_loop3A_583 = arith.index_cast %parallel_loop3A_581 : i32 to index
          %parallel_loop3A_584 = tpu.vector_load %arg7[%parallel_loop3A_582, %parallel_loop3A_583] {strides = array<i32>} : memref<32x576xf32, #tpu.memory_space<vmem>>, vector<1x16xf32>,
          %parallel_loop3A_585 = vector.shape_cast %parallel_loop3A_584 : vector<1x16xf32> to vector<16xf32>
          %parallel_loop3A_586 = vector.shape_cast %parallel_loop3A_577 : vector<16xf32> to vector<1x16xf32>
          tpu.vector_store %arg7[%parallel_loop3A_582, %parallel_loop3A_583], %parallel_loop3A_586 {strides = array<i32>} : memref<32x576xf32, #tpu.memory_space<vmem>>, vector<1x16xf32>,
          %parallel_loop3A_587 = arith.mulf %parallel_loop3A_250, %parallel_loop3A_370 : vector<16xf32>
          %parallel_loop3A_588 = arith.mulf %parallel_loop3A_298, %parallel_loop3A_322 : vector<16xf32>
          %parallel_loop3A_589 = arith.addf %parallel_loop3A_587, %parallel_loop3A_588 : vector<16xf32>
          %parallel_loop3A_590 = arith.mulf %parallel_loop3A_258, %parallel_loop3A_330 : vector<16xf32>
          %parallel_loop3A_591 = arith.mulf %parallel_loop3A_274, %parallel_loop3A_346 : vector<16xf32>
          %parallel_loop3A_592 = arith.addf %parallel_loop3A_590, %parallel_loop3A_591 : vector<16xf32>
          %parallel_loop3A_593 = arith.constant -0.408248305 : f32
          %parallel_loop3A_594 = vector.broadcast %parallel_loop3A_593 : f32 to vector<16xf32>
          %parallel_loop3A_595 = arith.mulf %parallel_loop3A_592, %parallel_loop3A_594 : vector<16xf32>
          %parallel_loop3A_596 = arith.addf %parallel_loop3A_589, %parallel_loop3A_595 : vector<16xf32>
          %parallel_loop3A_597 = arith.mulf %parallel_loop3A_266, %parallel_loop3A_338 : vector<16xf32>
          %parallel_loop3A_598 = arith.constant 0.816496611 : f32
          %parallel_loop3A_599 = vector.broadcast %parallel_loop3A_598 : f32 to vector<16xf32>
          %parallel_loop3A_600 = arith.mulf %parallel_loop3A_597, %parallel_loop3A_599 : vector<16xf32>
          %parallel_loop3A_601 = arith.addf %parallel_loop3A_596, %parallel_loop3A_600 : vector<16xf32>
          %parallel_loop3A_602 = arith.mulf %parallel_loop3A_282, %parallel_loop3A_354 : vector<16xf32>
          %parallel_loop3A_603 = arith.mulf %parallel_loop3A_298, %parallel_loop3A_370 : vector<16xf32>
          %parallel_loop3A_604 = arith.subf %parallel_loop3A_602, %parallel_loop3A_603 : vector<16xf32>
          %parallel_loop3A_605 = arith.mulf %parallel_loop3A_314, %parallel_loop3A_386 : vector<16xf32>
          %parallel_loop3A_606 = arith.addf %parallel_loop3A_604, %parallel_loop3A_605 : vector<16xf32>
          %parallel_loop3A_607 = arith.constant 0.534522474 : f32
          %parallel_loop3A_608 = vector.broadcast %parallel_loop3A_607 : f32 to vector<16xf32>
          %parallel_loop3A_609 = arith.mulf %parallel_loop3A_606, %parallel_loop3A_608 : vector<16xf32>
          %parallel_loop3A_610 = arith.addf %parallel_loop3A_601, %parallel_loop3A_609 : vector<16xf32>
          %parallel_loop3A_611 = arith.mulf %parallel_loop3A_290, %parallel_loop3A_362 : vector<16xf32>
          %parallel_loop3A_612 = arith.mulf %parallel_loop3A_306, %parallel_loop3A_378 : vector<16xf32>
          %parallel_loop3A_613 = arith.addf %parallel_loop3A_611, %parallel_loop3A_612 : vector<16xf32>
          %parallel_loop3A_614 = arith.constant -0.267261237 : f32
          %parallel_loop3A_615 = vector.broadcast %parallel_loop3A_614 : f32 to vector<16xf32>
          %parallel_loop3A_616 = arith.mulf %parallel_loop3A_613, %parallel_loop3A_615 : vector<16xf32>
          %parallel_loop3A_617 = arith.addf %parallel_loop3A_610, %parallel_loop3A_616 : vector<16xf32>
          %parallel_loop3A_618 = arith.constant 16 : i32
          %parallel_loop3A_619 = arith.addi %parallel_loop3A_618, %parallel_loop3A_224 : i32
          %parallel_loop3A_620 = arith.constant 384 : i32
          %parallel_loop3A_621 = arith.addi %parallel_loop3A_620, %parallel_loop3A_242 : i32
          %parallel_loop3A_622 = arith.index_cast %parallel_loop3A_619 : i32 to index
          %parallel_loop3A_623 = arith.index_cast %parallel_loop3A_621 : i32 to index
          %parallel_loop3A_624 = tpu.vector_load %arg7[%parallel_loop3A_622, %parallel_loop3A_623] {strides = array<i32>} : memref<32x576xf32, #tpu.memory_space<vmem>>, vector<1x16xf32>,
          %parallel_loop3A_625 = vector.shape_cast %parallel_loop3A_624 : vector<1x16xf32> to vector<16xf32>
          %parallel_loop3A_626 = vector.shape_cast %parallel_loop3A_617 : vector<16xf32> to vector<1x16xf32>
          tpu.vector_store %arg7[%parallel_loop3A_622, %parallel_loop3A_623], %parallel_loop3A_626 {strides = array<i32>} : memref<32x576xf32, #tpu.memory_space<vmem>>, vector<1x16xf32>,
          %parallel_loop3A_627 = arith.mulf %parallel_loop3A_250, %parallel_loop3A_378 : vector<16xf32>
          %parallel_loop3A_628 = arith.mulf %parallel_loop3A_306, %parallel_loop3A_322 : vector<16xf32>
          %parallel_loop3A_629 = arith.addf %parallel_loop3A_627, %parallel_loop3A_628 : vector<16xf32>
          %parallel_loop3A_630 = arith.mulf %parallel_loop3A_266, %parallel_loop3A_346 : vector<16xf32>
          %parallel_loop3A_631 = arith.mulf %parallel_loop3A_274, %parallel_loop3A_338 : vector<16xf32>
          %parallel_loop3A_632 = arith.addf %parallel_loop3A_630, %parallel_loop3A_631 : vector<16xf32>
          %parallel_loop3A_633 = arith.constant 0.707106769 : f32
          %parallel_loop3A_634 = vector.broadcast %parallel_loop3A_633 : f32 to vector<16xf32>
          %parallel_loop3A_635 = arith.mulf %parallel_loop3A_632, %parallel_loop3A_634 : vector<16xf32>
          %parallel_loop3A_636 = arith.addf %parallel_loop3A_629, %parallel_loop3A_635 : vector<16xf32>
          %parallel_loop3A_637 = arith.mulf %parallel_loop3A_282, %parallel_loop3A_362 : vector<16xf32>
          %parallel_loop3A_638 = arith.mulf %parallel_loop3A_290, %parallel_loop3A_354 : vector<16xf32>
          %parallel_loop3A_639 = arith.addf %parallel_loop3A_637, %parallel_loop3A_638 : vector<16xf32>
          %parallel_loop3A_640 = arith.mulf %parallel_loop3A_306, %parallel_loop3A_386 : vector<16xf32>
          %parallel_loop3A_641 = arith.addf %parallel_loop3A_639, %parallel_loop3A_640 : vector<16xf32>
          %parallel_loop3A_642 = arith.mulf %parallel_loop3A_314, %parallel_loop3A_378 : vector<16xf32>
          %parallel_loop3A_643 = arith.addf %parallel_loop3A_641, %parallel_loop3A_642 : vector<16xf32>
          %parallel_loop3A_644 = arith.constant -0.462910056 : f32
          %parallel_loop3A_645 = vector.broadcast %parallel_loop3A_644 : f32 to vector<16xf32>
          %parallel_loop3A_646 = arith.mulf %parallel_loop3A_643, %parallel_loop3A_645 : vector<16xf32>
          %parallel_loop3A_647 = arith.addf %parallel_loop3A_636, %parallel_loop3A_646 : vector<16xf32>
          %parallel_loop3A_648 = arith.mulf %parallel_loop3A_298, %parallel_loop3A_378 : vector<16xf32>
          %parallel_loop3A_649 = arith.mulf %parallel_loop3A_306, %parallel_loop3A_370 : vector<16xf32>
          %parallel_loop3A_650 = arith.addf %parallel_loop3A_648, %parallel_loop3A_649 : vector<16xf32>
          %parallel_loop3A_651 = arith.constant -0.267261237 : f32
          %parallel_loop3A_652 = vector.broadcast %parallel_loop3A_651 : f32 to vector<16xf32>
          %parallel_loop3A_653 = arith.mulf %parallel_loop3A_650, %parallel_loop3A_652 : vector<16xf32>
          %parallel_loop3A_654 = arith.addf %parallel_loop3A_647, %parallel_loop3A_653 : vector<16xf32>
          %parallel_loop3A_655 = arith.constant 16 : i32
          %parallel_loop3A_656 = arith.addi %parallel_loop3A_655, %parallel_loop3A_224 : i32
          %parallel_loop3A_657 = arith.constant 448 : i32
          %parallel_loop3A_658 = arith.addi %parallel_loop3A_657, %parallel_loop3A_242 : i32
          %parallel_loop3A_659 = arith.index_cast %parallel_loop3A_656 : i32 to index
          %parallel_loop3A_660 = arith.index_cast %parallel_loop3A_658 : i32 to index
          %parallel_loop3A_661 = tpu.vector_load %arg7[%parallel_loop3A_659, %parallel_loop3A_660] {strides = array<i32>} : memref<32x576xf32, #tpu.memory_space<vmem>>, vector<1x16xf32>,
          %parallel_loop3A_662 = vector.shape_cast %parallel_loop3A_661 : vector<1x16xf32> to vector<16xf32>
          %parallel_loop3A_663 = vector.shape_cast %parallel_loop3A_654 : vector<16xf32> to vector<1x16xf32>
          tpu.vector_store %arg7[%parallel_loop3A_659, %parallel_loop3A_660], %parallel_loop3A_663 {strides = array<i32>} : memref<32x576xf32, #tpu.memory_space<vmem>>, vector<1x16xf32>,
          %parallel_loop3A_664 = arith.mulf %parallel_loop3A_250, %parallel_loop3A_386 : vector<16xf32>
          %parallel_loop3A_665 = arith.mulf %parallel_loop3A_314, %parallel_loop3A_322 : vector<16xf32>
          %parallel_loop3A_666 = arith.addf %parallel_loop3A_664, %parallel_loop3A_665 : vector<16xf32>
          %parallel_loop3A_667 = arith.mulf %parallel_loop3A_258, %parallel_loop3A_330 : vector<16xf32>
          %parallel_loop3A_668 = arith.mulf %parallel_loop3A_274, %parallel_loop3A_346 : vector<16xf32>
          %parallel_loop3A_669 = arith.subf %parallel_loop3A_667, %parallel_loop3A_668 : vector<16xf32>
          %parallel_loop3A_670 = arith.constant -0.707106769 : f32
          %parallel_loop3A_671 = vector.broadcast %parallel_loop3A_670 : f32 to vector<16xf32>
          %parallel_loop3A_672 = arith.mulf %parallel_loop3A_669, %parallel_loop3A_671 : vector<16xf32>
          %parallel_loop3A_673 = arith.addf %parallel_loop3A_666, %parallel_loop3A_672 : vector<16xf32>
          %parallel_loop3A_674 = arith.mulf %parallel_loop3A_290, %parallel_loop3A_362 : vector<16xf32>
          %parallel_loop3A_675 = arith.mulf %parallel_loop3A_306, %parallel_loop3A_378 : vector<16xf32>
          %parallel_loop3A_676 = arith.subf %parallel_loop3A_674, %parallel_loop3A_675 : vector<16xf32>
          %parallel_loop3A_677 = arith.constant 0.462910056 : f32
          %parallel_loop3A_678 = vector.broadcast %parallel_loop3A_677 : f32 to vector<16xf32>
          %parallel_loop3A_679 = arith.mulf %parallel_loop3A_676, %parallel_loop3A_678 : vector<16xf32>
          %parallel_loop3A_680 = arith.addf %parallel_loop3A_673, %parallel_loop3A_679 : vector<16xf32>
          %parallel_loop3A_681 = arith.mulf %parallel_loop3A_298, %parallel_loop3A_386 : vector<16xf32>
          %parallel_loop3A_682 = arith.mulf %parallel_loop3A_314, %parallel_loop3A_370 : vector<16xf32>
          %parallel_loop3A_683 = arith.addf %parallel_loop3A_681, %parallel_loop3A_682 : vector<16xf32>
          %parallel_loop3A_684 = arith.constant 0.534522474 : f32
          %parallel_loop3A_685 = vector.broadcast %parallel_loop3A_684 : f32 to vector<16xf32>
          %parallel_loop3A_686 = arith.mulf %parallel_loop3A_683, %parallel_loop3A_685 : vector<16xf32>
          %parallel_loop3A_687 = arith.addf %parallel_loop3A_680, %parallel_loop3A_686 : vector<16xf32>
          %parallel_loop3A_688 = arith.constant 16 : i32
          %parallel_loop3A_689 = arith.addi %parallel_loop3A_688, %parallel_loop3A_224 : i32
          %parallel_loop3A_690 = arith.constant 512 : i32
          %parallel_loop3A_691 = arith.addi %parallel_loop3A_690, %parallel_loop3A_242 : i32
          %parallel_loop3A_692 = arith.index_cast %parallel_loop3A_689 : i32 to index
          %parallel_loop3A_693 = arith.index_cast %parallel_loop3A_691 : i32 to index
          %parallel_loop3A_694 = tpu.vector_load %arg7[%parallel_loop3A_692, %parallel_loop3A_693] {strides = array<i32>} : memref<32x576xf32, #tpu.memory_space<vmem>>, vector<1x16xf32>,
          %parallel_loop3A_695 = vector.shape_cast %parallel_loop3A_694 : vector<1x16xf32> to vector<16xf32>
          %parallel_loop3A_696 = vector.shape_cast %parallel_loop3A_687 : vector<16xf32> to vector<1x16xf32>
          tpu.vector_store %arg7[%parallel_loop3A_692, %parallel_loop3A_693], %parallel_loop3A_696 {strides = array<i32>} : memref<32x576xf32, #tpu.memory_space<vmem>>, vector<1x16xf32>,
        } {sc.loop_unroll_factor = 2 : i64, sc.parallel_access}
        %mul3A_182 = arith.constant 32 : i32
        %mul3A_183 = arith.muli %add3A_133, %mul3A_182 : i32
        %add3A_184 = arith.addi %add3A, %mul3A_183 : i32
        %mul3A_185 = arith.constant 16 : i32
        %mul3A_186 = arith.muli %add3A_184, %mul3A_185 : i32
        %dma_start3A_187 = arith.constant 1 : i32
        %dma_start3A_188 = arith.constant 16 : i32
        %dma_start3A_189 = arith.constant 0 : i32
        %dma_start3A_190 = tpu.memref_slice %arg7[%dma_start3A_188, %dma_start3A_189] : memref<32x576xf32, #tpu.memory_space<vmem>> -> memref<16x576xf32, #tpu.memory_space<vmem>>
        %dma_start3A_191 = arith.constant 0 : i32
        %dma_start3A_192 = tpu.memref_slice %arg4[%mul3A_186, %dma_start3A_191] : memref<10000x576xf32, #tpu.memory_space<hbm>> -> memref<16x576xf32, #tpu.memory_space<hbm>>
        %dma_start3A_193 = tpu.memref_slice %arg10[%dma_start3A_187] : memref<2x!tpu.dma_semaphore, #tpu.memory_space<semaphore_mem>> -> memref<1x!tpu.dma_semaphore, #tpu.memory_space<semaphore_mem>>
        %dma_start3A_194 = tpu.memref_squeeze %dma_start3A_193 : memref<1x!tpu.dma_semaphore, #tpu.memory_space<semaphore_mem>> -> memref<!tpu.dma_semaphore, #tpu.memory_space<semaphore_mem>>
        %dma_start3A_195 = arith.constant 0 : i32
        %dma_start3A_196 = tpu.memref_slice %arg4[%mul3A_186, %dma_start3A_195] : memref<10000x576xf32, #tpu.memory_space<hbm>> -> memref<16x576xf32, #tpu.memory_space<hbm>>
        %dma_start3A_197 = arith.constant 16 : i32
        %dma_start3A_198 = arith.constant 0 : i32
        %dma_start3A_199 = tpu.memref_slice %arg7[%dma_start3A_197, %dma_start3A_198] : memref<32x576xf32, #tpu.memory_space<vmem>> -> memref<16x576xf32, #tpu.memory_space<vmem>>
        tpu.enqueue_dma source(%dma_start3A_199 : memref<16x576xf32, #tpu.memory_space<vmem>>) target(%dma_start3A_196 : memref<16x576xf32, #tpu.memory_space<hbm>>) target_semaphore(%dma_start3A_194 : memref<!tpu.dma_semaphore, #tpu.memory_space<semaphore_mem>>)
      } else {
      }
    }
    %ge3A = arith.constant 2 : i32
    %ge3A_87 = arith.cmpi sge, %select_n3A, %ge3A : i32
    %convert_element_type3A = arith.extui %ge3A_87 : i1 to i32
    %cond3A = arith.constant 0 : i32
    %cond3A_88 = arith.cmpi ne, %convert_element_type3A, %cond3A : i32
    scf.if %cond3A_88 {
      %sub3A_123 = arith.constant 2 : i32
      %sub3A_124 = arith.subi %select_n3A, %sub3A_123 : i32
      %sub3A_125 = arith.constant 2 : i32
      %sub3A_126 = arith.subi %select_n3A, %sub3A_125 : i32
      %jit3A_127 = arith.constant 2 : i32
      %eq3A_128 = arith.constant 0 : i32
      %eq3A_129 = arith.cmpi eq, %jit3A_127, %eq3A_128 : i32
      %jit3A_130 = arith.constant 1 : i32
      %select_n3A_131 = arith.select %eq3A_129, %jit3A_130, %jit3A_127 : i32
      %rem3A_132 = arith.remsi %sub3A_126, %select_n3A_131 : i32
      %ne3A_133 = arith.constant 0 : i32
      %ne3A_134 = arith.cmpi ne, %rem3A_132, %ne3A_133 : i32
      %lt3A_135 = arith.constant 0 : i32
      %lt3A_136 = arith.cmpi slt, %rem3A_132, %lt3A_135 : i32
      %lt3A_137 = arith.constant 0 : i32
      %lt3A_138 = arith.cmpi slt, %select_n3A_131, %lt3A_137 : i32
      %ne3A_139 = arith.xori %lt3A_136, %lt3A_138 : i1
      %and3A_140 = arith.andi %ne3A_139, %ne3A_134 : i1
      %add3A_141 = arith.addi %rem3A_132, %select_n3A_131 : i32
      %select_n3A_142 = arith.select %and3A_140, %add3A_141, %rem3A_132 : i32
      %mul3A_143 = arith.constant 32 : i32
      %mul3A_144 = arith.muli %sub3A_124, %mul3A_143 : i32
      %add3A_145 = arith.addi %add3A, %mul3A_144 : i32
      %mul3A_146 = arith.constant 16 : i32
      %mul3A_147 = arith.muli %add3A_145, %mul3A_146 : i32
      %mul3A_148 = arith.constant 16 : i32
      %mul3A_149 = arith.muli %select_n3A_142, %mul3A_148 : i32
      %dma_wait3A_150 = arith.constant 0 : i32
      %dma_wait3A_151 = tpu.memref_slice %arg7[%mul3A_149, %dma_wait3A_150] : memref<32x576xf32, #tpu.memory_space<vmem>> -> memref<16x576xf32, #tpu.memory_space<vmem>>
      %dma_wait3A_152 = arith.constant 0 : i32
      %dma_wait3A_153 = tpu.memref_slice %arg4[%mul3A_147, %dma_wait3A_152] : memref<10000x576xf32, #tpu.memory_space<hbm>> -> memref<16x576xf32, #tpu.memory_space<hbm>>
      %dma_wait3A_154 = tpu.memref_slice %arg10[%select_n3A_142] : memref<2x!tpu.dma_semaphore, #tpu.memory_space<semaphore_mem>> -> memref<1x!tpu.dma_semaphore, #tpu.memory_space<semaphore_mem>>
      %dma_wait3A_155 = tpu.memref_squeeze %dma_wait3A_154 : memref<1x!tpu.dma_semaphore, #tpu.memory_space<semaphore_mem>> -> memref<!tpu.dma_semaphore, #tpu.memory_space<semaphore_mem>>
      %dma_wait3A_156 = arith.constant 0 : i32
      %dma_wait3A_157 = tpu.memref_slice %arg4[%mul3A_147, %dma_wait3A_156] : memref<10000x576xf32, #tpu.memory_space<hbm>> -> memref<16x576xf32, #tpu.memory_space<hbm>>
      %dma_wait3A_158 = arith.constant 0 : i32
      %dma_wait3A_159 = tpu.memref_slice %arg7[%mul3A_149, %dma_wait3A_158] : memref<32x576xf32, #tpu.memory_space<vmem>> -> memref<16x576xf32, #tpu.memory_space<vmem>>
      tpu.wait_dma2 semaphore(%dma_wait3A_155 : memref<!tpu.dma_semaphore, #tpu.memory_space<semaphore_mem>>) src(%dma_wait3A_159 : memref<16x576xf32, #tpu.memory_space<vmem>>) dst(%dma_wait3A_157 : memref<16x576xf32, #tpu.memory_space<hbm>>)
    } else {
    }
    %sub3A_89 = arith.constant 1 : i32
    %sub3A_90 = arith.subi %select_n3A, %sub3A_89 : i32
    %sub3A_91 = arith.constant 1 : i32
    %sub3A_92 = arith.subi %select_n3A, %sub3A_91 : i32
    %jit3A_93 = arith.constant 2 : i32
    %eq3A = arith.constant 0 : i32
    %eq3A_94 = arith.cmpi eq, %jit3A_93, %eq3A : i32
    %jit3A_95 = arith.constant 1 : i32
    %select_n3A_96 = arith.select %eq3A_94, %jit3A_95, %jit3A_93 : i32
    %rem3A_97 = arith.remsi %sub3A_92, %select_n3A_96 : i32
    %ne3A_98 = arith.constant 0 : i32
    %ne3A_99 = arith.cmpi ne, %rem3A_97, %ne3A_98 : i32
    %lt3A = arith.constant 0 : i32
    %lt3A_100 = arith.cmpi slt, %rem3A_97, %lt3A : i32
    %lt3A_101 = arith.constant 0 : i32
    %lt3A_102 = arith.cmpi slt, %select_n3A_96, %lt3A_101 : i32
    %ne3A_103 = arith.xori %lt3A_100, %lt3A_102 : i1
    %and3A_104 = arith.andi %ne3A_103, %ne3A_99 : i1
    %add3A_105 = arith.addi %rem3A_97, %select_n3A_96 : i32
    %select_n3A_106 = arith.select %and3A_104, %add3A_105, %rem3A_97 : i32
    %mul3A_107 = arith.constant 32 : i32
    %mul3A_108 = arith.muli %sub3A_90, %mul3A_107 : i32
    %add3A_109 = arith.addi %add3A, %mul3A_108 : i32
    %mul3A_110 = arith.constant 16 : i32
    %mul3A_111 = arith.muli %add3A_109, %mul3A_110 : i32
    %mul3A_112 = arith.constant 16 : i32
    %mul3A_113 = arith.muli %select_n3A_106, %mul3A_112 : i32
    %dma_wait3A = arith.constant 0 : i32
    %dma_wait3A_114 = tpu.memref_slice %arg7[%mul3A_113, %dma_wait3A] : memref<32x576xf32, #tpu.memory_space<vmem>> -> memref<16x576xf32, #tpu.memory_space<vmem>>
    %dma_wait3A_115 = arith.constant 0 : i32
    %dma_wait3A_116 = tpu.memref_slice %arg4[%mul3A_111, %dma_wait3A_115] : memref<10000x576xf32, #tpu.memory_space<hbm>> -> memref<16x576xf32, #tpu.memory_space<hbm>>
    %dma_wait3A_117 = tpu.memref_slice %arg10[%select_n3A_106] : memref<2x!tpu.dma_semaphore, #tpu.memory_space<semaphore_mem>> -> memref<1x!tpu.dma_semaphore, #tpu.memory_space<semaphore_mem>>
    %dma_wait3A_118 = tpu.memref_squeeze %dma_wait3A_117 : memref<1x!tpu.dma_semaphore, #tpu.memory_space<semaphore_mem>> -> memref<!tpu.dma_semaphore, #tpu.memory_space<semaphore_mem>>
    %dma_wait3A_119 = arith.constant 0 : i32
    %dma_wait3A_120 = tpu.memref_slice %arg4[%mul3A_111, %dma_wait3A_119] : memref<10000x576xf32, #tpu.memory_space<hbm>> -> memref<16x576xf32, #tpu.memory_space<hbm>>
    %dma_wait3A_121 = arith.constant 0 : i32
    %dma_wait3A_122 = tpu.memref_slice %arg7[%mul3A_113, %dma_wait3A_121] : memref<32x576xf32, #tpu.memory_space<vmem>> -> memref<16x576xf32, #tpu.memory_space<vmem>>
    tpu.wait_dma2 semaphore(%dma_wait3A_118 : memref<!tpu.dma_semaphore, #tpu.memory_space<semaphore_mem>>) src(%dma_wait3A_122 : memref<16x576xf32, #tpu.memory_space<vmem>>) dst(%dma_wait3A_120 : memref<16x576xf32, #tpu.memory_space<hbm>>)
    return
  }
}

</mosaic_0001>

<sc_bundles>
// kernel: kernel.3.cloned.1.call-start
scs
__scs_entry_jumppad:
0x0: {  	(pc) =	sbr.rel $0x88, $3  }
0x1: {  	(tag) =	ssettag $0x0;
	lr =	simm.s32 $0x1  }
0x2: {  	[smem:$0x3F9F] =	sst lr;
	_ =	strace $0xD0000000  }
0x3: {  	_ = 	snop  }
0x4: {  	_ = 	snop  }
0x5: {  	_ = 	snop  }
0x6: {  	_ = 	snop  }
0x7: {  	_ = 	snop  }
__scs_overlays_trampoline_lowered:
0x8: {  	[smem:$0x3FAE] =	sst s0  }
0x9: {  	[smem:$0x3FAF] =	sst s1  }
0xa: {  	[smem:$0x3FB0] =	sst s2  }
0xb: {  	[smem:$0x3FB1] =	sst s3  }
0xc: {  	[smem:$0x3FB2] =	sst s4  }
0xd: {  	[smem:$0x3FB3] =	sst s5  }
0xe: {  	[smem:$0x3FB4] =	sst s6  }
0xf: {  	[smem:$0x3FB5] =	sst s7  }
0x10: {  	[smem:$0x3FB6] =	sst s8  }
0x11: {  	[smem:$0x3FB7] =	sst s9;
	s0 =	simm.s32 @!p0 $0x0  }
0x12: {  	s1 =	sld [smem:$0x3F9D];
	s0 =	simm.s32 @p0 $0x1  }
0x13: {  	[smem:$0x3FB8] =	sst s0;
	s0 =	simm.s32 @!p1 $0x0  }
0x14: {  	s2 =	sld [smem:$0x3F9C];
	s0 =	simm.s32 @p1 $0x1  }
0x15: {  	[smem:$0x3FB9] =	sst s0;
	s0 =	simm.s32 @!p2 $0x0  }
0x16: {  	s3 =	sld [smem:$0x3FDB];
	s0 =	simm.s32 @p2 $0x1  }
0x17: {  	s4 =	simm.s32 $0x1BF5;
	[smem:$0x3FBB] =	sst s0  }
0x18: {  	s0 =	sld [smem:$0x3F9E];
	_ =	swait.ge [sflag:s4], $0x0  }
0x19: {  	s7 =	sld [smem:$0x3F9F]  }
0x1a: {  	s8 =	sadd.s32 $0xFFFFE003, lr  }
0x1b: {  	s9 =	sadd.s32 $0xFFFFFEF7, lr;
	s5 =	simm.s32 $0xFFFFFFFF;
	p2 =	slt.u32 s8, $0xFFFFF086  }
0x1c: {  	p1 =	slt.u32 s9, $0xF7A;
	s5 =	simm.s32 @!p2 $0x0  }
0x1d: {  	s5 =	simm.s32 @p1 $0x1;
	p0 =	seq.s32 s7, s2  }
0x1e: {  	s7 =	smul.u32 @!p0 $0xF7A, s2;
	p2 =	seq.s32 @!p0 s5, $0x0  }
0x1f: {  	s9 =	smul.u32 $0xF7A, s1;
	s8 =	simm.s32 @!p0 $0x1BF5;
	p2 =	por !p2, p0  }
0x20: {  	[sflag:s8] =	ssyncset.s32 @!p0 $0xFFFFF086;
	s6 =	sadd.s32 @!p0 s3, s7;
	s7 =	simm.s32 @!p0 $0x108  }
0x21: {  	s3 =	sadd.s32 s3, s9;
	s6 =	sadd.s32 @!p0 $0x88, s6;
	s7 =	simm.s32 @p2 $0x1082  }
0x22: {  	[simem:s7], [sflag:s8] =	dma.local @!p0 [hbm:s6], $0xF7A  }
0x23: {  	s9 =	sor.u32 $0xD0000000, s2;
	s6 =	simm.s32 $0x108;
	_ =	swait.ge @!p0 [sflag:s8], $0x0  }
0x24: {  	s3 =	sadd.s32 $0x88, s3;
	s6 =	simm.s32 @!p1 $0x1082;
	[sflag:s4] =	ssyncset.s32 $0xFFFFF086  }
0x25: {  	[simem:s6], [sflag:s4] =	dma.local [hbm:s3], $0xF7A  }
0x26: {  	[smem:$0x3F9F] =	sst s1;
	(tag) =	ssettag s2;
	_ =	strace s9  }
0x27: {  	s1 =	sld [smem:$0x3FAF]  }
0x28: {  	s2 =	sld [smem:$0x3FB0]  }
0x29: {  	s4 =	sld [smem:$0x3FB2]  }
0x2a: {  	p0 =	seq.s32 s5, $0x0;
	s5 =	sld [smem:$0x3FB3]  }
0x2b: {  	s6 =	sld [smem:$0x3FB4]  }
0x2c: {  	s7 =	sld [smem:$0x3FB5]  }
0x2d: {  	s3 =	simm.s32 $0x108;
	s8 =	sld [smem:$0x3FB6]  }
0x2e: {  	s3 =	simm.s32 @!p0 $0x1082;
	s9 =	sld [smem:$0x3FB7]  }
0x2f: {  	lr =	sadd.s32 s0, s3;
	s0 =	sld [smem:$0x3FAE]  }
0x30: {  	s3 =	sld [smem:$0x3FB1]  }
0x31: {  	[smem:$0x3FBA] =	sst s10  }
0x32: {  	s10 =	sld [smem:$0x3FB8];
	_ =	sdelay $0x3  }
0x33: {  	p0 =	seq.s32 s10, $0x1;
	s10 =	sld [smem:$0x3FBA];
	_ =	sdelay $0x3  }
0x34: {  	[smem:$0x3FBA] =	sst s10  }
0x35: {  	s10 =	sld [smem:$0x3FB9];
	_ =	sdelay $0x3  }
0x36: {  	p1 =	seq.s32 s10, $0x1;
	s10 =	sld [smem:$0x3FBA];
	_ =	sdelay $0x3  }
0x37: {  	[smem:$0x3FBA] =	sst s10  }
0x38: {  	s10 =	sld [smem:$0x3FBB]  }
0x39: {  	_ = 	snop;
	(pc) =	sbr.ind lr, $3  }
0x3a: {  	_ = 	snop  }
0x3b: {  	_ = 	snop  }
0x3c: {  	p2 =	seq.s32 s10, $0x1;
	s10 =	sld [smem:$0x3FBA]  }
0x3d: {  	_ =	shalt  }
0x3e: {  	_ =	shalt  }
0x3f: {  	_ =	shalt  }
0x40: {  	_ =	shalt  }
0x41: {  	_ =	shalt  }
0x42: {  	_ =	shalt  }
0x43: {  	_ =	shalt  }
0x44: {  	_ =	shalt  }
0x45: {  	_ =	shalt  }
0x46: {  	_ =	shalt  }
0x47: {  	_ =	shalt  }
0x48: {  	_ =	shalt  }
0x49: {  	_ =	shalt  }
0x4a: {  	_ =	shalt  }
0x4b: {  	_ =	shalt  }
0x4c: {  	_ =	shalt  }
0x4d: {  	_ =	shalt  }
0x4e: {  	_ =	shalt  }
0x4f: {  	_ =	shalt  }
0x50: {  	_ =	shalt  }
0x51: {  	_ =	shalt  }
0x52: {  	_ =	shalt  }
0x53: {  	_ =	shalt  }
0x54: {  	_ =	shalt  }
0x55: {  	_ =	shalt  }
0x56: {  	_ =	shalt  }
0x57: {  	_ =	shalt  }
0x58: {  	_ =	shalt  }
0x59: {  	_ =	shalt  }
0x5a: {  	_ =	shalt  }
0x5b: {  	_ =	shalt  }
0x5c: {  	_ =	shalt  }
0x5d: {  	_ =	shalt  }
0x5e: {  	_ =	shalt  }
0x5f: {  	_ =	shalt  }
0x60: {  	_ =	shalt  }
0x61: {  	_ =	shalt  }
0x62: {  	_ =	shalt  }
0x63: {  	_ =	shalt  }
0x64: {  	_ =	shalt  }
0x65: {  	_ =	shalt  }
0x66: {  	_ =	shalt  }
0x67: {  	_ =	shalt  }
0x68: {  	_ =	shalt  }
0x69: {  	_ =	shalt  }
0x6a: {  	_ =	shalt  }
0x6b: {  	_ =	shalt  }
0x6c: {  	_ =	shalt  }
0x6d: {  	_ =	shalt  }
0x6e: {  	_ =	shalt  }
0x6f: {  	_ =	shalt  }
0x70: {  	_ =	shalt  }
0x71: {  	_ =	shalt  }
0x72: {  	_ =	shalt  }
0x73: {  	_ =	shalt  }
0x74: {  	_ =	shalt  }
0x75: {  	_ =	shalt  }
0x76: {  	_ =	shalt  }
0x77: {  	_ =	shalt  }
0x78: {  	_ =	shalt  }
0x79: {  	_ =	shalt  }
0x7a: {  	_ =	shalt  }
0x7b: {  	_ =	shalt  }
0x7c: {  	_ =	shalt  }
0x7d: {  	_ =	shalt  }
0x7e: {  	_ =	shalt  }
0x7f: {  	_ =	shalt  }
0x80: {  	_ =	shalt  }
0x81: {  	_ =	shalt  }
0x82: {  	_ =	shalt  }
0x83: {  	_ =	shalt  }
0x84: {  	_ =	shalt  }
0x85: {  	_ =	shalt  }
0x86: {  	_ =	shalt  }
0x87: {  	_ =	shalt  }
.Lfunc_end0:
.L_simem_size_0:
called_computation_lowered:
.L_overlay_start_0:
0x88: {  	s2 =	sld [smem:$0x3FD9]  }
0x89: {  	s3 =	sld [smem:$0x3FFE];
	_ =	sdelay $0x1  }
0x8a: {  	s1 =	srdreg.scid  }
0x8b: {  	s0 =	sand.u32 $0x1, s1  }
0x8c: {  	s16 =	sshll.u32 s0, $0xA;
	s2 =	sadd.s32 s3, s2  }
0x8d: {  	s2 =	sadd.s32 s2, s16  }
0x8e: {  	[smem:$0x3FC6] =	sst s2  }
0x8f: {  	_ = 	snop  }
0x90: {  	(tm) =	ssettm $0x1  }
0x91: {  	s17 =	sld [smem:$0x3FFB];
	_ =	sdelay $0x3  }
0x92: {  	_ =	strace s17  }
0x93: {  	s2 =	sld [smem:$0x3FFC];
	_ =	sdelay $0x3  }
0x94: {  	_ =	strace s2  }
0x95: {  	s2 =	sld [smem:$0x3FFD];
	_ =	sdelay $0x3  }
0x96: {  	_ =	strace s2  }
0x97: {  	_ =	strace $0x8FFFFFFF  }
0x98: {  	s18 =	sld [smem:$0x3FDB];
	_ =	sdelay $0x1  }
0x99: {  	s19 =	simm.s32 $_scs_section_size  }
0x9a: {  	s4 =	simm.s32 $_size__tile_overlayer_lowered;
	s5 =	simm.s32 $_tile_overlayer_lowered  }
0x9b: {  	s22 =	simm.s32 $0x1BFF;
	s21 =	sshll.u32 s5, $0x1;
	s2 =	sadd.s32 s19, s18  }
0x9c: {  	s6 =	simm.s32 $0x0;
	s20 =	sshll.u32 s4, $0x1;
	s4 =	sadd.s32 s21, s2  }
0x9d: {  	[timem:s6], [sflag:s22] =	dma.local [hbm:s4], s20  }
0x9e: {  	_ =	swait.ge [sflag:s22], s20  }
0x9f: {  	s3 =	ssub.s32 $0x0, s20;
	[sflag:s22] =	ssyncset.done $0x0  }
0xa0: {  	[sflag:s22] =	ssyncadd.s32 s3;
	_ =	sdelay $0x1  }
0xa1: {  	s23 =	simm.s32 $0x1B8B  }
0xa2: {  	_ =	swait.ge [sflag:s23], $0x1  }
0xa3: {  	[sflag:s23] =	ssyncset.done $0x0  }
0xa4: {  	s25 =	simm.s32 $0x1B8E;
	s24 =	sld [smem:$0x3FFE];
	[sflag:s23] =	ssyncadd.s32 $0xFFFFFFFF  }
0xa5: {  	s26 =	simm.s32 $execute0_lowered;
	[smem:$0x3FD2] =	sst s25  }
0xa6: {  	s4 =	sshll.u32 s26, $0x1;
	_ =	strace $0x80000046;
	[dreg:$0x1] =	wrdreg $0xFFFFFFFF  }
0xa7: {  	s28 =	simm.s32 $_size_execute0_lowered;
	s2 =	sadd.s32 s2, s4;
	[dreg:$0x0] =	wrdreg $0x0  }
0xa8: {  	s4 =	sshll.u32 s28, $0x1;
	[dreg:$0x2] =	wrdreg s2  }
0xa9: {  	[dreg:$0x3] =	wrdreg s4  }
0xaa: {  	[dreg:$0x4] =	wrdreg $0xC0  }
0xab: {  	_ =	task [dreg:s6], $0x5FFFF  }
0xac: {  	[dreg:$0x1] =	wrdreg $0xFFFFFFFF  }
0xad: {  	[dreg:$0x0] =	wrdreg $0x60  }
0xae: {  	[dreg:$0x2] =	wrdreg s24  }
0xaf: {  	[dreg:$0x3] =	wrdreg $0x9  }
0xb0: {  	_ =	task.clear_ibuf [dreg:s6], $0x4FFFF;
	_ =	strace $0x90000046  }
0xb1: {  	s29 =	simm.s32 $0x9;
	_ =	strace $0x80000048  }
0xb2: {  	_ =	swait.ge [sflag:s29], $0x1  }
0xb3: {  	[sflag:s29] =	ssyncadd.s32 $0xFFFFFFFF  }
0xb4: {  	_ =	strace $0x90000048  }
0xb5: {  	_ =	sfence  }
0xb6: {  	s30 =	sld [smem:$0x0];
	_ =	sdelay $0x2  }
0xb7: {  	s31 =	sshll.u32 s1, $0xD;
	s1 =	sshrl.u32 s1, $0x2  }
0xb8: {  	s3 =	sand.u32 $0x4000, s31;
	s1 =	sadd.s32 s1, s30  }
0xb9: {  	s0 =	sor.u32 s3, s0;
	s1 =	sshll.u32 s1, $0x11  }
0xba: {  	s0 =	sor.u32 s1, s0  }
0xbb: {  	s0 =	sadd.s32 $0x8F2B, s0  }
0xbc: {  	[sflag:s0] =	ssyncadd.remote.s32 $0x1  }
0xbd: {  	_ =	sfence.sel $0xFFFF  }
0xbe: {  	[dreg:$0x0] =	wrdreg $0xFFFFFFFF;
	(pc) =	sbr.abs _section_cstart, $3  }
0xbf: {  	[dreg:$0x1] =	wrdreg $0xFFFFFFFF  }
0xc0: {  	_ =	task.clear_ibuf [dreg:s6], $0x2FFFF;
	_ =	strace $0x9FFFFFFF  }
0xc1: {  	(tm) =	ssettm $0x7FFFFFFF  }
tec
execute0_lowered:
.L_overlay_start_1:
0x0: {  	(tag) =	ssettag $0x1  }
0x1: {  	s0 =	rddreg [dreg:$0x0];
	s3 =	simm.s32 $0x0  }
0x2: {  	s1 =	srdreg.scid;
	[smem:$0x7FF] =	sst s3  }
0x3: {  	s5 =	sadd.s32 $0x1C00, s0;
	s6 =	sadd.s32 $0xC5200, s0;
	s0 =	sadd.s32 $0x188800, s0  }
0x4: {  	s2 =	stileid.u32;
	_ =	strace $0x80000047;
	[dreg:$0x7] =	wrdreg s0  }
0x5: {  	s1 =	sand.u32 $0x1, s1;
	s2 =	sshll.u32 s2, $0x1;
	[dreg:$0x4] =	wrdreg s5  }
0x6: {  	s2 =	sor.u32 s1, s2;
	s1 =	ssub.s32 $0x2, s1;
	[dreg:$0x5] =	wrdreg s6  }
0x7: {  	s24 =	ssub.s32 $0x290, s2;
	s25 =	smul.u32 $0x500, s2;
	s2 =	sshll.u32 s2, $0x1  }
0x8: {  	s4 =	sshrl.u32 s1, $0x1;
	s7 =	sshrl.u32 s24, $0x5;
	[dreg:$0x8] =	wrdreg s2  }
0x9: {  	s26 =	ssub.s32 s1, s4;
	[dreg:$0x6] =	wrdreg s7;
	s29 =	sadd.s32 s5, s25  }
.Ltmp0:
0xa: {  	s3 =	sadd.s32 s6, s25;
	[dreg:$0x9] =	wrdreg s29;
	(pc) =	sbr.rel .LBB2_1-.Ltmp0, $4  }
0xb: {  	s28 =	sand.u32 $0x1, s7;
	s0 =	smax.u32 s26, $0x1;
	[dreg:$0xa] =	wrdreg s3  }
0xc: {  	s30 =	sxor.u32 $0x1, s28;
	s1 =	sadd.s32 $0x5, s28;
	[dreg:$0xd] =	wrdreg s0  }
0xd: {  	[dreg:$0xb] =	wrdreg s1;
	s31 =	sadd.s32 $0x5, s30  }
0xe: {  	s2 =	simm.s32 $0x0;
	[dreg:$0xc] =	wrdreg s31  }
.LBB2_9:
0xf: {  	s0 =	rddreg [dreg:$0xb]  }
0x10: {  	_ =	swait.ge [sflag:s0], $0x2800  }
0x11: {  	[sflag:s0] =	ssyncset.done $0x0  }
0x12: {  	s31 =	rddreg [dreg:$0xc];
	[sflag:s0] =	ssyncadd.s32 $0xFFFFD800  }
0x13: {  	_ =	swait.ge [sflag:s31], $0x2800  }
0x14: {  	s2 =	rddreg [dreg:$0xe]  }
0x15: {  	s1 =	rddreg [dreg:$0xd];
	s2 =	sadd.s32 $0x1, s2  }
0x16: {  	p0 =	sne.s32 s2, s1  }
.Ltmp1:
0x17: {  	_ = 	snop;
	(pc) =	sbr.rel @!p0 .LBB2_10-.Ltmp1, $3  }
0x18: {  	_ =	sdelay $0x1  }
0x19: {  	[sflag:s31] =	ssyncset.done $0x0  }
0x1a: {  	[sflag:s31] =	ssyncadd.s32 $0xFFFFD800  }
.LBB2_1:
.Ltmp2:
0x1b: {  	[dreg:$0xe] =	wrdreg s2;
	(pc) =	sbr.rel .LBB2_2-.Ltmp2, $4  }
0x1c: {  	s0 =	simm.s32 $0x0;
	s1 =	rddreg [dreg:$0x9]  }
0x1d: {  	[tilespmem:s0], [sflag:$0x1] =	stream.linear.gather [hbm4b:s1+s0], $0x2800, $0x38;
	[tilespmem:$0xF000] =	vst v63  }
0x1e: {  	s30 =	rddreg [dreg:$0xa];
	s31 =	simm.s32 $0x5000;
	s14 =	simm.s32 $0x0  }
0x1f: {  	[tilespmem:s31], [sflag:$0x3] =	stream.linear.gather [hbm4b:s30+s0], $0x2800, $0x38;
	[tilespmem:$0xF000] =	vst v63  }
.LBB2_8:
0x20: {  	s14 =	rddreg [dreg:$0xf]  }
0x21: {  	s14 =	sadd.s32 $0x1, s14  }
0x22: {  	p0 =	sne.s32 s14, $0xA  }
.Ltmp3:
0x23: {  	_ = 	snop;
	(pc) =	sbr.rel @!p0 .LBB2_9-.Ltmp3, $1  }
0x24: {  	_ =	sdelay $0x3  }
.LBB2_2:
0x25: {  	s1 =	sshllo.u32 s14, $0x1;
	s0 =	rddreg [dreg:$0x6]  }
0x26: {  	p1 =	sge.u32 s1, s0  }
0x27: {  	s7 =	rddreg [dreg:$0x8];
	s0 =	sshll.u32 @!p1 s1, $0x6  }
0x28: {  	s0 =	sor.u32 @!p1 s7, s0  }
0x29: {  	[dreg:$0x10] =	wrdreg s1;
	s0 =	smul.u32 @!p1 $0x280, s0  }
0x2a: {  	s1 =	rddreg [dreg:$0x4]  }
0x2b: {  	s2 =	simm.s32 @!p1 $0x0;
	s3 =	simm.s32 @!p1 $0x2800;
	s1 =	sadd.s32 @!p1 s1, s0  }
0x2c: {  	[tilespmem:s3], [sflag:$0x2] =	stream.linear.gather @!p1 [hbm4b:s1+s2], $0x2800, $0x38;
	[tilespmem:$0xF000] =	vst v63  }
0x2d: {  	s1 =	rddreg [dreg:$0x5]  }
0x2e: {  	s18 =	simm.s32 $0x1;
	s0 =	sadd.s32 @!p1 s1, s0;
	s1 =	simm.s32 @!p1 $0x7800  }
0x2f: {  	[tilespmem:s1], [sflag:$0x4] =	stream.linear.gather @!p1 [hbm4b:s0+s2], $0x2800, $0x38;
	[tilespmem:$0xF000] =	vst v63  }
0x30: {  	_ =	swait.ge [sflag:s18], $0x2800  }
0x31: {  	[sflag:s18] =	ssyncset.done $0x0  }
0x32: {  	s19 =	simm.s32 $0x3;
	[sflag:s18] =	ssyncadd.s32 $0xFFFFD800  }
0x33: {  	p0 =	seq.s32 s14, $0x0;
	s23 =	simm.s32 $0x0;
	_ =	swait.ge [sflag:s19], $0x2800  }
0x34: {  	s20 =	simm.s32 $0x0;
	s5 =	sand.u32 $0x380, s23;
	[sflag:s19] =	ssyncset.done $0x0  }
0x35: {  	s2 =	simm.s32 @!p0 $0x5;
	s1 =	sand.u32 $0x20, s23;
	[sflag:s19] =	ssyncadd.s32 $0xFFFFD800  }
0x36: {  	s0 =	smul.u32 $0x1400, s20;
	s4 =	sor.u32 s5, s1;
	_ =	swait.ge @!p0 [sflag:s2], $0x2800  }
0x37: {  	s21 =	sor.u32 $0x50, s4;
	[sflag:s2] =	ssyncset.done @!p0 $0x0  }
0x38: {  	s11 =	sor.u32 s0, s21;
	[sflag:s2] =	ssyncadd.s32 @!p0 $0xFFFFD800  }
0x39: {  	s6 =	sor.u32 $0x10, s1;
	s22 =	sor.u32 s5, s0;
	v2 =	vld [tilespmem:s11+$0x5000]  }
0x3a: {  	s24 =	sadd.s32 $0xC00, s0;
	s13 =	sor.u32 s6, s22;
	v3 =	vld [tilespmem:s11+$0x0]  }
0x3b: {  	s8 =	sor.u32 s24, s21;
	v4 =	vld [tilespmem:s13+$0x0]  }
0x3c: {  	s20 =	sadd.s32 $0x800, s0;
	v5 =	vld [tilespmem:s8+$0x0]  }
0x3d: {  	s25 =	sadd.s32 $0x400, s0;
	s9 =	sor.u32 s20, s21;
	v6 =	vld [tilespmem:s13+$0x5000]  }
0x3e: {  	s12 =	sor.u32 s25, s21;
	v7 =	vld [tilespmem:s9+$0x0]  }
0x3f: {  	v8 =	vld [tilespmem:s12+$0x5000]  }
0x40: {  	v9 =	vld [tilespmem:s12+$0x0]  }
0x41: {  	v10 =	vld [tilespmem:s8+$0x5000]  }
0x42: {  	v11 =	vld [tilespmem:s9+$0x5000];
	_ =	sdelay $0x1  }
0x43: {  	v1 =	vmul.f32 v6, v4;
	v12 =	vmul.f32 v2, v3  }
0x44: {  	s19 =	sadd.s32 $0x1000, s22;
	v13 =	vmul.f32 v2, v4;
	v14 =	vmul.f32 v6, v3  }
0x45: {  	s28 =	sor.u32 s5, s25;
	s10 =	sor.u32 s6, s19;
	v15 =	vmul.f32 v8, v4;
	v16 =	vmul.f32 v6, v9  }
0x46: {  	s17 =	sor.u32 s6, s28;
	v18 =	vld [tilespmem:s10+$0x0];
	v17 =	vmul.f32 v10, v7;
	v19 =	vmul.f32 v11, v5  }
0x47: {  	s15 =	sor.u32 s5, s24;
	v21 =	vld [tilespmem:s17+$0x5000];
	v0 =	vmul.f32 v10, v5;
	v20 =	vmul.f32 v8, v5  }
0x48: {  	s16 =	sor.u32 s6, s15;
	v24 =	vld [tilespmem:s17+$0x0];
	v22 =	vmul.f32 v11, v4;
	v23 =	vmul.f32 v6, v7  }
0x49: {  	v27 =	vld [tilespmem:s16+$0x5000];
	v25 =	vmul.f32 v10, v4;
	v26 =	vmul.f32 v6, v5  }
0x4a: {  	v29 =	vld [tilespmem:s16+$0x0];
	v28 =	vmul.f32 v2, v7;
	v30 =	vmul.f32 v8, v3  }
0x4b: {  	v31 =	vmul.f32 v8, v9;
	v32 =	vmul.f32 v2, v9  }
0x4c: {  	v33 =	vmul.f32 v11, v7;
	v34 =	vmul.f32 v11, v3  }
0x4d: {  	s5 =	sor.u32 s5, s20;
	v35 =	vmul.f32 v2, v18;
	v36 =	vmul.f32 v10, v9  }
0x4e: {  	s18 =	sor.u32 s6, s5;
	v37 =	vld [tilespmem:s10+$0x5000];
	v38 =	vmul.f32 v21, v4;
	v39 =	vmul.f32 v6, v24  }
0x4f: {  	v48 =	vld [tilespmem:s18+$0x0];
	v40 =	vmul.f32 v27, v24;
	v41 =	vmul.f32 v21, v29  }
0x50: {  	v45 =	vld [tilespmem:s18+$0x5000];
	v42 =	vmul.f32 v27, v9;
	v43 =	vmul.f32 v8, v29  }
0x51: {  	v44 =	vmul.f32 v27, v7;
	v46 =	vmul.f32 v11, v29  }
0x52: {  	v47 =	vmul.f32 v10, v29;
	v49 =	vmul.f32 v27, v5  }
0x53: {  	v50 =	vmul.f32 v37, v29;
	v51 =	vmul.f32 v27, v18  }
0x54: {  	v52 =	vmul.f32 v37, v18;
	v61 =	vmul.f32 v6, v48  }
0x55: {  	v62 =	vmul.f32 v27, v48;
	v63 =	vmul.f32 v45, v29  }
0x56: {  	v56 =	vmul.f32 v21, v24;
	v57 =	vmul.f32 v2, v24  }
0x57: {  	v58 =	vmul.f32 v8, v24;
	v59 =	vmul.f32 v21, v9  }
0x58: {  	v60 =	vmul.f32 v37, v7;
	v13 =	vadd.f32 v13, v14;
	v14 =	vmul.f32 v27, v3  }
0x59: {  	v15 =	vadd.f32 v15, v16;
	v16 =	vmul.f32 v2, v29;
	v17 =	vadd.f32 v17, v19  }
0x5a: {  	v19 =	vmul.f32 v21, v7;
	v22 =	vadd.f32 v22, v23;
	v25 =	vadd.f32 v25, v26  }
0x5b: {  	v23 =	vmul.f32 v8, v18;
	v30 =	vadd.f32 v30, v32;
	v34 =	vadd.f32 v36, v34  }
0x5c: {  	v26 =	vmul.f32 v45, v4;
	v38 =	vadd.f32 v38, v39;
	v40 =	vadd.f32 v40, v41  }
0x5d: {  	v41 =	vmul.f32 v11, v18;
	v42 =	vadd.f32 v42, v43;
	v43 =	vmul.f32 v10, v18  }
0x5e: {  	v18 =	vmul.f32 v6, v18;
	v53 =	vadd.f32 v44, v46;
	v6 =	vmul.f32 v6, v29  }
0x5f: {  	v29 =	vmul.f32 v27, v29;
	v27 =	vmul.f32 v27, v4;
	v46 =	vadd.f32 v47, v49  }
0x60: {  	v4 =	vmul.f32 v37, v4;
	v44 =	vadd.f32 v50, v51;
	v36 =	vadd.f32 v62, v63  }
0x61: {  	v32 =	vadd.f32 v58, v59;
	v7 =	vmul.f32 v45, v7;
	v8 =	vmul.f32 v8, v48  }
0x62: {  	v2 =	vmul.f32 v2, v48;
	v62 =	vsub.f32 v12, v31;
	v14 =	vadd.f32 v14, v16  }
0x63: {  	v16 =	vmul.f32 v21, v3;
	v4 =	vadd.f32 v4, v18;
	v18 =	vmul.f32 v10, v48  }
0x64: {  	v6 =	vadd.f32 v27, v6;
	v27 =	vmul.f32 v37, v3;
	v10 =	vmul.f32 v10, v24  }
0x65: {  	v26 =	vadd.f32 v26, v61;
	v24 =	vmul.f32 v11, v24;
	v11 =	vmul.f32 v11, v48  }
0x66: {  	v21 =	vmul.f32 v21, v5;
	v3 =	vmul.f32 v45, v3;
	v28 =	vadd.f32 v34, v28  }
0x67: {  	v61 =	vmul.f32 v45, v48;
	v16 =	vadd.f32 v16, v57;
	v18 =	vsub.f32 v18, v60  }
0x68: {  	v30 =	vmul.f32 $7.071067690e-01, v30;
	v24 =	vsub.f32 v27, v24;
	v7 =	vadd.f32 v11, v7  }
0x69: {  	v63 =	vmul.f32 $7.071067690e-01, v62;
	v11 =	vadd.f32 v0, v33;
	v3 =	vadd.f32 v10, v3  }
0x6a: {  	v27 =	vmul.f32 v45, v5;
	v10 =	vadd.f32 v56, v12;
	v12 =	vadd.f32 v31, v12  }
0x6b: {  	v5 =	vmul.f32 v37, v5;
	v34 =	vadd.f32 v33, v61;
	v33 =	vsub.f32 v33, v0  }
0x6c: {  	v45 =	vmul.f32 v45, v9;
	v10 =	vadd.f32 v31, v10;
	v31 =	vsub.f32 v61, v29  }
0x6d: {  	v9 =	vmul.f32 v37, v9;
	v29 =	vadd.f32 v29, v34;
	v18 =	vadd.f32 v18, v27  }
0x6e: {  	v14 =	vmul.f32 $3.162277640e-01, v14;
	v24 =	vsub.f32 v24, v45;
	v5 =	vadd.f32 v5, v7  }
0x6f: {  	v12 =	vmul.f32 $4.082483050e-01, v12;
	v3 =	vadd.f32 v9, v3;
	v7 =	vadd.f32 v30, v26  }
0x70: {  	v9 =	vmul.f32 $7.071067690e-01, v16;
	v16 =	vadd.f32 v28, v20;
	v26 =	vsub.f32 v4, v63  }
0x71: {  	v20 =	vmul.f32 $7.071067690e-01, v32;
	v4 =	vadd.f32 v14, v13;
	v31 =	vadd.f32 v52, v31  }
0x72: {  	s4 =	sor.u32 $0x40, s4;
	v13 =	vmul.f32 $8.164966110e-01, v56;
	v6 =	vsub.f32 v6, v12;
	v9 =	vadd.f32 v22, v9  }
0x73: {  	s30 =	sor.u32 s0, s4;
	v14 =	vmul.f32 $4.629100560e-01, v17;
	v17 =	vadd.f32 v25, v20;
	v8 =	vsub.f32 v24, v8  }
0x74: {  	s26 =	sor.u32 s25, s4;
	s25 =	sor.u32 s20, s4;
	v54 =	vld [tilespmem:s30+$0x0];
	v2 =	vadd.f32 v3, v2;
	v20 =	vmul.f32 $2.672612370e-01, v11;
	v0 =	vadd.f32 v0, v29  }
0x75: {  	v55 =	vld [tilespmem:s25+$0x5000];
	v22 =	vmul.f32 $6.324555270e-01, v40;
	v18 =	vsub.f32 v18, v41;
	v10 =	vmul.f32 $5.773502590e-01, v10  }
0x76: {  	v5 =	vadd.f32 v5, v43;
	v16 =	vmul.f32 $5.477225780e-01, v16;
	v3 =	vsub.f32 v8, v19  }
0x77: {  	s24 =	sor.u32 s24, s4;
	v50 =	vld [tilespmem:s26+$0x5000];
	v2 =	vadd.f32 v2, v21;
	v8 =	vmul.f32 $3.162277640e-01, v42;
	v11 =	vadd.f32 v52, v0  }
0x78: {  	v48 =	vld [tilespmem:s24+$0x5000];
	v19 =	vmul.f32 $5.345224740e-01, v36;
	v10 =	vsub.f32 v1, v10;
	v6 =	vadd.f32 v6, v13  }
0x79: {  	s31 =	sor.u32 s1, s15;
	v52 =	vld [tilespmem:s26+$0x0];
	v13 =	vmul.f32 $5.345224740e-01, v31;
	v5 =	vmul.f32 $4.629100560e-01, v5;
	v12 =	vadd.f32 v2, v23  }
0x7a: {  	s29 =	sor.u32 s1, s28;
	v41 =	vld [tilespmem:s31+$0x0];
	v31 =	vmul.f32 v55, v54;
	v3 =	vadd.f32 v3, v35;
	v7 =	vadd.f32 v19, v7  }
0x7b: {  	v11 =	vmul.f32 $4.472135900e-01, v11;
	v6 =	vadd.f32 v13, v6;
	v23 =	vmul.f32 $5.477225780e-01, v12;
	v12 =	vld [tilespmem:s29+$0x0]  }
0x7c: {  	v13 =	vmul.f32 $5.345224740e-01, v44;
	v21 =	vmul.f32 $5.477225780e-01, v3;
	v29 =	vsub.f32 v7, v14;
	v7 =	vld [tilespmem:s30+$0x5000]  }
0x7d: {  	s28 =	sor.u32 s1, s19;
	v11 =	vadd.f32 v11, v10;
	v10 =	vsub.f32 v38, v16;
	v16 =	vmul.f32 $2.672612370e-01, v53;
	v53 =	vld [tilespmem:s25+$0x0]  }
0x7e: {  	s0 =	sor.u32 s1, s5;
	v2 =	vld [tilespmem:s28+$0x0];
	v27 =	vmul.f32 v50, v52;
	v25 =	vadd.f32 v21, v4;
	v4 =	vsub.f32 v15, v23  }
0x7f: {  	v5 =	vsub.f32 v17, v5;
	v57 =	vmul.f32 v48, v52;
	v15 =	vmul.f32 $4.629100560e-01, v18;
	v21 =	vld [tilespmem:s0+$0x5000]  }
0x80: {  	v23 =	vsub.f32 v10, v22;
	v10 =	vld [tilespmem:s28+$0x5000];
	v28 =	vadd.f32 v4, v8;
	v8 =	vmul.f32 $4.629100560e-01, v33  }
0x81: {  	v4 =	vsub.f32 v9, v15;
	v9 =	vmul.f32 $2.672612370e-01, v46;
	v17 =	vmul.f32 v48, v12  }
0x82: {  	v15 =	vld [tilespmem:s0+$0x0];
	v51 =	vmul.f32 v55, v53;
	v40 =	vmul.f32 v7, v12  }
0x83: {  	v30 =	vsub.f32 v6, v20;
	v49 =	vmul.f32 v50, v12;
	v3 =	vmul.f32 v7, v41  }
0x84: {  	[tilespmem:s13+$0xA000] =	vst v11;
	v11 =	vmul.f32 v7, v2;
	v35 =	vsub.f32 v5, v9;
	v9 =	vmul.f32 v55, v12  }
0x85: {  	v33 =	vld [tilespmem:s29+$0x5000];
	v8 =	vadd.f32 v26, v8;
	v47 =	vmul.f32 v21, v54;
	v5 =	vmul.f32 v10, v54  }
0x86: {  	v31 =	vadd.f32 v57, v31;
	v56 =	vmul.f32 v10, v52;
	v22 =	vmul.f32 v10, v53  }
0x87: {  	v26 =	vmul.f32 v21, v53;
	v13 =	vadd.f32 v8, v13;
	v18 =	vmul.f32 v21, v15  }
0x88: {  	v0 =	vld [tilespmem:s31+$0x5000];
	[tilespmem:s11+$0xA000] =	vst v25;
	v8 =	vadd.f32 v17, v47;
	v17 =	vmul.f32 v21, v52;
	v19 =	vmul.f32 v7, v15  }
0x89: {  	[tilespmem:s17+$0xA000] =	vst v23;
	v16 =	vsub.f32 v4, v16;
	v20 =	vmul.f32 v48, v15;
	v24 =	vmul.f32 v55, v15  }
0x8a: {  	[tilespmem:s12+$0xA000] =	vst v28;
	v5 =	vsub.f32 v5, v9;
	v36 =	vmul.f32 v33, v12;
	v59 =	vmul.f32 v50, v15  }
0x8b: {  	[tilespmem:s18+$0xA000] =	vst v29;
	v39 =	vmul.f32 v33, v54;
	v57 =	vmul.f32 v33, v52;
	v8 =	vadd.f32 v56, v8  }
0x8c: {  	[tilespmem:s9+$0xA000] =	vst v16;
	v17 =	vsub.f32 v5, v17;
	v20 =	vsub.f32 v20, v22;
	v22 =	vmul.f32 v7, v54  }
0x8d: {  	v9 =	vld [tilespmem:s24+$0x0];
	[tilespmem:s16+$0xA000] =	vst v30;
	v58 =	vadd.f32 v51, v18;
	v24 =	vadd.f32 v24, v26;
	v26 =	vmul.f32 v0, v41  }
0x8e: {  	[tilespmem:s8+$0xA000] =	vst v35;
	v35 =	vmul.f32 v48, v41;
	v39 =	vadd.f32 v39, v40;
	v19 =	vadd.f32 v8, v19  }
0x8f: {  	s1 =	sor.u32 s1, s22;
	v56 =	vmul.f32 v7, v53;
	v38 =	vadd.f32 v27, v22;
	v34 =	vadd.f32 v26, v58  }
0x90: {  	v5 =	vld [tilespmem:s1+$0x0];
	v40 =	vmul.f32 v33, v41;
	v17 =	vsub.f32 v17, v59;
	v58 =	vadd.f32 v36, v22  }
0x91: {  	v59 =	vmul.f32 v50, v54;
	v42 =	vsub.f32 v18, v26;
	v18 =	vmul.f32 v50, v2  }
0x92: {  	v31 =	vadd.f32 v31, v56;
	v26 =	vmul.f32 v33, v53;
	v60 =	vmul.f32 v33, v9  }
0x93: {  	v8 =	vld [tilespmem:s1+$0x5000];
	v46 =	vsub.f32 v22, v27;
	v61 =	vmul.f32 v21, v9;
	v43 =	vmul.f32 v10, v9  }
0x94: {  	v38 =	vmul.f32 $4.082483050e-01, v38;
	v56 =	vsub.f32 v17, v26;
	v17 =	vmul.f32 v55, v2  }
0x95: {  	v26 =	vmul.f32 v48, v2;
	v19 =	vadd.f32 v19, v60;
	v62 =	vmul.f32 v0, v5  }
0x96: {  	v20 =	vadd.f32 v20, v61;
	v24 =	vadd.f32 v43, v24;
	v60 =	vmul.f32 v7, v52  }
0x97: {  	v61 =	vmul.f32 v0, v54;
	v4 =	vmul.f32 v10, v5;
	v25 =	vadd.f32 v56, v11  }
0x98: {  	v63 =	vmul.f32 v8, v41;
	v37 =	vadd.f32 v59, v60;
	v43 =	vmul.f32 v8, v15  }
0x99: {  	v19 =	vadd.f32 v19, v18;
	v15 =	vmul.f32 v0, v15;
	v18 =	vadd.f32 v27, v58  }
0x9a: {  	v27 =	vmul.f32 v50, v9;
	v22 =	vsub.f32 v20, v17;
	v17 =	vmul.f32 v48, v9  }
0x9b: {  	v20 =	vadd.f32 v24, v26;
	v58 =	vmul.f32 v8, v2;
	v60 =	vmul.f32 v48, v5  }
0x9c: {  	v32 =	vadd.f32 v62, v63;
	v62 =	vadd.f32 v49, v57;
	v63 =	vmul.f32 v21, v5  }
0x9d: {  	v57 =	vmul.f32 v21, v41;
	v26 =	vadd.f32 v31, v27;
	v27 =	vmul.f32 v55, v5  }
0x9e: {  	v21 =	vadd.f32 v61, v3;
	v31 =	vmul.f32 v8, v53;
	v61 =	vmul.f32 v8, v9  }
0x9f: {  	v34 =	vadd.f32 v17, v34;
	v3 =	vmul.f32 $7.071067690e-01, v39;
	v39 =	vmul.f32 v33, v5  }
0xa0: {  	v33 =	vmul.f32 v0, v52;
	v30 =	vsub.f32 v51, v17;
	v38 =	vsub.f32 v32, v38  }
0xa1: {  	v47 =	vadd.f32 v63, v43;
	v24 =	vadd.f32 v15, v57;
	v15 =	vmul.f32 v10, v2  }
0xa2: {  	v59 =	vadd.f32 v27, v31;
	v31 =	vadd.f32 v4, v58;
	v4 =	vmul.f32 $7.071067690e-01, v37  }
0xa3: {  	v62 =	vmul.f32 $7.071067690e-01, v62;
	v63 =	vadd.f32 v60, v61;
	v32 =	vmul.f32 $7.071067690e-01, v46  }
0xa4: {  	s21 =	sshll.u32 s14, $0x1;
	v37 =	vmul.f32 v55, v41;
	v10 =	vmul.f32 v10, v41;
	v27 =	vadd.f32 v15, v42  }
0xa5: {  	s22 =	sshll.u32 s14, $0x7;
	[dreg:$0x11] =	wrdreg s21;
	v23 =	vadd.f32 v15, v34;
	v15 =	vmul.f32 $8.164966110e-01, v36;
	v42 =	vmul.f32 v8, v12  }
0xa6: {  	s2 =	sor.u32 s7, s22;
	[dreg:$0xf] =	wrdreg s14;
	v28 =	vadd.f32 v59, v3;
	v36 =	vmul.f32 v50, v41;
	v34 =	vmul.f32 v0, v53  }
0xa7: {  	[dreg:$0x13] =	wrdreg s2;
	v29 =	vadd.f32 v4, v47;
	v41 =	vmul.f32 v0, v9;
	v11 =	vadd.f32 v38, v15  }
0xa8: {  	s12 =	simm.s32 $0x0;
	s9 =	simm.s32 $0x0;
	[tilespmem:s10+$0xA000] =	vst v13;
	v38 =	vmul.f32 v0, v12;
	v15 =	vadd.f32 v63, v62;
	v12 =	vmul.f32 v0, v2  }
.LBB2_3:
0xa9: {  	s9 =	sadd.s32 $0x2, s9;
	v7 =	vmul.f32 v7, v5;
	s23 =	sadd.s32 $0x20, s23;
	s12 =	sadd.s32 $0x40, s12  }
0xaa: {  	v2 =	vmul.f32 v8, v54;
	v6 =	vmul.f32 v50, v5;
	s3 =	sand.u32 $0x20, s23;
	s2 =	sshrl.u32 s9, $0x5;
	s4 =	sand.u32 $0x380, s12  }
0xab: {  	v1 =	vmul.f32 v8, v52;
	v0 =	vmul.f32 v48, v53;
	s7 =	smul.u32 $0x1400, s2;
	s20 =	sor.u32 s4, s3  }
0xac: {  	v4 =	vmul.f32 $5.477225780e-01, v19;
	v56 =	vmul.f32 $5.477225780e-01, v26;
	s16 =	sor.u32 $0x50, s20  }
0xad: {  	v58 =	vmul.f32 $4.629100560e-01, v20;
	v18 =	vmul.f32 $5.773502590e-01, v18;
	s11 =	sor.u32 s7, s16  }
0xae: {  	v59 =	vmul.f32 $5.345224740e-01, v27;
	v5 =	vmul.f32 v8, v5;
	s13 =	sor.u32 $0x40, s20;
	v20 =	vld [tilespmem:s11+$0x5000]  }
0xaf: {  	v13 =	vsub.f32 v31, v32;
	v60 =	vmul.f32 $3.162277640e-01, v21;
	s5 =	sor.u32 $0x10, s3;
	v2 =	vadd.f32 v7, v2;
	s15 =	sor.u32 s7, s13;
	s21 =	sor.u32 s4, s7;
	v19 =	vld [tilespmem:s11+$0x0]  }
0xb0: {  	v16 =	vadd.f32 v39, v42;
	v8 =	vmul.f32 $4.472135900e-01, v23;
	v5 =	vsub.f32 v5, v18;
	s17 =	sadd.s32 $0xC00, s7;
	s19 =	sor.u32 s5, s21;
	v62 =	vld [tilespmem:s15+$0x0]  }
0xb1: {  	v38 =	vadd.f32 v38, v40;
	v7 =	vmul.f32 $5.477225780e-01, v25;
	v2 =	vadd.f32 v60, v2;
	s10 =	sor.u32 s17, s16;
	v27 =	vld [tilespmem:s19+$0x0]  }
0xb2: {  	v3 =	vmul.f32 v55, v9;
	v10 =	vadd.f32 v10, v12;
	s6 =	sadd.s32 $0x800, s7;
	s22 =	sadd.s32 $0x400, s7;
	v5 =	vadd.f32 v8, v5;
	s14 =	sor.u32 s17, s13;
	v26 =	vld [tilespmem:s10+$0x0]  }
0xb3: {  	v12 =	vsub.f32 v16, v56;
	v16 =	vmul.f32 $6.324555270e-01, v38;
	s7 =	sor.u32 s6, s13;
	s13 =	sor.u32 s22, s13;
	v61 =	vld [tilespmem:s14+$0x5000];
	v7 =	vadd.f32 v7, v2  }
0xb4: {  	v22 =	vmul.f32 $4.629100560e-01, v22;
	v9 =	vadd.f32 v33, v36;
	v1 =	vadd.f32 v6, v1;
	v33 =	vld [tilespmem:s13+$0x0];
	[tilespmem:s1+$0xA000] =	vst v5  }
0xb5: {  	v57 =	vadd.f32 v34, v37;
	v24 =	vmul.f32 $5.345224740e-01, v24;
	v34 =	vld [tilespmem:s7+$0x5000];
	[tilespmem:s30+$0xA000] =	vst v7;
	v7 =	vsub.f32 v12, v16  }
0xb6: {  	v0 =	vadd.f32 v0, v3;
	v9 =	vmul.f32 $3.162277640e-01, v9;
	v1 =	vsub.f32 v1, v4;
	s20 =	sor.u32 s6, s16;
	s16 =	sor.u32 s22, s16;
	v31 =	vld [tilespmem:s19+$0x5000];
	[tilespmem:$0x1FEC0] =	vst v62  }
0xb7: {  	v35 =	vadd.f32 v35, v41;
	v6 =	vmul.f32 $4.629100560e-01, v30;
	v3 =	vadd.f32 v17, v51;
	v32 =	vld [tilespmem:s16+$0x5000];
	[tilespmem:s29+$0xA000] =	vst v7  }
0xb8: {  	v17 =	vadd.f32 v24, v29;
	v30 =	vmul.f32 $4.629100560e-01, v0;
	v25 =	vld [tilespmem:s20+$0x5000];
	v9 =	vadd.f32 v1, v9;
	[tilespmem:$0x1FEF0] =	vst v61  }
0xb9: {  	v4 =	vsub.f32 v28, v22;
	v22 =	vld [tilespmem:s20+$0x0];
	[tilespmem:$0x1FF40] =	vst v33  }
0xba: {  	v18 =	vmul.f32 $2.672612370e-01, v35;
	v24 =	vld [tilespmem:s10+$0x5000];
	v7 =	vsub.f32 v17, v30;
	[tilespmem:s26+$0xA000] =	vst v9  }
0xbb: {  	v10 =	vmul.f32 $5.345224740e-01, v10;
	v63 =	vmul.f32 v31, v27;
	[tilespmem:$0x1FF10] =	vst v34  }
0xbc: {  	v6 =	vadd.f32 v13, v6;
	v13 =	vmul.f32 $2.672612370e-01, v57;
	v35 =	vmul.f32 v32, v26;
	[tilespmem:s0+$0xA000] =	vst v7  }
0xbd: {  	v8 =	vmul.f32 $2.672612370e-01, v3;
	s18 =	sor.u32 s3, s21;
	s2 =	sadd.s32 $0x1000, s21;
	v21 =	vld [tilespmem:s16+$0x0];
	v38 =	vmul.f32 v25, v27;
	[tilespmem:$0x1FFB0] =	vst v63  }
0xbe: {  	s22 =	sor.u32 s4, s22;
	s1 =	smov.u32 s18;
	s18 =	sor.u32 s4, s17;
	v29 =	vmul.f32 v20, v19;
	v40 =	vmul.f32 v31, v22;
	[tilespmem:$0x1FF00] =	vst v35  }
0xbf: {  	s8 =	sor.u32 s3, s2;
	s17 =	sor.u32 s5, s2;
	s2 =	sor.u32 s5, s22;
	v36 =	vmul.f32 v20, v27;
	v41 =	vmul.f32 v24, v27;
	[tilespmem:$0x1FE10] =	vst v38  }
0xc0: {  	v47 =	vld [tilespmem:s2+$0x5000];
	v37 =	vmul.f32 v31, v19;
	v42 =	vmul.f32 v31, v26;
	[tilespmem:$0x1FE20] =	vst v40  }
0xc1: {  	v57 =	vld [tilespmem:s17+$0x5000];
	v39 =	vmul.f32 v32, v27;
	v45 =	vmul.f32 v20, v22;
	[tilespmem:$0x1FE30] =	vst v41  }
0xc2: {  	v11 =	vadd.f32 v59, v11;
	v43 =	vmul.f32 v31, v21;
	v48 =	vmul.f32 v32, v19;
	[tilespmem:$0x1FE40] =	vst v42  }
0xc3: {  	v4 =	vsub.f32 v4, v13;
	s21 =	sor.u32 s3, s18;
	s18 =	sor.u32 s5, s18;
	v16 =	vld [tilespmem:s17+$0x0];
	v62 =	vmul.f32 v24, v22;
	v44 =	vmul.f32 v24, v26;
	[tilespmem:$0x1FED0] =	vst v45  }
0xc4: {  	v15 =	vsub.f32 v15, v58;
	s4 =	sor.u32 s4, s6;
	v46 =	vld [tilespmem:s18+$0x0];
	v49 =	vmul.f32 v20, v21;
	v51 =	vmul.f32 v25, v19;
	[tilespmem:$0x1FE50] =	vst v48  }
0xc5: {  	v8 =	vsub.f32 v11, v8;
	v52 =	vld [tilespmem:s18+$0x5000];
	s29 =	sor.u32 s3, s22;
	s22 =	sor.u32 s5, s4;
	v55 =	vmul.f32 v24, v21;
	v56 =	vmul.f32 v47, v27;
	[tilespmem:s25+$0xA000] =	vst v4  }
0xc6: {  	v5 =	vsub.f32 v15, v18;
	v60 =	vmul.f32 v47, v22;
	v14 =	vmul.f32 v57, v27;
	[tilespmem:$0x1FE60] =	vst v49;
	v45 =	vld [tilespmem:s22+$0x0]  }
0xc7: {  	v6 =	vadd.f32 v6, v10;
	v63 =	vmul.f32 v25, v26;
	v35 =	vmul.f32 v32, v21;
	v11 =	vld [tilespmem:s29+$0x0];
	[tilespmem:s31+$0xA000] =	vst v8  }
0xc8: {  	s25 =	smov.u32 s7;
	v41 =	vmul.f32 v25, v22;
	v54 =	vmul.f32 v20, v16;
	v50 =	vld [tilespmem:s8+$0x5000];
	[tilespmem:s24+$0xA000] =	vst v5  }
0xc9: {  	v40 =	vmul.f32 v47, v46;
	v53 =	vld [tilespmem:s25+$0x0];
	[tilespmem:s28+$0xA000] =	vst v6;
	v6 =	vmul.f32 v25, v16  }
0xca: {  	[tilespmem:$0x1FE70] =	vst v51;
	v33 =	vmul.f32 v52, v21;
	v28 =	vmul.f32 v32, v46  }
0xcb: {  	v38 =	vmul.f32 v52, v22;
	[tilespmem:$0x1FF50] =	vst v6;
	v6 =	vmul.f32 v24, v16  }
0xcc: {  	v0 =	vld [tilespmem:s22+$0x5000];
	[tilespmem:$0x1FE80] =	vst v55;
	v30 =	vmul.f32 v25, v46;
	v10 =	vmul.f32 v24, v46  }
0xcd: {  	v34 =	vld [tilespmem:s2+$0x0];
	v49 =	vmul.f32 v52, v26;
	[tilespmem:$0x1FF80] =	vst v6;
	v6 =	vmul.f32 v32, v45  }
0xce: {  	v23 =	vmul.f32 v57, v46;
	v59 =	vmul.f32 v57, v16;
	[tilespmem:$0x1FE90] =	vst v56  }
0xcf: {  	v51 =	vmul.f32 v52, v16;
	[tilespmem:$0x1FF20] =	vst v6;
	v6 =	vmul.f32 v47, v26  }
0xd0: {  	v1 =	vmul.f32 v20, v46;
	v61 =	vmul.f32 v32, v16;
	[tilespmem:$0x1FEE0] =	vst v59  }
0xd1: {  	s30 =	smov.u32 s15;
	v56 =	vmul.f32 v31, v16;
	v42 =	vld [tilespmem:$0x1FE20];
	v59 =	vmul.f32 v47, v19;
	[tilespmem:$0x1FF70] =	vst v6;
	v6 =	vadd.f32 v39, v43  }
0xd2: {  	s0 =	sor.u32 s3, s4;
	[tilespmem:$0x1FF90] =	vst v54;
	v2 =	vmul.f32 v0, v27;
	v58 =	vmul.f32 v52, v34;
	v7 =	vld [tilespmem:s30+$0x5000]  }
0xd3: {  	v4 =	vmul.f32 v0, v46;
	v48 =	vmul.f32 v31, v34;
	v17 =	vld [tilespmem:s0+$0x5000];
	[tilespmem:$0x1FFD0] =	vst v6;
	v6 =	vadd.f32 v44, v41  }
0xd4: {  	v28 =	vadd.f32 v33, v28;
	v18 =	vld [tilespmem:s0+$0x0];
	v3 =	vmul.f32 v31, v45;
	v31 =	vmul.f32 v31, v46;
	[tilespmem:$0x1FEA0] =	vst v58  }
0xd5: {  	s31 =	smov.u32 s21;
	v58 =	vmul.f32 v52, v46;
	v46 =	vadd.f32 v36, v37;
	v36 =	vsub.f32 v41, v44;
	[tilespmem:$0x1FF30] =	vst v6;
	v6 =	vld [tilespmem:$0x1FE10]  }
0xd6: {  	[tilespmem:$0x1FFA0] =	vst v61;
	v30 =	vadd.f32 v38, v30;
	v61 =	vmul.f32 v0, v26;
	v27 =	vmul.f32 v52, v27;
	v12 =	vld [tilespmem:s31+$0x0]  }
0xd7: {  	v54 =	vmul.f32 v52, v45;
	[tilespmem:$0x1FEB0] =	vst v53;
	v53 =	vmul.f32 v52, v19;
	v52 =	vadd.f32 v62, v63;
	v62 =	vld [tilespmem:$0x1FE50]  }
0xd8: {  	[tilespmem:$0x1FF60] =	vst v60;
	v10 =	vadd.f32 v10, v49;
	v55 =	vmul.f32 v47, v34;
	v60 =	vmul.f32 v20, v34;
	v43 =	vld [tilespmem:$0x1FE40]  }
0xd9: {  	v23 =	vadd.f32 v23, v51;
	v28 =	vmul.f32 $3.162277640e-01, v28;
	v20 =	vmul.f32 v20, v45;
	[tilespmem:$0x1FFE0] =	vst v36;
	v36 =	vmovc v44;
	v44 =	vld [tilespmem:$0x1FE70]  }
0xda: {  	v33 =	vmul.f32 v24, v45;
	v49 =	vmul.f32 v25, v45;
	v39 =	vadd.f32 v6, v42;
	v6 =	vld [tilespmem:$0x1FE30]  }
0xdb: {  	v14 =	vadd.f32 v14, v56;
	v25 =	vmul.f32 v25, v34;
	v24 =	vmul.f32 v24, v34;
	v42 =	vld [tilespmem:$0x1FE80]  }
0xdc: {  	v2 =	vadd.f32 v2, v3;
	v3 =	vadd.f32 v54, v4;
	v4 =	vmul.f32 v0, v22;
	v63 =	vld [tilespmem:$0x1FE60]  }
0xdd: {  	v13 =	vld [tilespmem:s31+$0x5000];
	v60 =	vadd.f32 v59, v60;
	v32 =	vmul.f32 v32, v34;
	v47 =	vmul.f32 v47, v21  }
0xde: {  	v8 =	vld [tilespmem:s1+$0x5000];
	v27 =	vadd.f32 v27, v31;
	v26 =	vmul.f32 v57, v26;
	v4 =	vadd.f32 v49, v4  }
0xdf: {  	v59 =	vld [tilespmem:$0x1FF80];
	v3 =	vmul.f32 $5.345224740e-01, v3;
	v1 =	vadd.f32 v53, v1;
	v31 =	vadd.f32 v32, v47  }
0xe0: {  	v37 =	vadd.f32 v6, v43;
	v6 =	vmul.f32 v0, v45;
	v44 =	vadd.f32 v42, v44;
	v42 =	vld [tilespmem:$0x1FE90]  }
0xe1: {  	s24 =	smov.u32 s14;
	v5 =	vld [tilespmem:s1+$0x0];
	v43 =	vadd.f32 v62, v63;
	v62 =	vmul.f32 v0, v21;
	v0 =	vmul.f32 v0, v19  }
0xe2: {  	v9 =	vld [tilespmem:s24+$0x0];
	v4 =	vadd.f32 v26, v4;
	v1 =	vmul.f32 $3.162277640e-01, v1;
	v26 =	vmul.f32 $7.071067690e-01, v31  }
0xe3: {  	v53 =	vld [tilespmem:$0x1FEB0];
	v31 =	vmul.f32 $4.629100560e-01, v52;
	v0 =	vadd.f32 v24, v0;
	v24 =	vmul.f32 $7.071067690e-01, v43  }
0xe4: {  	v52 =	vld [tilespmem:$0x1FF40];
	v4 =	vadd.f32 v4, v59;
	v1 =	vadd.f32 v1, v46;
	v21 =	vmul.f32 v57, v21  }
0xe5: {  	s28 =	smov.u32 s8;
	v46 =	vmul.f32 v8, v18;
	v2 =	vadd.f32 v24, v2;
	v48 =	vadd.f32 v42, v48;
	v42 =	vld [tilespmem:$0x1FEA0]  }
0xe6: {  	v16 =	vld [tilespmem:s28+$0x0];
	v63 =	vsub.f32 v29, v35;
	v0 =	vadd.f32 v21, v0;
	v21 =	vmul.f32 $7.071067690e-01, v60  }
0xe7: {  	v56 =	vld [tilespmem:$0x1FF50];
	v4 =	vmul.f32 $4.629100560e-01, v4;
	v26 =	vadd.f32 v37, v26;
	v2 =	vadd.f32 v3, v2  }
0xe8: {  	v45 =	vmul.f32 v7, v12;
	v21 =	vadd.f32 v39, v21;
	v0 =	vadd.f32 v0, v20;
	v20 =	vld [tilespmem:$0x1FF30]  }
0xe9: {  	s26 =	smov.u32 s13;
	v43 =	vld [tilespmem:$0x1FEE0];
	v39 =	vmul.f32 v17, v52;
	[tilespmem:$0x1FFC0] =	vst v48;
	v48 =	vadd.f32 v35, v29;
	v2 =	vsub.f32 v2, v31  }
0xea: {  	[tilespmem:$0x1FFF0] =	vst v50;
	v50 =	vld [tilespmem:s26+$0x5000];
	v31 =	vmul.f32 v7, v53;
	v40 =	vadd.f32 v42, v40;
	v42 =	vmul.f32 v57, v22  }
0xeb: {  	v54 =	vld [tilespmem:$0x1FEC0];
	v22 =	vadd.f32 v55, v29;
	v29 =	vmul.f32 v57, v19;
	v19 =	vsub.f32 v6, v58  }
0xec: {  	v49 =	vld [tilespmem:$0x1FF20];
	v47 =	vmul.f32 $4.082483050e-01, v48;
	v6 =	vadd.f32 v41, v6;
	v42 =	vsub.f32 v33, v42  }
0xed: {  	v48 =	vld [tilespmem:$0x1FEF0];
	v20 =	vmul.f32 $2.672612370e-01, v20;
	v25 =	vsub.f32 v29, v25;
	v22 =	vadd.f32 v35, v22  }
0xee: {  	v29 =	vld [tilespmem:$0x1FED0];
	v19 =	vadd.f32 v43, v19;
	v6 =	vadd.f32 v58, v6;
	v51 =	vmul.f32 $6.324555270e-01, v40  }
0xef: {  	v33 =	vsub.f32 v26, v4;
	v4 =	vmul.f32 $2.672612370e-01, v10;
	v25 =	vsub.f32 v25, v62;
	v62 =	vld [tilespmem:$0x1FFB0]  }
0xf0: {  	v24 =	vld [tilespmem:$0x1FF00];
	v10 =	vmul.f32 v17, v54;
	v26 =	vmul.f32 v7, v11;
	v6 =	vadd.f32 v36, v6  }
0xf1: {  	v57 =	vld [tilespmem:$0x1FF60];
	v32 =	vadd.f32 v42, v61;
	v22 =	vmul.f32 $5.773502590e-01, v22;
	v19 =	vmul.f32 $5.345224740e-01, v19  }
0xf2: {  	v58 =	vld [tilespmem:$0x1FF70];
	v35 =	vsub.f32 v33, v4;
	v42 =	vmul.f32 v50, v54;
	v6 =	vadd.f32 v43, v6  }
0xf3: {  	v60 =	vld [tilespmem:$0x1FF90];
	v59 =	vmul.f32 v48, v5;
	v25 =	vsub.f32 v25, v49;
	v29 =	vadd.f32 v44, v29  }
0xf4: {  	v61 =	vld [tilespmem:$0x1FFA0];
	v32 =	vsub.f32 v32, v56;
	v6 =	vmul.f32 $4.472135900e-01, v6;
	v22 =	vsub.f32 v62, v22  }
0xf5: {  	v44 =	vmul.f32 $7.071067690e-01, v63;
	v24 =	vadd.f32 v29, v24;
	v29 =	vmul.f32 $8.164966110e-01, v55;
	v55 =	vld [tilespmem:$0x1FF10]  }
0xf6: {  	v33 =	vmul.f32 v13, v52;
	v25 =	vsub.f32 v25, v57;
	v3 =	vadd.f32 v6, v22;
	v6 =	vld [tilespmem:$0x1FFC0]  }
0xf7: {  	v43 =	vmul.f32 v7, v52;
	v0 =	vadd.f32 v0, v58;
	v14 =	vsub.f32 v14, v44;
	v44 =	vld [tilespmem:$0x1FFF0]  }
0xf8: {  	v15 =	vld [tilespmem:s29+$0x5000];
	v49 =	vmul.f32 v13, v18;
	v56 =	vmul.f32 v8, v16;
	v25 =	vadd.f32 v25, v60  }
0xf9: {  	v57 =	vmul.f32 v8, v53;
	v0 =	vadd.f32 v0, v61;
	v24 =	vmul.f32 $5.477225780e-01, v24  }
0xfa: {  	v27 =	vsub.f32 v27, v47;
	v60 =	vmul.f32 v8, v9;
	v25 =	vmul.f32 $5.477225780e-01, v25  }
0xfb: {  	v0 =	vmul.f32 $5.477225780e-01, v0;
	v22 =	vmul.f32 $2.672612370e-01, v30;
	v6 =	vsub.f32 v6, v24;
	v24 =	vld [tilespmem:$0x1FFD0]  }
0xfc: {  	v1 =	vadd.f32 v25, v1;
	v36 =	vmul.f32 v44, v54;
	v4 =	vmul.f32 v55, v11  }
0xfd: {  	[tilespmem:s19+$0xA000] =	vst v3;
	v25 =	vmul.f32 v15, v54;
	v3 =	vsub.f32 v6, v51;
	v6 =	vadd.f32 v27, v29  }
0xfe: {  	v41 =	vmul.f32 v55, v18;
	[tilespmem:s11+$0xA000] =	vst v1;
	v38 =	vsub.f32 v36, v4;
	v4 =	vmul.f32 v7, v18  }
0xff: {  	v25 =	vadd.f32 v25, v26;
	v26 =	vmul.f32 v50, v16;
	[tilespmem:s2+$0xA000] =	vst v3;
	v3 =	vadd.f32 v19, v6;
	v6 =	vld [tilespmem:$0x1FFE0]  }
0x100: {  	v36 =	vmul.f32 v50, v12;
	v0 =	vsub.f32 v24, v0;
	v24 =	vmul.f32 $4.629100560e-01, v32  }
0x101: {  	v51 =	vmul.f32 v55, v53;
	v27 =	vmul.f32 v13, v5  }
0x102: {  	v29 =	vmul.f32 v44, v9;
	v19 =	vmul.f32 v48, v52;
	v63 =	vsub.f32 v21, v24  }
0x103: {  	v34 =	vsub.f32 v3, v20;
	v20 =	vmul.f32 v50, v52;
	v0 =	vadd.f32 v0, v28  }
0x104: {  	v28 =	vmul.f32 v50, v11;
	v6 =	vmul.f32 $4.629100560e-01, v6;
	v32 =	vsub.f32 v63, v22  }
0x105: {  	[tilespmem:s16+$0xA000] =	vst v0;
	v0 =	vsub.f32 v38, v39;
	v22 =	vmul.f32 v13, v12;
	v39 =	vmul.f32 v15, v5  }
0x106: {  	v38 =	vmul.f32 v13, v11;
	[tilespmem:s22+$0xA000] =	vst v2;
	v3 =	vadd.f32 v14, v6;
	v6 =	vmul.f32 $5.345224740e-01, v23  }
0x107: {  	v14 =	vmul.f32 v48, v11;
	[tilespmem:s20+$0xA000] =	vst v32;
	v23 =	vmul.f32 v15, v9;
	v32 =	vadd.f32 v42, v43  }
0x108: {  	v42 =	vmul.f32 v8, v11;
	[tilespmem:s18+$0xA000] =	vst v34;
	v34 =	vmul.f32 v13, v53;
	v37 =	vadd.f32 v3, v6  }
0x109: {  	v3 =	vmul.f32 v17, v18;
	v6 =	vadd.f32 v14, v10;
	v10 =	vmul.f32 v44, v52  }
0x10a: {  	[tilespmem:s10+$0xA000] =	vst v35;
	v14 =	vmul.f32 v17, v53;
	v35 =	vmul.f32 v48, v12  }
0x10b: {  	v40 =	vadd.f32 v10, v6;
	v6 =	vmul.f32 v48, v18;
	v10 =	vmul.f32 v44, v53  }
0x10c: {  	v21 =	vadd.f32 v51, v3;
	v1 =	vadd.f32 v41, v14;
	v14 =	vmul.f32 v15, v11  }
0x10d: {  	[tilespmem:s17+$0xA000] =	vst v37;
	v3 =	vsub.f32 v3, v22;
	v37 =	vmul.f32 v55, v12;
	v2 =	vadd.f32 v40, v4  }
0x10e: {  	v4 =	vmul.f32 v55, v54;
	v6 =	vsub.f32 v6, v10;
	v10 =	vmul.f32 v7, v54  }
0x10f: {  	v21 =	vadd.f32 v22, v21;
	v1 =	vadd.f32 v29, v1;
	v29 =	vmul.f32 v44, v16  }
0x110: {  	v4 =	vadd.f32 v19, v4;
	v19 =	vmul.f32 v50, v18;
	v24 =	vadd.f32 v20, v10  }
0x111: {  	v2 =	vadd.f32 v2, v23;
	v23 =	vmul.f32 v17, v9;
	v30 =	vadd.f32 v14, v10  }
0x112: {  	v22 =	vmul.f32 v15, v53;
	v10 =	vsub.f32 v10, v20;
	v0 =	vsub.f32 v0, v19  }
0x113: {  	v19 =	vmul.f32 v8, v12;
	v6 =	vadd.f32 v6, v23;
	v23 =	vmul.f32 v15, v52  }
0x114: {  	v24 =	vmul.f32 $4.082483050e-01, v24;
	v4 =	vadd.f32 v4, v31;
	v31 =	vmul.f32 v13, v54  }
0x115: {  	v18 =	vadd.f32 v20, v30;
	v30 =	vmul.f32 v44, v5;
	v19 =	vadd.f32 v27, v19  }
0x116: {  	v23 =	vadd.f32 v28, v23;
	v28 =	vmul.f32 v17, v5;
	v0 =	vsub.f32 v0, v22  }
0x117: {  	v22 =	vmul.f32 v55, v16;
	v47 =	vsub.f32 v19, v24;
	v24 =	vmul.f32 v17, v12  }
0x118: {  	v19 =	vadd.f32 v2, v26;
	v26 =	vmul.f32 v48, v16;
	v17 =	vmul.f32 v48, v9  }
0x119: {  	v27 =	vmul.f32 v50, v9;
	v22 =	vsub.f32 v6, v22;
	v62 =	vadd.f32 v28, v46  }
0x11a: {  	v6 =	vmul.f32 v55, v5;
	v20 =	vadd.f32 v1, v26;
	v58 =	vadd.f32 v17, v21  }
0x11b: {  	v61 =	vmul.f32 $7.071067690e-01, v23;
	v26 =	vadd.f32 v4, v27;
	v27 =	vadd.f32 v29, v3  }
0x11c: {  	v21 =	vadd.f32 v31, v45;
	v3 =	vmul.f32 $7.071067690e-01, v32;
	v24 =	vadd.f32 v49, v24  }
0x11d: {  	p2 =	slt.u32 s9, $0x3E;
	v32 =	vmul.f32 $7.071067690e-01, v10;
	v63 =	vadd.f32 v6, v57;
	v6 =	vmul.f32 $8.164966110e-01, v14  }
.Ltmp4:
0x11e: {  	v31 =	vadd.f32 v30, v56;
	v10 =	vmul.f32 v7, v16;
	v14 =	vadd.f32 v59, v60;
	(pc) =	sbr.rel @p2 .LBB2_3-.Ltmp4, $4  }
0x11f: {  	v4 =	vmul.f32 $7.071067690e-01, v25;
	v30 =	vsub.f32 v51, v17;
	v23 =	vadd.f32 v29, v58  }
0x120: {  	v41 =	vmul.f32 v13, v9;
	v25 =	vadd.f32 v0, v10;
	v11 =	vadd.f32 v47, v6  }
0x121: {  	v40 =	vmul.f32 v15, v12;
	v28 =	vadd.f32 v63, v4;
	v15 =	vadd.f32 v14, v61  }
0x122: {  	v29 =	vadd.f32 v3, v62;
	v10 =	vmul.f32 v44, v12;
	v12 =	vmul.f32 v13, v16  }
0x123: {  	v0 =	vmul.f32 v7, v5  }
0x124: {  	v1 =	vmul.f32 v8, v54;
	v2 =	vsub.f32 v31, v32;
	v3 =	vmul.f32 v50, v5  }
0x125: {  	v4 =	vadd.f32 v39, v42;
	v6 =	vmul.f32 v8, v52;
	v63 =	vmul.f32 v48, v53  }
0x126: {  	v13 =	vadd.f32 v38, v40;
	v9 =	vmul.f32 v55, v9;
	v14 =	vmul.f32 $5.477225780e-01, v19  }
0x127: {  	v16 =	vadd.f32 v33, v36;
	v39 =	vmul.f32 $4.629100560e-01, v22;
	v40 =	vmul.f32 $5.477225780e-01, v26  }
0x128: {  	v42 =	vadd.f32 v34, v37;
	v20 =	vmul.f32 $4.629100560e-01, v20;
	v18 =	vmul.f32 $5.773502590e-01, v18  }
0x129: {  	v27 =	vmul.f32 $5.345224740e-01, v27;
	v43 =	vadd.f32 v35, v41;
	v21 =	vmul.f32 $3.162277640e-01, v21  }
0x12a: {  	v24 =	vmul.f32 $5.345224740e-01, v24;
	v44 =	vmul.f32 v8, v5;
	v49 =	vadd.f32 v17, v51  }
0x12b: {  	v46 =	vmul.f32 $4.629100560e-01, v30;
	v10 =	vadd.f32 v10, v12;
	v0 =	vadd.f32 v0, v1  }
0x12c: {  	v48 =	vmul.f32 $4.472135900e-01, v23;
	v45 =	vadd.f32 v3, v6;
	v5 =	vsub.f32 v44, v18  }
0x12d: {  	v50 =	vmul.f32 $5.477225780e-01, v25;
	v47 =	vadd.f32 v63, v9;
	v0 =	vadd.f32 v21, v0  }
0x12e: {  	v4 =	vsub.f32 v4, v40;
	v51 =	vmul.f32 $6.324555270e-01, v13;
	v5 =	vadd.f32 v48, v5  }
0x12f: {  	v52 =	vmul.f32 $3.162277640e-01, v16;
	v1 =	vsub.f32 v45, v14;
	v0 =	vadd.f32 v50, v0  }
0x130: {  	v53 =	vadd.f32 v24, v29;
	v6 =	vmul.f32 $4.629100560e-01, v47;
	v4 =	vsub.f32 v4, v51;
	[tilespmem:s1+$0xA000] =	vst v5  }
0x131: {  	v54 =	vsub.f32 v28, v39;
	v55 =	vmul.f32 $2.672612370e-01, v42;
	v1 =	vadd.f32 v1, v52;
	[tilespmem:s30+$0xA000] =	vst v0  }
0x132: {  	v56 =	vadd.f32 v27, v11;
	v57 =	vmul.f32 $2.672612370e-01, v49;
	v58 =	vsub.f32 v53, v6;
	[tilespmem:s29+$0xA000] =	vst v4  }
0x133: {  	v59 =	vsub.f32 v15, v20;
	v60 =	vmul.f32 $2.672612370e-01, v43;
	v5 =	vsub.f32 v54, v55;
	[tilespmem:s26+$0xA000] =	vst v1  }
0x134: {  	v61 =	vadd.f32 v2, v46;
	v62 =	vmul.f32 $5.345224740e-01, v10;
	v0 =	vsub.f32 v56, v57;
	[tilespmem:s0+$0xA000] =	vst v58  }
0x135: {  	v63 =	vsub.f32 v59, v60;
	[tilespmem:s25+$0xA000] =	vst v5  }
0x136: {  	v1 =	vadd.f32 v61, v62;
	[tilespmem:s31+$0xA000] =	vst v0  }
.Ltmp5:
0x137: {  	s0 =	rddreg [dreg:$0x13];
	[tilespmem:s24+$0xA000] =	vst v63;
	(pc) =	sbr.rel @p1 .LBB2_8-.Ltmp5, $4  }
0x138: {  	s0 =	smul.u32 $0x280, s0;
	[tilespmem:s28+$0xA000] =	vst v1  }
0x139: {  	s1 =	rddreg [dreg:$0x7]  }
0x13a: {  	s2 =	simm.s32 $0xA000;
	s31 =	simm.s32 $0x0;
	s0 =	sadd.s32 s1, s0  }
0x13b: {  	[hbm4b:s0+s31] =	stream.linear.scatter [tilespmem:s2], [sflag:$0x5], $0x2800, $0x38;
	[tilespmem:$0xF000] =	vst v63  }
0x13c: {  	s0 =	rddreg [dreg:$0x11]  }
0x13d: {  	s1 =	rddreg [dreg:$0x6];
	s0 =	sadd.s32 $0x2, s0  }
0x13e: {  	p1 =	sge.u32 s0, s1  }
0x13f: {  	s7 =	rddreg [dreg:$0x8];
	s0 =	sshll.u32 @!p1 s0, $0x6  }
0x140: {  	s0 =	sor.u32 @!p1 s7, s0  }
0x141: {  	s0 =	smul.u32 @!p1 $0x280, s0  }
0x142: {  	s1 =	rddreg [dreg:$0x4]  }
0x143: {  	s2 =	simm.s32 @!p1 $0x0;
	s1 =	sadd.s32 @!p1 s1, s0  }
0x144: {  	[tilespmem:s2], [sflag:$0x1] =	stream.linear.gather @!p1 [hbm4b:s1+s2], $0x2800, $0x38;
	[tilespmem:$0xF000] =	vst v63  }
0x145: {  	s1 =	rddreg [dreg:$0x5]  }
0x146: {  	s20 =	simm.s32 $0x2;
	s0 =	sadd.s32 @!p1 s1, s0;
	s1 =	simm.s32 @!p1 $0x5000  }
0x147: {  	[tilespmem:s1], [sflag:$0x3] =	stream.linear.gather @!p1 [hbm4b:s0+s2], $0x2800, $0x38;
	[tilespmem:$0xF000] =	vst v63  }
0x148: {  	_ =	swait.ge [sflag:s20], $0x2800  }
0x149: {  	[sflag:s20] =	ssyncset.done $0x0  }
0x14a: {  	s21 =	simm.s32 $0x4;
	[sflag:s20] =	ssyncadd.s32 $0xFFFFD800  }
0x14b: {  	s28 =	simm.s32 $0x0;
	s22 =	simm.s32 $0x0;
	_ =	swait.ge [sflag:s21], $0x2800  }
0x14c: {  	s5 =	sand.u32 $0x380, s28;
	s0 =	simm.s32 @!p0 $0x6;
	[sflag:s21] =	ssyncset.done $0x0  }
0x14d: {  	s1 =	sand.u32 $0x20, s28;
	s2 =	smul.u32 $0x1400, s22;
	[sflag:s21] =	ssyncadd.s32 $0xFFFFD800  }
0x14e: {  	s24 =	sor.u32 s5, s1;
	_ =	swait.ge @!p0 [sflag:s0], $0x2800  }
0x14f: {  	s4 =	sor.u32 $0x50, s24;
	s20 =	sadd.s32 $0x3400, s2;
	[sflag:s0] =	ssyncset.done @!p0 $0x0  }
0x150: {  	s3 =	sadd.s32 $0x3000, s2;
	s8 =	sor.u32 s20, s4;
	[sflag:s0] =	ssyncadd.s32 @!p0 $0xFFFFD800  }
0x151: {  	s25 =	sadd.s32 $0x2800, s2;
	s9 =	sor.u32 s3, s4;
	v3 =	vld [tilespmem:s8+$0x0]  }
0x152: {  	s23 =	sadd.s32 $0x2C00, s2;
	s12 =	sor.u32 s25, s4;
	v4 =	vld [tilespmem:s9+$0x0]  }
0x153: {  	s11 =	sor.u32 s23, s4;
	v5 =	vld [tilespmem:s12+$0x5000]  }
0x154: {  	v6 =	vld [tilespmem:s11+$0x5000]  }
0x155: {  	v7 =	vld [tilespmem:s8+$0x5000]  }
0x156: {  	s2 =	sor.u32 s5, s2;
	v8 =	vld [tilespmem:s9+$0x5000]  }
0x157: {  	s6 =	sor.u32 $0x10, s1;
	s29 =	sadd.s32 $0x3800, s2;
	v9 =	vld [tilespmem:s11+$0x0]  }
0x158: {  	s14 =	sor.u32 s5, s25;
	s10 =	sor.u32 s6, s29;
	v10 =	vld [tilespmem:s12+$0x0]  }
0x159: {  	s19 =	sor.u32 s6, s14;
	v11 =	vld [tilespmem:s10+$0x0]  }
0x15a: {  	s21 =	sor.u32 s5, s23;
	v12 =	vld [tilespmem:s19+$0x0]  }
0x15b: {  	s16 =	sor.u32 s6, s21;
	v15 =	vld [tilespmem:s19+$0x5000];
	v13 =	vmul.f32 v7, v4;
	v14 =	vmul.f32 v8, v3  }
0x15c: {  	s18 =	sor.u32 s5, s20;
	v17 =	vld [tilespmem:s16+$0x5000];
	v1 =	vmul.f32 v7, v3;
	v16 =	vmul.f32 v6, v3  }
0x15d: {  	s13 =	sor.u32 s6, s18;
	v20 =	vld [tilespmem:s16+$0x0];
	v18 =	vmul.f32 v5, v4;
	v19 =	vmul.f32 v6, v10  }
0x15e: {  	v23 =	vld [tilespmem:s13+$0x5000];
	v21 =	vmul.f32 v5, v10;
	v22 =	vmul.f32 v5, v9  }
0x15f: {  	v25 =	vld [tilespmem:s13+$0x0];
	v24 =	vmul.f32 v6, v9;
	v26 =	vmul.f32 v8, v4  }
0x160: {  	v27 =	vmul.f32 v8, v10;
	v28 =	vmul.f32 v7, v9  }
0x161: {  	v0 =	vmul.f32 v15, v12;
	v29 =	vmul.f32 v5, v12  }
0x162: {  	v30 =	vmul.f32 v15, v10;
	v2 =	vmul.f32 v5, v11  }
0x163: {  	v31 =	vmul.f32 v17, v12;
	v32 =	vmul.f32 v15, v20  }
0x164: {  	v33 =	vld [tilespmem:s10+$0x5000];
	v34 =	vmul.f32 v23, v20;
	v35 =	vmul.f32 v17, v25  }
0x165: {  	v36 =	vmul.f32 v6, v12;
	v37 =	vmul.f32 v15, v9  }
0x166: {  	v38 =	vmul.f32 v23, v9;
	v39 =	vmul.f32 v6, v25  }
0x167: {  	v40 =	vmul.f32 v23, v4;
	v42 =	vmul.f32 v8, v25  }
0x168: {  	v43 =	vmul.f32 v7, v25;
	v45 =	vmul.f32 v23, v3  }
0x169: {  	v46 =	vmul.f32 v33, v25;
	v47 =	vmul.f32 v23, v11  }
0x16a: {  	s5 =	sor.u32 s5, s3;
	v48 =	vmul.f32 v33, v11;
	v49 =	vmul.f32 v23, v10  }
0x16b: {  	s17 =	sor.u32 s6, s5;
	v50 =	vmul.f32 v5, v25;
	v51 =	vmul.f32 v17, v4  }
0x16c: {  	v44 =	vld [tilespmem:s17+$0x0];
	v52 =	vmul.f32 v6, v11;
	v61 =	vmul.f32 v8, v12  }
0x16d: {  	v41 =	vld [tilespmem:s17+$0x5000];
	v62 =	vmul.f32 v15, v4;
	v63 =	vmul.f32 v8, v11  }
0x16e: {  	v53 =	vmul.f32 v7, v12;
	v54 =	vmul.f32 v15, v3  }
0x16f: {  	v55 =	vmul.f32 v7, v11;
	v11 =	vmul.f32 v15, v11  }
0x170: {  	v57 =	vmul.f32 v17, v20;
	v58 =	vmul.f32 v6, v20  }
0x171: {  	v59 =	vmul.f32 v17, v9;
	v6 =	vmul.f32 v6, v44  }
0x172: {  	v13 =	vadd.f32 v13, v14;
	v14 =	vmul.f32 v41, v12;
	v19 =	vadd.f32 v19, v22  }
0x173: {  	v22 =	vmul.f32 v15, v44;
	v27 =	vadd.f32 v28, v27;
	v29 =	vadd.f32 v29, v30  }
0x174: {  	v28 =	vmul.f32 v23, v44;
	v31 =	vadd.f32 v31, v32;
	v34 =	vadd.f32 v34, v35  }
0x175: {  	v30 =	vmul.f32 v41, v25;
	v36 =	vadd.f32 v36, v37;
	v38 =	vadd.f32 v38, v39  }
0x176: {  	v40 =	vadd.f32 v40, v42;
	v43 =	vadd.f32 v43, v45;
	v15 =	vmul.f32 v15, v25  }
0x177: {  	v49 =	vadd.f32 v49, v50;
	v25 =	vmul.f32 v23, v25;
	v23 =	vmul.f32 v23, v12  }
0x178: {  	v12 =	vmul.f32 v33, v12;
	v56 =	vadd.f32 v46, v47;
	v32 =	vadd.f32 v61, v62  }
0x179: {  	v14 =	vadd.f32 v14, v22;
	v22 =	vmul.f32 v17, v10;
	v28 =	vadd.f32 v28, v30  }
0x17a: {  	v30 =	vmul.f32 v5, v20;
	v11 =	vadd.f32 v12, v11;
	v12 =	vmul.f32 v7, v44  }
0x17b: {  	v15 =	vadd.f32 v23, v15;
	v23 =	vmul.f32 v33, v10;
	v7 =	vmul.f32 v7, v20  }
0x17c: {  	v39 =	vadd.f32 v53, v54;
	v20 =	vmul.f32 v8, v20;
	v8 =	vmul.f32 v8, v44  }
0x17d: {  	v35 =	vadd.f32 v58, v59;
	v17 =	vmul.f32 v17, v3;
	v10 =	vmul.f32 v41, v10  }
0x17e: {  	v18 =	vadd.f32 v27, v18;
	v27 =	vsub.f32 v21, v24;
	v19 =	vmul.f32 $7.071067690e-01, v19  }
0x17f: {  	v22 =	vadd.f32 v22, v30;
	v30 =	vmul.f32 v33, v4;
	v4 =	vmul.f32 v41, v4  }
0x180: {  	v20 =	vsub.f32 v23, v20;
	v23 =	vmul.f32 v41, v3;
	v7 =	vadd.f32 v7, v10  }
0x181: {  	v3 =	vmul.f32 v33, v3;
	v10 =	vadd.f32 v57, v21;
	v21 =	vadd.f32 v24, v21  }
0x182: {  	v12 =	vsub.f32 v12, v30;
	v4 =	vadd.f32 v8, v4;
	v30 =	vmul.f32 v41, v44  }
0x183: {  	v27 =	vmul.f32 $7.071067690e-01, v27;
	v8 =	vadd.f32 v1, v26;
	v10 =	vadd.f32 v24, v10  }
0x184: {  	v41 =	vmul.f32 v41, v9;
	v60 =	vsub.f32 v30, v25;
	v30 =	vadd.f32 v26, v30  }
0x185: {  	v9 =	vmul.f32 v33, v9;
	v26 =	vsub.f32 v26, v1;
	v12 =	vadd.f32 v12, v23  }
0x186: {  	v21 =	vmul.f32 $4.082483050e-01, v21;
	v20 =	vsub.f32 v20, v41;
	v3 =	vadd.f32 v3, v4  }
0x187: {  	v23 =	vmul.f32 $3.162277640e-01, v49;
	v4 =	vadd.f32 v9, v7;
	v7 =	vadd.f32 v19, v14  }
0x188: {  	v9 =	vmul.f32 $7.071067690e-01, v22;
	v14 =	vadd.f32 v18, v16;
	v18 =	vsub.f32 v11, v27  }
0x189: {  	v16 =	vmul.f32 $7.071067690e-01, v35;
	v15 =	vsub.f32 v15, v21;
	v24 =	vadd.f32 v48, v60  }
0x18a: {  	v5 =	vmul.f32 v5, v44;
	v25 =	vadd.f32 v25, v30;
	v19 =	vadd.f32 v23, v29  }
0x18b: {  	v21 =	vmul.f32 $8.164966110e-01, v57;
	v9 =	vadd.f32 v32, v9;
	v16 =	vadd.f32 v39, v16  }
0x18c: {  	s22 =	sor.u32 $0x40, s24;
	v11 =	vmul.f32 $5.773502590e-01, v10;
	v6 =	vsub.f32 v20, v6;
	v4 =	vadd.f32 v4, v5  }
0x18d: {  	s15 =	sor.u32 s25, s22;
	v22 =	vmul.f32 $4.629100560e-01, v13;
	v20 =	vsub.f32 v12, v63;
	v3 =	vadd.f32 v3, v55  }
0x18e: {  	s26 =	sor.u32 s1, s29;
	v8 =	vmul.f32 $2.672612370e-01, v8;
	v13 =	vld [tilespmem:s15+$0x0];
	v11 =	vsub.f32 v0, v11;
	v1 =	vadd.f32 v1, v25  }
0x18f: {  	v49 =	vld [tilespmem:s26+$0x5000];
	v5 =	vmul.f32 $6.324555270e-01, v34;
	v6 =	vsub.f32 v6, v51;
	v4 =	vadd.f32 v4, v17  }
0x190: {  	v14 =	vmul.f32 $5.477225780e-01, v14;
	v3 =	vmul.f32 $4.629100560e-01, v3;
	v1 =	vadd.f32 v48, v1  }
0x191: {  	v2 =	vadd.f32 v6, v2;
	v4 =	vadd.f32 v4, v52;
	v6 =	vmul.f32 $5.345224740e-01, v28  }
0x192: {  	s21 =	sor.u32 s1, s21;
	v17 =	vmul.f32 $3.162277640e-01, v38;
	v3 =	vsub.f32 v16, v3;
	v12 =	vmul.f32 $4.472135900e-01, v1  }
0x193: {  	s31 =	sor.u32 s3, s22;
	v10 =	vld [tilespmem:s21+$0x0];
	v2 =	vmul.f32 $5.477225780e-01, v2;
	v4 =	vmul.f32 $5.477225780e-01, v4;
	v6 =	vadd.f32 v6, v7  }
0x194: {  	s25 =	sor.u32 s20, s22;
	v51 =	vld [tilespmem:s31+$0x5000];
	v61 =	vmul.f32 v49, v13;
	v7 =	vsub.f32 v31, v14;
	v11 =	vadd.f32 v12, v11  }
0x195: {  	s0 =	sor.u32 s1, s5;
	v48 =	vld [tilespmem:s25+$0x5000];
	v25 =	vadd.f32 v2, v19;
	v4 =	vsub.f32 v36, v4;
	v19 =	vmul.f32 $4.629100560e-01, v20  }
0x196: {  	v20 =	vld [tilespmem:s0+$0x5000];
	v28 =	vsub.f32 v7, v5;
	v5 =	vadd.f32 v15, v21;
	v7 =	vmul.f32 $5.345224740e-01, v24  }
0x197: {  	s30 =	sor.u32 s23, s22;
	v14 =	vmul.f32 $2.672612370e-01, v40;
	v31 =	vadd.f32 v4, v17;
	v4 =	vsub.f32 v9, v19;
	v17 =	vld [tilespmem:s0+$0x0]  }
0x198: {  	v12 =	vld [tilespmem:s30+$0x0];
	v32 =	vsub.f32 v6, v22;
	v6 =	vadd.f32 v7, v5;
	v7 =	vmul.f32 $4.629100560e-01, v26;
	[dreg:$0x2] =	wrdreg s15  }
0x199: {  	v30 =	vmul.f32 v51, v13;
	v26 =	vld [tilespmem:s15+$0x5000];
	v14 =	vsub.f32 v4, v14;
	v4 =	vmul.f32 $2.672612370e-01, v43  }
0x19a: {  	v53 =	vld [tilespmem:s31+$0x0];
	v16 =	vsub.f32 v6, v8;
	v6 =	vadd.f32 v18, v7;
	v7 =	vmul.f32 $5.345224740e-01, v56  }
0x19b: {  	v9 =	vmul.f32 v48, v10;
	v41 =	vld [tilespmem:s30+$0x5000];
	v8 =	vmul.f32 v20, v13;
	v33 =	vsub.f32 v3, v4  }
0x19c: {  	v34 =	vld [tilespmem:s21+$0x5000];
	v4 =	vmul.f32 v51, v10;
	v42 =	vadd.f32 v6, v7;
	v18 =	vmul.f32 v20, v17  }
0x19d: {  	v7 =	vadd.f32 v9, v8;
	v9 =	vmul.f32 v49, v12;
	v19 =	vmul.f32 v48, v17  }
0x19e: {  	s29 =	sor.u32 s1, s14;
	[tilespmem:s19+$0xA000] =	vst v11;
	v23 =	vmul.f32 v51, v17;
	v3 =	vsub.f32 v61, v4;
	v4 =	vmul.f32 v20, v12  }
0x19f: {  	v50 =	vld [tilespmem:s29+$0x0];
	[tilespmem:s12+$0xA000] =	vst v25;
	v15 =	vmul.f32 v26, v17;
	v21 =	vmul.f32 v49, v53  }
0x1a0: {  	[tilespmem:s16+$0xA000] =	vst v28;
	v24 =	vmul.f32 v20, v53;
	v27 =	vmul.f32 v26, v13  }
0x1a1: {  	s6 =	sor.u32 s1, s18;
	v52 =	vld [tilespmem:s29+$0x5000];
	[tilespmem:s11+$0xA000] =	vst v31;
	v29 =	vmul.f32 v41, v12;
	v36 =	vmul.f32 v34, v10  }
0x1a2: {  	v6 =	vld [tilespmem:s6+$0x0];
	[tilespmem:s17+$0xA000] =	vst v32;
	v47 =	vmul.f32 v41, v17;
	v54 =	vmul.f32 v26, v10  }
0x1a3: {  	v57 =	vmul.f32 v41, v10;
	v61 =	vmul.f32 v26, v53;
	[tilespmem:s9+$0xA000] =	vst v14  }
0x1a4: {  	v8 =	vld [tilespmem:s6+$0x5000];
	v5 =	vmul.f32 v41, v13;
	v9 =	vadd.f32 v9, v7;
	[tilespmem:s13+$0xA000] =	vst v16;
	v16 =	vmul.f32 v41, v50  }
0x1a5: {  	v22 =	vsub.f32 v3, v4;
	v19 =	vsub.f32 v19, v21;
	v21 =	vmul.f32 v48, v12  }
0x1a6: {  	v7 =	vld [tilespmem:s25+$0x0];
	v62 =	vadd.f32 v29, v27;
	v60 =	vadd.f32 v36, v27;
	v36 =	vmul.f32 $8.164966110e-01, v36  }
0x1a7: {  	v9 =	vadd.f32 v9, v15;
	v15 =	vmul.f32 v51, v53;
	v56 =	vmul.f32 v52, v6  }
0x1a8: {  	v23 =	vadd.f32 v23, v24;
	s23 =	rddreg [dreg:$0x10];
	[tilespmem:s8+$0xA000] =	vst v33;
	v33 =	vmul.f32 v41, v6;
	v32 =	vmul.f32 v51, v6  }
0x1a9: {  	v63 =	vmul.f32 v8, v6;
	v21 =	vadd.f32 v21, v30;
	v55 =	vmul.f32 v8, v50  }
0x1aa: {  	v22 =	vsub.f32 v22, v47;
	v35 =	vmul.f32 $4.082483050e-01, v62;
	v62 =	vmul.f32 v26, v6  }
0x1ab: {  	v31 =	vmul.f32 v8, v12;
	v24 =	vadd.f32 v15, v18;
	v30 =	vmul.f32 v34, v7  }
0x1ac: {  	v59 =	vmul.f32 v49, v7;
	v21 =	vadd.f32 v21, v61;
	v38 =	vadd.f32 v55, v56  }
0x1ad: {  	v37 =	vsub.f32 v18, v63;
	v18 =	vmul.f32 v34, v53;
	v56 =	vmul.f32 v51, v50  }
0x1ae: {  	v39 =	vadd.f32 v63, v24;
	v24 =	vmul.f32 v34, v13;
	v63 =	vmul.f32 v20, v50  }
0x1af: {  	v30 =	vadd.f32 v9, v30;
	v9 =	vmul.f32 v20, v7;
	v2 =	vadd.f32 v59, v23  }
0x1b0: {  	v23 =	vmul.f32 v26, v12;
	v35 =	vsub.f32 v38, v35;
	v55 =	vsub.f32 v22, v18  }
0x1b1: {  	v18 =	vadd.f32 v29, v60;
	v38 =	vmul.f32 v52, v10;
	v40 =	vadd.f32 v24, v54  }
0x1b2: {  	v24 =	vmul.f32 v8, v13;
	v54 =	vmul.f32 v52, v17;
	v58 =	vadd.f32 v19, v9;
	v9 =	vld [tilespmem:s26+$0x0]  }
0x1b3: {  	v17 =	vmul.f32 v8, v17;
	v19 =	vmul.f32 v34, v12;
	v0 =	vadd.f32 v5, v23  }
0x1b4: {  	v5 =	vsub.f32 v27, v29;
	v27 =	vmul.f32 v41, v7;
	v29 =	vmul.f32 v52, v53  }
0x1b5: {  	v59 =	vadd.f32 v63, v54;
	v63 =	vmul.f32 $7.071067690e-01, v40;
	v40 =	vmul.f32 v52, v13  }
0x1b6: {  	v13 =	vmul.f32 v8, v53;
	v44 =	vadd.f32 v57, v19;
	v57 =	vmul.f32 v48, v50  }
0x1b7: {  	v27 =	vadd.f32 v21, v27;
	v21 =	vmul.f32 v49, v50;
	v19 =	vmul.f32 v41, v9  }
0x1b8: {  	v61 =	vadd.f32 v56, v29;
	v0 =	vmul.f32 $7.071067690e-01, v0;
	v44 =	vmul.f32 $7.071067690e-01, v44  }
0x1b9: {  	v19 =	vadd.f32 v30, v19;
	v30 =	vmul.f32 v20, v6;
	v20 =	vmul.f32 v51, v9  }
0x1ba: {  	v14 =	vadd.f32 v61, v63;
	v22 =	vmul.f32 v48, v9;
	v60 =	vmul.f32 v52, v9  }
0x1bb: {  	v28 =	vmul.f32 v26, v9;
	v23 =	vsub.f32 v58, v20;
	v20 =	vadd.f32 v24, v62  }
0x1bc: {  	v58 =	vmul.f32 v52, v7;
	v24 =	vadd.f32 v17, v30;
	v17 =	vmul.f32 v48, v7  }
0x1bd: {  	v22 =	vadd.f32 v2, v22;
	v29 =	vadd.f32 v21, v60;
	v62 =	vmul.f32 v49, v9  }
0x1be: {  	v30 =	vmul.f32 $7.071067690e-01, v5;
	v43 =	vadd.f32 v57, v58;
	v11 =	vadd.f32 v17, v39  }
0x1bf: {  	s2 =	sshll.u32 s23, $0x6;
	v21 =	vadd.f32 v62, v37;
	v37 =	vmul.f32 v8, v10;
	v39 =	vmul.f32 v34, v6  }
0x1c0: {  	s24 =	sor.u32 s7, s2;
	v25 =	vadd.f32 v62, v11;
	v11 =	vadd.f32 v35, v36;
	v36 =	vmul.f32 v26, v50  }
0x1c1: {  	[dreg:$0x12] =	wrdreg s24;
	v35 =	vmul.f32 v34, v50;
	v26 =	vadd.f32 v55, v28;
	v10 =	vadd.f32 v43, v44  }
0x1c2: {  	s12 =	simm.s32 $0x0;
	s8 =	simm.s32 $0x0;
	[tilespmem:s10+$0xA000] =	vst v42;
	v34 =	vmul.f32 v52, v12;
	v28 =	vsub.f32 v15, v17;
	v12 =	vadd.f32 v0, v59  }
.LBB2_6:
0x1c3: {  	s8 =	sadd.s32 $0x2, s8;
	v41 =	vmul.f32 v48, v6  }
0x1c4: {  	v42 =	vmul.f32 v8, v7;
	v1 =	vmul.f32 v49, v6;
	s28 =	sadd.s32 $0x20, s28;
	s12 =	sadd.s32 $0x40, s12;
	s3 =	sshrl.u32 s8, $0x5  }
0x1c5: {  	v6 =	vmul.f32 v8, v9;
	v0 =	vmul.f32 v48, v53;
	s2 =	sand.u32 $0x20, s28;
	s13 =	smul.u32 $0x1400, s3;
	s3 =	sand.u32 $0x380, s12  }
0x1c6: {  	v2 =	vmul.f32 v51, v7;
	v7 =	vmul.f32 $5.477225780e-01, v19;
	s4 =	sor.u32 s3, s2  }
0x1c7: {  	v9 =	vmul.f32 $4.629100560e-01, v23;
	v27 =	vmul.f32 $5.477225780e-01, v27;
	s1 =	smov.u32 s6;
	s16 =	sadd.s32 $0x3400, s13;
	s10 =	sor.u32 $0x50, s4  }
0x1c8: {  	v48 =	vmul.f32 $4.629100560e-01, v22;
	v18 =	vmul.f32 $5.773502590e-01, v18;
	v53 =	vadd.f32 v17, v15;
	s7 =	sor.u32 $0x40, s4;
	s4 =	sadd.s32 $0x3000, s13;
	s9 =	sor.u32 s16, s10  }
0x1c9: {  	v20 =	vmul.f32 $3.162277640e-01, v20;
	s23 =	smov.u32 s21;
	v30 =	vsub.f32 v29, v30;
	v36 =	vadd.f32 v36, v40;
	s15 =	sadd.s32 $0x2800, s13;
	s22 =	sor.u32 s4, s10;
	v23 =	vld [tilespmem:s9+$0x0]  }
0x1ca: {  	v3 =	vmul.f32 v52, v50;
	v8 =	vadd.f32 v35, v38;
	v5 =	vadd.f32 v37, v39;
	s14 =	sor.u32 $0x10, s2;
	s18 =	sadd.s32 $0x2C00, s13;
	s11 =	sor.u32 s15, s10;
	v19 =	vld [tilespmem:s22+$0x0]  }
0x1cb: {  	v16 =	vadd.f32 v16, v34;
	v31 =	vadd.f32 v31, v33;
	v49 =	vmul.f32 $5.345224740e-01, v24;
	s13 =	sor.u32 s3, s13;
	s5 =	sor.u32 s16, s7;
	s6 =	sor.u32 s4, s7;
	v24 =	vld [tilespmem:s11+$0x5000]  }
0x1cc: {  	v4 =	vmul.f32 $4.472135900e-01, v25;
	v1 =	vadd.f32 v1, v6;
	v3 =	vsub.f32 v3, v18;
	s20 =	sor.u32 s15, s7;
	s7 =	sor.u32 s18, s7;
	s13 =	sadd.s32 $0x3800, s13;
	v22 =	vld [tilespmem:s22+$0x5000]  }
0x1cd: {  	v0 =	vadd.f32 v0, v2;
	v6 =	vmul.f32 $5.477225780e-01, v26;
	v17 =	vadd.f32 v20, v36;
	s10 =	sor.u32 s18, s10;
	s17 =	sor.u32 s3, s15;
	v15 =	vld [tilespmem:s9+$0x5000];
	s19 =	sor.u32 s14, s13  }
0x1ce: {  	v21 =	vmul.f32 $5.345224740e-01, v21;
	v16 =	vsub.f32 v16, v7;
	v3 =	vadd.f32 v4, v3;
	s18 =	sor.u32 s3, s18;
	s21 =	sor.u32 s2, s17;
	s17 =	sor.u32 s14, s17;
	v7 =	vld [tilespmem:s19+$0x0]  }
0x1cf: {  	v5 =	vmul.f32 $6.324555270e-01, v5;
	v8 =	vsub.f32 v8, v27;
	v4 =	vadd.f32 v6, v17;
	[dreg:$0x3] =	wrdreg s9;
	s24 =	sor.u32 s2, s18;
	v38 =	vld [tilespmem:s17+$0x0]  }
0x1d0: {  	v13 =	vadd.f32 v13, v32;
	v9 =	vsub.f32 v14, v9;
	v14 =	vmul.f32 $3.162277640e-01, v31;
	s18 =	sor.u32 s14, s18;
	[tilespmem:s29+$0xA000] =	vst v3;
	v43 =	vld [tilespmem:s17+$0x5000];
	s9 =	smov.u32 s21;
	s21 =	rddreg [dreg:$0x2]  }
0x1d1: {  	v12 =	vadd.f32 v49, v12;
	v0 =	vmul.f32 $4.629100560e-01, v0;
	s16 =	sor.u32 s3, s16;
	v44 =	vld [tilespmem:s18+$0x5000];
	[tilespmem:s21+$0xA000] =	vst v4;
	v4 =	vsub.f32 v8, v5  }
0x1d2: {  	v28 =	vmul.f32 $4.629100560e-01, v28;
	v13 =	vmul.f32 $2.672612370e-01, v13;
	v14 =	vadd.f32 v16, v14;
	s15 =	sor.u32 s2, s13;
	s13 =	sor.u32 s2, s16;
	s16 =	sor.u32 s14, s16;
	v32 =	vld [tilespmem:s18+$0x0]  }
0x1d3: {  	v11 =	vadd.f32 v21, v11;
	v2 =	vmul.f32 $2.672612370e-01, v53;
	v0 =	vsub.f32 v12, v0;
	v47 =	vld [tilespmem:s16+$0x5000];
	s21 =	smov.u32 s24;
	[tilespmem:s23+$0xA000] =	vst v4  }
0x1d4: {  	v6 =	vsub.f32 v9, v13;
	s29 =	smov.u32 s20;
	v37 =	vld [tilespmem:s21+$0x0];
	[tilespmem:s30+$0xA000] =	vst v14  }
0x1d5: {  	v25 =	vadd.f32 v30, v28;
	v2 =	vsub.f32 v11, v2;
	v30 =	vmul.f32 v15, v23;
	v11 =	vld [tilespmem:s29+$0x0];
	[tilespmem:s0+$0xA000] =	vst v0  }
0x1d6: {  	v55 =	vmul.f32 v43, v38;
	v0 =	vld [tilespmem:s5+$0x5000];
	[tilespmem:s31+$0xA000] =	vst v6  }
0x1d7: {  	v51 =	vadd.f32 v41, v42;
	v41 =	vld [tilespmem:s16+$0x0];
	v56 =	vmul.f32 v24, v7;
	[tilespmem:$0x1FD50] =	vst v30  }
0x1d8: {  	v21 =	vld [tilespmem:s10+$0x0];
	v58 =	vmul.f32 v44, v38;
	[tilespmem:$0x1FDC0] =	vst v55  }
0x1d9: {  	v29 =	vld [tilespmem:s10+$0x5000];
	v59 =	vmul.f32 v43, v32;
	[tilespmem:$0x1FDA0] =	vst v56  }
0x1da: {  	v18 =	vmul.f32 $2.672612370e-01, v51;
	v1 =	vmul.f32 $5.345224740e-01, v1;
	v27 =	vld [tilespmem:s11+$0x0];
	[tilespmem:$0x1FC00] =	vst v58  }
0x1db: {  	v35 =	vmul.f32 v15, v19;
	v60 =	vmul.f32 v47, v32;
	[tilespmem:$0x1FC10] =	vst v59  }
0x1dc: {  	v45 =	vmul.f32 v22, v23;
	v61 =	vmul.f32 v44, v41;
	v57 =	vld [tilespmem:s15+$0x5000];
	[tilespmem:s1+$0xA000] =	vst v2  }
0x1dd: {  	v33 =	vmul.f32 v22, v19;
	v63 =	vmul.f32 v43, v21;
	[tilespmem:$0x1FC20] =	vst v60  }
0x1de: {  	v10 =	vsub.f32 v10, v48;
	v50 =	vmul.f32 v24, v38;
	v40 =	vmul.f32 v47, v21;
	[tilespmem:$0x1FC30] =	vst v61  }
0x1df: {  	v39 =	vld [tilespmem:s19+$0x5000];
	v51 =	vmul.f32 v43, v27;
	v42 =	vmul.f32 v29, v41;
	[tilespmem:$0x1FC50] =	vst v63  }
0x1e0: {  	s3 =	sor.u32 s3, s4;
	v54 =	vsub.f32 v10, v18;
	v62 =	vmul.f32 v29, v38;
	v46 =	vmul.f32 v47, v19;
	[tilespmem:$0x1FC60] =	vst v40  }
0x1e1: {  	v4 =	vadd.f32 v25, v1;
	s23 =	sor.u32 s14, s3;
	v52 =	vmul.f32 v22, v41;
	v53 =	vmul.f32 v15, v41;
	[tilespmem:$0x1FC70] =	vst v42  }
0x1e2: {  	s30 =	smov.u32 s7;
	v28 =	vmul.f32 v47, v27;
	v60 =	vld [tilespmem:s23+$0x5000];
	v56 =	vmul.f32 v44, v19;
	[tilespmem:s25+$0xA000] =	vst v54  }
0x1e3: {  	v25 =	vmul.f32 v24, v41;
	v59 =	vmul.f32 v22, v7;
	v12 =	vld [tilespmem:s30+$0x0];
	[tilespmem:s26+$0xA000] =	vst v4  }
0x1e4: {  	v63 =	vld [tilespmem:s23+$0x0];
	v42 =	vmul.f32 v39, v41;
	v61 =	vmul.f32 v15, v7;
	[tilespmem:$0x1FD70] =	vst v56  }
0x1e5: {  	v40 =	vmul.f32 v47, v7;
	v2 =	vmul.f32 v39, v38;
	[tilespmem:$0x1FD60] =	vst v59  }
0x1e6: {  	s31 =	smov.u32 s6;
	v54 =	vmul.f32 v39, v7;
	v56 =	vmul.f32 v15, v38;
	[tilespmem:$0x1FD90] =	vst v61  }
0x1e7: {  	v59 =	vmul.f32 v43, v7;
	v61 =	vmul.f32 v47, v41;
	v36 =	vld [tilespmem:s31+$0x5000];
	[tilespmem:$0x1FCC0] =	vst v0  }
0x1e8: {  	v55 =	vld [tilespmem:s31+$0x0];
	v0 =	vmul.f32 v43, v19;
	[tilespmem:$0x1FCE0] =	vst v57;
	v57 =	vmul.f32 v29, v7  }
0x1e9: {  	[tilespmem:$0x1FCA0] =	vst v53;
	v20 =	vmul.f32 v60, v38;
	v1 =	vmul.f32 v43, v63  }
0x1ea: {  	[tilespmem:$0x1FCD0] =	vst v54;
	v53 =	vmul.f32 v47, v63;
	v54 =	vmul.f32 v60, v41  }
0x1eb: {  	v41 =	vmul.f32 v43, v41;
	[tilespmem:$0x1FDB0] =	vst v57;
	v57 =	vmul.f32 v43, v23  }
0x1ec: {  	v4 =	vld [tilespmem:$0x1FC00];
	v43 =	vadd.f32 v35, v45;
	v35 =	vsub.f32 v33, v30;
	[tilespmem:$0x1FD00] =	vst v36;
	v36 =	vmul.f32 v47, v23  }
0x1ed: {  	[tilespmem:$0x1FD20] =	vst v55;
	v55 =	vmul.f32 v22, v38;
	v38 =	vmul.f32 v47, v38;
	v47 =	vadd.f32 v30, v33;
	v30 =	vld [tilespmem:$0x1FC10];
	_ =	sdelay $0x4  }
0x1ee: {  	v58 =	vld [tilespmem:s9+$0x0];
	v4 =	vadd.f32 v4, v30  }
0x1ef: {  	v30 =	vld [tilespmem:$0x1FC30]  }
0x1f0: {  	[tilespmem:$0x1FDD0] =	vst v4;
	v4 =	vld [tilespmem:$0x1FC20]  }
0x1f1: {  	[tilespmem:$0x1FC40] =	vst v62;
	v62 =	vmul.f32 v29, v63  }
0x1f2: {  	[tilespmem:$0x1FC80] =	vst v46  }
0x1f3: {  	v46 =	vmul.f32 v44, v23;
	[tilespmem:$0x1FD30] =	vst v62;
	v62 =	vmul.f32 v44, v27  }
0x1f4: {  	v45 =	vmul.f32 v44, v21;
	[tilespmem:$0x1FCF0] =	vst v58;
	v58 =	vmul.f32 v44, v32;
	v44 =	vld [tilespmem:$0x1FC50]  }
0x1f5: {  	v9 =	vmul.f32 v29, v23;
	v30 =	vadd.f32 v4, v30;
	v4 =	vld [tilespmem:$0x1FC40]  }
0x1f6: {  	v10 =	vmul.f32 v29, v27;
	v5 =	vmul.f32 v24, v21  }
0x1f7: {  	v34 =	vmul.f32 v24, v27;
	v31 =	vmul.f32 v29, v21  }
0x1f8: {  	v48 =	vmul.f32 v22, v27;
	v49 =	vmul.f32 v15, v21;
	s0 =	sor.u32 s2, s3;
	v5 =	vadd.f32 v10, v5  }
0x1f9: {  	[tilespmem:$0x1FD10] =	vst v9;
	v9 =	vmul.f32 v24, v19;
	v25 =	vadd.f32 v28, v25;
	v28 =	vmul.f32 v39, v19;
	v17 =	vld [tilespmem:s0+$0x5000]  }
0x1fa: {  	v5 =	vmul.f32 $7.071067690e-01, v5;
	[tilespmem:$0x1FD80] =	vst v46;
	v46 =	vmul.f32 v24, v32;
	v18 =	vld [tilespmem:s0+$0x0];
	v4 =	vadd.f32 v4, v44  }
0x1fb: {  	v10 =	vadd.f32 v50, v51;
	v26 =	vmul.f32 v60, v23;
	v29 =	vmul.f32 v29, v32;
	[tilespmem:$0x1FD40] =	vst v47;
	v47 =	vld [tilespmem:$0x1FC70]  }
0x1fc: {  	v40 =	vadd.f32 v42, v40;
	v42 =	vmul.f32 v22, v63;
	v19 =	vmul.f32 v60, v19;
	[tilespmem:$0x1FDF0] =	vst v4;
	v4 =	vld [tilespmem:$0x1FC60]  }
0x1fd: {  	v14 =	vld [tilespmem:s29+$0x5000];
	v51 =	vmul.f32 v60, v21;
	v1 =	vadd.f32 v20, v1;
	v20 =	vadd.f32 v53, v54  }
0x1fe: {  	s6 =	smov.u32 s13;
	v13 =	vld [tilespmem:s30+$0x5000];
	v21 =	vmul.f32 v39, v21;
	v19 =	vadd.f32 v42, v19;
	v23 =	vmul.f32 v39, v23  }
0x1ff: {  	v6 =	vld [tilespmem:s6+$0x0];
	v22 =	vmul.f32 v22, v32;
	v53 =	vadd.f32 v56, v57;
	v57 =	vmul.f32 v39, v27  }
0x200: {  	[tilespmem:$0x1FC90] =	vst v52;
	v52 =	vld [tilespmem:s9+$0x5000];
	v46 =	vadd.f32 v62, v46;
	v27 =	vmul.f32 v60, v27;
	v29 =	vadd.f32 v29, v45  }
0x201: {  	v16 =	vld [tilespmem:s21+$0x5000];
	[tilespmem:$0x1FE00] =	vst v35;
	v35 =	vadd.f32 v4, v47;
	v4 =	vmul.f32 v15, v63;
	v15 =	vmul.f32 v15, v32  }
0x202: {  	v8 =	vld [tilespmem:s6+$0x5000];
	v1 =	vadd.f32 v5, v1;
	v0 =	vadd.f32 v55, v0;
	v5 =	vmul.f32 $7.071067690e-01, v46  }
0x203: {  	v39 =	vld [tilespmem:$0x1FCD0];
	v19 =	vadd.f32 v23, v19;
	v23 =	vmul.f32 $7.071067690e-01, v29;
	v15 =	vadd.f32 v15, v27  }
0x204: {  	v22 =	vsub.f32 v57, v22;
	v29 =	vld [tilespmem:$0x1FD60];
	v0 =	vadd.f32 v0, v5  }
0x205: {  	v24 =	vmul.f32 v24, v63;
	v5 =	vadd.f32 v53, v23;
	v23 =	vld [tilespmem:$0x1FD30];
	v15 =	vadd.f32 v21, v15  }
0x206: {  	v3 =	vmul.f32 v60, v63;
	v22 =	vsub.f32 v22, v51;
	v51 =	vld [tilespmem:$0x1FD00]  }
0x207: {  	v48 =	vadd.f32 v49, v48;
	v20 =	vmul.f32 $5.345224740e-01, v20;
	v15 =	vadd.f32 v15, v24;
	v24 =	vld [tilespmem:$0x1FD50]  }
0x208: {  	v53 =	vld [tilespmem:$0x1FD20];
	v63 =	vsub.f32 v3, v61;
	v3 =	vadd.f32 v33, v3  }
0x209: {  	v49 =	vsub.f32 v34, v31;
	v1 =	vadd.f32 v20, v1;
	v20 =	vld [tilespmem:$0x1FDD0]  }
0x20a: {  	v22 =	vsub.f32 v22, v23;
	v23 =	vld [tilespmem:$0x1FD40];
	v3 =	vadd.f32 v61, v3  }
0x20b: {  	v50 =	vadd.f32 v31, v34;
	v44 =	vld [tilespmem:$0x1FC90];
	v4 =	vsub.f32 v4, v28  }
0x20c: {  	v25 =	vmul.f32 $3.162277640e-01, v25;
	v3 =	vadd.f32 v24, v3;
	v24 =	vmul.f32 $6.324555270e-01, v30;
	v30 =	vld [tilespmem:$0x1FD90]  }
0x20d: {  	[tilespmem:$0x1FCB0] =	vst v9;
	v2 =	vadd.f32 v2, v59;
	v47 =	vld [tilespmem:$0x1FC80];
	v4 =	vadd.f32 v4, v26  }
0x20e: {  	v10 =	vadd.f32 v25, v10;
	v42 =	vmul.f32 $7.071067690e-01, v49;
	v62 =	vmul.f32 v14, v12;
	v28 =	vld [tilespmem:$0x1FCB0]  }
0x20f: {  	v34 =	vadd.f32 v58, v34;
	v55 =	vmul.f32 v17, v18;
	v4 =	vsub.f32 v4, v29;
	v29 =	vld [tilespmem:$0x1FD70]  }
0x210: {  	v38 =	vadd.f32 v38, v41;
	v46 =	vmul.f32 $5.345224740e-01, v40;
	v40 =	vmul.f32 v52, v11;
	v21 =	vld [tilespmem:$0x1FD10]  }
0x211: {  	v60 =	vmul.f32 v14, v53;
	v23 =	vmul.f32 $2.672612370e-01, v23;
	v19 =	vadd.f32 v19, v30;
	v30 =	vld [tilespmem:$0x1FDA0]  }
0x212: {  	v33 =	vmul.f32 v13, v6;
	v32 =	vmul.f32 v51, v6;
	v47 =	vadd.f32 v47, v44;
	v44 =	vld [tilespmem:$0x1FCA0]  }
0x213: {  	v27 =	vadd.f32 v31, v34;
	v26 =	vmul.f32 $4.082483050e-01, v50;
	v50 =	vld [tilespmem:$0x1FCF0];
	v28 =	vadd.f32 v48, v28  }
0x214: {  	v61 =	vmul.f32 v13, v11;
	v34 =	vmul.f32 v52, v12;
	v22 =	vsub.f32 v22, v29;
	v29 =	vld [tilespmem:$0x1FD80]  }
0x215: {  	v27 =	vmul.f32 $5.773502590e-01, v27;
	v25 =	vsub.f32 v38, v26;
	v48 =	vld [tilespmem:$0x1FCC0];
	v21 =	vadd.f32 v28, v21  }
0x216: {  	s26 =	smov.u32 s15;
	v26 =	vmul.f32 $8.164966110e-01, v58;
	v28 =	vmul.f32 $4.629100560e-01, v43;
	v22 =	vadd.f32 v22, v30;
	v30 =	vld [tilespmem:$0x1FDB0]  }
0x217: {  	v9 =	vld [tilespmem:s26+$0x0];
	v38 =	vmul.f32 v52, v37;
	v36 =	vadd.f32 v44, v36;
	v21 =	vmul.f32 $5.477225780e-01, v21  }
0x218: {  	v49 =	vld [tilespmem:$0x1FCE0];
	[tilespmem:$0x1FDE0] =	vst v47;
	v4 =	vmul.f32 $4.629100560e-01, v4;
	v1 =	vsub.f32 v1, v28;
	v3 =	vadd.f32 v39, v3  }
0x219: {  	v28 =	vmul.f32 v8, v50;
	v20 =	vsub.f32 v20, v21;
	v21 =	vld [tilespmem:$0x1FDE0];
	v15 =	vadd.f32 v15, v29  }
0x21a: {  	v0 =	vsub.f32 v0, v4;
	v59 =	vmul.f32 v48, v18;
	v3 =	vmul.f32 $4.472135900e-01, v3  }
0x21b: {  	v43 =	vsub.f32 v20, v24;
	v22 =	vmul.f32 $5.477225780e-01, v22;
	v15 =	vadd.f32 v15, v30;
	v30 =	vld [tilespmem:$0x1FDC0]  }
0x21c: {  	v20 =	vadd.f32 v25, v26;
	v25 =	vmul.f32 v16, v37;
	v24 =	vmul.f32 v13, v18  }
0x21d: {  	v29 =	vmul.f32 $3.162277640e-01, v35;
	v4 =	vmul.f32 $4.629100560e-01, v19;
	v10 =	vadd.f32 v22, v10;
	v22 =	vld [tilespmem:$0x1FDF0]  }
0x21e: {  	v31 =	vadd.f32 v39, v63;
	v35 =	vmul.f32 v49, v9;
	v21 =	vmul.f32 $2.672612370e-01, v21  }
0x21f: {  	s25 =	smov.u32 s5;
	v19 =	vmul.f32 v17, v53;
	v4 =	vsub.f32 v5, v4;
	v5 =	vmul.f32 $2.672612370e-01, v36  }
0x220: {  	v7 =	vld [tilespmem:s25+$0x0];
	v0 =	vsub.f32 v0, v21;
	v15 =	vmul.f32 $5.477225780e-01, v15;
	v27 =	vsub.f32 v30, v27  }
0x221: {  	v47 =	vsub.f32 v4, v5;
	v4 =	vmul.f32 v49, v11;
	v5 =	vmul.f32 v51, v37  }
0x222: {  	v15 =	vsub.f32 v22, v15;
	v22 =	vmul.f32 $5.345224740e-01, v31;
	v3 =	vadd.f32 v3, v27  }
0x223: {  	v21 =	vmul.f32 v13, v12;
	v36 =	vmul.f32 v14, v50;
	v57 =	vsub.f32 v4, v5  }
0x224: {  	v4 =	vmul.f32 v17, v12;
	v44 =	vadd.f32 v22, v20;
	v20 =	vmul.f32 v14, v11;
	[tilespmem:s17+$0xA000] =	vst v3  }
0x225: {  	v5 =	vmul.f32 v14, v18;
	v30 =	vmul.f32 v49, v7;
	[tilespmem:s11+$0xA000] =	vst v10;
	v10 =	vadd.f32 v15, v29;
	v15 =	vld [tilespmem:$0x1FE00]  }
0x226: {  	v27 =	vmul.f32 v14, v37;
	v45 =	vsub.f32 v44, v23;
	v22 =	vadd.f32 v21, v20;
	[tilespmem:s18+$0xA000] =	vst v43  }
0x227: {  	v23 =	vmul.f32 v8, v6;
	v31 =	vadd.f32 v25, v20;
	v44 =	vmul.f32 v17, v50;
	[tilespmem:s10+$0xA000] =	vst v10  }
0x228: {  	v63 =	vsub.f32 v20, v21;
	v20 =	vmul.f32 v48, v9;
	v29 =	vmul.f32 v13, v37;
	[tilespmem:s23+$0xA000] =	vst v1  }
0x229: {  	v22 =	vmul.f32 $4.082483050e-01, v22;
	[tilespmem:s22+$0xA000] =	vst v0;
	v0 =	vsub.f32 v57, v4;
	v4 =	vmul.f32 v51, v18  }
0x22a: {  	v2 =	vsub.f32 v2, v42;
	v10 =	vmul.f32 v17, v11;
	v15 =	vmul.f32 $4.629100560e-01, v15  }
0x22b: {  	v57 =	vmul.f32 v49, v50;
	[tilespmem:s16+$0xA000] =	vst v45;
	v45 =	vmul.f32 v52, v18;
	v4 =	vadd.f32 v4, v19  }
0x22c: {  	s24 =	rddreg [dreg:$0x3];
	v0 =	vsub.f32 v0, v24;
	v2 =	vadd.f32 v2, v15;
	v15 =	vmul.f32 v48, v37  }
0x22d: {  	[tilespmem:s24+$0xA000] =	vst v47;
	v24 =	vmul.f32 v52, v6;
	v47 =	vmul.f32 v8, v18;
	v18 =	vadd.f32 v21, v31  }
0x22e: {  	v31 =	vmul.f32 v48, v50;
	v56 =	vadd.f32 v15, v10;
	v10 =	vmul.f32 v49, v12  }
0x22f: {  	v4 =	vadd.f32 v30, v4;
	v54 =	vadd.f32 v2, v46;
	v15 =	vmul.f32 v51, v53  }
0x230: {  	v30 =	vmul.f32 v8, v11;
	v2 =	vsub.f32 v55, v23;
	v58 =	vadd.f32 v10, v56  }
0x231: {  	[tilespmem:s19+$0xA000] =	vst v54;
	v10 =	vmul.f32 v49, v53;
	v19 =	vadd.f32 v15, v55;
	v54 =	vmul.f32 v51, v50  }
0x232: {  	v55 =	vmul.f32 v52, v53;
	v56 =	vmul.f32 v52, v7;
	v1 =	vadd.f32 v58, v5  }
0x233: {  	v5 =	vmul.f32 v51, v11;
	v3 =	vsub.f32 v59, v10;
	v10 =	vmul.f32 v48, v12  }
0x234: {  	v26 =	vadd.f32 v23, v19;
	v19 =	vmul.f32 v16, v11;
	v23 =	vmul.f32 v16, v53  }
0x235: {  	v21 =	vadd.f32 v35, v2;
	v58 =	vmul.f32 v52, v9;
	v59 =	vmul.f32 v13, v7  }
0x236: {  	v2 =	vadd.f32 v31, v56;
	v5 =	vadd.f32 v10, v5;
	v10 =	vmul.f32 v16, v7  }
0x237: {  	v31 =	vmul.f32 v8, v12;
	v27 =	vadd.f32 v19, v27;
	v19 =	vadd.f32 v28, v24  }
0x238: {  	v28 =	vadd.f32 v61, v62;
	v1 =	vadd.f32 v1, v10;
	v10 =	vmul.f32 v17, v7  }
0x239: {  	v24 =	vmul.f32 v14, v6;
	v0 =	vsub.f32 v0, v23;
	v61 =	vadd.f32 v54, v55  }
0x23a: {  	v5 =	vadd.f32 v5, v60;
	v3 =	vadd.f32 v3, v10;
	v10 =	vmul.f32 v16, v12  }
0x23b: {  	v62 =	vmul.f32 $8.164966110e-01, v25;
	v46 =	vsub.f32 v19, v22;
	v22 =	vadd.f32 v4, v20  }
0x23c: {  	v20 =	vadd.f32 v30, v24;
	v10 =	vadd.f32 v29, v10;
	v29 =	vmul.f32 v13, v9  }
0x23d: {  	v4 =	vmul.f32 $7.071067690e-01, v27;
	v60 =	vadd.f32 v44, v45;
	v30 =	vmul.f32 $7.071067690e-01, v63  }
0x23e: {  	v19 =	vadd.f32 v1, v29;
	v29 =	vmul.f32 v17, v6;
	v17 =	vmul.f32 v51, v9  }
0x23f: {  	v63 =	vmul.f32 v14, v9;
	v27 =	vadd.f32 v5, v59;
	v5 =	vmul.f32 $7.071067690e-01, v28  }
0x240: {  	p0 =	slt.u32 s8, $0x3E;
	v11 =	vadd.f32 v46, v62;
	v23 =	vsub.f32 v3, v17;
	v17 =	vmul.f32 v48, v7  }
.Ltmp6:
0x241: {  	v14 =	vadd.f32 v61, v4;
	v12 =	vadd.f32 v5, v60;
	v10 =	vmul.f32 $7.071067690e-01, v10;
	(pc) =	sbr.rel @p0 .LBB2_6-.Ltmp6, $4  }
0x242: {  	v39 =	vmul.f32 v16, v6;
	v24 =	vadd.f32 v47, v29;
	v26 =	vadd.f32 v17, v26  }
0x243: {  	v37 =	vmul.f32 v8, v37;
	v29 =	vadd.f32 v57, v58;
	v10 =	vadd.f32 v2, v10  }
0x244: {  	v28 =	vsub.f32 v15, v17;
	v25 =	vadd.f32 v35, v26;
	v35 =	vmul.f32 v16, v50  }
0x245: {  	[dreg:$0x2] =	wrdreg s29;
	s29 =	smov.u32 s9;
	v26 =	vadd.f32 v0, v63;
	v16 =	vmul.f32 v13, v50;
	v13 =	vmul.f32 v8, v53  }
0x246: {  	v0 =	vmul.f32 v48, v6;
	v1 =	vmul.f32 v8, v7  }
0x247: {  	v3 =	vmul.f32 v49, v6;
	v5 =	vmul.f32 v8, v9  }
0x248: {  	v2 =	vsub.f32 v29, v30;
	v42 =	vmul.f32 v48, v53;
	v44 =	vmul.f32 v51, v7  }
0x249: {  	v4 =	vadd.f32 v36, v40;
	v45 =	vmul.f32 $5.477225780e-01, v19;
	v23 =	vmul.f32 $4.629100560e-01, v23  }
0x24a: {  	v43 =	vadd.f32 v35, v38;
	v27 =	vmul.f32 $5.477225780e-01, v27;
	v22 =	vmul.f32 $4.629100560e-01, v22  }
0x24b: {  	v46 =	vadd.f32 v37, v39;
	v18 =	vmul.f32 $5.773502590e-01, v18;
	v21 =	vmul.f32 $5.345224740e-01, v21  }
0x24c: {  	v47 =	vadd.f32 v31, v33;
	v20 =	vmul.f32 $3.162277640e-01, v20;
	v48 =	vmul.f32 v52, v50  }
0x24d: {  	v24 =	vmul.f32 $5.345224740e-01, v24;
	v15 =	vadd.f32 v17, v15;
	v16 =	vadd.f32 v16, v34  }
0x24e: {  	v51 =	vmul.f32 $4.472135900e-01, v25;
	v13 =	vadd.f32 v13, v32;
	v52 =	vsub.f32 v48, v18  }
0x24f: {  	v49 =	vmul.f32 $4.629100560e-01, v28;
	v0 =	vadd.f32 v0, v1;
	v3 =	vadd.f32 v3, v5  }
0x250: {  	v53 =	vmul.f32 $5.477225780e-01, v26;
	v4 =	vadd.f32 v20, v4;
	v6 =	vadd.f32 v51, v52  }
0x251: {  	v50 =	vadd.f32 v42, v44;
	v54 =	vmul.f32 $6.324555270e-01, v46;
	v8 =	vsub.f32 v43, v27  }
0x252: {  	v56 =	vmul.f32 $3.162277640e-01, v47;
	v55 =	vsub.f32 v16, v45;
	v4 =	vadd.f32 v53, v4;
	[tilespmem:s29+$0xA000] =	vst v6  }
0x253: {  	v12 =	vadd.f32 v24, v12;
	v5 =	vmul.f32 $4.629100560e-01, v50;
	v57 =	vsub.f32 v8, v54;
	s1 =	rddreg [dreg:$0x2]  }
0x254: {  	v58 =	vsub.f32 v14, v23;
	v13 =	vmul.f32 $2.672612370e-01, v13;
	v7 =	vadd.f32 v55, v56;
	[tilespmem:s1+$0xA000] =	vst v4  }
0x255: {  	v59 =	vadd.f32 v21, v11;
	v60 =	vmul.f32 $2.672612370e-01, v15;
	v5 =	vsub.f32 v12, v5;
	[tilespmem:s21+$0xA000] =	vst v57  }
0x256: {  	v61 =	vsub.f32 v10, v22;
	v0 =	vmul.f32 $2.672612370e-01, v0;
	v8 =	vsub.f32 v58, v13;
	[tilespmem:s30+$0xA000] =	vst v7  }
0x257: {  	v1 =	vadd.f32 v2, v49;
	v62 =	vmul.f32 $5.345224740e-01, v3;
	v63 =	vsub.f32 v59, v60;
	[tilespmem:s0+$0xA000] =	vst v5  }
0x258: {  	v0 =	vsub.f32 v61, v0;
	[tilespmem:s31+$0xA000] =	vst v8  }
0x259: {  	v1 =	vadd.f32 v1, v62;
	[tilespmem:s6+$0xA000] =	vst v63  }
.Ltmp7:
0x25a: {  	s0 =	rddreg [dreg:$0x12];
	[tilespmem:s25+$0xA000] =	vst v0;
	(pc) =	sbr.rel .LBB2_8-.Ltmp7, $4  }
0x25b: {  	s0 =	smul.u32 $0x280, s0;
	[tilespmem:s26+$0xA000] =	vst v1  }
0x25c: {  	s1 =	rddreg [dreg:$0x7]  }
0x25d: {  	s2 =	simm.s32 $0xC800;
	s31 =	simm.s32 $0x0;
	s0 =	sadd.s32 s1, s0  }
0x25e: {  	[hbm4b:s0+s31] =	stream.linear.scatter [tilespmem:s2], [sflag:$0x6], $0x2800, $0x38;
	[tilespmem:$0xF000] =	vst v63  }
.LBB2_10:
0x25f: {  	_ =	sfence.sel $0x180000  }
0x260: {  	[bflag:$0x0] =	sbarrier.arrive $0xFFFF  }
0x261: {  	_ =	strace $0x90000047  }
0x262: {  	s0 =	stileid.u32;
	[bflag:$0x2] =	sbarrier.arrive $0xFFFF  }
0x263: {  	p0 =	sne.s32 s0, $0x0;
	s0 =	rddreg [dreg:$0x1]  }
0x264: {  	s0 =	sadd.s32 @!p0 $0x100000, s0  }
0x265: {  	[sflag:s0] =	ssyncadd.tile.s32 @!p0 $0x1;
	_ =	shalt  }
.Lfunc_end2:
_tile_overlayer_lowered:
.L_overlay_start_2:
0x266: {  	(tag) =	ssettag $0x2  }
0x267: {  	s0 =	rddreg [dreg:$0x0];
	s2 =	stileid.u32  }
0x268: {  	s1 =	rddreg [dreg:$0x1];
	p0 =	sne.s32 s2, $0x0  }
0x269: {  	s3 =	rddreg [dreg:$0x2];
	[bflag:$0x3] =	sbarrier.arrive $0xFFFF;
	s2 =	simm.s32 @!p0 $0x1C07  }
0x26a: {  	[timem:s3], [sflag:s2] =	dma.local @!p0 [hbm:s0], s1  }
0x26b: {  	s0 =	simm.s32 @!p0 $0x7  }
0x26c: {  	_ =	swait.ge @!p0 [sflag:s0], s1  }
0x26d: {  	s1 =	ssub.s32 @!p0 $0x0, s1;
	[sflag:s0] =	ssyncset.done @!p0 $0x0  }
0x26e: {  	[sflag:s0] =	ssyncadd.s32 @!p0 s1  }
0x26f: {  	[bflag:$0x3] =	sbarrier.arrive $0xFFFF  }
0x270: {  	_ =	shalt  }

</sc_bundles>
